<compile_context>
chip_gen: v7x
topology: tpu7x:2x2x1
jax: 0.10.2.dev20260603
libtpu: 0.0.44.dev20260713+nightly
codegen_flags: <defaults>
</compile_context>

<pallas_src>
import jax
import jax.numpy as jnp
from jax import lax
from jax.experimental import pallas as pl
from jax.experimental.pallas import tpu as pltpu
from jax.experimental.pallas import tpu_sc as plsc

_K = 16
_N = 32768
_ROWS = 2048
_L = 16
_NTILES = 32
_ROWS_PER = _ROWS // _NTILES
_GV = 16
_GE = _GV * _L
_NG = _N // _GE
_NCH = 8
_CAP = 512
_IMAX = 2147483647


def _isum(mask):
    return jnp.sum(mask.astype(jnp.int32))


def _popcnt(mask, cntv):
    cntv[pl.ds(0, _L)] = plsc.all_reduce_population_count(mask)
    return cntv[pl.ds(0, _L)][0]


def _row_pass(buf, hb, gmaxT, cvals, cidx, gvals, gidx, eidx, hitg, hitb,
              cnts, cntv, iota, i16s, i128, ninf):
    @plsc.parallel_loop(0, _NG, unroll=4, carry=(ninf, ninf))
    def _pa(g, carry):
        m1, m2 = carry
        base = hb + g * _GE
        a0 = buf[pl.ds(base, _L)]
        a1 = buf[pl.ds(base + _L, _L)]
        a2 = buf[pl.ds(base + 2 * _L, _L)]
        a3 = buf[pl.ds(base + 3 * _L, _L)]
        for t in range(1, _GV // 4):
            a0 = jnp.maximum(a0, buf[pl.ds(base + (4 * t) * _L, _L)])
            a1 = jnp.maximum(a1, buf[pl.ds(base + (4 * t + 1) * _L, _L)])
            a2 = jnp.maximum(a2, buf[pl.ds(base + (4 * t + 2) * _L, _L)])
            a3 = jnp.maximum(a3, buf[pl.ds(base + (4 * t + 3) * _L, _L)])
        gm = jnp.maximum(jnp.maximum(a0, a1), jnp.maximum(a2, a3))
        plsc.store_scatter(gmaxT, [i128 + g], gm)
        return (jnp.maximum(m1, gm),
                jnp.maximum(m2, jnp.minimum(m1, gm)))

    m1, m2 = _pa
    s1, _u = plsc.sort_key_val(m1, iota, descending=True)
    s2 = jnp.sort(m2)
    T = jnp.min(jnp.maximum(s1, s2))
    Tv = jnp.full((_L,), T, jnp.float32)

    cnts[0] = 0
    for s in range(_NCH):
        g0 = gmaxT[pl.ds(s * _L, _L)]
        g1 = gmaxT[pl.ds(128 + s * _L, _L)]
        g2 = gmaxT[pl.ds(256 + s * _L, _L)]
        g3 = gmaxT[pl.ds(384 + s * _L, _L)]
        for b in range(4, _L):
            r = b & 3
            if r == 0:
                g0 = jnp.maximum(g0, gmaxT[pl.ds(b * 128 + s * _L, _L)])
            elif r == 1:
                g1 = jnp.maximum(g1, gmaxT[pl.ds(b * 128 + s * _L, _L)])
            elif r == 2:
                g2 = jnp.maximum(g2, gmaxT[pl.ds(b * 128 + s * _L, _L)])
            else:
                g3 = jnp.maximum(g3, gmaxT[pl.ds(b * 128 + s * _L, _L)])
        gh = jnp.maximum(jnp.maximum(g0, g1), jnp.maximum(g2, g3))
        hmask = gh >= Tv
        c = cnts[0]
        plsc.store_compressed(hitg.at[pl.ds(c, _L)], s * _L + iota, mask=hmask)
        cnts[0] = c + _popcnt(hmask, cntv)
    nhg = cnts[0]

    cnts[1] = 0

    def _b2(j, _):
        g = hitg[pl.ds(j, _L)][0]
        gm = plsc.load_gather(gmaxT, [i128 + g])
        bmask = gm >= Tv
        c = cnts[1]
        w = jnp.minimum(c, _CAP)
        plsc.store_compressed(hitb.at[pl.ds(w, _L)], g * _L + iota, mask=bmask)
        cnts[1] = c + _popcnt(bmask, cntv)
        return 0

    lax.fori_loop(0, nhg, _b2, 0)
    nb = jnp.minimum(cnts[1], _CAP)

    cnts[2] = 0

    def _b3(j, _):
        bid = hitb[pl.ds(j, _L)][0]
        gi = (bid >> 4) * _GE + (bid & (_L - 1)) + i16s
        v = plsc.load_gather(buf, [gi + hb])
        sel = v >= Tv
        c = cnts[2]
        w = jnp.minimum(c, _CAP)
        plsc.store_compressed(cvals.at[pl.ds(w, _L)], v, mask=sel)
        plsc.store_compressed(cidx.at[pl.ds(w, _L)], gi, mask=sel)
        cnts[2] = c + _popcnt(sel, cntv)
        return 0

    lax.fori_loop(0, nb, _b3, 0)
    nc = jnp.minimum(cnts[2], _CAP)
    cvals[pl.ds(nc, _L)] = ninf

    rd, _u = plsc.sort_key_val(cvals[pl.ds(0, _L)], iota, descending=True)
    nv = (nc + _L - 1) // _L

    def _c1(i, r):
        ca = jnp.sort(cvals[pl.ds(i * _L, _L)])
        rr, _u2 = plsc.sort_key_val(jnp.maximum(r, ca), iota, descending=True)
        return rr

    rd = lax.fori_loop(1, nv, _c1, rd)
    t = jnp.min(rd)
    tv = jnp.full((_L,), t, jnp.float32)
    m = _isum(rd > tv)

    cnts[1] = 0
    cnts[2] = 0

    def _c2(i, _):
        v = cvals[pl.ds(i * _L, _L)]
        ix = cidx[pl.ds(i * _L, _L)]
        gt = v > tv
        ngt = cnts[1]
        plsc.store_compressed(gvals.at[pl.ds(ngt, _L)], v, mask=gt)
        plsc.store_compressed(gidx.at[pl.ds(ngt, _L)], ix, mask=gt)
        cnts[1] = ngt + _popcnt(gt, cntv)
        eq = v == tv
        neq = cnts[2]
        w = jnp.minimum(neq, _CAP)
        plsc.store_compressed(eidx.at[pl.ds(w, _L)], ix, mask=eq)
        cnts[2] = neq + _popcnt(eq, cntv)
        return 0

    lax.fori_loop(0, nv, _c2, 0)
    neq = jnp.minimum(cnts[2], _CAP)
    eidx[pl.ds(neq, _L)] = jnp.full((_L,), _IMAX, jnp.int32)

    e0 = jnp.sort(eidx[pl.ds(0, _L)])
    nve = (neq + _L - 1) // _L

    def _ce(i, e):
        cd, _u3 = plsc.sort_key_val(eidx[pl.ds(i * _L, _L)], iota,
                                    descending=True)
        return jnp.sort(jnp.minimum(e, cd))

    e0 = lax.fori_loop(1, nve, _ce, e0)

    eidx[pl.ds(0, _L)] = e0
    esh = plsc.load_gather(eidx, [jnp.maximum(iota - m, 0)])
    fin_i = jnp.where(iota < m, gidx[pl.ds(0, _L)], esh)
    fin_v = jnp.where(iota < m, gvals[pl.ds(0, _L)], tv)
    _sk, sv = plsc.sort_key_val(fin_i, fin_v, descending=False)
    return sv


def _sc_body(x_hbm, out_hbm, buf, gmaxT, cvals, cidx, gvals, gidx, eidx,
             hitg, hitb, ostage, cnts, cntv, sem0, sem1):
    wid = lax.axis_index("s") * 2 + lax.axis_index("c")
    row0 = wid * _ROWS_PER
    iota = lax.iota(jnp.int32, _L)
    i16s = iota * _L
    i128 = iota * _NG
    ninf = jnp.full((_L,), -jnp.inf, jnp.float32)

    def src(r):
        rr = row0 + r
        return x_hbm.at[rr // 32, rr % 32]

    pltpu.async_copy(src(0), buf.at[pl.ds(0, _N)], sem0)

    def row_pair(rr, _):
        r0 = 2 * rr
        pltpu.make_async_copy(src(r0), buf.at[pl.ds(0, _N)], sem0).wait()
        pltpu.async_copy(src(r0 + 1), buf.at[pl.ds(_N, _N)], sem1)
        out0 = _row_pass(buf, 0, gmaxT, cvals, cidx, gvals, gidx, eidx,
                         hitg, hitb, cnts, cntv, iota, i16s, i128, ninf)
        ostage[pl.ds(r0 * _K, _K)] = out0
        pltpu.make_async_copy(src(r0 + 1), buf.at[pl.ds(_N, _N)], sem1).wait()

        @pl.when(rr < _ROWS_PER // 2 - 1)
        def _():
            pltpu.async_copy(src(r0 + 2), buf.at[pl.ds(0, _N)], sem0)

        out1 = _row_pass(buf, _N, gmaxT, cvals, cidx, gvals, gidx, eidx,
                         hitg, hitb, cnts, cntv, iota, i16s, i128, ninf)
        ostage[pl.ds((r0 + 1) * _K, _K)] = out1
        return 0

    lax.fori_loop(0, _ROWS_PER // 2, row_pair, 0)
    pltpu.sync_copy(ostage, out_hbm.at[pl.ds(row0 * _K, _ROWS_PER * _K)])


@jax.jit
def _kmax_sc(x):
    mesh = plsc.VectorSubcoreMesh(core_axis_name="c", subcore_axis_name="s")
    f = pl.kernel(
        _sc_body,
        out_type=jax.ShapeDtypeStruct((_ROWS * _K,), jnp.float32),
        mesh=mesh,
        compiler_params=pltpu.CompilerParams(needs_layout_passes=False),
        scratch_types=[
            pltpu.VMEM((2 * _N,), jnp.float32),
            pltpu.VMEM((_NG * _L,), jnp.float32),
            pltpu.VMEM((_CAP + 2 * _L,), jnp.float32),
            pltpu.VMEM((_CAP + 2 * _L,), jnp.int32),
            pltpu.VMEM((2 * _L,), jnp.float32),
            pltpu.VMEM((2 * _L,), jnp.int32),
            pltpu.VMEM((_CAP + 2 * _L,), jnp.int32),
            pltpu.VMEM((_NG + _L,), jnp.int32),
            pltpu.VMEM((_CAP + 2 * _L,), jnp.int32),
            pltpu.VMEM((_ROWS_PER * _K,), jnp.float32),
            pltpu.SMEM((8,), jnp.int32),
            pltpu.VMEM((_L,), jnp.int32),
            pltpu.SemaphoreType.DMA,
            pltpu.SemaphoreType.DMA,
        ],
    )
    return f(x)


def kernel(inputs):
    B, C, N = inputs.shape
    out = _kmax_sc(inputs)
    return out.reshape(B, C, _K)

# --- scband reference (transcript-rebuilt; emitter-appended) ---
"""Pipeline reference for scband-kmax-pool1d-50070728737615 (READ-ONLY COPY).

The authoritative reference and input builder live on the scoring server;
editing this copy changes nothing except your own understanding.
"""

import jax, jax.numpy as jnp
import numpy as np

TOP_K = 16

def setup_inputs(seed: int = 0) -> dict:
    key = jax.random.key(seed)
    inputs = jax.random.normal(key, (64, 32, 32768), dtype=jnp.float32)
    return {"inputs": inputs}

def reference(inputs):
    # topk along last dim, take indices
    _, top_idxs = jax.lax.top_k(inputs, TOP_K)
    # sort indices ascending to preserve original order
    sorted_top_idxs = jnp.sort(top_idxs, axis=2)
    # gather along last dim
    out = jnp.take_along_axis(inputs, sorted_top_idxs, axis=2)
    return out

if __name__ == "__main__":
    import jax
    _d = setup_inputs()
    print(jax.jit(kernel)(*tuple(_d.values())))

</pallas_src>

<mosaic_0001>
#map = affine_map<(d0, d1) -> (0, 0, 0)>
#map1 = affine_map<(d0, d1) -> (0)>
module attributes {stable_mosaic.version = 14 : i64} {
  func.func @_sc_body(%arg0: i32, %arg1: i32, %arg2: memref<64x32x32768xf32, #tpu.memory_space<hbm>>, %arg3: memref<32768xf32, #tpu.memory_space<hbm>>, %arg4: memref<65536xf32, #tpu.memory_space<vmem>>, %arg5: memref<2048xf32, #tpu.memory_space<vmem>>, %arg6: memref<544xf32, #tpu.memory_space<vmem>>, %arg7: memref<544xi32, #tpu.memory_space<vmem>>, %arg8: memref<32xf32, #tpu.memory_space<vmem>>, %arg9: memref<32xi32, #tpu.memory_space<vmem>>, %arg10: memref<544xi32, #tpu.memory_space<vmem>>, %arg11: memref<144xi32, #tpu.memory_space<vmem>>, %arg12: memref<544xi32, #tpu.memory_space<vmem>>, %arg13: memref<1024xf32, #tpu.memory_space<vmem>>, %arg14: memref<8xi32, #tpu.memory_space<smem>>, %arg15: memref<16xi32, #tpu.memory_space<vmem>>, %arg16: memref<!tpu.dma_semaphore, #tpu.memory_space<semaphore_mem>>, %arg17: memref<!tpu.dma_semaphore, #tpu.memory_space<semaphore_mem>>) attributes {dimension_semantics = [#tpu.dimension_semantics<core_parallel>, #tpu.dimension_semantics<subcore_parallel>], iteration_bounds = array<i64: 2, 16>, scalar_prefetch = 0 : i64, scratch_operands = 14 : i64, tpu.core_type = #tpu.core_type<sc_vector_subcore>, window_params = [{transform_indices = #map}, {transform_indices = #map1}]} {
    %mul3A = arith.constant 2 : i32
    %mul3A_0 = arith.muli %arg1, %mul3A : i32
    %add3A = arith.addi %mul3A_0, %arg0 : i32
    %mul3A_1 = arith.constant 64 : i32
    %mul3A_2 = arith.muli %add3A, %mul3A_1 : i32
    %iota3A = tpu.iota {dimensions = array<i32: 0>} : vector<16xi32>
    %mul3A_3 = arith.constant 16 : i32
    %mul3A_4 = vector.broadcast %mul3A_3 : i32 to vector<16xi32>
    %mul3A_5 = arith.muli %iota3A, %mul3A_4 : vector<16xi32>
    %mul3A_6 = arith.constant 128 : i32
    %mul3A_7 = vector.broadcast %mul3A_6 : i32 to vector<16xi32>
    %mul3A_8 = arith.muli %iota3A, %mul3A_7 : vector<16xi32>
    %broadcast_in_dim3A = arith.constant 0xFF800000 : f32
    %broadcast_in_dim3A_9 = vector.broadcast %broadcast_in_dim3A : f32 to vector<16xf32>
    %add3A_10 = arith.constant 0 : i32
    %add3A_11 = arith.addi %mul3A_2, %add3A_10 : i32
    %jit3A = arith.constant 32 : i32
    %div3A = arith.divsi %add3A_11, %jit3A : i32
    %sign3A = arith.constant 0 : i32
    %sign3A_12 = arith.cmpi sgt, %add3A_11, %sign3A : i32
    %sign3A_13 = arith.extui %sign3A_12 : i1 to i32
    %sign3A_14 = arith.constant 0 : i32
    %sign3A_15 = arith.cmpi slt, %add3A_11, %sign3A_14 : i32
    %sign3A_16 = arith.extui %sign3A_15 : i1 to i32
    %sign3A_17 = arith.subi %sign3A_13, %sign3A_16 : i32
    %sign3A_18 = arith.constant 0 : i32
    %sign3A_19 = arith.cmpi sgt, %jit3A, %sign3A_18 : i32
    %sign3A_20 = arith.extui %sign3A_19 : i1 to i32
    %sign3A_21 = arith.constant 0 : i32
    %sign3A_22 = arith.cmpi slt, %jit3A, %sign3A_21 : i32
    %sign3A_23 = arith.extui %sign3A_22 : i1 to i32
    %sign3A_24 = arith.subi %sign3A_20, %sign3A_23 : i32
    %ne3A = arith.cmpi ne, %sign3A_17, %sign3A_24 : i32
    %rem3A = arith.remsi %add3A_11, %jit3A : i32
    %ne3A_25 = arith.constant 0 : i32
    %ne3A_26 = arith.cmpi ne, %rem3A, %ne3A_25 : i32
    %and3A = arith.andi %ne3A, %ne3A_26 : i1
    %sub3A = arith.constant 1 : i32
    %sub3A_27 = arith.subi %div3A, %sub3A : i32
    %select_n3A = arith.select %and3A, %sub3A_27, %div3A : i32
    %jit3A_28 = arith.constant 32 : i32
    %eq3A = arith.constant 0 : i32
    %eq3A_29 = arith.cmpi eq, %jit3A_28, %eq3A : i32
    %jit3A_30 = arith.constant 1 : i32
    %select_n3A_31 = arith.select %eq3A_29, %jit3A_30, %jit3A_28 : i32
    %rem3A_32 = arith.remsi %add3A_11, %select_n3A_31 : i32
    %ne3A_33 = arith.constant 0 : i32
    %ne3A_34 = arith.cmpi ne, %rem3A_32, %ne3A_33 : i32
    %lt3A = arith.constant 0 : i32
    %lt3A_35 = arith.cmpi slt, %rem3A_32, %lt3A : i32
    %lt3A_36 = arith.constant 0 : i32
    %lt3A_37 = arith.cmpi slt, %select_n3A_31, %lt3A_36 : i32
    %ne3A_38 = arith.xori %lt3A_35, %lt3A_37 : i1
    %and3A_39 = arith.andi %ne3A_38, %ne3A_34 : i1
    %add3A_40 = arith.addi %rem3A_32, %select_n3A_31 : i32
    %select_n3A_41 = arith.select %and3A_39, %add3A_40, %rem3A_32 : i32
    %dma_start3A = arith.constant 0 : i32
    %dma_start3A_42 = tpu.memref_slice %arg4[%dma_start3A] : memref<65536xf32, #tpu.memory_space<vmem>> -> memref<32768xf32, #tpu.memory_space<vmem>>
    %dma_start3A_43 = arith.constant 0 : i32
    %dma_start3A_44 = tpu.memref_slice %arg2[%select_n3A, %select_n3A_41, %dma_start3A_43] : memref<64x32x32768xf32, #tpu.memory_space<hbm>> -> memref<1x1x32768xf32, #tpu.memory_space<hbm>>
    %dma_start3A_45 = tpu.memref_squeeze %dma_start3A_44 : memref<1x1x32768xf32, #tpu.memory_space<hbm>> -> memref<32768xf32, #tpu.memory_space<hbm>>
    %dma_start3A_46 = arith.constant 0 : i32
    %dma_start3A_47 = tpu.memref_slice %arg4[%dma_start3A_46] : memref<65536xf32, #tpu.memory_space<vmem>> -> memref<32768xf32, #tpu.memory_space<vmem>>
    %dma_start3A_48 = arith.constant 0 : i32
    %dma_start3A_49 = tpu.memref_slice %arg2[%select_n3A, %select_n3A_41, %dma_start3A_48] : memref<64x32x32768xf32, #tpu.memory_space<hbm>> -> memref<1x1x32768xf32, #tpu.memory_space<hbm>>
    %dma_start3A_50 = tpu.memref_squeeze %dma_start3A_49 : memref<1x1x32768xf32, #tpu.memory_space<hbm>> -> memref<32768xf32, #tpu.memory_space<hbm>>
    tpu.enqueue_dma source(%dma_start3A_50 : memref<32768xf32, #tpu.memory_space<hbm>>) target(%dma_start3A_47 : memref<32768xf32, #tpu.memory_space<vmem>>) target_semaphore(%arg16 : memref<!tpu.dma_semaphore, #tpu.memory_space<semaphore_mem>>)
    %scan3A = arith.constant 0 : i32
    %scan3A_51 = arith.constant 0 : i32
    %scan3A_52 = arith.constant 32 : i32
    %scan3A_53 = arith.addi %scan3A_51, %scan3A_52 : i32
    %scan3A_54 = arith.constant 1 : i32
    %scan3A_55 = scf.for %scan3A_59 = %scan3A_51 to %scan3A_53 step %scan3A_54 iter_args(%scan3A_60 = %scan3A) -> (i32)  : i32 {
      %mul3A_61 = arith.constant 2 : i32
      %mul3A_62 = arith.muli %mul3A_61, %scan3A_59 : i32
      %add3A_63 = arith.addi %mul3A_2, %mul3A_62 : i32
      %jit3A_64 = arith.constant 32 : i32
      %div3A_65 = arith.divsi %add3A_63, %jit3A_64 : i32
      %sign3A_66 = arith.constant 0 : i32
      %sign3A_67 = arith.cmpi sgt, %add3A_63, %sign3A_66 : i32
      %sign3A_68 = arith.extui %sign3A_67 : i1 to i32
      %sign3A_69 = arith.constant 0 : i32
      %sign3A_70 = arith.cmpi slt, %add3A_63, %sign3A_69 : i32
      %sign3A_71 = arith.extui %sign3A_70 : i1 to i32
      %sign3A_72 = arith.subi %sign3A_68, %sign3A_71 : i32
      %sign3A_73 = arith.constant 0 : i32
      %sign3A_74 = arith.cmpi sgt, %jit3A_64, %sign3A_73 : i32
      %sign3A_75 = arith.extui %sign3A_74 : i1 to i32
      %sign3A_76 = arith.constant 0 : i32
      %sign3A_77 = arith.cmpi slt, %jit3A_64, %sign3A_76 : i32
      %sign3A_78 = arith.extui %sign3A_77 : i1 to i32
      %sign3A_79 = arith.subi %sign3A_75, %sign3A_78 : i32
      %ne3A_80 = arith.cmpi ne, %sign3A_72, %sign3A_79 : i32
      %rem3A_81 = arith.remsi %add3A_63, %jit3A_64 : i32
      %ne3A_82 = arith.constant 0 : i32
      %ne3A_83 = arith.cmpi ne, %rem3A_81, %ne3A_82 : i32
      %and3A_84 = arith.andi %ne3A_80, %ne3A_83 : i1
      %sub3A_85 = arith.constant 1 : i32
      %sub3A_86 = arith.subi %div3A_65, %sub3A_85 : i32
      %select_n3A_87 = arith.select %and3A_84, %sub3A_86, %div3A_65 : i32
      %jit3A_88 = arith.constant 32 : i32
      %eq3A_89 = arith.constant 0 : i32
      %eq3A_90 = arith.cmpi eq, %jit3A_88, %eq3A_89 : i32
      %jit3A_91 = arith.constant 1 : i32
      %select_n3A_92 = arith.select %eq3A_90, %jit3A_91, %jit3A_88 : i32
      %rem3A_93 = arith.remsi %add3A_63, %select_n3A_92 : i32
      %ne3A_94 = arith.constant 0 : i32
      %ne3A_95 = arith.cmpi ne, %rem3A_93, %ne3A_94 : i32
      %lt3A_96 = arith.constant 0 : i32
      %lt3A_97 = arith.cmpi slt, %rem3A_93, %lt3A_96 : i32
      %lt3A_98 = arith.constant 0 : i32
      %lt3A_99 = arith.cmpi slt, %select_n3A_92, %lt3A_98 : i32
      %ne3A_100 = arith.xori %lt3A_97, %lt3A_99 : i1
      %and3A_101 = arith.andi %ne3A_100, %ne3A_95 : i1
      %add3A_102 = arith.addi %rem3A_93, %select_n3A_92 : i32
      %select_n3A_103 = arith.select %and3A_101, %add3A_102, %rem3A_93 : i32
      %dma_wait3A = arith.constant 0 : i32
      %dma_wait3A_104 = tpu.memref_slice %arg4[%dma_wait3A] : memref<65536xf32, #tpu.memory_space<vmem>> -> memref<32768xf32, #tpu.memory_space<vmem>>
      %dma_wait3A_105 = arith.constant 0 : i32
      %dma_wait3A_106 = tpu.memref_slice %arg2[%select_n3A_87, %select_n3A_103, %dma_wait3A_105] : memref<64x32x32768xf32, #tpu.memory_space<hbm>> -> memref<1x1x32768xf32, #tpu.memory_space<hbm>>
      %dma_wait3A_107 = tpu.memref_squeeze %dma_wait3A_106 : memref<1x1x32768xf32, #tpu.memory_space<hbm>> -> memref<32768xf32, #tpu.memory_space<hbm>>
      %dma_wait3A_108 = arith.constant 0 : i32
      %dma_wait3A_109 = tpu.memref_slice %arg4[%dma_wait3A_108] : memref<65536xf32, #tpu.memory_space<vmem>> -> memref<32768xf32, #tpu.memory_space<vmem>>
      %dma_wait3A_110 = arith.constant 0 : i32
      %dma_wait3A_111 = tpu.memref_slice %arg2[%select_n3A_87, %select_n3A_103, %dma_wait3A_110] : memref<64x32x32768xf32, #tpu.memory_space<hbm>> -> memref<1x1x32768xf32, #tpu.memory_space<hbm>>
      %dma_wait3A_112 = tpu.memref_squeeze %dma_wait3A_111 : memref<1x1x32768xf32, #tpu.memory_space<hbm>> -> memref<32768xf32, #tpu.memory_space<hbm>>
      tpu.wait_dma2 semaphore(%arg16 : memref<!tpu.dma_semaphore, #tpu.memory_space<semaphore_mem>>) src(%dma_wait3A_112 : memref<32768xf32, #tpu.memory_space<hbm>>) dst(%dma_wait3A_109 : memref<32768xf32, #tpu.memory_space<vmem>>)
      %add3A_113 = arith.constant 1 : i32
      %add3A_114 = arith.addi %mul3A_62, %add3A_113 : i32
      %add3A_115 = arith.addi %mul3A_2, %add3A_114 : i32
      %jit3A_116 = arith.constant 32 : i32
      %div3A_117 = arith.divsi %add3A_115, %jit3A_116 : i32
      %sign3A_118 = arith.constant 0 : i32
      %sign3A_119 = arith.cmpi sgt, %add3A_115, %sign3A_118 : i32
      %sign3A_120 = arith.extui %sign3A_119 : i1 to i32
      %sign3A_121 = arith.constant 0 : i32
      %sign3A_122 = arith.cmpi slt, %add3A_115, %sign3A_121 : i32
      %sign3A_123 = arith.extui %sign3A_122 : i1 to i32
      %sign3A_124 = arith.subi %sign3A_120, %sign3A_123 : i32
      %sign3A_125 = arith.constant 0 : i32
      %sign3A_126 = arith.cmpi sgt, %jit3A_116, %sign3A_125 : i32
      %sign3A_127 = arith.extui %sign3A_126 : i1 to i32
      %sign3A_128 = arith.constant 0 : i32
      %sign3A_129 = arith.cmpi slt, %jit3A_116, %sign3A_128 : i32
      %sign3A_130 = arith.extui %sign3A_129 : i1 to i32
      %sign3A_131 = arith.subi %sign3A_127, %sign3A_130 : i32
      %ne3A_132 = arith.cmpi ne, %sign3A_124, %sign3A_131 : i32
      %rem3A_133 = arith.remsi %add3A_115, %jit3A_116 : i32
      %ne3A_134 = arith.constant 0 : i32
      %ne3A_135 = arith.cmpi ne, %rem3A_133, %ne3A_134 : i32
      %and3A_136 = arith.andi %ne3A_132, %ne3A_135 : i1
      %sub3A_137 = arith.constant 1 : i32
      %sub3A_138 = arith.subi %div3A_117, %sub3A_137 : i32
      %select_n3A_139 = arith.select %and3A_136, %sub3A_138, %div3A_117 : i32
      %jit3A_140 = arith.constant 32 : i32
      %eq3A_141 = arith.constant 0 : i32
      %eq3A_142 = arith.cmpi eq, %jit3A_140, %eq3A_141 : i32
      %jit3A_143 = arith.constant 1 : i32
      %select_n3A_144 = arith.select %eq3A_142, %jit3A_143, %jit3A_140 : i32
      %rem3A_145 = arith.remsi %add3A_115, %select_n3A_144 : i32
      %ne3A_146 = arith.constant 0 : i32
      %ne3A_147 = arith.cmpi ne, %rem3A_145, %ne3A_146 : i32
      %lt3A_148 = arith.constant 0 : i32
      %lt3A_149 = arith.cmpi slt, %rem3A_145, %lt3A_148 : i32
      %lt3A_150 = arith.constant 0 : i32
      %lt3A_151 = arith.cmpi slt, %select_n3A_144, %lt3A_150 : i32
      %ne3A_152 = arith.xori %lt3A_149, %lt3A_151 : i1
      %and3A_153 = arith.andi %ne3A_152, %ne3A_147 : i1
      %add3A_154 = arith.addi %rem3A_145, %select_n3A_144 : i32
      %select_n3A_155 = arith.select %and3A_153, %add3A_154, %rem3A_145 : i32
      %dma_start3A_156 = arith.constant 32768 : i32
      %dma_start3A_157 = tpu.memref_slice %arg4[%dma_start3A_156] : memref<65536xf32, #tpu.memory_space<vmem>> -> memref<32768xf32, #tpu.memory_space<vmem>>
      %dma_start3A_158 = arith.constant 0 : i32
      %dma_start3A_159 = tpu.memref_slice %arg2[%select_n3A_139, %select_n3A_155, %dma_start3A_158] : memref<64x32x32768xf32, #tpu.memory_space<hbm>> -> memref<1x1x32768xf32, #tpu.memory_space<hbm>>
      %dma_start3A_160 = tpu.memref_squeeze %dma_start3A_159 : memref<1x1x32768xf32, #tpu.memory_space<hbm>> -> memref<32768xf32, #tpu.memory_space<hbm>>
      %dma_start3A_161 = arith.constant 32768 : i32
      %dma_start3A_162 = tpu.memref_slice %arg4[%dma_start3A_161] : memref<65536xf32, #tpu.memory_space<vmem>> -> memref<32768xf32, #tpu.memory_space<vmem>>
      %dma_start3A_163 = arith.constant 0 : i32
      %dma_start3A_164 = tpu.memref_slice %arg2[%select_n3A_139, %select_n3A_155, %dma_start3A_163] : memref<64x32x32768xf32, #tpu.memory_space<hbm>> -> memref<1x1x32768xf32, #tpu.memory_space<hbm>>
      %dma_start3A_165 = tpu.memref_squeeze %dma_start3A_164 : memref<1x1x32768xf32, #tpu.memory_space<hbm>> -> memref<32768xf32, #tpu.memory_space<hbm>>
      tpu.enqueue_dma source(%dma_start3A_165 : memref<32768xf32, #tpu.memory_space<hbm>>) target(%dma_start3A_162 : memref<32768xf32, #tpu.memory_space<vmem>>) target_semaphore(%arg17 : memref<!tpu.dma_semaphore, #tpu.memory_space<semaphore_mem>>)
      %parallel_loop3A = arith.constant 0 : i32
      %parallel_loop3A_166 = arith.constant 128 : i32
      %parallel_loop3A_167 = arith.constant 1 : i32
      %parallel_loop3A_168:2 = scf.for %parallel_loop3A_1739 = %parallel_loop3A to %parallel_loop3A_166 step %parallel_loop3A_167 iter_args(%parallel_loop3A_1740 = %broadcast_in_dim3A_9, %parallel_loop3A_1741 = %broadcast_in_dim3A_9) -> (vector<16xf32>, vector<16xf32>)  : i32 {
        %parallel_loop3A_1742 = arith.constant 256 : i32
        %parallel_loop3A_1743 = arith.muli %parallel_loop3A_1739, %parallel_loop3A_1742 : i32
        %parallel_loop3A_1744 = arith.constant 0 : i32
        %parallel_loop3A_1745 = arith.addi %parallel_loop3A_1744, %parallel_loop3A_1743 : i32
        %parallel_loop3A_1746 = arith.index_cast %parallel_loop3A_1745 : i32 to index
        %parallel_loop3A_1747 = tpu.vector_load %arg4[%parallel_loop3A_1746] {strides = array<i32>} : memref<65536xf32, #tpu.memory_space<vmem>>, vector<16xf32>,
        %parallel_loop3A_1748 = arith.constant 16 : i32
        %parallel_loop3A_1749 = arith.addi %parallel_loop3A_1745, %parallel_loop3A_1748 : i32
        %parallel_loop3A_1750 = arith.index_cast %parallel_loop3A_1749 : i32 to index
        %parallel_loop3A_1751 = tpu.vector_load %arg4[%parallel_loop3A_1750] {strides = array<i32>} : memref<65536xf32, #tpu.memory_space<vmem>>, vector<16xf32>,
        %parallel_loop3A_1752 = arith.constant 32 : i32
        %parallel_loop3A_1753 = arith.addi %parallel_loop3A_1745, %parallel_loop3A_1752 : i32
        %parallel_loop3A_1754 = arith.index_cast %parallel_loop3A_1753 : i32 to index
        %parallel_loop3A_1755 = tpu.vector_load %arg4[%parallel_loop3A_1754] {strides = array<i32>} : memref<65536xf32, #tpu.memory_space<vmem>>, vector<16xf32>,
        %parallel_loop3A_1756 = arith.constant 48 : i32
        %parallel_loop3A_1757 = arith.addi %parallel_loop3A_1745, %parallel_loop3A_1756 : i32
        %parallel_loop3A_1758 = arith.index_cast %parallel_loop3A_1757 : i32 to index
        %parallel_loop3A_1759 = tpu.vector_load %arg4[%parallel_loop3A_1758] {strides = array<i32>} : memref<65536xf32, #tpu.memory_space<vmem>>, vector<16xf32>,
        %parallel_loop3A_1760 = arith.constant 64 : i32
        %parallel_loop3A_1761 = arith.addi %parallel_loop3A_1745, %parallel_loop3A_1760 : i32
        %parallel_loop3A_1762 = arith.index_cast %parallel_loop3A_1761 : i32 to index
        %parallel_loop3A_1763 = tpu.vector_load %arg4[%parallel_loop3A_1762] {strides = array<i32>} : memref<65536xf32, #tpu.memory_space<vmem>>, vector<16xf32>,
        %parallel_loop3A_1764 = arith.maximumf %parallel_loop3A_1747, %parallel_loop3A_1763 : vector<16xf32>
        %parallel_loop3A_1765 = arith.constant 80 : i32
        %parallel_loop3A_1766 = arith.addi %parallel_loop3A_1745, %parallel_loop3A_1765 : i32
        %parallel_loop3A_1767 = arith.index_cast %parallel_loop3A_1766 : i32 to index
        %parallel_loop3A_1768 = tpu.vector_load %arg4[%parallel_loop3A_1767] {strides = array<i32>} : memref<65536xf32, #tpu.memory_space<vmem>>, vector<16xf32>,
        %parallel_loop3A_1769 = arith.maximumf %parallel_loop3A_1751, %parallel_loop3A_1768 : vector<16xf32>
        %parallel_loop3A_1770 = arith.constant 96 : i32
        %parallel_loop3A_1771 = arith.addi %parallel_loop3A_1745, %parallel_loop3A_1770 : i32
        %parallel_loop3A_1772 = arith.index_cast %parallel_loop3A_1771 : i32 to index
        %parallel_loop3A_1773 = tpu.vector_load %arg4[%parallel_loop3A_1772] {strides = array<i32>} : memref<65536xf32, #tpu.memory_space<vmem>>, vector<16xf32>,
        %parallel_loop3A_1774 = arith.maximumf %parallel_loop3A_1755, %parallel_loop3A_1773 : vector<16xf32>
        %parallel_loop3A_1775 = arith.constant 112 : i32
        %parallel_loop3A_1776 = arith.addi %parallel_loop3A_1745, %parallel_loop3A_1775 : i32
        %parallel_loop3A_1777 = arith.index_cast %parallel_loop3A_1776 : i32 to index
        %parallel_loop3A_1778 = tpu.vector_load %arg4[%parallel_loop3A_1777] {strides = array<i32>} : memref<65536xf32, #tpu.memory_space<vmem>>, vector<16xf32>,
        %parallel_loop3A_1779 = arith.maximumf %parallel_loop3A_1759, %parallel_loop3A_1778 : vector<16xf32>
        %parallel_loop3A_1780 = arith.constant 128 : i32
        %parallel_loop3A_1781 = arith.addi %parallel_loop3A_1745, %parallel_loop3A_1780 : i32
        %parallel_loop3A_1782 = arith.index_cast %parallel_loop3A_1781 : i32 to index
        %parallel_loop3A_1783 = tpu.vector_load %arg4[%parallel_loop3A_1782] {strides = array<i32>} : memref<65536xf32, #tpu.memory_space<vmem>>, vector<16xf32>,
        %parallel_loop3A_1784 = arith.maximumf %parallel_loop3A_1764, %parallel_loop3A_1783 : vector<16xf32>
        %parallel_loop3A_1785 = arith.constant 144 : i32
        %parallel_loop3A_1786 = arith.addi %parallel_loop3A_1745, %parallel_loop3A_1785 : i32
        %parallel_loop3A_1787 = arith.index_cast %parallel_loop3A_1786 : i32 to index
        %parallel_loop3A_1788 = tpu.vector_load %arg4[%parallel_loop3A_1787] {strides = array<i32>} : memref<65536xf32, #tpu.memory_space<vmem>>, vector<16xf32>,
        %parallel_loop3A_1789 = arith.maximumf %parallel_loop3A_1769, %parallel_loop3A_1788 : vector<16xf32>
        %parallel_loop3A_1790 = arith.constant 160 : i32
        %parallel_loop3A_1791 = arith.addi %parallel_loop3A_1745, %parallel_loop3A_1790 : i32
        %parallel_loop3A_1792 = arith.index_cast %parallel_loop3A_1791 : i32 to index
        %parallel_loop3A_1793 = tpu.vector_load %arg4[%parallel_loop3A_1792] {strides = array<i32>} : memref<65536xf32, #tpu.memory_space<vmem>>, vector<16xf32>,
        %parallel_loop3A_1794 = arith.maximumf %parallel_loop3A_1774, %parallel_loop3A_1793 : vector<16xf32>
        %parallel_loop3A_1795 = arith.constant 176 : i32
        %parallel_loop3A_1796 = arith.addi %parallel_loop3A_1745, %parallel_loop3A_1795 : i32
        %parallel_loop3A_1797 = arith.index_cast %parallel_loop3A_1796 : i32 to index
        %parallel_loop3A_1798 = tpu.vector_load %arg4[%parallel_loop3A_1797] {strides = array<i32>} : memref<65536xf32, #tpu.memory_space<vmem>>, vector<16xf32>,
        %parallel_loop3A_1799 = arith.maximumf %parallel_loop3A_1779, %parallel_loop3A_1798 : vector<16xf32>
        %parallel_loop3A_1800 = arith.constant 192 : i32
        %parallel_loop3A_1801 = arith.addi %parallel_loop3A_1745, %parallel_loop3A_1800 : i32
        %parallel_loop3A_1802 = arith.index_cast %parallel_loop3A_1801 : i32 to index
        %parallel_loop3A_1803 = tpu.vector_load %arg4[%parallel_loop3A_1802] {strides = array<i32>} : memref<65536xf32, #tpu.memory_space<vmem>>, vector<16xf32>,
        %parallel_loop3A_1804 = arith.maximumf %parallel_loop3A_1784, %parallel_loop3A_1803 : vector<16xf32>
        %parallel_loop3A_1805 = arith.constant 208 : i32
        %parallel_loop3A_1806 = arith.addi %parallel_loop3A_1745, %parallel_loop3A_1805 : i32
        %parallel_loop3A_1807 = arith.index_cast %parallel_loop3A_1806 : i32 to index
        %parallel_loop3A_1808 = tpu.vector_load %arg4[%parallel_loop3A_1807] {strides = array<i32>} : memref<65536xf32, #tpu.memory_space<vmem>>, vector<16xf32>,
        %parallel_loop3A_1809 = arith.maximumf %parallel_loop3A_1789, %parallel_loop3A_1808 : vector<16xf32>
        %parallel_loop3A_1810 = arith.constant 224 : i32
        %parallel_loop3A_1811 = arith.addi %parallel_loop3A_1745, %parallel_loop3A_1810 : i32
        %parallel_loop3A_1812 = arith.index_cast %parallel_loop3A_1811 : i32 to index
        %parallel_loop3A_1813 = tpu.vector_load %arg4[%parallel_loop3A_1812] {strides = array<i32>} : memref<65536xf32, #tpu.memory_space<vmem>>, vector<16xf32>,
        %parallel_loop3A_1814 = arith.maximumf %parallel_loop3A_1794, %parallel_loop3A_1813 : vector<16xf32>
        %parallel_loop3A_1815 = arith.constant 240 : i32
        %parallel_loop3A_1816 = arith.addi %parallel_loop3A_1745, %parallel_loop3A_1815 : i32
        %parallel_loop3A_1817 = arith.index_cast %parallel_loop3A_1816 : i32 to index
        %parallel_loop3A_1818 = tpu.vector_load %arg4[%parallel_loop3A_1817] {strides = array<i32>} : memref<65536xf32, #tpu.memory_space<vmem>>, vector<16xf32>,
        %parallel_loop3A_1819 = arith.maximumf %parallel_loop3A_1799, %parallel_loop3A_1818 : vector<16xf32>
        %parallel_loop3A_1820 = arith.maximumf %parallel_loop3A_1804, %parallel_loop3A_1809 : vector<16xf32>
        %parallel_loop3A_1821 = arith.maximumf %parallel_loop3A_1814, %parallel_loop3A_1819 : vector<16xf32>
        %parallel_loop3A_1822 = arith.maximumf %parallel_loop3A_1820, %parallel_loop3A_1821 : vector<16xf32>
        %parallel_loop3A_1823 = vector.broadcast %parallel_loop3A_1739 : i32 to vector<16xi32>
        %parallel_loop3A_1824 = arith.addi %mul3A_8, %parallel_loop3A_1823 : vector<16xi32>
        tpu.vector_store_idx %arg5[%parallel_loop3A_1824], %parallel_loop3A_1822 : memref<2048xf32, #tpu.memory_space<vmem>>[vector<16xi32>], vector<16xf32>,
        %parallel_loop3A_1825 = arith.maximumf %parallel_loop3A_1740, %parallel_loop3A_1822 : vector<16xf32>
        %parallel_loop3A_1826 = arith.minimumf %parallel_loop3A_1740, %parallel_loop3A_1822 : vector<16xf32>
        %parallel_loop3A_1827 = arith.maximumf %parallel_loop3A_1741, %parallel_loop3A_1826 : vector<16xf32>
        scf.yield %parallel_loop3A_1825, %parallel_loop3A_1827 : vector<16xf32>, vector<16xf32>
      } {sc.loop_unroll_factor = 4 : i64, sc.parallel_access}
      %masked_sort3A = arith.constant dense<true> : vector<16xi1>
      %masked_sort3A_169, %masked_sort3A_170, %masked_sort3A_171 = tpu.sort %parallel_loop3A_168#0, %iota3A masked %masked_sort3A {descending = true} : (vector<16xf32>, vector<16xi32>, vector<16xi1>) -> (vector<16xi1>, vector<16xf32>, vector<16xi32>)
      %sort3A = arith.constant dense<true> : vector<16xi1>
      %sort3A_172, %sort3A_173, %sort3A_174 = tpu.sort %parallel_loop3A_168#1, %parallel_loop3A_168#1 masked %sort3A : (vector<16xf32>, vector<16xf32>, vector<16xi1>) -> (vector<16xi1>, vector<16xf32>, vector<16xf32>)
      %max3A = arith.maximumf %masked_sort3A_170, %sort3A_173 : vector<16xf32>
      %reduce_min3A = arith.constant true
      %reduce_min3A_175 = vector.broadcast %reduce_min3A : i1 to vector<16xi1>
      %reduce_min3A_176 = tpu.scan <min>, %max3A masked %reduce_min3A_175 : vector<16xf32>, vector<16xi1> -> vector<16xf32>
      %reduce_min3A_177 = vector.extract %reduce_min3A_176[15] : f32 from vector<16xf32>
      %broadcast_in_dim3A_178 = vector.broadcast %reduce_min3A_177 : f32 to vector<16xf32>
      %swap3A = arith.constant 0 : i32
      %swap3A_179 = arith.constant 0 : i32
      %swap3A_180 = arith.index_cast %swap3A_179 : i32 to index
      %swap3A_181 = memref.load %arg14[%swap3A_180] : memref<8xi32, #tpu.memory_space<smem>>
      memref.store %swap3A, %arg14[%swap3A_180] : memref<8xi32, #tpu.memory_space<smem>>
      %get3A = arith.constant 0 : index
      %get3A_182 = tpu.vector_load %arg5[%get3A] {strides = array<i32>} : memref<2048xf32, #tpu.memory_space<vmem>>, vector<16xf32>,
      %get3A_183 = arith.constant 128 : index
      %get3A_184 = tpu.vector_load %arg5[%get3A_183] {strides = array<i32>} : memref<2048xf32, #tpu.memory_space<vmem>>, vector<16xf32>,
      %get3A_185 = arith.constant 256 : index
      %get3A_186 = tpu.vector_load %arg5[%get3A_185] {strides = array<i32>} : memref<2048xf32, #tpu.memory_space<vmem>>, vector<16xf32>,
      %get3A_187 = arith.constant 384 : index
      %get3A_188 = tpu.vector_load %arg5[%get3A_187] {strides = array<i32>} : memref<2048xf32, #tpu.memory_space<vmem>>, vector<16xf32>,
      %get3A_189 = arith.constant 512 : index
      %get3A_190 = tpu.vector_load %arg5[%get3A_189] {strides = array<i32>} : memref<2048xf32, #tpu.memory_space<vmem>>, vector<16xf32>,
      %max3A_191 = arith.maximumf %get3A_182, %get3A_190 : vector<16xf32>
      %get3A_192 = arith.constant 640 : index
      %get3A_193 = tpu.vector_load %arg5[%get3A_192] {strides = array<i32>} : memref<2048xf32, #tpu.memory_space<vmem>>, vector<16xf32>,
      %max3A_194 = arith.maximumf %get3A_184, %get3A_193 : vector<16xf32>
      %get3A_195 = arith.constant 768 : index
      %get3A_196 = tpu.vector_load %arg5[%get3A_195] {strides = array<i32>} : memref<2048xf32, #tpu.memory_space<vmem>>, vector<16xf32>,
      %max3A_197 = arith.maximumf %get3A_186, %get3A_196 : vector<16xf32>
      %get3A_198 = arith.constant 896 : index
      %get3A_199 = tpu.vector_load %arg5[%get3A_198] {strides = array<i32>} : memref<2048xf32, #tpu.memory_space<vmem>>, vector<16xf32>,
      %max3A_200 = arith.maximumf %get3A_188, %get3A_199 : vector<16xf32>
      %get3A_201 = arith.constant 1024 : index
      %get3A_202 = tpu.vector_load %arg5[%get3A_201] {strides = array<i32>} : memref<2048xf32, #tpu.memory_space<vmem>>, vector<16xf32>,
      %max3A_203 = arith.maximumf %max3A_191, %get3A_202 : vector<16xf32>
      %get3A_204 = arith.constant 1152 : index
      %get3A_205 = tpu.vector_load %arg5[%get3A_204] {strides = array<i32>} : memref<2048xf32, #tpu.memory_space<vmem>>, vector<16xf32>,
      %max3A_206 = arith.maximumf %max3A_194, %get3A_205 : vector<16xf32>
      %get3A_207 = arith.constant 1280 : index
      %get3A_208 = tpu.vector_load %arg5[%get3A_207] {strides = array<i32>} : memref<2048xf32, #tpu.memory_space<vmem>>, vector<16xf32>,
      %max3A_209 = arith.maximumf %max3A_197, %get3A_208 : vector<16xf32>
      %get3A_210 = arith.constant 1408 : index
      %get3A_211 = tpu.vector_load %arg5[%get3A_210] {strides = array<i32>} : memref<2048xf32, #tpu.memory_space<vmem>>, vector<16xf32>,
      %max3A_212 = arith.maximumf %max3A_200, %get3A_211 : vector<16xf32>
      %get3A_213 = arith.constant 1536 : index
      %get3A_214 = tpu.vector_load %arg5[%get3A_213] {strides = array<i32>} : memref<2048xf32, #tpu.memory_space<vmem>>, vector<16xf32>,
      %max3A_215 = arith.maximumf %max3A_203, %get3A_214 : vector<16xf32>
      %get3A_216 = arith.constant 1664 : index
      %get3A_217 = tpu.vector_load %arg5[%get3A_216] {strides = array<i32>} : memref<2048xf32, #tpu.memory_space<vmem>>, vector<16xf32>,
      %max3A_218 = arith.maximumf %max3A_206, %get3A_217 : vector<16xf32>
      %get3A_219 = arith.constant 1792 : index
      %get3A_220 = tpu.vector_load %arg5[%get3A_219] {strides = array<i32>} : memref<2048xf32, #tpu.memory_space<vmem>>, vector<16xf32>,
      %max3A_221 = arith.maximumf %max3A_209, %get3A_220 : vector<16xf32>
      %get3A_222 = arith.constant 1920 : index
      %get3A_223 = tpu.vector_load %arg5[%get3A_222] {strides = array<i32>} : memref<2048xf32, #tpu.memory_space<vmem>>, vector<16xf32>,
      %max3A_224 = arith.maximumf %max3A_212, %get3A_223 : vector<16xf32>
      %max3A_225 = arith.maximumf %max3A_215, %max3A_218 : vector<16xf32>
      %max3A_226 = arith.maximumf %max3A_221, %max3A_224 : vector<16xf32>
      %max3A_227 = arith.maximumf %max3A_225, %max3A_226 : vector<16xf32>
      %ge3A = arith.cmpf oge, %max3A_227, %broadcast_in_dim3A_178 : vector<16xf32>
      %get3A_228 = arith.constant 0 : i32
      %get3A_229 = arith.index_cast %get3A_228 : i32 to index
      %get3A_230 = memref.load %arg14[%get3A_229] : memref<8xi32, #tpu.memory_space<smem>>
      %add3A_231 = arith.constant 0 : i32
      %add3A_232 = vector.broadcast %add3A_231 : i32 to vector<16xi32>
      %add3A_233 = arith.addi %add3A_232, %iota3A : vector<16xi32>
      %swap3A_234 = arith.index_cast %get3A_230 : i32 to index
      %swap3A_235 = tpu.vector_load %arg11[%swap3A_234] masked %ge3A {strides = array<i32>} : memref<144xi32, #tpu.memory_space<vmem>>, vector<16xi32>, vector<16xi1>
      tpu.vector_store %arg11[%swap3A_234], %add3A_233 masked %ge3A {strides = array<i32>} : memref<144xi32, #tpu.memory_space<vmem>>, vector<16xi32>, vector<16xi1>
      %all_reduce_population_count3A = tpu.all_reduce %ge3A {dim = 0 : i64, kind = #tpu.reduction_kind<sum>} : vector<16xi1> -> vector<16xi32>
      %swap3A_236 = arith.constant 0 : index
      %swap3A_237 = tpu.vector_load %arg15[%swap3A_236] {strides = array<i32>} : memref<16xi32, #tpu.memory_space<vmem>>, vector<16xi32>,
      tpu.vector_store %arg15[%swap3A_236], %all_reduce_population_count3A {strides = array<i32>} : memref<16xi32, #tpu.memory_space<vmem>>, vector<16xi32>,
      %get3A_238 = arith.constant 0 : index
      %get3A_239 = tpu.vector_load %arg15[%get3A_238] {strides = array<i32>} : memref<16xi32, #tpu.memory_space<vmem>>, vector<16xi32>,
      %slice3A = vector.extract_strided_slice %get3A_239 {offsets = [0], sizes = [1], strides = [1]} : vector<16xi32> to vector<1xi32>
      %squeeze3A = vector.extract %slice3A[0] : i32 from vector<1xi32>
      %add3A_240 = arith.addi %get3A_230, %squeeze3A : i32
      %swap3A_241 = arith.constant 0 : i32
      %swap3A_242 = arith.index_cast %swap3A_241 : i32 to index
      %swap3A_243 = memref.load %arg14[%swap3A_242] : memref<8xi32, #tpu.memory_space<smem>>
      memref.store %add3A_240, %arg14[%swap3A_242] : memref<8xi32, #tpu.memory_space<smem>>
      %get3A_244 = arith.constant 16 : index
      %get3A_245 = tpu.vector_load %arg5[%get3A_244] {strides = array<i32>} : memref<2048xf32, #tpu.memory_space<vmem>>, vector<16xf32>,
      %get3A_246 = arith.constant 144 : index
      %get3A_247 = tpu.vector_load %arg5[%get3A_246] {strides = array<i32>} : memref<2048xf32, #tpu.memory_space<vmem>>, vector<16xf32>,
      %get3A_248 = arith.constant 272 : index
      %get3A_249 = tpu.vector_load %arg5[%get3A_248] {strides = array<i32>} : memref<2048xf32, #tpu.memory_space<vmem>>, vector<16xf32>,
      %get3A_250 = arith.constant 400 : index
      %get3A_251 = tpu.vector_load %arg5[%get3A_250] {strides = array<i32>} : memref<2048xf32, #tpu.memory_space<vmem>>, vector<16xf32>,
      %get3A_252 = arith.constant 528 : index
      %get3A_253 = tpu.vector_load %arg5[%get3A_252] {strides = array<i32>} : memref<2048xf32, #tpu.memory_space<vmem>>, vector<16xf32>,
      %max3A_254 = arith.maximumf %get3A_245, %get3A_253 : vector<16xf32>
      %get3A_255 = arith.constant 656 : index
      %get3A_256 = tpu.vector_load %arg5[%get3A_255] {strides = array<i32>} : memref<2048xf32, #tpu.memory_space<vmem>>, vector<16xf32>,
      %max3A_257 = arith.maximumf %get3A_247, %get3A_256 : vector<16xf32>
      %get3A_258 = arith.constant 784 : index
      %get3A_259 = tpu.vector_load %arg5[%get3A_258] {strides = array<i32>} : memref<2048xf32, #tpu.memory_space<vmem>>, vector<16xf32>,
      %max3A_260 = arith.maximumf %get3A_249, %get3A_259 : vector<16xf32>
      %get3A_261 = arith.constant 912 : index
      %get3A_262 = tpu.vector_load %arg5[%get3A_261] {strides = array<i32>} : memref<2048xf32, #tpu.memory_space<vmem>>, vector<16xf32>,
      %max3A_263 = arith.maximumf %get3A_251, %get3A_262 : vector<16xf32>
      %get3A_264 = arith.constant 1040 : index
      %get3A_265 = tpu.vector_load %arg5[%get3A_264] {strides = array<i32>} : memref<2048xf32, #tpu.memory_space<vmem>>, vector<16xf32>,
      %max3A_266 = arith.maximumf %max3A_254, %get3A_265 : vector<16xf32>
      %get3A_267 = arith.constant 1168 : index
      %get3A_268 = tpu.vector_load %arg5[%get3A_267] {strides = array<i32>} : memref<2048xf32, #tpu.memory_space<vmem>>, vector<16xf32>,
      %max3A_269 = arith.maximumf %max3A_257, %get3A_268 : vector<16xf32>
      %get3A_270 = arith.constant 1296 : index
      %get3A_271 = tpu.vector_load %arg5[%get3A_270] {strides = array<i32>} : memref<2048xf32, #tpu.memory_space<vmem>>, vector<16xf32>,
      %max3A_272 = arith.maximumf %max3A_260, %get3A_271 : vector<16xf32>
      %get3A_273 = arith.constant 1424 : index
      %get3A_274 = tpu.vector_load %arg5[%get3A_273] {strides = array<i32>} : memref<2048xf32, #tpu.memory_space<vmem>>, vector<16xf32>,
      %max3A_275 = arith.maximumf %max3A_263, %get3A_274 : vector<16xf32>
      %get3A_276 = arith.constant 1552 : index
      %get3A_277 = tpu.vector_load %arg5[%get3A_276] {strides = array<i32>} : memref<2048xf32, #tpu.memory_space<vmem>>, vector<16xf32>,
      %max3A_278 = arith.maximumf %max3A_266, %get3A_277 : vector<16xf32>
      %get3A_279 = arith.constant 1680 : index
      %get3A_280 = tpu.vector_load %arg5[%get3A_279] {strides = array<i32>} : memref<2048xf32, #tpu.memory_space<vmem>>, vector<16xf32>,
      %max3A_281 = arith.maximumf %max3A_269, %get3A_280 : vector<16xf32>
      %get3A_282 = arith.constant 1808 : index
      %get3A_283 = tpu.vector_load %arg5[%get3A_282] {strides = array<i32>} : memref<2048xf32, #tpu.memory_space<vmem>>, vector<16xf32>,
      %max3A_284 = arith.maximumf %max3A_272, %get3A_283 : vector<16xf32>
      %get3A_285 = arith.constant 1936 : index
      %get3A_286 = tpu.vector_load %arg5[%get3A_285] {strides = array<i32>} : memref<2048xf32, #tpu.memory_space<vmem>>, vector<16xf32>,
      %max3A_287 = arith.maximumf %max3A_275, %get3A_286 : vector<16xf32>
      %max3A_288 = arith.maximumf %max3A_278, %max3A_281 : vector<16xf32>
      %max3A_289 = arith.maximumf %max3A_284, %max3A_287 : vector<16xf32>
      %max3A_290 = arith.maximumf %max3A_288, %max3A_289 : vector<16xf32>
      %ge3A_291 = arith.cmpf oge, %max3A_290, %broadcast_in_dim3A_178 : vector<16xf32>
      %get3A_292 = arith.constant 0 : i32
      %get3A_293 = arith.index_cast %get3A_292 : i32 to index
      %get3A_294 = memref.load %arg14[%get3A_293] : memref<8xi32, #tpu.memory_space<smem>>
      %add3A_295 = arith.constant 16 : i32
      %add3A_296 = vector.broadcast %add3A_295 : i32 to vector<16xi32>
      %add3A_297 = arith.addi %add3A_296, %iota3A : vector<16xi32>
      %swap3A_298 = arith.index_cast %get3A_294 : i32 to index
      %swap3A_299 = tpu.vector_load %arg11[%swap3A_298] masked %ge3A_291 {strides = array<i32>} : memref<144xi32, #tpu.memory_space<vmem>>, vector<16xi32>, vector<16xi1>
      tpu.vector_store %arg11[%swap3A_298], %add3A_297 masked %ge3A_291 {strides = array<i32>} : memref<144xi32, #tpu.memory_space<vmem>>, vector<16xi32>, vector<16xi1>
      %all_reduce_population_count3A_300 = tpu.all_reduce %ge3A_291 {dim = 0 : i64, kind = #tpu.reduction_kind<sum>} : vector<16xi1> -> vector<16xi32>
      %swap3A_301 = arith.constant 0 : index
      %swap3A_302 = tpu.vector_load %arg15[%swap3A_301] {strides = array<i32>} : memref<16xi32, #tpu.memory_space<vmem>>, vector<16xi32>,
      tpu.vector_store %arg15[%swap3A_301], %all_reduce_population_count3A_300 {strides = array<i32>} : memref<16xi32, #tpu.memory_space<vmem>>, vector<16xi32>,
      %get3A_303 = arith.constant 0 : index
      %get3A_304 = tpu.vector_load %arg15[%get3A_303] {strides = array<i32>} : memref<16xi32, #tpu.memory_space<vmem>>, vector<16xi32>,
      %slice3A_305 = vector.extract_strided_slice %get3A_304 {offsets = [0], sizes = [1], strides = [1]} : vector<16xi32> to vector<1xi32>
      %squeeze3A_306 = vector.extract %slice3A_305[0] : i32 from vector<1xi32>
      %add3A_307 = arith.addi %get3A_294, %squeeze3A_306 : i32
      %swap3A_308 = arith.constant 0 : i32
      %swap3A_309 = arith.index_cast %swap3A_308 : i32 to index
      %swap3A_310 = memref.load %arg14[%swap3A_309] : memref<8xi32, #tpu.memory_space<smem>>
      memref.store %add3A_307, %arg14[%swap3A_309] : memref<8xi32, #tpu.memory_space<smem>>
      %get3A_311 = arith.constant 32 : index
      %get3A_312 = tpu.vector_load %arg5[%get3A_311] {strides = array<i32>} : memref<2048xf32, #tpu.memory_space<vmem>>, vector<16xf32>,
      %get3A_313 = arith.constant 160 : index
      %get3A_314 = tpu.vector_load %arg5[%get3A_313] {strides = array<i32>} : memref<2048xf32, #tpu.memory_space<vmem>>, vector<16xf32>,
      %get3A_315 = arith.constant 288 : index
      %get3A_316 = tpu.vector_load %arg5[%get3A_315] {strides = array<i32>} : memref<2048xf32, #tpu.memory_space<vmem>>, vector<16xf32>,
      %get3A_317 = arith.constant 416 : index
      %get3A_318 = tpu.vector_load %arg5[%get3A_317] {strides = array<i32>} : memref<2048xf32, #tpu.memory_space<vmem>>, vector<16xf32>,
      %get3A_319 = arith.constant 544 : index
      %get3A_320 = tpu.vector_load %arg5[%get3A_319] {strides = array<i32>} : memref<2048xf32, #tpu.memory_space<vmem>>, vector<16xf32>,
      %max3A_321 = arith.maximumf %get3A_312, %get3A_320 : vector<16xf32>
      %get3A_322 = arith.constant 672 : index
      %get3A_323 = tpu.vector_load %arg5[%get3A_322] {strides = array<i32>} : memref<2048xf32, #tpu.memory_space<vmem>>, vector<16xf32>,
      %max3A_324 = arith.maximumf %get3A_314, %get3A_323 : vector<16xf32>
      %get3A_325 = arith.constant 800 : index
      %get3A_326 = tpu.vector_load %arg5[%get3A_325] {strides = array<i32>} : memref<2048xf32, #tpu.memory_space<vmem>>, vector<16xf32>,
      %max3A_327 = arith.maximumf %get3A_316, %get3A_326 : vector<16xf32>
      %get3A_328 = arith.constant 928 : index
      %get3A_329 = tpu.vector_load %arg5[%get3A_328] {strides = array<i32>} : memref<2048xf32, #tpu.memory_space<vmem>>, vector<16xf32>,
      %max3A_330 = arith.maximumf %get3A_318, %get3A_329 : vector<16xf32>
      %get3A_331 = arith.constant 1056 : index
      %get3A_332 = tpu.vector_load %arg5[%get3A_331] {strides = array<i32>} : memref<2048xf32, #tpu.memory_space<vmem>>, vector<16xf32>,
      %max3A_333 = arith.maximumf %max3A_321, %get3A_332 : vector<16xf32>
      %get3A_334 = arith.constant 1184 : index
      %get3A_335 = tpu.vector_load %arg5[%get3A_334] {strides = array<i32>} : memref<2048xf32, #tpu.memory_space<vmem>>, vector<16xf32>,
      %max3A_336 = arith.maximumf %max3A_324, %get3A_335 : vector<16xf32>
      %get3A_337 = arith.constant 1312 : index
      %get3A_338 = tpu.vector_load %arg5[%get3A_337] {strides = array<i32>} : memref<2048xf32, #tpu.memory_space<vmem>>, vector<16xf32>,
      %max3A_339 = arith.maximumf %max3A_327, %get3A_338 : vector<16xf32>
      %get3A_340 = arith.constant 1440 : index
      %get3A_341 = tpu.vector_load %arg5[%get3A_340] {strides = array<i32>} : memref<2048xf32, #tpu.memory_space<vmem>>, vector<16xf32>,
      %max3A_342 = arith.maximumf %max3A_330, %get3A_341 : vector<16xf32>
      %get3A_343 = arith.constant 1568 : index
      %get3A_344 = tpu.vector_load %arg5[%get3A_343] {strides = array<i32>} : memref<2048xf32, #tpu.memory_space<vmem>>, vector<16xf32>,
      %max3A_345 = arith.maximumf %max3A_333, %get3A_344 : vector<16xf32>
      %get3A_346 = arith.constant 1696 : index
      %get3A_347 = tpu.vector_load %arg5[%get3A_346] {strides = array<i32>} : memref<2048xf32, #tpu.memory_space<vmem>>, vector<16xf32>,
      %max3A_348 = arith.maximumf %max3A_336, %get3A_347 : vector<16xf32>
      %get3A_349 = arith.constant 1824 : index
      %get3A_350 = tpu.vector_load %arg5[%get3A_349] {strides = array<i32>} : memref<2048xf32, #tpu.memory_space<vmem>>, vector<16xf32>,
      %max3A_351 = arith.maximumf %max3A_339, %get3A_350 : vector<16xf32>
      %get3A_352 = arith.constant 1952 : index
      %get3A_353 = tpu.vector_load %arg5[%get3A_352] {strides = array<i32>} : memref<2048xf32, #tpu.memory_space<vmem>>, vector<16xf32>,
      %max3A_354 = arith.maximumf %max3A_342, %get3A_353 : vector<16xf32>
      %max3A_355 = arith.maximumf %max3A_345, %max3A_348 : vector<16xf32>
      %max3A_356 = arith.maximumf %max3A_351, %max3A_354 : vector<16xf32>
      %max3A_357 = arith.maximumf %max3A_355, %max3A_356 : vector<16xf32>
      %ge3A_358 = arith.cmpf oge, %max3A_357, %broadcast_in_dim3A_178 : vector<16xf32>
      %get3A_359 = arith.constant 0 : i32
      %get3A_360 = arith.index_cast %get3A_359 : i32 to index
      %get3A_361 = memref.load %arg14[%get3A_360] : memref<8xi32, #tpu.memory_space<smem>>
      %add3A_362 = arith.constant 32 : i32
      %add3A_363 = vector.broadcast %add3A_362 : i32 to vector<16xi32>
      %add3A_364 = arith.addi %add3A_363, %iota3A : vector<16xi32>
      %swap3A_365 = arith.index_cast %get3A_361 : i32 to index
      %swap3A_366 = tpu.vector_load %arg11[%swap3A_365] masked %ge3A_358 {strides = array<i32>} : memref<144xi32, #tpu.memory_space<vmem>>, vector<16xi32>, vector<16xi1>
      tpu.vector_store %arg11[%swap3A_365], %add3A_364 masked %ge3A_358 {strides = array<i32>} : memref<144xi32, #tpu.memory_space<vmem>>, vector<16xi32>, vector<16xi1>
      %all_reduce_population_count3A_367 = tpu.all_reduce %ge3A_358 {dim = 0 : i64, kind = #tpu.reduction_kind<sum>} : vector<16xi1> -> vector<16xi32>
      %swap3A_368 = arith.constant 0 : index
      %swap3A_369 = tpu.vector_load %arg15[%swap3A_368] {strides = array<i32>} : memref<16xi32, #tpu.memory_space<vmem>>, vector<16xi32>,
      tpu.vector_store %arg15[%swap3A_368], %all_reduce_population_count3A_367 {strides = array<i32>} : memref<16xi32, #tpu.memory_space<vmem>>, vector<16xi32>,
      %get3A_370 = arith.constant 0 : index
      %get3A_371 = tpu.vector_load %arg15[%get3A_370] {strides = array<i32>} : memref<16xi32, #tpu.memory_space<vmem>>, vector<16xi32>,
      %slice3A_372 = vector.extract_strided_slice %get3A_371 {offsets = [0], sizes = [1], strides = [1]} : vector<16xi32> to vector<1xi32>
      %squeeze3A_373 = vector.extract %slice3A_372[0] : i32 from vector<1xi32>
      %add3A_374 = arith.addi %get3A_361, %squeeze3A_373 : i32
      %swap3A_375 = arith.constant 0 : i32
      %swap3A_376 = arith.index_cast %swap3A_375 : i32 to index
      %swap3A_377 = memref.load %arg14[%swap3A_376] : memref<8xi32, #tpu.memory_space<smem>>
      memref.store %add3A_374, %arg14[%swap3A_376] : memref<8xi32, #tpu.memory_space<smem>>
      %get3A_378 = arith.constant 48 : index
      %get3A_379 = tpu.vector_load %arg5[%get3A_378] {strides = array<i32>} : memref<2048xf32, #tpu.memory_space<vmem>>, vector<16xf32>,
      %get3A_380 = arith.constant 176 : index
      %get3A_381 = tpu.vector_load %arg5[%get3A_380] {strides = array<i32>} : memref<2048xf32, #tpu.memory_space<vmem>>, vector<16xf32>,
      %get3A_382 = arith.constant 304 : index
      %get3A_383 = tpu.vector_load %arg5[%get3A_382] {strides = array<i32>} : memref<2048xf32, #tpu.memory_space<vmem>>, vector<16xf32>,
      %get3A_384 = arith.constant 432 : index
      %get3A_385 = tpu.vector_load %arg5[%get3A_384] {strides = array<i32>} : memref<2048xf32, #tpu.memory_space<vmem>>, vector<16xf32>,
      %get3A_386 = arith.constant 560 : index
      %get3A_387 = tpu.vector_load %arg5[%get3A_386] {strides = array<i32>} : memref<2048xf32, #tpu.memory_space<vmem>>, vector<16xf32>,
      %max3A_388 = arith.maximumf %get3A_379, %get3A_387 : vector<16xf32>
      %get3A_389 = arith.constant 688 : index
      %get3A_390 = tpu.vector_load %arg5[%get3A_389] {strides = array<i32>} : memref<2048xf32, #tpu.memory_space<vmem>>, vector<16xf32>,
      %max3A_391 = arith.maximumf %get3A_381, %get3A_390 : vector<16xf32>
      %get3A_392 = arith.constant 816 : index
      %get3A_393 = tpu.vector_load %arg5[%get3A_392] {strides = array<i32>} : memref<2048xf32, #tpu.memory_space<vmem>>, vector<16xf32>,
      %max3A_394 = arith.maximumf %get3A_383, %get3A_393 : vector<16xf32>
      %get3A_395 = arith.constant 944 : index
      %get3A_396 = tpu.vector_load %arg5[%get3A_395] {strides = array<i32>} : memref<2048xf32, #tpu.memory_space<vmem>>, vector<16xf32>,
      %max3A_397 = arith.maximumf %get3A_385, %get3A_396 : vector<16xf32>
      %get3A_398 = arith.constant 1072 : index
      %get3A_399 = tpu.vector_load %arg5[%get3A_398] {strides = array<i32>} : memref<2048xf32, #tpu.memory_space<vmem>>, vector<16xf32>,
      %max3A_400 = arith.maximumf %max3A_388, %get3A_399 : vector<16xf32>
      %get3A_401 = arith.constant 1200 : index
      %get3A_402 = tpu.vector_load %arg5[%get3A_401] {strides = array<i32>} : memref<2048xf32, #tpu.memory_space<vmem>>, vector<16xf32>,
      %max3A_403 = arith.maximumf %max3A_391, %get3A_402 : vector<16xf32>
      %get3A_404 = arith.constant 1328 : index
      %get3A_405 = tpu.vector_load %arg5[%get3A_404] {strides = array<i32>} : memref<2048xf32, #tpu.memory_space<vmem>>, vector<16xf32>,
      %max3A_406 = arith.maximumf %max3A_394, %get3A_405 : vector<16xf32>
      %get3A_407 = arith.constant 1456 : index
      %get3A_408 = tpu.vector_load %arg5[%get3A_407] {strides = array<i32>} : memref<2048xf32, #tpu.memory_space<vmem>>, vector<16xf32>,
      %max3A_409 = arith.maximumf %max3A_397, %get3A_408 : vector<16xf32>
      %get3A_410 = arith.constant 1584 : index
      %get3A_411 = tpu.vector_load %arg5[%get3A_410] {strides = array<i32>} : memref<2048xf32, #tpu.memory_space<vmem>>, vector<16xf32>,
      %max3A_412 = arith.maximumf %max3A_400, %get3A_411 : vector<16xf32>
      %get3A_413 = arith.constant 1712 : index
      %get3A_414 = tpu.vector_load %arg5[%get3A_413] {strides = array<i32>} : memref<2048xf32, #tpu.memory_space<vmem>>, vector<16xf32>,
      %max3A_415 = arith.maximumf %max3A_403, %get3A_414 : vector<16xf32>
      %get3A_416 = arith.constant 1840 : index
      %get3A_417 = tpu.vector_load %arg5[%get3A_416] {strides = array<i32>} : memref<2048xf32, #tpu.memory_space<vmem>>, vector<16xf32>,
      %max3A_418 = arith.maximumf %max3A_406, %get3A_417 : vector<16xf32>
      %get3A_419 = arith.constant 1968 : index
      %get3A_420 = tpu.vector_load %arg5[%get3A_419] {strides = array<i32>} : memref<2048xf32, #tpu.memory_space<vmem>>, vector<16xf32>,
      %max3A_421 = arith.maximumf %max3A_409, %get3A_420 : vector<16xf32>
      %max3A_422 = arith.maximumf %max3A_412, %max3A_415 : vector<16xf32>
      %max3A_423 = arith.maximumf %max3A_418, %max3A_421 : vector<16xf32>
      %max3A_424 = arith.maximumf %max3A_422, %max3A_423 : vector<16xf32>
      %ge3A_425 = arith.cmpf oge, %max3A_424, %broadcast_in_dim3A_178 : vector<16xf32>
      %get3A_426 = arith.constant 0 : i32
      %get3A_427 = arith.index_cast %get3A_426 : i32 to index
      %get3A_428 = memref.load %arg14[%get3A_427] : memref<8xi32, #tpu.memory_space<smem>>
      %add3A_429 = arith.constant 48 : i32
      %add3A_430 = vector.broadcast %add3A_429 : i32 to vector<16xi32>
      %add3A_431 = arith.addi %add3A_430, %iota3A : vector<16xi32>
      %swap3A_432 = arith.index_cast %get3A_428 : i32 to index
      %swap3A_433 = tpu.vector_load %arg11[%swap3A_432] masked %ge3A_425 {strides = array<i32>} : memref<144xi32, #tpu.memory_space<vmem>>, vector<16xi32>, vector<16xi1>
      tpu.vector_store %arg11[%swap3A_432], %add3A_431 masked %ge3A_425 {strides = array<i32>} : memref<144xi32, #tpu.memory_space<vmem>>, vector<16xi32>, vector<16xi1>
      %all_reduce_population_count3A_434 = tpu.all_reduce %ge3A_425 {dim = 0 : i64, kind = #tpu.reduction_kind<sum>} : vector<16xi1> -> vector<16xi32>
      %swap3A_435 = arith.constant 0 : index
      %swap3A_436 = tpu.vector_load %arg15[%swap3A_435] {strides = array<i32>} : memref<16xi32, #tpu.memory_space<vmem>>, vector<16xi32>,
      tpu.vector_store %arg15[%swap3A_435], %all_reduce_population_count3A_434 {strides = array<i32>} : memref<16xi32, #tpu.memory_space<vmem>>, vector<16xi32>,
      %get3A_437 = arith.constant 0 : index
      %get3A_438 = tpu.vector_load %arg15[%get3A_437] {strides = array<i32>} : memref<16xi32, #tpu.memory_space<vmem>>, vector<16xi32>,
      %slice3A_439 = vector.extract_strided_slice %get3A_438 {offsets = [0], sizes = [1], strides = [1]} : vector<16xi32> to vector<1xi32>
      %squeeze3A_440 = vector.extract %slice3A_439[0] : i32 from vector<1xi32>
      %add3A_441 = arith.addi %get3A_428, %squeeze3A_440 : i32
      %swap3A_442 = arith.constant 0 : i32
      %swap3A_443 = arith.index_cast %swap3A_442 : i32 to index
      %swap3A_444 = memref.load %arg14[%swap3A_443] : memref<8xi32, #tpu.memory_space<smem>>
      memref.store %add3A_441, %arg14[%swap3A_443] : memref<8xi32, #tpu.memory_space<smem>>
      %get3A_445 = arith.constant 64 : index
      %get3A_446 = tpu.vector_load %arg5[%get3A_445] {strides = array<i32>} : memref<2048xf32, #tpu.memory_space<vmem>>, vector<16xf32>,
      %get3A_447 = arith.constant 192 : index
      %get3A_448 = tpu.vector_load %arg5[%get3A_447] {strides = array<i32>} : memref<2048xf32, #tpu.memory_space<vmem>>, vector<16xf32>,
      %get3A_449 = arith.constant 320 : index
      %get3A_450 = tpu.vector_load %arg5[%get3A_449] {strides = array<i32>} : memref<2048xf32, #tpu.memory_space<vmem>>, vector<16xf32>,
      %get3A_451 = arith.constant 448 : index
      %get3A_452 = tpu.vector_load %arg5[%get3A_451] {strides = array<i32>} : memref<2048xf32, #tpu.memory_space<vmem>>, vector<16xf32>,
      %get3A_453 = arith.constant 576 : index
      %get3A_454 = tpu.vector_load %arg5[%get3A_453] {strides = array<i32>} : memref<2048xf32, #tpu.memory_space<vmem>>, vector<16xf32>,
      %max3A_455 = arith.maximumf %get3A_446, %get3A_454 : vector<16xf32>
      %get3A_456 = arith.constant 704 : index
      %get3A_457 = tpu.vector_load %arg5[%get3A_456] {strides = array<i32>} : memref<2048xf32, #tpu.memory_space<vmem>>, vector<16xf32>,
      %max3A_458 = arith.maximumf %get3A_448, %get3A_457 : vector<16xf32>
      %get3A_459 = arith.constant 832 : index
      %get3A_460 = tpu.vector_load %arg5[%get3A_459] {strides = array<i32>} : memref<2048xf32, #tpu.memory_space<vmem>>, vector<16xf32>,
      %max3A_461 = arith.maximumf %get3A_450, %get3A_460 : vector<16xf32>
      %get3A_462 = arith.constant 960 : index
      %get3A_463 = tpu.vector_load %arg5[%get3A_462] {strides = array<i32>} : memref<2048xf32, #tpu.memory_space<vmem>>, vector<16xf32>,
      %max3A_464 = arith.maximumf %get3A_452, %get3A_463 : vector<16xf32>
      %get3A_465 = arith.constant 1088 : index
      %get3A_466 = tpu.vector_load %arg5[%get3A_465] {strides = array<i32>} : memref<2048xf32, #tpu.memory_space<vmem>>, vector<16xf32>,
      %max3A_467 = arith.maximumf %max3A_455, %get3A_466 : vector<16xf32>
      %get3A_468 = arith.constant 1216 : index
      %get3A_469 = tpu.vector_load %arg5[%get3A_468] {strides = array<i32>} : memref<2048xf32, #tpu.memory_space<vmem>>, vector<16xf32>,
      %max3A_470 = arith.maximumf %max3A_458, %get3A_469 : vector<16xf32>
      %get3A_471 = arith.constant 1344 : index
      %get3A_472 = tpu.vector_load %arg5[%get3A_471] {strides = array<i32>} : memref<2048xf32, #tpu.memory_space<vmem>>, vector<16xf32>,
      %max3A_473 = arith.maximumf %max3A_461, %get3A_472 : vector<16xf32>
      %get3A_474 = arith.constant 1472 : index
      %get3A_475 = tpu.vector_load %arg5[%get3A_474] {strides = array<i32>} : memref<2048xf32, #tpu.memory_space<vmem>>, vector<16xf32>,
      %max3A_476 = arith.maximumf %max3A_464, %get3A_475 : vector<16xf32>
      %get3A_477 = arith.constant 1600 : index
      %get3A_478 = tpu.vector_load %arg5[%get3A_477] {strides = array<i32>} : memref<2048xf32, #tpu.memory_space<vmem>>, vector<16xf32>,
      %max3A_479 = arith.maximumf %max3A_467, %get3A_478 : vector<16xf32>
      %get3A_480 = arith.constant 1728 : index
      %get3A_481 = tpu.vector_load %arg5[%get3A_480] {strides = array<i32>} : memref<2048xf32, #tpu.memory_space<vmem>>, vector<16xf32>,
      %max3A_482 = arith.maximumf %max3A_470, %get3A_481 : vector<16xf32>
      %get3A_483 = arith.constant 1856 : index
      %get3A_484 = tpu.vector_load %arg5[%get3A_483] {strides = array<i32>} : memref<2048xf32, #tpu.memory_space<vmem>>, vector<16xf32>,
      %max3A_485 = arith.maximumf %max3A_473, %get3A_484 : vector<16xf32>
      %get3A_486 = arith.constant 1984 : index
      %get3A_487 = tpu.vector_load %arg5[%get3A_486] {strides = array<i32>} : memref<2048xf32, #tpu.memory_space<vmem>>, vector<16xf32>,
      %max3A_488 = arith.maximumf %max3A_476, %get3A_487 : vector<16xf32>
      %max3A_489 = arith.maximumf %max3A_479, %max3A_482 : vector<16xf32>
      %max3A_490 = arith.maximumf %max3A_485, %max3A_488 : vector<16xf32>
      %max3A_491 = arith.maximumf %max3A_489, %max3A_490 : vector<16xf32>
      %ge3A_492 = arith.cmpf oge, %max3A_491, %broadcast_in_dim3A_178 : vector<16xf32>
      %get3A_493 = arith.constant 0 : i32
      %get3A_494 = arith.index_cast %get3A_493 : i32 to index
      %get3A_495 = memref.load %arg14[%get3A_494] : memref<8xi32, #tpu.memory_space<smem>>
      %add3A_496 = arith.constant 64 : i32
      %add3A_497 = vector.broadcast %add3A_496 : i32 to vector<16xi32>
      %add3A_498 = arith.addi %add3A_497, %iota3A : vector<16xi32>
      %swap3A_499 = arith.index_cast %get3A_495 : i32 to index
      %swap3A_500 = tpu.vector_load %arg11[%swap3A_499] masked %ge3A_492 {strides = array<i32>} : memref<144xi32, #tpu.memory_space<vmem>>, vector<16xi32>, vector<16xi1>
      tpu.vector_store %arg11[%swap3A_499], %add3A_498 masked %ge3A_492 {strides = array<i32>} : memref<144xi32, #tpu.memory_space<vmem>>, vector<16xi32>, vector<16xi1>
      %all_reduce_population_count3A_501 = tpu.all_reduce %ge3A_492 {dim = 0 : i64, kind = #tpu.reduction_kind<sum>} : vector<16xi1> -> vector<16xi32>
      %swap3A_502 = arith.constant 0 : index
      %swap3A_503 = tpu.vector_load %arg15[%swap3A_502] {strides = array<i32>} : memref<16xi32, #tpu.memory_space<vmem>>, vector<16xi32>,
      tpu.vector_store %arg15[%swap3A_502], %all_reduce_population_count3A_501 {strides = array<i32>} : memref<16xi32, #tpu.memory_space<vmem>>, vector<16xi32>,
      %get3A_504 = arith.constant 0 : index
      %get3A_505 = tpu.vector_load %arg15[%get3A_504] {strides = array<i32>} : memref<16xi32, #tpu.memory_space<vmem>>, vector<16xi32>,
      %slice3A_506 = vector.extract_strided_slice %get3A_505 {offsets = [0], sizes = [1], strides = [1]} : vector<16xi32> to vector<1xi32>
      %squeeze3A_507 = vector.extract %slice3A_506[0] : i32 from vector<1xi32>
      %add3A_508 = arith.addi %get3A_495, %squeeze3A_507 : i32
      %swap3A_509 = arith.constant 0 : i32
      %swap3A_510 = arith.index_cast %swap3A_509 : i32 to index
      %swap3A_511 = memref.load %arg14[%swap3A_510] : memref<8xi32, #tpu.memory_space<smem>>
      memref.store %add3A_508, %arg14[%swap3A_510] : memref<8xi32, #tpu.memory_space<smem>>
      %get3A_512 = arith.constant 80 : index
      %get3A_513 = tpu.vector_load %arg5[%get3A_512] {strides = array<i32>} : memref<2048xf32, #tpu.memory_space<vmem>>, vector<16xf32>,
      %get3A_514 = arith.constant 208 : index
      %get3A_515 = tpu.vector_load %arg5[%get3A_514] {strides = array<i32>} : memref<2048xf32, #tpu.memory_space<vmem>>, vector<16xf32>,
      %get3A_516 = arith.constant 336 : index
      %get3A_517 = tpu.vector_load %arg5[%get3A_516] {strides = array<i32>} : memref<2048xf32, #tpu.memory_space<vmem>>, vector<16xf32>,
      %get3A_518 = arith.constant 464 : index
      %get3A_519 = tpu.vector_load %arg5[%get3A_518] {strides = array<i32>} : memref<2048xf32, #tpu.memory_space<vmem>>, vector<16xf32>,
      %get3A_520 = arith.constant 592 : index
      %get3A_521 = tpu.vector_load %arg5[%get3A_520] {strides = array<i32>} : memref<2048xf32, #tpu.memory_space<vmem>>, vector<16xf32>,
      %max3A_522 = arith.maximumf %get3A_513, %get3A_521 : vector<16xf32>
      %get3A_523 = arith.constant 720 : index
      %get3A_524 = tpu.vector_load %arg5[%get3A_523] {strides = array<i32>} : memref<2048xf32, #tpu.memory_space<vmem>>, vector<16xf32>,
      %max3A_525 = arith.maximumf %get3A_515, %get3A_524 : vector<16xf32>
      %get3A_526 = arith.constant 848 : index
      %get3A_527 = tpu.vector_load %arg5[%get3A_526] {strides = array<i32>} : memref<2048xf32, #tpu.memory_space<vmem>>, vector<16xf32>,
      %max3A_528 = arith.maximumf %get3A_517, %get3A_527 : vector<16xf32>
      %get3A_529 = arith.constant 976 : index
      %get3A_530 = tpu.vector_load %arg5[%get3A_529] {strides = array<i32>} : memref<2048xf32, #tpu.memory_space<vmem>>, vector<16xf32>,
      %max3A_531 = arith.maximumf %get3A_519, %get3A_530 : vector<16xf32>
      %get3A_532 = arith.constant 1104 : index
      %get3A_533 = tpu.vector_load %arg5[%get3A_532] {strides = array<i32>} : memref<2048xf32, #tpu.memory_space<vmem>>, vector<16xf32>,
      %max3A_534 = arith.maximumf %max3A_522, %get3A_533 : vector<16xf32>
      %get3A_535 = arith.constant 1232 : index
      %get3A_536 = tpu.vector_load %arg5[%get3A_535] {strides = array<i32>} : memref<2048xf32, #tpu.memory_space<vmem>>, vector<16xf32>,
      %max3A_537 = arith.maximumf %max3A_525, %get3A_536 : vector<16xf32>
      %get3A_538 = arith.constant 1360 : index
      %get3A_539 = tpu.vector_load %arg5[%get3A_538] {strides = array<i32>} : memref<2048xf32, #tpu.memory_space<vmem>>, vector<16xf32>,
      %max3A_540 = arith.maximumf %max3A_528, %get3A_539 : vector<16xf32>
      %get3A_541 = arith.constant 1488 : index
      %get3A_542 = tpu.vector_load %arg5[%get3A_541] {strides = array<i32>} : memref<2048xf32, #tpu.memory_space<vmem>>, vector<16xf32>,
      %max3A_543 = arith.maximumf %max3A_531, %get3A_542 : vector<16xf32>
      %get3A_544 = arith.constant 1616 : index
      %get3A_545 = tpu.vector_load %arg5[%get3A_544] {strides = array<i32>} : memref<2048xf32, #tpu.memory_space<vmem>>, vector<16xf32>,
      %max3A_546 = arith.maximumf %max3A_534, %get3A_545 : vector<16xf32>
      %get3A_547 = arith.constant 1744 : index
      %get3A_548 = tpu.vector_load %arg5[%get3A_547] {strides = array<i32>} : memref<2048xf32, #tpu.memory_space<vmem>>, vector<16xf32>,
      %max3A_549 = arith.maximumf %max3A_537, %get3A_548 : vector<16xf32>
      %get3A_550 = arith.constant 1872 : index
      %get3A_551 = tpu.vector_load %arg5[%get3A_550] {strides = array<i32>} : memref<2048xf32, #tpu.memory_space<vmem>>, vector<16xf32>,
      %max3A_552 = arith.maximumf %max3A_540, %get3A_551 : vector<16xf32>
      %get3A_553 = arith.constant 2000 : index
      %get3A_554 = tpu.vector_load %arg5[%get3A_553] {strides = array<i32>} : memref<2048xf32, #tpu.memory_space<vmem>>, vector<16xf32>,
      %max3A_555 = arith.maximumf %max3A_543, %get3A_554 : vector<16xf32>
      %max3A_556 = arith.maximumf %max3A_546, %max3A_549 : vector<16xf32>
      %max3A_557 = arith.maximumf %max3A_552, %max3A_555 : vector<16xf32>
      %max3A_558 = arith.maximumf %max3A_556, %max3A_557 : vector<16xf32>
      %ge3A_559 = arith.cmpf oge, %max3A_558, %broadcast_in_dim3A_178 : vector<16xf32>
      %get3A_560 = arith.constant 0 : i32
      %get3A_561 = arith.index_cast %get3A_560 : i32 to index
      %get3A_562 = memref.load %arg14[%get3A_561] : memref<8xi32, #tpu.memory_space<smem>>
      %add3A_563 = arith.constant 80 : i32
      %add3A_564 = vector.broadcast %add3A_563 : i32 to vector<16xi32>
      %add3A_565 = arith.addi %add3A_564, %iota3A : vector<16xi32>
      %swap3A_566 = arith.index_cast %get3A_562 : i32 to index
      %swap3A_567 = tpu.vector_load %arg11[%swap3A_566] masked %ge3A_559 {strides = array<i32>} : memref<144xi32, #tpu.memory_space<vmem>>, vector<16xi32>, vector<16xi1>
      tpu.vector_store %arg11[%swap3A_566], %add3A_565 masked %ge3A_559 {strides = array<i32>} : memref<144xi32, #tpu.memory_space<vmem>>, vector<16xi32>, vector<16xi1>
      %all_reduce_population_count3A_568 = tpu.all_reduce %ge3A_559 {dim = 0 : i64, kind = #tpu.reduction_kind<sum>} : vector<16xi1> -> vector<16xi32>
      %swap3A_569 = arith.constant 0 : index
      %swap3A_570 = tpu.vector_load %arg15[%swap3A_569] {strides = array<i32>} : memref<16xi32, #tpu.memory_space<vmem>>, vector<16xi32>,
      tpu.vector_store %arg15[%swap3A_569], %all_reduce_population_count3A_568 {strides = array<i32>} : memref<16xi32, #tpu.memory_space<vmem>>, vector<16xi32>,
      %get3A_571 = arith.constant 0 : index
      %get3A_572 = tpu.vector_load %arg15[%get3A_571] {strides = array<i32>} : memref<16xi32, #tpu.memory_space<vmem>>, vector<16xi32>,
      %slice3A_573 = vector.extract_strided_slice %get3A_572 {offsets = [0], sizes = [1], strides = [1]} : vector<16xi32> to vector<1xi32>
      %squeeze3A_574 = vector.extract %slice3A_573[0] : i32 from vector<1xi32>
      %add3A_575 = arith.addi %get3A_562, %squeeze3A_574 : i32
      %swap3A_576 = arith.constant 0 : i32
      %swap3A_577 = arith.index_cast %swap3A_576 : i32 to index
      %swap3A_578 = memref.load %arg14[%swap3A_577] : memref<8xi32, #tpu.memory_space<smem>>
      memref.store %add3A_575, %arg14[%swap3A_577] : memref<8xi32, #tpu.memory_space<smem>>
      %get3A_579 = arith.constant 96 : index
      %get3A_580 = tpu.vector_load %arg5[%get3A_579] {strides = array<i32>} : memref<2048xf32, #tpu.memory_space<vmem>>, vector<16xf32>,
      %get3A_581 = arith.constant 224 : index
      %get3A_582 = tpu.vector_load %arg5[%get3A_581] {strides = array<i32>} : memref<2048xf32, #tpu.memory_space<vmem>>, vector<16xf32>,
      %get3A_583 = arith.constant 352 : index
      %get3A_584 = tpu.vector_load %arg5[%get3A_583] {strides = array<i32>} : memref<2048xf32, #tpu.memory_space<vmem>>, vector<16xf32>,
      %get3A_585 = arith.constant 480 : index
      %get3A_586 = tpu.vector_load %arg5[%get3A_585] {strides = array<i32>} : memref<2048xf32, #tpu.memory_space<vmem>>, vector<16xf32>,
      %get3A_587 = arith.constant 608 : index
      %get3A_588 = tpu.vector_load %arg5[%get3A_587] {strides = array<i32>} : memref<2048xf32, #tpu.memory_space<vmem>>, vector<16xf32>,
      %max3A_589 = arith.maximumf %get3A_580, %get3A_588 : vector<16xf32>
      %get3A_590 = arith.constant 736 : index
      %get3A_591 = tpu.vector_load %arg5[%get3A_590] {strides = array<i32>} : memref<2048xf32, #tpu.memory_space<vmem>>, vector<16xf32>,
      %max3A_592 = arith.maximumf %get3A_582, %get3A_591 : vector<16xf32>
      %get3A_593 = arith.constant 864 : index
      %get3A_594 = tpu.vector_load %arg5[%get3A_593] {strides = array<i32>} : memref<2048xf32, #tpu.memory_space<vmem>>, vector<16xf32>,
      %max3A_595 = arith.maximumf %get3A_584, %get3A_594 : vector<16xf32>
      %get3A_596 = arith.constant 992 : index
      %get3A_597 = tpu.vector_load %arg5[%get3A_596] {strides = array<i32>} : memref<2048xf32, #tpu.memory_space<vmem>>, vector<16xf32>,
      %max3A_598 = arith.maximumf %get3A_586, %get3A_597 : vector<16xf32>
      %get3A_599 = arith.constant 1120 : index
      %get3A_600 = tpu.vector_load %arg5[%get3A_599] {strides = array<i32>} : memref<2048xf32, #tpu.memory_space<vmem>>, vector<16xf32>,
      %max3A_601 = arith.maximumf %max3A_589, %get3A_600 : vector<16xf32>
      %get3A_602 = arith.constant 1248 : index
      %get3A_603 = tpu.vector_load %arg5[%get3A_602] {strides = array<i32>} : memref<2048xf32, #tpu.memory_space<vmem>>, vector<16xf32>,
      %max3A_604 = arith.maximumf %max3A_592, %get3A_603 : vector<16xf32>
      %get3A_605 = arith.constant 1376 : index
      %get3A_606 = tpu.vector_load %arg5[%get3A_605] {strides = array<i32>} : memref<2048xf32, #tpu.memory_space<vmem>>, vector<16xf32>,
      %max3A_607 = arith.maximumf %max3A_595, %get3A_606 : vector<16xf32>
      %get3A_608 = arith.constant 1504 : index
      %get3A_609 = tpu.vector_load %arg5[%get3A_608] {strides = array<i32>} : memref<2048xf32, #tpu.memory_space<vmem>>, vector<16xf32>,
      %max3A_610 = arith.maximumf %max3A_598, %get3A_609 : vector<16xf32>
      %get3A_611 = arith.constant 1632 : index
      %get3A_612 = tpu.vector_load %arg5[%get3A_611] {strides = array<i32>} : memref<2048xf32, #tpu.memory_space<vmem>>, vector<16xf32>,
      %max3A_613 = arith.maximumf %max3A_601, %get3A_612 : vector<16xf32>
      %get3A_614 = arith.constant 1760 : index
      %get3A_615 = tpu.vector_load %arg5[%get3A_614] {strides = array<i32>} : memref<2048xf32, #tpu.memory_space<vmem>>, vector<16xf32>,
      %max3A_616 = arith.maximumf %max3A_604, %get3A_615 : vector<16xf32>
      %get3A_617 = arith.constant 1888 : index
      %get3A_618 = tpu.vector_load %arg5[%get3A_617] {strides = array<i32>} : memref<2048xf32, #tpu.memory_space<vmem>>, vector<16xf32>,
      %max3A_619 = arith.maximumf %max3A_607, %get3A_618 : vector<16xf32>
      %get3A_620 = arith.constant 2016 : index
      %get3A_621 = tpu.vector_load %arg5[%get3A_620] {strides = array<i32>} : memref<2048xf32, #tpu.memory_space<vmem>>, vector<16xf32>,
      %max3A_622 = arith.maximumf %max3A_610, %get3A_621 : vector<16xf32>
      %max3A_623 = arith.maximumf %max3A_613, %max3A_616 : vector<16xf32>
      %max3A_624 = arith.maximumf %max3A_619, %max3A_622 : vector<16xf32>
      %max3A_625 = arith.maximumf %max3A_623, %max3A_624 : vector<16xf32>
      %ge3A_626 = arith.cmpf oge, %max3A_625, %broadcast_in_dim3A_178 : vector<16xf32>
      %get3A_627 = arith.constant 0 : i32
      %get3A_628 = arith.index_cast %get3A_627 : i32 to index
      %get3A_629 = memref.load %arg14[%get3A_628] : memref<8xi32, #tpu.memory_space<smem>>
      %add3A_630 = arith.constant 96 : i32
      %add3A_631 = vector.broadcast %add3A_630 : i32 to vector<16xi32>
      %add3A_632 = arith.addi %add3A_631, %iota3A : vector<16xi32>
      %swap3A_633 = arith.index_cast %get3A_629 : i32 to index
      %swap3A_634 = tpu.vector_load %arg11[%swap3A_633] masked %ge3A_626 {strides = array<i32>} : memref<144xi32, #tpu.memory_space<vmem>>, vector<16xi32>, vector<16xi1>
      tpu.vector_store %arg11[%swap3A_633], %add3A_632 masked %ge3A_626 {strides = array<i32>} : memref<144xi32, #tpu.memory_space<vmem>>, vector<16xi32>, vector<16xi1>
      %all_reduce_population_count3A_635 = tpu.all_reduce %ge3A_626 {dim = 0 : i64, kind = #tpu.reduction_kind<sum>} : vector<16xi1> -> vector<16xi32>
      %swap3A_636 = arith.constant 0 : index
      %swap3A_637 = tpu.vector_load %arg15[%swap3A_636] {strides = array<i32>} : memref<16xi32, #tpu.memory_space<vmem>>, vector<16xi32>,
      tpu.vector_store %arg15[%swap3A_636], %all_reduce_population_count3A_635 {strides = array<i32>} : memref<16xi32, #tpu.memory_space<vmem>>, vector<16xi32>,
      %get3A_638 = arith.constant 0 : index
      %get3A_639 = tpu.vector_load %arg15[%get3A_638] {strides = array<i32>} : memref<16xi32, #tpu.memory_space<vmem>>, vector<16xi32>,
      %slice3A_640 = vector.extract_strided_slice %get3A_639 {offsets = [0], sizes = [1], strides = [1]} : vector<16xi32> to vector<1xi32>
      %squeeze3A_641 = vector.extract %slice3A_640[0] : i32 from vector<1xi32>
      %add3A_642 = arith.addi %get3A_629, %squeeze3A_641 : i32
      %swap3A_643 = arith.constant 0 : i32
      %swap3A_644 = arith.index_cast %swap3A_643 : i32 to index
      %swap3A_645 = memref.load %arg14[%swap3A_644] : memref<8xi32, #tpu.memory_space<smem>>
      memref.store %add3A_642, %arg14[%swap3A_644] : memref<8xi32, #tpu.memory_space<smem>>
      %get3A_646 = arith.constant 112 : index
      %get3A_647 = tpu.vector_load %arg5[%get3A_646] {strides = array<i32>} : memref<2048xf32, #tpu.memory_space<vmem>>, vector<16xf32>,
      %get3A_648 = arith.constant 240 : index
      %get3A_649 = tpu.vector_load %arg5[%get3A_648] {strides = array<i32>} : memref<2048xf32, #tpu.memory_space<vmem>>, vector<16xf32>,
      %get3A_650 = arith.constant 368 : index
      %get3A_651 = tpu.vector_load %arg5[%get3A_650] {strides = array<i32>} : memref<2048xf32, #tpu.memory_space<vmem>>, vector<16xf32>,
      %get3A_652 = arith.constant 496 : index
      %get3A_653 = tpu.vector_load %arg5[%get3A_652] {strides = array<i32>} : memref<2048xf32, #tpu.memory_space<vmem>>, vector<16xf32>,
      %get3A_654 = arith.constant 624 : index
      %get3A_655 = tpu.vector_load %arg5[%get3A_654] {strides = array<i32>} : memref<2048xf32, #tpu.memory_space<vmem>>, vector<16xf32>,
      %max3A_656 = arith.maximumf %get3A_647, %get3A_655 : vector<16xf32>
      %get3A_657 = arith.constant 752 : index
      %get3A_658 = tpu.vector_load %arg5[%get3A_657] {strides = array<i32>} : memref<2048xf32, #tpu.memory_space<vmem>>, vector<16xf32>,
      %max3A_659 = arith.maximumf %get3A_649, %get3A_658 : vector<16xf32>
      %get3A_660 = arith.constant 880 : index
      %get3A_661 = tpu.vector_load %arg5[%get3A_660] {strides = array<i32>} : memref<2048xf32, #tpu.memory_space<vmem>>, vector<16xf32>,
      %max3A_662 = arith.maximumf %get3A_651, %get3A_661 : vector<16xf32>
      %get3A_663 = arith.constant 1008 : index
      %get3A_664 = tpu.vector_load %arg5[%get3A_663] {strides = array<i32>} : memref<2048xf32, #tpu.memory_space<vmem>>, vector<16xf32>,
      %max3A_665 = arith.maximumf %get3A_653, %get3A_664 : vector<16xf32>
      %get3A_666 = arith.constant 1136 : index
      %get3A_667 = tpu.vector_load %arg5[%get3A_666] {strides = array<i32>} : memref<2048xf32, #tpu.memory_space<vmem>>, vector<16xf32>,
      %max3A_668 = arith.maximumf %max3A_656, %get3A_667 : vector<16xf32>
      %get3A_669 = arith.constant 1264 : index
      %get3A_670 = tpu.vector_load %arg5[%get3A_669] {strides = array<i32>} : memref<2048xf32, #tpu.memory_space<vmem>>, vector<16xf32>,
      %max3A_671 = arith.maximumf %max3A_659, %get3A_670 : vector<16xf32>
      %get3A_672 = arith.constant 1392 : index
      %get3A_673 = tpu.vector_load %arg5[%get3A_672] {strides = array<i32>} : memref<2048xf32, #tpu.memory_space<vmem>>, vector<16xf32>,
      %max3A_674 = arith.maximumf %max3A_662, %get3A_673 : vector<16xf32>
      %get3A_675 = arith.constant 1520 : index
      %get3A_676 = tpu.vector_load %arg5[%get3A_675] {strides = array<i32>} : memref<2048xf32, #tpu.memory_space<vmem>>, vector<16xf32>,
      %max3A_677 = arith.maximumf %max3A_665, %get3A_676 : vector<16xf32>
      %get3A_678 = arith.constant 1648 : index
      %get3A_679 = tpu.vector_load %arg5[%get3A_678] {strides = array<i32>} : memref<2048xf32, #tpu.memory_space<vmem>>, vector<16xf32>,
      %max3A_680 = arith.maximumf %max3A_668, %get3A_679 : vector<16xf32>
      %get3A_681 = arith.constant 1776 : index
      %get3A_682 = tpu.vector_load %arg5[%get3A_681] {strides = array<i32>} : memref<2048xf32, #tpu.memory_space<vmem>>, vector<16xf32>,
      %max3A_683 = arith.maximumf %max3A_671, %get3A_682 : vector<16xf32>
      %get3A_684 = arith.constant 1904 : index
      %get3A_685 = tpu.vector_load %arg5[%get3A_684] {strides = array<i32>} : memref<2048xf32, #tpu.memory_space<vmem>>, vector<16xf32>,
      %max3A_686 = arith.maximumf %max3A_674, %get3A_685 : vector<16xf32>
      %get3A_687 = arith.constant 2032 : index
      %get3A_688 = tpu.vector_load %arg5[%get3A_687] {strides = array<i32>} : memref<2048xf32, #tpu.memory_space<vmem>>, vector<16xf32>,
      %max3A_689 = arith.maximumf %max3A_677, %get3A_688 : vector<16xf32>
      %max3A_690 = arith.maximumf %max3A_680, %max3A_683 : vector<16xf32>
      %max3A_691 = arith.maximumf %max3A_686, %max3A_689 : vector<16xf32>
      %max3A_692 = arith.maximumf %max3A_690, %max3A_691 : vector<16xf32>
      %ge3A_693 = arith.cmpf oge, %max3A_692, %broadcast_in_dim3A_178 : vector<16xf32>
      %get3A_694 = arith.constant 0 : i32
      %get3A_695 = arith.index_cast %get3A_694 : i32 to index
      %get3A_696 = memref.load %arg14[%get3A_695] : memref<8xi32, #tpu.memory_space<smem>>
      %add3A_697 = arith.constant 112 : i32
      %add3A_698 = vector.broadcast %add3A_697 : i32 to vector<16xi32>
      %add3A_699 = arith.addi %add3A_698, %iota3A : vector<16xi32>
      %swap3A_700 = arith.index_cast %get3A_696 : i32 to index
      %swap3A_701 = tpu.vector_load %arg11[%swap3A_700] masked %ge3A_693 {strides = array<i32>} : memref<144xi32, #tpu.memory_space<vmem>>, vector<16xi32>, vector<16xi1>
      tpu.vector_store %arg11[%swap3A_700], %add3A_699 masked %ge3A_693 {strides = array<i32>} : memref<144xi32, #tpu.memory_space<vmem>>, vector<16xi32>, vector<16xi1>
      %all_reduce_population_count3A_702 = tpu.all_reduce %ge3A_693 {dim = 0 : i64, kind = #tpu.reduction_kind<sum>} : vector<16xi1> -> vector<16xi32>
      %swap3A_703 = arith.constant 0 : index
      %swap3A_704 = tpu.vector_load %arg15[%swap3A_703] {strides = array<i32>} : memref<16xi32, #tpu.memory_space<vmem>>, vector<16xi32>,
      tpu.vector_store %arg15[%swap3A_703], %all_reduce_population_count3A_702 {strides = array<i32>} : memref<16xi32, #tpu.memory_space<vmem>>, vector<16xi32>,
      %get3A_705 = arith.constant 0 : index
      %get3A_706 = tpu.vector_load %arg15[%get3A_705] {strides = array<i32>} : memref<16xi32, #tpu.memory_space<vmem>>, vector<16xi32>,
      %slice3A_707 = vector.extract_strided_slice %get3A_706 {offsets = [0], sizes = [1], strides = [1]} : vector<16xi32> to vector<1xi32>
      %squeeze3A_708 = vector.extract %slice3A_707[0] : i32 from vector<1xi32>
      %add3A_709 = arith.addi %get3A_696, %squeeze3A_708 : i32
      %swap3A_710 = arith.constant 0 : i32
      %swap3A_711 = arith.index_cast %swap3A_710 : i32 to index
      %swap3A_712 = memref.load %arg14[%swap3A_711] : memref<8xi32, #tpu.memory_space<smem>>
      memref.store %add3A_709, %arg14[%swap3A_711] : memref<8xi32, #tpu.memory_space<smem>>
      %get3A_713 = arith.constant 0 : i32
      %get3A_714 = arith.index_cast %get3A_713 : i32 to index
      %get3A_715 = memref.load %arg14[%get3A_714] : memref<8xi32, #tpu.memory_space<smem>>
      %swap3A_716 = arith.constant 0 : i32
      %swap3A_717 = arith.constant 1 : i32
      %swap3A_718 = arith.index_cast %swap3A_717 : i32 to index
      %swap3A_719 = memref.load %arg14[%swap3A_718] : memref<8xi32, #tpu.memory_space<smem>>
      memref.store %swap3A_716, %arg14[%swap3A_718] : memref<8xi32, #tpu.memory_space<smem>>
      %while3A = arith.constant 0 : i32
      %while3A_720 = arith.constant 0 : i32
      %while3A_721 = arith.subi %get3A_715, %while3A : i32
      %while3A_722 = arith.addi %while3A, %while3A_721 : i32
      %while3A_723 = arith.constant 1 : i32
      %while3A_724 = arith.divsi %while3A_721, %while3A_723 : i32
      %while3A_725 = arith.muli %while3A_724, %while3A_723 : i32
      %while3A_726 = arith.addi %while3A, %while3A_725 : i32
      %while3A_727 = arith.constant 1 : i32
      %while3A_728 = scf.for %while3A_1739 = %while3A to %while3A_726 step %while3A_727 iter_args(%while3A_1740 = %while3A_720) -> (i32)  : i32 {
        %get3A_1741 = arith.index_cast %while3A_1739 : i32 to index
        %get3A_1742 = tpu.vector_load %arg11[%get3A_1741] {strides = array<i32>} : memref<144xi32, #tpu.memory_space<vmem>>, vector<16xi32>,
        %slice3A_1743 = vector.extract_strided_slice %get3A_1742 {offsets = [0], sizes = [1], strides = [1]} : vector<16xi32> to vector<1xi32>
        %squeeze3A_1744 = vector.extract %slice3A_1743[0] : i32 from vector<1xi32>
        %add3A_1745 = vector.broadcast %squeeze3A_1744 : i32 to vector<16xi32>
        %add3A_1746 = arith.addi %mul3A_8, %add3A_1745 : vector<16xi32>
        %gather3A_1747 = tpu.vector_load_idx %arg5[%add3A_1746] : memref<2048xf32, #tpu.memory_space<vmem>>[vector<16xi32>], vector<16xf32>,
        %ge3A_1748 = arith.cmpf oge, %gather3A_1747, %broadcast_in_dim3A_178 : vector<16xf32>
        %get3A_1749 = arith.constant 1 : i32
        %get3A_1750 = arith.index_cast %get3A_1749 : i32 to index
        %get3A_1751 = memref.load %arg14[%get3A_1750] : memref<8xi32, #tpu.memory_space<smem>>
        %min3A_1752 = arith.constant 512 : i32
        %min3A_1753 = arith.minsi %get3A_1751, %min3A_1752 : i32
        %mul3A_1754 = arith.constant 16 : i32
        %mul3A_1755 = arith.muli %squeeze3A_1744, %mul3A_1754 : i32
        %add3A_1756 = vector.broadcast %mul3A_1755 : i32 to vector<16xi32>
        %add3A_1757 = arith.addi %add3A_1756, %iota3A : vector<16xi32>
        %swap3A_1758 = arith.index_cast %min3A_1753 : i32 to index
        %swap3A_1759 = tpu.vector_load %arg12[%swap3A_1758] masked %ge3A_1748 {strides = array<i32>} : memref<544xi32, #tpu.memory_space<vmem>>, vector<16xi32>, vector<16xi1>
        tpu.vector_store %arg12[%swap3A_1758], %add3A_1757 masked %ge3A_1748 {strides = array<i32>} : memref<544xi32, #tpu.memory_space<vmem>>, vector<16xi32>, vector<16xi1>
        %all_reduce_population_count3A_1760 = tpu.all_reduce %ge3A_1748 {dim = 0 : i64, kind = #tpu.reduction_kind<sum>} : vector<16xi1> -> vector<16xi32>
        %swap3A_1761 = arith.constant 0 : index
        %swap3A_1762 = tpu.vector_load %arg15[%swap3A_1761] {strides = array<i32>} : memref<16xi32, #tpu.memory_space<vmem>>, vector<16xi32>,
        tpu.vector_store %arg15[%swap3A_1761], %all_reduce_population_count3A_1760 {strides = array<i32>} : memref<16xi32, #tpu.memory_space<vmem>>, vector<16xi32>,
        %get3A_1763 = arith.constant 0 : index
        %get3A_1764 = tpu.vector_load %arg15[%get3A_1763] {strides = array<i32>} : memref<16xi32, #tpu.memory_space<vmem>>, vector<16xi32>,
        %slice3A_1765 = vector.extract_strided_slice %get3A_1764 {offsets = [0], sizes = [1], strides = [1]} : vector<16xi32> to vector<1xi32>
        %squeeze3A_1766 = vector.extract %slice3A_1765[0] : i32 from vector<1xi32>
        %add3A_1767 = arith.addi %get3A_1751, %squeeze3A_1766 : i32
        %swap3A_1768 = arith.constant 1 : i32
        %swap3A_1769 = arith.index_cast %swap3A_1768 : i32 to index
        %swap3A_1770 = memref.load %arg14[%swap3A_1769] : memref<8xi32, #tpu.memory_space<smem>>
        memref.store %add3A_1767, %arg14[%swap3A_1769] : memref<8xi32, #tpu.memory_space<smem>>
        %while3A_1771 = arith.constant 0 : i32
        scf.yield %while3A_1771 : i32
      }
      %while3A_729 = arith.constant 1 : i32
      %while3A_730 = scf.for %while3A_1739 = %while3A_726 to %while3A_722 step %while3A_729 iter_args(%while3A_1740 = %while3A_728) -> (i32)  : i32 {
        %get3A_1741 = arith.index_cast %while3A_1739 : i32 to index
        %get3A_1742 = tpu.vector_load %arg11[%get3A_1741] {strides = array<i32>} : memref<144xi32, #tpu.memory_space<vmem>>, vector<16xi32>,
        %slice3A_1743 = vector.extract_strided_slice %get3A_1742 {offsets = [0], sizes = [1], strides = [1]} : vector<16xi32> to vector<1xi32>
        %squeeze3A_1744 = vector.extract %slice3A_1743[0] : i32 from vector<1xi32>
        %add3A_1745 = vector.broadcast %squeeze3A_1744 : i32 to vector<16xi32>
        %add3A_1746 = arith.addi %mul3A_8, %add3A_1745 : vector<16xi32>
        %gather3A_1747 = tpu.vector_load_idx %arg5[%add3A_1746] : memref<2048xf32, #tpu.memory_space<vmem>>[vector<16xi32>], vector<16xf32>,
        %ge3A_1748 = arith.cmpf oge, %gather3A_1747, %broadcast_in_dim3A_178 : vector<16xf32>
        %get3A_1749 = arith.constant 1 : i32
        %get3A_1750 = arith.index_cast %get3A_1749 : i32 to index
        %get3A_1751 = memref.load %arg14[%get3A_1750] : memref<8xi32, #tpu.memory_space<smem>>
        %min3A_1752 = arith.constant 512 : i32
        %min3A_1753 = arith.minsi %get3A_1751, %min3A_1752 : i32
        %mul3A_1754 = arith.constant 16 : i32
        %mul3A_1755 = arith.muli %squeeze3A_1744, %mul3A_1754 : i32
        %add3A_1756 = vector.broadcast %mul3A_1755 : i32 to vector<16xi32>
        %add3A_1757 = arith.addi %add3A_1756, %iota3A : vector<16xi32>
        %swap3A_1758 = arith.index_cast %min3A_1753 : i32 to index
        %swap3A_1759 = tpu.vector_load %arg12[%swap3A_1758] masked %ge3A_1748 {strides = array<i32>} : memref<544xi32, #tpu.memory_space<vmem>>, vector<16xi32>, vector<16xi1>
        tpu.vector_store %arg12[%swap3A_1758], %add3A_1757 masked %ge3A_1748 {strides = array<i32>} : memref<544xi32, #tpu.memory_space<vmem>>, vector<16xi32>, vector<16xi1>
        %all_reduce_population_count3A_1760 = tpu.all_reduce %ge3A_1748 {dim = 0 : i64, kind = #tpu.reduction_kind<sum>} : vector<16xi1> -> vector<16xi32>
        %swap3A_1761 = arith.constant 0 : index
        %swap3A_1762 = tpu.vector_load %arg15[%swap3A_1761] {strides = array<i32>} : memref<16xi32, #tpu.memory_space<vmem>>, vector<16xi32>,
        tpu.vector_store %arg15[%swap3A_1761], %all_reduce_population_count3A_1760 {strides = array<i32>} : memref<16xi32, #tpu.memory_space<vmem>>, vector<16xi32>,
        %get3A_1763 = arith.constant 0 : index
        %get3A_1764 = tpu.vector_load %arg15[%get3A_1763] {strides = array<i32>} : memref<16xi32, #tpu.memory_space<vmem>>, vector<16xi32>,
        %slice3A_1765 = vector.extract_strided_slice %get3A_1764 {offsets = [0], sizes = [1], strides = [1]} : vector<16xi32> to vector<1xi32>
        %squeeze3A_1766 = vector.extract %slice3A_1765[0] : i32 from vector<1xi32>
        %add3A_1767 = arith.addi %get3A_1751, %squeeze3A_1766 : i32
        %swap3A_1768 = arith.constant 1 : i32
        %swap3A_1769 = arith.index_cast %swap3A_1768 : i32 to index
        %swap3A_1770 = memref.load %arg14[%swap3A_1769] : memref<8xi32, #tpu.memory_space<smem>>
        memref.store %add3A_1767, %arg14[%swap3A_1769] : memref<8xi32, #tpu.memory_space<smem>>
        %while3A_1771 = arith.constant 0 : i32
        scf.yield %while3A_1771 : i32
      }
      %get3A_731 = arith.constant 1 : i32
      %get3A_732 = arith.index_cast %get3A_731 : i32 to index
      %get3A_733 = memref.load %arg14[%get3A_732] : memref<8xi32, #tpu.memory_space<smem>>
      %min3A = arith.constant 512 : i32
      %min3A_734 = arith.minsi %get3A_733, %min3A : i32
      %swap3A_735 = arith.constant 0 : i32
      %swap3A_736 = arith.constant 2 : i32
      %swap3A_737 = arith.index_cast %swap3A_736 : i32 to index
      %swap3A_738 = memref.load %arg14[%swap3A_737] : memref<8xi32, #tpu.memory_space<smem>>
      memref.store %swap3A_735, %arg14[%swap3A_737] : memref<8xi32, #tpu.memory_space<smem>>
      %while3A_739 = arith.constant 0 : i32
      %while3A_740 = arith.constant 0 : i32
      %while3A_741 = arith.subi %min3A_734, %while3A_739 : i32
      %while3A_742 = arith.addi %while3A_739, %while3A_741 : i32
      %while3A_743 = arith.constant 1 : i32
      %while3A_744 = arith.divsi %while3A_741, %while3A_743 : i32
      %while3A_745 = arith.muli %while3A_744, %while3A_743 : i32
      %while3A_746 = arith.addi %while3A_739, %while3A_745 : i32
      %while3A_747 = arith.constant 1 : i32
      %while3A_748 = scf.for %while3A_1739 = %while3A_739 to %while3A_746 step %while3A_747 iter_args(%while3A_1740 = %while3A_740) -> (i32)  : i32 {
        %get3A_1741 = arith.index_cast %while3A_1739 : i32 to index
        %get3A_1742 = tpu.vector_load %arg12[%get3A_1741] {strides = array<i32>} : memref<544xi32, #tpu.memory_space<vmem>>, vector<16xi32>,
        %slice3A_1743 = vector.extract_strided_slice %get3A_1742 {offsets = [0], sizes = [1], strides = [1]} : vector<16xi32> to vector<1xi32>
        %squeeze3A_1744 = vector.extract %slice3A_1743[0] : i32 from vector<1xi32>
        %shift_right_arithmetic3A = arith.constant 4 : i32
        %shift_right_arithmetic3A_1745 = arith.shrsi %squeeze3A_1744, %shift_right_arithmetic3A : i32
        %mul3A_1746 = arith.constant 256 : i32
        %mul3A_1747 = arith.muli %shift_right_arithmetic3A_1745, %mul3A_1746 : i32
        %and3A_1748 = arith.constant 15 : i32
        %and3A_1749 = arith.andi %squeeze3A_1744, %and3A_1748 : i32
        %add3A_1750 = arith.addi %mul3A_1747, %and3A_1749 : i32
        %add3A_1751 = vector.broadcast %add3A_1750 : i32 to vector<16xi32>
        %add3A_1752 = arith.addi %add3A_1751, %mul3A_5 : vector<16xi32>
        %add3A_1753 = arith.constant 0 : i32
        %add3A_1754 = vector.broadcast %add3A_1753 : i32 to vector<16xi32>
        %add3A_1755 = arith.addi %add3A_1752, %add3A_1754 : vector<16xi32>
        %gather3A_1756 = tpu.vector_load_idx %arg4[%add3A_1755] : memref<65536xf32, #tpu.memory_space<vmem>>[vector<16xi32>], vector<16xf32>,
        %ge3A_1757 = arith.cmpf oge, %gather3A_1756, %broadcast_in_dim3A_178 : vector<16xf32>
        %get3A_1758 = arith.constant 2 : i32
        %get3A_1759 = arith.index_cast %get3A_1758 : i32 to index
        %get3A_1760 = memref.load %arg14[%get3A_1759] : memref<8xi32, #tpu.memory_space<smem>>
        %min3A_1761 = arith.constant 512 : i32
        %min3A_1762 = arith.minsi %get3A_1760, %min3A_1761 : i32
        %swap3A_1763 = arith.index_cast %min3A_1762 : i32 to index
        %swap3A_1764 = tpu.vector_load %arg6[%swap3A_1763] masked %ge3A_1757 {strides = array<i32>} : memref<544xf32, #tpu.memory_space<vmem>>, vector<16xf32>, vector<16xi1>
        tpu.vector_store %arg6[%swap3A_1763], %gather3A_1756 masked %ge3A_1757 {strides = array<i32>} : memref<544xf32, #tpu.memory_space<vmem>>, vector<16xf32>, vector<16xi1>
        %swap3A_1765 = arith.index_cast %min3A_1762 : i32 to index
        %swap3A_1766 = tpu.vector_load %arg7[%swap3A_1765] masked %ge3A_1757 {strides = array<i32>} : memref<544xi32, #tpu.memory_space<vmem>>, vector<16xi32>, vector<16xi1>
        tpu.vector_store %arg7[%swap3A_1765], %add3A_1752 masked %ge3A_1757 {strides = array<i32>} : memref<544xi32, #tpu.memory_space<vmem>>, vector<16xi32>, vector<16xi1>
        %all_reduce_population_count3A_1767 = tpu.all_reduce %ge3A_1757 {dim = 0 : i64, kind = #tpu.reduction_kind<sum>} : vector<16xi1> -> vector<16xi32>
        %swap3A_1768 = arith.constant 0 : index
        %swap3A_1769 = tpu.vector_load %arg15[%swap3A_1768] {strides = array<i32>} : memref<16xi32, #tpu.memory_space<vmem>>, vector<16xi32>,
        tpu.vector_store %arg15[%swap3A_1768], %all_reduce_population_count3A_1767 {strides = array<i32>} : memref<16xi32, #tpu.memory_space<vmem>>, vector<16xi32>,
        %get3A_1770 = arith.constant 0 : index
        %get3A_1771 = tpu.vector_load %arg15[%get3A_1770] {strides = array<i32>} : memref<16xi32, #tpu.memory_space<vmem>>, vector<16xi32>,
        %slice3A_1772 = vector.extract_strided_slice %get3A_1771 {offsets = [0], sizes = [1], strides = [1]} : vector<16xi32> to vector<1xi32>
        %squeeze3A_1773 = vector.extract %slice3A_1772[0] : i32 from vector<1xi32>
        %add3A_1774 = arith.addi %get3A_1760, %squeeze3A_1773 : i32
        %swap3A_1775 = arith.constant 2 : i32
        %swap3A_1776 = arith.index_cast %swap3A_1775 : i32 to index
        %swap3A_1777 = memref.load %arg14[%swap3A_1776] : memref<8xi32, #tpu.memory_space<smem>>
        memref.store %add3A_1774, %arg14[%swap3A_1776] : memref<8xi32, #tpu.memory_space<smem>>
        %while3A_1778 = arith.constant 0 : i32
        scf.yield %while3A_1778 : i32
      }
      %while3A_749 = arith.constant 1 : i32
      %while3A_750 = scf.for %while3A_1739 = %while3A_746 to %while3A_742 step %while3A_749 iter_args(%while3A_1740 = %while3A_748) -> (i32)  : i32 {
        %get3A_1741 = arith.index_cast %while3A_1739 : i32 to index
        %get3A_1742 = tpu.vector_load %arg12[%get3A_1741] {strides = array<i32>} : memref<544xi32, #tpu.memory_space<vmem>>, vector<16xi32>,
        %slice3A_1743 = vector.extract_strided_slice %get3A_1742 {offsets = [0], sizes = [1], strides = [1]} : vector<16xi32> to vector<1xi32>
        %squeeze3A_1744 = vector.extract %slice3A_1743[0] : i32 from vector<1xi32>
        %shift_right_arithmetic3A = arith.constant 4 : i32
        %shift_right_arithmetic3A_1745 = arith.shrsi %squeeze3A_1744, %shift_right_arithmetic3A : i32
        %mul3A_1746 = arith.constant 256 : i32
        %mul3A_1747 = arith.muli %shift_right_arithmetic3A_1745, %mul3A_1746 : i32
        %and3A_1748 = arith.constant 15 : i32
        %and3A_1749 = arith.andi %squeeze3A_1744, %and3A_1748 : i32
        %add3A_1750 = arith.addi %mul3A_1747, %and3A_1749 : i32
        %add3A_1751 = vector.broadcast %add3A_1750 : i32 to vector<16xi32>
        %add3A_1752 = arith.addi %add3A_1751, %mul3A_5 : vector<16xi32>
        %add3A_1753 = arith.constant 0 : i32
        %add3A_1754 = vector.broadcast %add3A_1753 : i32 to vector<16xi32>
        %add3A_1755 = arith.addi %add3A_1752, %add3A_1754 : vector<16xi32>
        %gather3A_1756 = tpu.vector_load_idx %arg4[%add3A_1755] : memref<65536xf32, #tpu.memory_space<vmem>>[vector<16xi32>], vector<16xf32>,
        %ge3A_1757 = arith.cmpf oge, %gather3A_1756, %broadcast_in_dim3A_178 : vector<16xf32>
        %get3A_1758 = arith.constant 2 : i32
        %get3A_1759 = arith.index_cast %get3A_1758 : i32 to index
        %get3A_1760 = memref.load %arg14[%get3A_1759] : memref<8xi32, #tpu.memory_space<smem>>
        %min3A_1761 = arith.constant 512 : i32
        %min3A_1762 = arith.minsi %get3A_1760, %min3A_1761 : i32
        %swap3A_1763 = arith.index_cast %min3A_1762 : i32 to index
        %swap3A_1764 = tpu.vector_load %arg6[%swap3A_1763] masked %ge3A_1757 {strides = array<i32>} : memref<544xf32, #tpu.memory_space<vmem>>, vector<16xf32>, vector<16xi1>
        tpu.vector_store %arg6[%swap3A_1763], %gather3A_1756 masked %ge3A_1757 {strides = array<i32>} : memref<544xf32, #tpu.memory_space<vmem>>, vector<16xf32>, vector<16xi1>
        %swap3A_1765 = arith.index_cast %min3A_1762 : i32 to index
        %swap3A_1766 = tpu.vector_load %arg7[%swap3A_1765] masked %ge3A_1757 {strides = array<i32>} : memref<544xi32, #tpu.memory_space<vmem>>, vector<16xi32>, vector<16xi1>
        tpu.vector_store %arg7[%swap3A_1765], %add3A_1752 masked %ge3A_1757 {strides = array<i32>} : memref<544xi32, #tpu.memory_space<vmem>>, vector<16xi32>, vector<16xi1>
        %all_reduce_population_count3A_1767 = tpu.all_reduce %ge3A_1757 {dim = 0 : i64, kind = #tpu.reduction_kind<sum>} : vector<16xi1> -> vector<16xi32>
        %swap3A_1768 = arith.constant 0 : index
        %swap3A_1769 = tpu.vector_load %arg15[%swap3A_1768] {strides = array<i32>} : memref<16xi32, #tpu.memory_space<vmem>>, vector<16xi32>,
        tpu.vector_store %arg15[%swap3A_1768], %all_reduce_population_count3A_1767 {strides = array<i32>} : memref<16xi32, #tpu.memory_space<vmem>>, vector<16xi32>,
        %get3A_1770 = arith.constant 0 : index
        %get3A_1771 = tpu.vector_load %arg15[%get3A_1770] {strides = array<i32>} : memref<16xi32, #tpu.memory_space<vmem>>, vector<16xi32>,
        %slice3A_1772 = vector.extract_strided_slice %get3A_1771 {offsets = [0], sizes = [1], strides = [1]} : vector<16xi32> to vector<1xi32>
        %squeeze3A_1773 = vector.extract %slice3A_1772[0] : i32 from vector<1xi32>
        %add3A_1774 = arith.addi %get3A_1760, %squeeze3A_1773 : i32
        %swap3A_1775 = arith.constant 2 : i32
        %swap3A_1776 = arith.index_cast %swap3A_1775 : i32 to index
        %swap3A_1777 = memref.load %arg14[%swap3A_1776] : memref<8xi32, #tpu.memory_space<smem>>
        memref.store %add3A_1774, %arg14[%swap3A_1776] : memref<8xi32, #tpu.memory_space<smem>>
        %while3A_1778 = arith.constant 0 : i32
        scf.yield %while3A_1778 : i32
      }
      %get3A_751 = arith.constant 2 : i32
      %get3A_752 = arith.index_cast %get3A_751 : i32 to index
      %get3A_753 = memref.load %arg14[%get3A_752] : memref<8xi32, #tpu.memory_space<smem>>
      %min3A_754 = arith.constant 512 : i32
      %min3A_755 = arith.minsi %get3A_753, %min3A_754 : i32
      %swap3A_756 = arith.index_cast %min3A_755 : i32 to index
      %swap3A_757 = tpu.vector_load %arg6[%swap3A_756] {strides = array<i32>} : memref<544xf32, #tpu.memory_space<vmem>>, vector<16xf32>,
      tpu.vector_store %arg6[%swap3A_756], %broadcast_in_dim3A_9 {strides = array<i32>} : memref<544xf32, #tpu.memory_space<vmem>>, vector<16xf32>,
      %get3A_758 = arith.constant 0 : index
      %get3A_759 = tpu.vector_load %arg6[%get3A_758] {strides = array<i32>} : memref<544xf32, #tpu.memory_space<vmem>>, vector<16xf32>,
      %masked_sort3A_760 = arith.constant dense<true> : vector<16xi1>
      %masked_sort3A_761, %masked_sort3A_762, %masked_sort3A_763 = tpu.sort %get3A_759, %iota3A masked %masked_sort3A_760 {descending = true} : (vector<16xf32>, vector<16xi32>, vector<16xi1>) -> (vector<16xi1>, vector<16xf32>, vector<16xi32>)
      %add3A_764 = arith.constant 16 : i32
      %add3A_765 = arith.addi %min3A_755, %add3A_764 : i32
      %sub3A_766 = arith.constant 1 : i32
      %sub3A_767 = arith.subi %add3A_765, %sub3A_766 : i32
      %jit3A_768 = arith.constant 16 : i32
      %div3A_769 = arith.divsi %sub3A_767, %jit3A_768 : i32
      %sign3A_770 = arith.constant 0 : i32
      %sign3A_771 = arith.cmpi sgt, %sub3A_767, %sign3A_770 : i32
      %sign3A_772 = arith.extui %sign3A_771 : i1 to i32
      %sign3A_773 = arith.constant 0 : i32
      %sign3A_774 = arith.cmpi slt, %sub3A_767, %sign3A_773 : i32
      %sign3A_775 = arith.extui %sign3A_774 : i1 to i32
      %sign3A_776 = arith.subi %sign3A_772, %sign3A_775 : i32
      %sign3A_777 = arith.constant 0 : i32
      %sign3A_778 = arith.cmpi sgt, %jit3A_768, %sign3A_777 : i32
      %sign3A_779 = arith.extui %sign3A_778 : i1 to i32
      %sign3A_780 = arith.constant 0 : i32
      %sign3A_781 = arith.cmpi slt, %jit3A_768, %sign3A_780 : i32
      %sign3A_782 = arith.extui %sign3A_781 : i1 to i32
      %sign3A_783 = arith.subi %sign3A_779, %sign3A_782 : i32
      %ne3A_784 = arith.cmpi ne, %sign3A_776, %sign3A_783 : i32
      %rem3A_785 = arith.remsi %sub3A_767, %jit3A_768 : i32
      %ne3A_786 = arith.constant 0 : i32
      %ne3A_787 = arith.cmpi ne, %rem3A_785, %ne3A_786 : i32
      %and3A_788 = arith.andi %ne3A_784, %ne3A_787 : i1
      %sub3A_789 = arith.constant 1 : i32
      %sub3A_790 = arith.subi %div3A_769, %sub3A_789 : i32
      %select_n3A_791 = arith.select %and3A_788, %sub3A_790, %div3A_769 : i32
      %while3A_792 = arith.constant 1 : i32
      %while3A_793 = arith.subi %select_n3A_791, %while3A_792 : i32
      %while3A_794 = arith.addi %while3A_792, %while3A_793 : i32
      %while3A_795 = arith.constant 1 : i32
      %while3A_796 = arith.divsi %while3A_793, %while3A_795 : i32
      %while3A_797 = arith.muli %while3A_796, %while3A_795 : i32
      %while3A_798 = arith.addi %while3A_792, %while3A_797 : i32
      %while3A_799 = arith.constant 1 : i32
      %while3A_800 = scf.for %while3A_1739 = %while3A_792 to %while3A_798 step %while3A_799 iter_args(%while3A_1740 = %masked_sort3A_762) -> (vector<16xf32>)  : i32 {
        %mul3A_1741 = arith.constant 16 : i32
        %mul3A_1742 = arith.muli %while3A_1739, %mul3A_1741 : i32
        %get3A_1743 = arith.index_cast %mul3A_1742 : i32 to index
        %get3A_1744 = tpu.vector_load %arg6[%get3A_1743] {strides = array<i32>} : memref<544xf32, #tpu.memory_space<vmem>>, vector<16xf32>,
        %sort3A_1745 = arith.constant dense<true> : vector<16xi1>
        %sort3A_1746, %sort3A_1747, %sort3A_1748 = tpu.sort %get3A_1744, %get3A_1744 masked %sort3A_1745 : (vector<16xf32>, vector<16xf32>, vector<16xi1>) -> (vector<16xi1>, vector<16xf32>, vector<16xf32>)
        %max3A_1749 = arith.maximumf %while3A_1740, %sort3A_1747 : vector<16xf32>
        %masked_sort3A_1750 = arith.constant dense<true> : vector<16xi1>
        %masked_sort3A_1751, %masked_sort3A_1752, %masked_sort3A_1753 = tpu.sort %max3A_1749, %iota3A masked %masked_sort3A_1750 {descending = true} : (vector<16xf32>, vector<16xi32>, vector<16xi1>) -> (vector<16xi1>, vector<16xf32>, vector<16xi32>)
        scf.yield %masked_sort3A_1752 : vector<16xf32>
      }
      %while3A_801 = arith.constant 1 : i32
      %while3A_802 = scf.for %while3A_1739 = %while3A_798 to %while3A_794 step %while3A_801 iter_args(%while3A_1740 = %while3A_800) -> (vector<16xf32>)  : i32 {
        %mul3A_1741 = arith.constant 16 : i32
        %mul3A_1742 = arith.muli %while3A_1739, %mul3A_1741 : i32
        %get3A_1743 = arith.index_cast %mul3A_1742 : i32 to index
        %get3A_1744 = tpu.vector_load %arg6[%get3A_1743] {strides = array<i32>} : memref<544xf32, #tpu.memory_space<vmem>>, vector<16xf32>,
        %sort3A_1745 = arith.constant dense<true> : vector<16xi1>
        %sort3A_1746, %sort3A_1747, %sort3A_1748 = tpu.sort %get3A_1744, %get3A_1744 masked %sort3A_1745 : (vector<16xf32>, vector<16xf32>, vector<16xi1>) -> (vector<16xi1>, vector<16xf32>, vector<16xf32>)
        %max3A_1749 = arith.maximumf %while3A_1740, %sort3A_1747 : vector<16xf32>
        %masked_sort3A_1750 = arith.constant dense<true> : vector<16xi1>
        %masked_sort3A_1751, %masked_sort3A_1752, %masked_sort3A_1753 = tpu.sort %max3A_1749, %iota3A masked %masked_sort3A_1750 {descending = true} : (vector<16xf32>, vector<16xi32>, vector<16xi1>) -> (vector<16xi1>, vector<16xf32>, vector<16xi32>)
        scf.yield %masked_sort3A_1752 : vector<16xf32>
      }
      %reduce_min3A_803 = arith.constant true
      %reduce_min3A_804 = vector.broadcast %reduce_min3A_803 : i1 to vector<16xi1>
      %reduce_min3A_805 = tpu.scan <min>, %while3A_802 masked %reduce_min3A_804 : vector<16xf32>, vector<16xi1> -> vector<16xf32>
      %reduce_min3A_806 = vector.extract %reduce_min3A_805[15] : f32 from vector<16xf32>
      %broadcast_in_dim3A_807 = vector.broadcast %reduce_min3A_806 : f32 to vector<16xf32>
      %gt3A = arith.cmpf ogt, %while3A_802, %broadcast_in_dim3A_807 : vector<16xf32>
      %convert_element_type3A = arith.extui %gt3A : vector<16xi1> to vector<16xi32>
      %reduce_sum3A = arith.constant true
      %reduce_sum3A_808 = vector.broadcast %reduce_sum3A : i1 to vector<16xi1>
      %reduce_sum3A_809 = tpu.scan <sum>, %convert_element_type3A masked %reduce_sum3A_808 : vector<16xi32>, vector<16xi1> -> vector<16xi32>
      %reduce_sum3A_810 = vector.extract %reduce_sum3A_809[15] : i32 from vector<16xi32>
      %swap3A_811 = arith.constant 0 : i32
      %swap3A_812 = arith.constant 1 : i32
      %swap3A_813 = arith.index_cast %swap3A_812 : i32 to index
      %swap3A_814 = memref.load %arg14[%swap3A_813] : memref<8xi32, #tpu.memory_space<smem>>
      memref.store %swap3A_811, %arg14[%swap3A_813] : memref<8xi32, #tpu.memory_space<smem>>
      %swap3A_815 = arith.constant 0 : i32
      %swap3A_816 = arith.constant 2 : i32
      %swap3A_817 = arith.index_cast %swap3A_816 : i32 to index
      %swap3A_818 = memref.load %arg14[%swap3A_817] : memref<8xi32, #tpu.memory_space<smem>>
      memref.store %swap3A_815, %arg14[%swap3A_817] : memref<8xi32, #tpu.memory_space<smem>>
      %while3A_819 = arith.constant 0 : i32
      %while3A_820 = arith.constant 0 : i32
      %while3A_821 = arith.subi %select_n3A_791, %while3A_819 : i32
      %while3A_822 = arith.addi %while3A_819, %while3A_821 : i32
      %while3A_823 = arith.constant 1 : i32
      %while3A_824 = arith.divsi %while3A_821, %while3A_823 : i32
      %while3A_825 = arith.muli %while3A_824, %while3A_823 : i32
      %while3A_826 = arith.addi %while3A_819, %while3A_825 : i32
      %while3A_827 = arith.constant 1 : i32
      %while3A_828 = scf.for %while3A_1739 = %while3A_819 to %while3A_826 step %while3A_827 iter_args(%while3A_1740 = %while3A_820) -> (i32)  : i32 {
        %mul3A_1741 = arith.constant 16 : i32
        %mul3A_1742 = arith.muli %while3A_1739, %mul3A_1741 : i32
        %get3A_1743 = arith.index_cast %mul3A_1742 : i32 to index
        %get3A_1744 = tpu.vector_load %arg6[%get3A_1743] {strides = array<i32>} : memref<544xf32, #tpu.memory_space<vmem>>, vector<16xf32>,
        %mul3A_1745 = arith.constant 16 : i32
        %mul3A_1746 = arith.muli %while3A_1739, %mul3A_1745 : i32
        %get3A_1747 = arith.index_cast %mul3A_1746 : i32 to index
        %get3A_1748 = tpu.vector_load %arg7[%get3A_1747] {strides = array<i32>} : memref<544xi32, #tpu.memory_space<vmem>>, vector<16xi32>,
        %gt3A_1749 = arith.cmpf ogt, %get3A_1744, %broadcast_in_dim3A_807 : vector<16xf32>
        %get3A_1750 = arith.constant 1 : i32
        %get3A_1751 = arith.index_cast %get3A_1750 : i32 to index
        %get3A_1752 = memref.load %arg14[%get3A_1751] : memref<8xi32, #tpu.memory_space<smem>>
        %swap3A_1753 = arith.index_cast %get3A_1752 : i32 to index
        %swap3A_1754 = tpu.vector_load %arg8[%swap3A_1753] masked %gt3A_1749 {strides = array<i32>} : memref<32xf32, #tpu.memory_space<vmem>>, vector<16xf32>, vector<16xi1>
        tpu.vector_store %arg8[%swap3A_1753], %get3A_1744 masked %gt3A_1749 {strides = array<i32>} : memref<32xf32, #tpu.memory_space<vmem>>, vector<16xf32>, vector<16xi1>
        %swap3A_1755 = arith.index_cast %get3A_1752 : i32 to index
        %swap3A_1756 = tpu.vector_load %arg9[%swap3A_1755] masked %gt3A_1749 {strides = array<i32>} : memref<32xi32, #tpu.memory_space<vmem>>, vector<16xi32>, vector<16xi1>
        tpu.vector_store %arg9[%swap3A_1755], %get3A_1748 masked %gt3A_1749 {strides = array<i32>} : memref<32xi32, #tpu.memory_space<vmem>>, vector<16xi32>, vector<16xi1>
        %all_reduce_population_count3A_1757 = tpu.all_reduce %gt3A_1749 {dim = 0 : i64, kind = #tpu.reduction_kind<sum>} : vector<16xi1> -> vector<16xi32>
        %swap3A_1758 = arith.constant 0 : index
        %swap3A_1759 = tpu.vector_load %arg15[%swap3A_1758] {strides = array<i32>} : memref<16xi32, #tpu.memory_space<vmem>>, vector<16xi32>,
        tpu.vector_store %arg15[%swap3A_1758], %all_reduce_population_count3A_1757 {strides = array<i32>} : memref<16xi32, #tpu.memory_space<vmem>>, vector<16xi32>,
        %get3A_1760 = arith.constant 0 : index
        %get3A_1761 = tpu.vector_load %arg15[%get3A_1760] {strides = array<i32>} : memref<16xi32, #tpu.memory_space<vmem>>, vector<16xi32>,
        %slice3A_1762 = vector.extract_strided_slice %get3A_1761 {offsets = [0], sizes = [1], strides = [1]} : vector<16xi32> to vector<1xi32>
        %squeeze3A_1763 = vector.extract %slice3A_1762[0] : i32 from vector<1xi32>
        %add3A_1764 = arith.addi %get3A_1752, %squeeze3A_1763 : i32
        %swap3A_1765 = arith.constant 1 : i32
        %swap3A_1766 = arith.index_cast %swap3A_1765 : i32 to index
        %swap3A_1767 = memref.load %arg14[%swap3A_1766] : memref<8xi32, #tpu.memory_space<smem>>
        memref.store %add3A_1764, %arg14[%swap3A_1766] : memref<8xi32, #tpu.memory_space<smem>>
        %eq3A_1768 = arith.cmpf oeq, %get3A_1744, %broadcast_in_dim3A_807 : vector<16xf32>
        %get3A_1769 = arith.constant 2 : i32
        %get3A_1770 = arith.index_cast %get3A_1769 : i32 to index
        %get3A_1771 = memref.load %arg14[%get3A_1770] : memref<8xi32, #tpu.memory_space<smem>>
        %min3A_1772 = arith.constant 512 : i32
        %min3A_1773 = arith.minsi %get3A_1771, %min3A_1772 : i32
        %swap3A_1774 = arith.index_cast %min3A_1773 : i32 to index
        %swap3A_1775 = tpu.vector_load %arg10[%swap3A_1774] masked %eq3A_1768 {strides = array<i32>} : memref<544xi32, #tpu.memory_space<vmem>>, vector<16xi32>, vector<16xi1>
        tpu.vector_store %arg10[%swap3A_1774], %get3A_1748 masked %eq3A_1768 {strides = array<i32>} : memref<544xi32, #tpu.memory_space<vmem>>, vector<16xi32>, vector<16xi1>
        %all_reduce_population_count3A_1776 = tpu.all_reduce %eq3A_1768 {dim = 0 : i64, kind = #tpu.reduction_kind<sum>} : vector<16xi1> -> vector<16xi32>
        %swap3A_1777 = arith.constant 0 : index
        %swap3A_1778 = tpu.vector_load %arg15[%swap3A_1777] {strides = array<i32>} : memref<16xi32, #tpu.memory_space<vmem>>, vector<16xi32>,
        tpu.vector_store %arg15[%swap3A_1777], %all_reduce_population_count3A_1776 {strides = array<i32>} : memref<16xi32, #tpu.memory_space<vmem>>, vector<16xi32>,
        %get3A_1779 = arith.constant 0 : index
        %get3A_1780 = tpu.vector_load %arg15[%get3A_1779] {strides = array<i32>} : memref<16xi32, #tpu.memory_space<vmem>>, vector<16xi32>,
        %slice3A_1781 = vector.extract_strided_slice %get3A_1780 {offsets = [0], sizes = [1], strides = [1]} : vector<16xi32> to vector<1xi32>
        %squeeze3A_1782 = vector.extract %slice3A_1781[0] : i32 from vector<1xi32>
        %add3A_1783 = arith.addi %get3A_1771, %squeeze3A_1782 : i32
        %swap3A_1784 = arith.constant 2 : i32
        %swap3A_1785 = arith.index_cast %swap3A_1784 : i32 to index
        %swap3A_1786 = memref.load %arg14[%swap3A_1785] : memref<8xi32, #tpu.memory_space<smem>>
        memref.store %add3A_1783, %arg14[%swap3A_1785] : memref<8xi32, #tpu.memory_space<smem>>
        %while3A_1787 = arith.constant 0 : i32
        scf.yield %while3A_1787 : i32
      }
      %while3A_829 = arith.constant 1 : i32
      %while3A_830 = scf.for %while3A_1739 = %while3A_826 to %while3A_822 step %while3A_829 iter_args(%while3A_1740 = %while3A_828) -> (i32)  : i32 {
        %mul3A_1741 = arith.constant 16 : i32
        %mul3A_1742 = arith.muli %while3A_1739, %mul3A_1741 : i32
        %get3A_1743 = arith.index_cast %mul3A_1742 : i32 to index
        %get3A_1744 = tpu.vector_load %arg6[%get3A_1743] {strides = array<i32>} : memref<544xf32, #tpu.memory_space<vmem>>, vector<16xf32>,
        %mul3A_1745 = arith.constant 16 : i32
        %mul3A_1746 = arith.muli %while3A_1739, %mul3A_1745 : i32
        %get3A_1747 = arith.index_cast %mul3A_1746 : i32 to index
        %get3A_1748 = tpu.vector_load %arg7[%get3A_1747] {strides = array<i32>} : memref<544xi32, #tpu.memory_space<vmem>>, vector<16xi32>,
        %gt3A_1749 = arith.cmpf ogt, %get3A_1744, %broadcast_in_dim3A_807 : vector<16xf32>
        %get3A_1750 = arith.constant 1 : i32
        %get3A_1751 = arith.index_cast %get3A_1750 : i32 to index
        %get3A_1752 = memref.load %arg14[%get3A_1751] : memref<8xi32, #tpu.memory_space<smem>>
        %swap3A_1753 = arith.index_cast %get3A_1752 : i32 to index
        %swap3A_1754 = tpu.vector_load %arg8[%swap3A_1753] masked %gt3A_1749 {strides = array<i32>} : memref<32xf32, #tpu.memory_space<vmem>>, vector<16xf32>, vector<16xi1>
        tpu.vector_store %arg8[%swap3A_1753], %get3A_1744 masked %gt3A_1749 {strides = array<i32>} : memref<32xf32, #tpu.memory_space<vmem>>, vector<16xf32>, vector<16xi1>
        %swap3A_1755 = arith.index_cast %get3A_1752 : i32 to index
        %swap3A_1756 = tpu.vector_load %arg9[%swap3A_1755] masked %gt3A_1749 {strides = array<i32>} : memref<32xi32, #tpu.memory_space<vmem>>, vector<16xi32>, vector<16xi1>
        tpu.vector_store %arg9[%swap3A_1755], %get3A_1748 masked %gt3A_1749 {strides = array<i32>} : memref<32xi32, #tpu.memory_space<vmem>>, vector<16xi32>, vector<16xi1>
        %all_reduce_population_count3A_1757 = tpu.all_reduce %gt3A_1749 {dim = 0 : i64, kind = #tpu.reduction_kind<sum>} : vector<16xi1> -> vector<16xi32>
        %swap3A_1758 = arith.constant 0 : index
        %swap3A_1759 = tpu.vector_load %arg15[%swap3A_1758] {strides = array<i32>} : memref<16xi32, #tpu.memory_space<vmem>>, vector<16xi32>,
        tpu.vector_store %arg15[%swap3A_1758], %all_reduce_population_count3A_1757 {strides = array<i32>} : memref<16xi32, #tpu.memory_space<vmem>>, vector<16xi32>,
        %get3A_1760 = arith.constant 0 : index
        %get3A_1761 = tpu.vector_load %arg15[%get3A_1760] {strides = array<i32>} : memref<16xi32, #tpu.memory_space<vmem>>, vector<16xi32>,
        %slice3A_1762 = vector.extract_strided_slice %get3A_1761 {offsets = [0], sizes = [1], strides = [1]} : vector<16xi32> to vector<1xi32>
        %squeeze3A_1763 = vector.extract %slice3A_1762[0] : i32 from vector<1xi32>
        %add3A_1764 = arith.addi %get3A_1752, %squeeze3A_1763 : i32
        %swap3A_1765 = arith.constant 1 : i32
        %swap3A_1766 = arith.index_cast %swap3A_1765 : i32 to index
        %swap3A_1767 = memref.load %arg14[%swap3A_1766] : memref<8xi32, #tpu.memory_space<smem>>
        memref.store %add3A_1764, %arg14[%swap3A_1766] : memref<8xi32, #tpu.memory_space<smem>>
        %eq3A_1768 = arith.cmpf oeq, %get3A_1744, %broadcast_in_dim3A_807 : vector<16xf32>
        %get3A_1769 = arith.constant 2 : i32
        %get3A_1770 = arith.index_cast %get3A_1769 : i32 to index
        %get3A_1771 = memref.load %arg14[%get3A_1770] : memref<8xi32, #tpu.memory_space<smem>>
        %min3A_1772 = arith.constant 512 : i32
        %min3A_1773 = arith.minsi %get3A_1771, %min3A_1772 : i32
        %swap3A_1774 = arith.index_cast %min3A_1773 : i32 to index
        %swap3A_1775 = tpu.vector_load %arg10[%swap3A_1774] masked %eq3A_1768 {strides = array<i32>} : memref<544xi32, #tpu.memory_space<vmem>>, vector<16xi32>, vector<16xi1>
        tpu.vector_store %arg10[%swap3A_1774], %get3A_1748 masked %eq3A_1768 {strides = array<i32>} : memref<544xi32, #tpu.memory_space<vmem>>, vector<16xi32>, vector<16xi1>
        %all_reduce_population_count3A_1776 = tpu.all_reduce %eq3A_1768 {dim = 0 : i64, kind = #tpu.reduction_kind<sum>} : vector<16xi1> -> vector<16xi32>
        %swap3A_1777 = arith.constant 0 : index
        %swap3A_1778 = tpu.vector_load %arg15[%swap3A_1777] {strides = array<i32>} : memref<16xi32, #tpu.memory_space<vmem>>, vector<16xi32>,
        tpu.vector_store %arg15[%swap3A_1777], %all_reduce_population_count3A_1776 {strides = array<i32>} : memref<16xi32, #tpu.memory_space<vmem>>, vector<16xi32>,
        %get3A_1779 = arith.constant 0 : index
        %get3A_1780 = tpu.vector_load %arg15[%get3A_1779] {strides = array<i32>} : memref<16xi32, #tpu.memory_space<vmem>>, vector<16xi32>,
        %slice3A_1781 = vector.extract_strided_slice %get3A_1780 {offsets = [0], sizes = [1], strides = [1]} : vector<16xi32> to vector<1xi32>
        %squeeze3A_1782 = vector.extract %slice3A_1781[0] : i32 from vector<1xi32>
        %add3A_1783 = arith.addi %get3A_1771, %squeeze3A_1782 : i32
        %swap3A_1784 = arith.constant 2 : i32
        %swap3A_1785 = arith.index_cast %swap3A_1784 : i32 to index
        %swap3A_1786 = memref.load %arg14[%swap3A_1785] : memref<8xi32, #tpu.memory_space<smem>>
        memref.store %add3A_1783, %arg14[%swap3A_1785] : memref<8xi32, #tpu.memory_space<smem>>
        %while3A_1787 = arith.constant 0 : i32
        scf.yield %while3A_1787 : i32
      }
      %get3A_831 = arith.constant 2 : i32
      %get3A_832 = arith.index_cast %get3A_831 : i32 to index
      %get3A_833 = memref.load %arg14[%get3A_832] : memref<8xi32, #tpu.memory_space<smem>>
      %min3A_834 = arith.constant 512 : i32
      %min3A_835 = arith.minsi %get3A_833, %min3A_834 : i32
      %broadcast_in_dim3A_836 = arith.constant 2147483647 : i32
      %broadcast_in_dim3A_837 = vector.broadcast %broadcast_in_dim3A_836 : i32 to vector<16xi32>
      %swap3A_838 = arith.index_cast %min3A_835 : i32 to index
      %swap3A_839 = tpu.vector_load %arg10[%swap3A_838] {strides = array<i32>} : memref<544xi32, #tpu.memory_space<vmem>>, vector<16xi32>,
      tpu.vector_store %arg10[%swap3A_838], %broadcast_in_dim3A_837 {strides = array<i32>} : memref<544xi32, #tpu.memory_space<vmem>>, vector<16xi32>,
      %get3A_840 = arith.constant 0 : index
      %get3A_841 = tpu.vector_load %arg10[%get3A_840] {strides = array<i32>} : memref<544xi32, #tpu.memory_space<vmem>>, vector<16xi32>,
      %sort3A_842 = arith.constant dense<true> : vector<16xi1>
      %sort3A_843, %sort3A_844, %sort3A_845 = tpu.sort %get3A_841, %get3A_841 masked %sort3A_842 : (vector<16xi32>, vector<16xi32>, vector<16xi1>) -> (vector<16xi1>, vector<16xi32>, vector<16xi32>)
      %add3A_846 = arith.constant 16 : i32
      %add3A_847 = arith.addi %min3A_835, %add3A_846 : i32
      %sub3A_848 = arith.constant 1 : i32
      %sub3A_849 = arith.subi %add3A_847, %sub3A_848 : i32
      %jit3A_850 = arith.constant 16 : i32
      %div3A_851 = arith.divsi %sub3A_849, %jit3A_850 : i32
      %sign3A_852 = arith.constant 0 : i32
      %sign3A_853 = arith.cmpi sgt, %sub3A_849, %sign3A_852 : i32
      %sign3A_854 = arith.extui %sign3A_853 : i1 to i32
      %sign3A_855 = arith.constant 0 : i32
      %sign3A_856 = arith.cmpi slt, %sub3A_849, %sign3A_855 : i32
      %sign3A_857 = arith.extui %sign3A_856 : i1 to i32
      %sign3A_858 = arith.subi %sign3A_854, %sign3A_857 : i32
      %sign3A_859 = arith.constant 0 : i32
      %sign3A_860 = arith.cmpi sgt, %jit3A_850, %sign3A_859 : i32
      %sign3A_861 = arith.extui %sign3A_860 : i1 to i32
      %sign3A_862 = arith.constant 0 : i32
      %sign3A_863 = arith.cmpi slt, %jit3A_850, %sign3A_862 : i32
      %sign3A_864 = arith.extui %sign3A_863 : i1 to i32
      %sign3A_865 = arith.subi %sign3A_861, %sign3A_864 : i32
      %ne3A_866 = arith.cmpi ne, %sign3A_858, %sign3A_865 : i32
      %rem3A_867 = arith.remsi %sub3A_849, %jit3A_850 : i32
      %ne3A_868 = arith.constant 0 : i32
      %ne3A_869 = arith.cmpi ne, %rem3A_867, %ne3A_868 : i32
      %and3A_870 = arith.andi %ne3A_866, %ne3A_869 : i1
      %sub3A_871 = arith.constant 1 : i32
      %sub3A_872 = arith.subi %div3A_851, %sub3A_871 : i32
      %select_n3A_873 = arith.select %and3A_870, %sub3A_872, %div3A_851 : i32
      %while3A_874 = arith.constant 1 : i32
      %while3A_875 = arith.subi %select_n3A_873, %while3A_874 : i32
      %while3A_876 = arith.addi %while3A_874, %while3A_875 : i32
      %while3A_877 = arith.constant 1 : i32
      %while3A_878 = arith.divsi %while3A_875, %while3A_877 : i32
      %while3A_879 = arith.muli %while3A_878, %while3A_877 : i32
      %while3A_880 = arith.addi %while3A_874, %while3A_879 : i32
      %while3A_881 = arith.constant 1 : i32
      %while3A_882 = scf.for %while3A_1739 = %while3A_874 to %while3A_880 step %while3A_881 iter_args(%while3A_1740 = %sort3A_844) -> (vector<16xi32>)  : i32 {
        %mul3A_1741 = arith.constant 16 : i32
        %mul3A_1742 = arith.muli %while3A_1739, %mul3A_1741 : i32
        %get3A_1743 = arith.index_cast %mul3A_1742 : i32 to index
        %get3A_1744 = tpu.vector_load %arg10[%get3A_1743] {strides = array<i32>} : memref<544xi32, #tpu.memory_space<vmem>>, vector<16xi32>,
        %masked_sort3A_1745 = arith.constant dense<true> : vector<16xi1>
        %masked_sort3A_1746 = arith.constant -2147483648 : i32
        %masked_sort3A_1747 = vector.broadcast %masked_sort3A_1746 : i32 to vector<16xi32>
        %masked_sort3A_1748 = arith.xori %get3A_1744, %masked_sort3A_1747 : vector<16xi32>
        %masked_sort3A_1749, %masked_sort3A_1750, %masked_sort3A_1751 = tpu.sort %masked_sort3A_1748, %iota3A masked %masked_sort3A_1745 {descending = true} : (vector<16xi32>, vector<16xi32>, vector<16xi1>) -> (vector<16xi1>, vector<16xi32>, vector<16xi32>)
        %masked_sort3A_1752 = arith.xori %masked_sort3A_1750, %masked_sort3A_1747 : vector<16xi32>
        %min3A_1753 = arith.minsi %while3A_1740, %masked_sort3A_1752 : vector<16xi32>
        %sort3A_1754 = arith.constant dense<true> : vector<16xi1>
        %sort3A_1755, %sort3A_1756, %sort3A_1757 = tpu.sort %min3A_1753, %min3A_1753 masked %sort3A_1754 : (vector<16xi32>, vector<16xi32>, vector<16xi1>) -> (vector<16xi1>, vector<16xi32>, vector<16xi32>)
        scf.yield %sort3A_1756 : vector<16xi32>
      }
      %while3A_883 = arith.constant 1 : i32
      %while3A_884 = scf.for %while3A_1739 = %while3A_880 to %while3A_876 step %while3A_883 iter_args(%while3A_1740 = %while3A_882) -> (vector<16xi32>)  : i32 {
        %mul3A_1741 = arith.constant 16 : i32
        %mul3A_1742 = arith.muli %while3A_1739, %mul3A_1741 : i32
        %get3A_1743 = arith.index_cast %mul3A_1742 : i32 to index
        %get3A_1744 = tpu.vector_load %arg10[%get3A_1743] {strides = array<i32>} : memref<544xi32, #tpu.memory_space<vmem>>, vector<16xi32>,
        %masked_sort3A_1745 = arith.constant dense<true> : vector<16xi1>
        %masked_sort3A_1746 = arith.constant -2147483648 : i32
        %masked_sort3A_1747 = vector.broadcast %masked_sort3A_1746 : i32 to vector<16xi32>
        %masked_sort3A_1748 = arith.xori %get3A_1744, %masked_sort3A_1747 : vector<16xi32>
        %masked_sort3A_1749, %masked_sort3A_1750, %masked_sort3A_1751 = tpu.sort %masked_sort3A_1748, %iota3A masked %masked_sort3A_1745 {descending = true} : (vector<16xi32>, vector<16xi32>, vector<16xi1>) -> (vector<16xi1>, vector<16xi32>, vector<16xi32>)
        %masked_sort3A_1752 = arith.xori %masked_sort3A_1750, %masked_sort3A_1747 : vector<16xi32>
        %min3A_1753 = arith.minsi %while3A_1740, %masked_sort3A_1752 : vector<16xi32>
        %sort3A_1754 = arith.constant dense<true> : vector<16xi1>
        %sort3A_1755, %sort3A_1756, %sort3A_1757 = tpu.sort %min3A_1753, %min3A_1753 masked %sort3A_1754 : (vector<16xi32>, vector<16xi32>, vector<16xi1>) -> (vector<16xi1>, vector<16xi32>, vector<16xi32>)
        scf.yield %sort3A_1756 : vector<16xi32>
      }
      %swap3A_885 = arith.constant 0 : index
      %swap3A_886 = tpu.vector_load %arg10[%swap3A_885] {strides = array<i32>} : memref<544xi32, #tpu.memory_space<vmem>>, vector<16xi32>,
      tpu.vector_store %arg10[%swap3A_885], %while3A_884 {strides = array<i32>} : memref<544xi32, #tpu.memory_space<vmem>>, vector<16xi32>,
      %sub3A_887 = vector.broadcast %reduce_sum3A_810 : i32 to vector<16xi32>
      %sub3A_888 = arith.subi %iota3A, %sub3A_887 : vector<16xi32>
      %max3A_889 = arith.constant 0 : i32
      %max3A_890 = vector.broadcast %max3A_889 : i32 to vector<16xi32>
      %max3A_891 = arith.maxsi %sub3A_888, %max3A_890 : vector<16xi32>
      %gather3A = tpu.vector_load_idx %arg10[%max3A_891] : memref<544xi32, #tpu.memory_space<vmem>>[vector<16xi32>], vector<16xi32>,
      %lt3A_892 = vector.broadcast %reduce_sum3A_810 : i32 to vector<16xi32>
      %lt3A_893 = arith.cmpi slt, %iota3A, %lt3A_892 : vector<16xi32>
      %get3A_894 = arith.constant 0 : index
      %get3A_895 = tpu.vector_load %arg9[%get3A_894] {strides = array<i32>} : memref<32xi32, #tpu.memory_space<vmem>>, vector<16xi32>,
      %select_n3A_896 = arith.select %lt3A_893, %get3A_895, %gather3A : vector<16xi1>, vector<16xi32>
      %lt3A_897 = vector.broadcast %reduce_sum3A_810 : i32 to vector<16xi32>
      %lt3A_898 = arith.cmpi slt, %iota3A, %lt3A_897 : vector<16xi32>
      %get3A_899 = arith.constant 0 : index
      %get3A_900 = tpu.vector_load %arg8[%get3A_899] {strides = array<i32>} : memref<32xf32, #tpu.memory_space<vmem>>, vector<16xf32>,
      %select_n3A_901 = arith.select %lt3A_898, %get3A_900, %broadcast_in_dim3A_807 : vector<16xi1>, vector<16xf32>
      %masked_sort3A_902 = arith.constant dense<true> : vector<16xi1>
      %masked_sort3A_903 = arith.constant -2147483648 : i32
      %masked_sort3A_904 = vector.broadcast %masked_sort3A_903 : i32 to vector<16xi32>
      %masked_sort3A_905 = arith.xori %select_n3A_896, %masked_sort3A_904 : vector<16xi32>
      %masked_sort3A_906, %masked_sort3A_907, %masked_sort3A_908 = tpu.sort %masked_sort3A_905, %select_n3A_901 masked %masked_sort3A_902 : (vector<16xi32>, vector<16xf32>, vector<16xi1>) -> (vector<16xi1>, vector<16xi32>, vector<16xf32>)
      %masked_sort3A_909 = arith.xori %masked_sort3A_907, %masked_sort3A_904 : vector<16xi32>
      %mul3A_910 = arith.constant 16 : i32
      %mul3A_911 = arith.muli %mul3A_62, %mul3A_910 : i32
      %swap3A_912 = arith.index_cast %mul3A_911 : i32 to index
      %swap3A_913 = tpu.vector_load %arg13[%swap3A_912] {strides = array<i32>} : memref<1024xf32, #tpu.memory_space<vmem>>, vector<16xf32>,
      tpu.vector_store %arg13[%swap3A_912], %masked_sort3A_908 {strides = array<i32>} : memref<1024xf32, #tpu.memory_space<vmem>>, vector<16xf32>,
      %add3A_914 = arith.constant 1 : i32
      %add3A_915 = arith.addi %mul3A_62, %add3A_914 : i32
      %add3A_916 = arith.addi %mul3A_2, %add3A_915 : i32
      %jit3A_917 = arith.constant 32 : i32
      %div3A_918 = arith.divsi %add3A_916, %jit3A_917 : i32
      %sign3A_919 = arith.constant 0 : i32
      %sign3A_920 = arith.cmpi sgt, %add3A_916, %sign3A_919 : i32
      %sign3A_921 = arith.extui %sign3A_920 : i1 to i32
      %sign3A_922 = arith.constant 0 : i32
      %sign3A_923 = arith.cmpi slt, %add3A_916, %sign3A_922 : i32
      %sign3A_924 = arith.extui %sign3A_923 : i1 to i32
      %sign3A_925 = arith.subi %sign3A_921, %sign3A_924 : i32
      %sign3A_926 = arith.constant 0 : i32
      %sign3A_927 = arith.cmpi sgt, %jit3A_917, %sign3A_926 : i32
      %sign3A_928 = arith.extui %sign3A_927 : i1 to i32
      %sign3A_929 = arith.constant 0 : i32
      %sign3A_930 = arith.cmpi slt, %jit3A_917, %sign3A_929 : i32
      %sign3A_931 = arith.extui %sign3A_930 : i1 to i32
      %sign3A_932 = arith.subi %sign3A_928, %sign3A_931 : i32
      %ne3A_933 = arith.cmpi ne, %sign3A_925, %sign3A_932 : i32
      %rem3A_934 = arith.remsi %add3A_916, %jit3A_917 : i32
      %ne3A_935 = arith.constant 0 : i32
      %ne3A_936 = arith.cmpi ne, %rem3A_934, %ne3A_935 : i32
      %and3A_937 = arith.andi %ne3A_933, %ne3A_936 : i1
      %sub3A_938 = arith.constant 1 : i32
      %sub3A_939 = arith.subi %div3A_918, %sub3A_938 : i32
      %select_n3A_940 = arith.select %and3A_937, %sub3A_939, %div3A_918 : i32
      %jit3A_941 = arith.constant 32 : i32
      %eq3A_942 = arith.constant 0 : i32
      %eq3A_943 = arith.cmpi eq, %jit3A_941, %eq3A_942 : i32
      %jit3A_944 = arith.constant 1 : i32
      %select_n3A_945 = arith.select %eq3A_943, %jit3A_944, %jit3A_941 : i32
      %rem3A_946 = arith.remsi %add3A_916, %select_n3A_945 : i32
      %ne3A_947 = arith.constant 0 : i32
      %ne3A_948 = arith.cmpi ne, %rem3A_946, %ne3A_947 : i32
      %lt3A_949 = arith.constant 0 : i32
      %lt3A_950 = arith.cmpi slt, %rem3A_946, %lt3A_949 : i32
      %lt3A_951 = arith.constant 0 : i32
      %lt3A_952 = arith.cmpi slt, %select_n3A_945, %lt3A_951 : i32
      %ne3A_953 = arith.xori %lt3A_950, %lt3A_952 : i1
      %and3A_954 = arith.andi %ne3A_953, %ne3A_948 : i1
      %add3A_955 = arith.addi %rem3A_946, %select_n3A_945 : i32
      %select_n3A_956 = arith.select %and3A_954, %add3A_955, %rem3A_946 : i32
      %dma_wait3A_957 = arith.constant 32768 : i32
      %dma_wait3A_958 = tpu.memref_slice %arg4[%dma_wait3A_957] : memref<65536xf32, #tpu.memory_space<vmem>> -> memref<32768xf32, #tpu.memory_space<vmem>>
      %dma_wait3A_959 = arith.constant 0 : i32
      %dma_wait3A_960 = tpu.memref_slice %arg2[%select_n3A_940, %select_n3A_956, %dma_wait3A_959] : memref<64x32x32768xf32, #tpu.memory_space<hbm>> -> memref<1x1x32768xf32, #tpu.memory_space<hbm>>
      %dma_wait3A_961 = tpu.memref_squeeze %dma_wait3A_960 : memref<1x1x32768xf32, #tpu.memory_space<hbm>> -> memref<32768xf32, #tpu.memory_space<hbm>>
      %dma_wait3A_962 = arith.constant 32768 : i32
      %dma_wait3A_963 = tpu.memref_slice %arg4[%dma_wait3A_962] : memref<65536xf32, #tpu.memory_space<vmem>> -> memref<32768xf32, #tpu.memory_space<vmem>>
      %dma_wait3A_964 = arith.constant 0 : i32
      %dma_wait3A_965 = tpu.memref_slice %arg2[%select_n3A_940, %select_n3A_956, %dma_wait3A_964] : memref<64x32x32768xf32, #tpu.memory_space<hbm>> -> memref<1x1x32768xf32, #tpu.memory_space<hbm>>
      %dma_wait3A_966 = tpu.memref_squeeze %dma_wait3A_965 : memref<1x1x32768xf32, #tpu.memory_space<hbm>> -> memref<32768xf32, #tpu.memory_space<hbm>>
      tpu.wait_dma2 semaphore(%arg17 : memref<!tpu.dma_semaphore, #tpu.memory_space<semaphore_mem>>) src(%dma_wait3A_966 : memref<32768xf32, #tpu.memory_space<hbm>>) dst(%dma_wait3A_963 : memref<32768xf32, #tpu.memory_space<vmem>>)
      %lt3A_967 = arith.constant 31 : i32
      %lt3A_968 = arith.cmpi slt, %scan3A_59, %lt3A_967 : i32
      %convert_element_type3A_969 = arith.extui %lt3A_968 : i1 to i32
      %cond3A = arith.constant 0 : i32
      %cond3A_970 = arith.cmpi ne, %convert_element_type3A_969, %cond3A : i32
      scf.if %cond3A_970 {
        %add3A_1739 = arith.constant 2 : i32
        %add3A_1740 = arith.addi %mul3A_62, %add3A_1739 : i32
        %add3A_1741 = arith.addi %mul3A_2, %add3A_1740 : i32
        %jit3A_1742 = arith.constant 32 : i32
        %div3A_1743 = arith.divsi %add3A_1741, %jit3A_1742 : i32
        %sign3A_1744 = arith.constant 0 : i32
        %sign3A_1745 = arith.cmpi sgt, %add3A_1741, %sign3A_1744 : i32
        %sign3A_1746 = arith.extui %sign3A_1745 : i1 to i32
        %sign3A_1747 = arith.constant 0 : i32
        %sign3A_1748 = arith.cmpi slt, %add3A_1741, %sign3A_1747 : i32
        %sign3A_1749 = arith.extui %sign3A_1748 : i1 to i32
        %sign3A_1750 = arith.subi %sign3A_1746, %sign3A_1749 : i32
        %sign3A_1751 = arith.constant 0 : i32
        %sign3A_1752 = arith.cmpi sgt, %jit3A_1742, %sign3A_1751 : i32
        %sign3A_1753 = arith.extui %sign3A_1752 : i1 to i32
        %sign3A_1754 = arith.constant 0 : i32
        %sign3A_1755 = arith.cmpi slt, %jit3A_1742, %sign3A_1754 : i32
        %sign3A_1756 = arith.extui %sign3A_1755 : i1 to i32
        %sign3A_1757 = arith.subi %sign3A_1753, %sign3A_1756 : i32
        %ne3A_1758 = arith.cmpi ne, %sign3A_1750, %sign3A_1757 : i32
        %rem3A_1759 = arith.remsi %add3A_1741, %jit3A_1742 : i32
        %ne3A_1760 = arith.constant 0 : i32
        %ne3A_1761 = arith.cmpi ne, %rem3A_1759, %ne3A_1760 : i32
        %and3A_1762 = arith.andi %ne3A_1758, %ne3A_1761 : i1
        %sub3A_1763 = arith.constant 1 : i32
        %sub3A_1764 = arith.subi %div3A_1743, %sub3A_1763 : i32
        %select_n3A_1765 = arith.select %and3A_1762, %sub3A_1764, %div3A_1743 : i32
        %jit3A_1766 = arith.constant 32 : i32
        %eq3A_1767 = arith.constant 0 : i32
        %eq3A_1768 = arith.cmpi eq, %jit3A_1766, %eq3A_1767 : i32
        %jit3A_1769 = arith.constant 1 : i32
        %select_n3A_1770 = arith.select %eq3A_1768, %jit3A_1769, %jit3A_1766 : i32
        %rem3A_1771 = arith.remsi %add3A_1741, %select_n3A_1770 : i32
        %ne3A_1772 = arith.constant 0 : i32
        %ne3A_1773 = arith.cmpi ne, %rem3A_1771, %ne3A_1772 : i32
        %lt3A_1774 = arith.constant 0 : i32
        %lt3A_1775 = arith.cmpi slt, %rem3A_1771, %lt3A_1774 : i32
        %lt3A_1776 = arith.constant 0 : i32
        %lt3A_1777 = arith.cmpi slt, %select_n3A_1770, %lt3A_1776 : i32
        %ne3A_1778 = arith.xori %lt3A_1775, %lt3A_1777 : i1
        %and3A_1779 = arith.andi %ne3A_1778, %ne3A_1773 : i1
        %add3A_1780 = arith.addi %rem3A_1771, %select_n3A_1770 : i32
        %select_n3A_1781 = arith.select %and3A_1779, %add3A_1780, %rem3A_1771 : i32
        %dma_start3A_1782 = arith.constant 0 : i32
        %dma_start3A_1783 = tpu.memref_slice %arg4[%dma_start3A_1782] : memref<65536xf32, #tpu.memory_space<vmem>> -> memref<32768xf32, #tpu.memory_space<vmem>>
        %dma_start3A_1784 = arith.constant 0 : i32
        %dma_start3A_1785 = tpu.memref_slice %arg2[%select_n3A_1765, %select_n3A_1781, %dma_start3A_1784] : memref<64x32x32768xf32, #tpu.memory_space<hbm>> -> memref<1x1x32768xf32, #tpu.memory_space<hbm>>
        %dma_start3A_1786 = tpu.memref_squeeze %dma_start3A_1785 : memref<1x1x32768xf32, #tpu.memory_space<hbm>> -> memref<32768xf32, #tpu.memory_space<hbm>>
        %dma_start3A_1787 = arith.constant 0 : i32
        %dma_start3A_1788 = tpu.memref_slice %arg4[%dma_start3A_1787] : memref<65536xf32, #tpu.memory_space<vmem>> -> memref<32768xf32, #tpu.memory_space<vmem>>
        %dma_start3A_1789 = arith.constant 0 : i32
        %dma_start3A_1790 = tpu.memref_slice %arg2[%select_n3A_1765, %select_n3A_1781, %dma_start3A_1789] : memref<64x32x32768xf32, #tpu.memory_space<hbm>> -> memref<1x1x32768xf32, #tpu.memory_space<hbm>>
        %dma_start3A_1791 = tpu.memref_squeeze %dma_start3A_1790 : memref<1x1x32768xf32, #tpu.memory_space<hbm>> -> memref<32768xf32, #tpu.memory_space<hbm>>
        tpu.enqueue_dma source(%dma_start3A_1791 : memref<32768xf32, #tpu.memory_space<hbm>>) target(%dma_start3A_1788 : memref<32768xf32, #tpu.memory_space<vmem>>) target_semaphore(%arg16 : memref<!tpu.dma_semaphore, #tpu.memory_space<semaphore_mem>>)
      } else {
      }
      %parallel_loop3A_971 = arith.constant 0 : i32
      %parallel_loop3A_972 = arith.constant 128 : i32
      %parallel_loop3A_973 = arith.constant 1 : i32
      %parallel_loop3A_974:2 = scf.for %parallel_loop3A_1739 = %parallel_loop3A_971 to %parallel_loop3A_972 step %parallel_loop3A_973 iter_args(%parallel_loop3A_1740 = %broadcast_in_dim3A_9, %parallel_loop3A_1741 = %broadcast_in_dim3A_9) -> (vector<16xf32>, vector<16xf32>)  : i32 {
        %parallel_loop3A_1742 = arith.constant 256 : i32
        %parallel_loop3A_1743 = arith.muli %parallel_loop3A_1739, %parallel_loop3A_1742 : i32
        %parallel_loop3A_1744 = arith.constant 32768 : i32
        %parallel_loop3A_1745 = arith.addi %parallel_loop3A_1744, %parallel_loop3A_1743 : i32
        %parallel_loop3A_1746 = arith.index_cast %parallel_loop3A_1745 : i32 to index
        %parallel_loop3A_1747 = tpu.vector_load %arg4[%parallel_loop3A_1746] {strides = array<i32>} : memref<65536xf32, #tpu.memory_space<vmem>>, vector<16xf32>,
        %parallel_loop3A_1748 = arith.constant 16 : i32
        %parallel_loop3A_1749 = arith.addi %parallel_loop3A_1745, %parallel_loop3A_1748 : i32
        %parallel_loop3A_1750 = arith.index_cast %parallel_loop3A_1749 : i32 to index
        %parallel_loop3A_1751 = tpu.vector_load %arg4[%parallel_loop3A_1750] {strides = array<i32>} : memref<65536xf32, #tpu.memory_space<vmem>>, vector<16xf32>,
        %parallel_loop3A_1752 = arith.constant 32 : i32
        %parallel_loop3A_1753 = arith.addi %parallel_loop3A_1745, %parallel_loop3A_1752 : i32
        %parallel_loop3A_1754 = arith.index_cast %parallel_loop3A_1753 : i32 to index
        %parallel_loop3A_1755 = tpu.vector_load %arg4[%parallel_loop3A_1754] {strides = array<i32>} : memref<65536xf32, #tpu.memory_space<vmem>>, vector<16xf32>,
        %parallel_loop3A_1756 = arith.constant 48 : i32
        %parallel_loop3A_1757 = arith.addi %parallel_loop3A_1745, %parallel_loop3A_1756 : i32
        %parallel_loop3A_1758 = arith.index_cast %parallel_loop3A_1757 : i32 to index
        %parallel_loop3A_1759 = tpu.vector_load %arg4[%parallel_loop3A_1758] {strides = array<i32>} : memref<65536xf32, #tpu.memory_space<vmem>>, vector<16xf32>,
        %parallel_loop3A_1760 = arith.constant 64 : i32
        %parallel_loop3A_1761 = arith.addi %parallel_loop3A_1745, %parallel_loop3A_1760 : i32
        %parallel_loop3A_1762 = arith.index_cast %parallel_loop3A_1761 : i32 to index
        %parallel_loop3A_1763 = tpu.vector_load %arg4[%parallel_loop3A_1762] {strides = array<i32>} : memref<65536xf32, #tpu.memory_space<vmem>>, vector<16xf32>,
        %parallel_loop3A_1764 = arith.maximumf %parallel_loop3A_1747, %parallel_loop3A_1763 : vector<16xf32>
        %parallel_loop3A_1765 = arith.constant 80 : i32
        %parallel_loop3A_1766 = arith.addi %parallel_loop3A_1745, %parallel_loop3A_1765 : i32
        %parallel_loop3A_1767 = arith.index_cast %parallel_loop3A_1766 : i32 to index
        %parallel_loop3A_1768 = tpu.vector_load %arg4[%parallel_loop3A_1767] {strides = array<i32>} : memref<65536xf32, #tpu.memory_space<vmem>>, vector<16xf32>,
        %parallel_loop3A_1769 = arith.maximumf %parallel_loop3A_1751, %parallel_loop3A_1768 : vector<16xf32>
        %parallel_loop3A_1770 = arith.constant 96 : i32
        %parallel_loop3A_1771 = arith.addi %parallel_loop3A_1745, %parallel_loop3A_1770 : i32
        %parallel_loop3A_1772 = arith.index_cast %parallel_loop3A_1771 : i32 to index
        %parallel_loop3A_1773 = tpu.vector_load %arg4[%parallel_loop3A_1772] {strides = array<i32>} : memref<65536xf32, #tpu.memory_space<vmem>>, vector<16xf32>,
        %parallel_loop3A_1774 = arith.maximumf %parallel_loop3A_1755, %parallel_loop3A_1773 : vector<16xf32>
        %parallel_loop3A_1775 = arith.constant 112 : i32
        %parallel_loop3A_1776 = arith.addi %parallel_loop3A_1745, %parallel_loop3A_1775 : i32
        %parallel_loop3A_1777 = arith.index_cast %parallel_loop3A_1776 : i32 to index
        %parallel_loop3A_1778 = tpu.vector_load %arg4[%parallel_loop3A_1777] {strides = array<i32>} : memref<65536xf32, #tpu.memory_space<vmem>>, vector<16xf32>,
        %parallel_loop3A_1779 = arith.maximumf %parallel_loop3A_1759, %parallel_loop3A_1778 : vector<16xf32>
        %parallel_loop3A_1780 = arith.constant 128 : i32
        %parallel_loop3A_1781 = arith.addi %parallel_loop3A_1745, %parallel_loop3A_1780 : i32
        %parallel_loop3A_1782 = arith.index_cast %parallel_loop3A_1781 : i32 to index
        %parallel_loop3A_1783 = tpu.vector_load %arg4[%parallel_loop3A_1782] {strides = array<i32>} : memref<65536xf32, #tpu.memory_space<vmem>>, vector<16xf32>,
        %parallel_loop3A_1784 = arith.maximumf %parallel_loop3A_1764, %parallel_loop3A_1783 : vector<16xf32>
        %parallel_loop3A_1785 = arith.constant 144 : i32
        %parallel_loop3A_1786 = arith.addi %parallel_loop3A_1745, %parallel_loop3A_1785 : i32
        %parallel_loop3A_1787 = arith.index_cast %parallel_loop3A_1786 : i32 to index
        %parallel_loop3A_1788 = tpu.vector_load %arg4[%parallel_loop3A_1787] {strides = array<i32>} : memref<65536xf32, #tpu.memory_space<vmem>>, vector<16xf32>,
        %parallel_loop3A_1789 = arith.maximumf %parallel_loop3A_1769, %parallel_loop3A_1788 : vector<16xf32>
        %parallel_loop3A_1790 = arith.constant 160 : i32
        %parallel_loop3A_1791 = arith.addi %parallel_loop3A_1745, %parallel_loop3A_1790 : i32
        %parallel_loop3A_1792 = arith.index_cast %parallel_loop3A_1791 : i32 to index
        %parallel_loop3A_1793 = tpu.vector_load %arg4[%parallel_loop3A_1792] {strides = array<i32>} : memref<65536xf32, #tpu.memory_space<vmem>>, vector<16xf32>,
        %parallel_loop3A_1794 = arith.maximumf %parallel_loop3A_1774, %parallel_loop3A_1793 : vector<16xf32>
        %parallel_loop3A_1795 = arith.constant 176 : i32
        %parallel_loop3A_1796 = arith.addi %parallel_loop3A_1745, %parallel_loop3A_1795 : i32
        %parallel_loop3A_1797 = arith.index_cast %parallel_loop3A_1796 : i32 to index
        %parallel_loop3A_1798 = tpu.vector_load %arg4[%parallel_loop3A_1797] {strides = array<i32>} : memref<65536xf32, #tpu.memory_space<vmem>>, vector<16xf32>,
        %parallel_loop3A_1799 = arith.maximumf %parallel_loop3A_1779, %parallel_loop3A_1798 : vector<16xf32>
        %parallel_loop3A_1800 = arith.constant 192 : i32
        %parallel_loop3A_1801 = arith.addi %parallel_loop3A_1745, %parallel_loop3A_1800 : i32
        %parallel_loop3A_1802 = arith.index_cast %parallel_loop3A_1801 : i32 to index
        %parallel_loop3A_1803 = tpu.vector_load %arg4[%parallel_loop3A_1802] {strides = array<i32>} : memref<65536xf32, #tpu.memory_space<vmem>>, vector<16xf32>,
        %parallel_loop3A_1804 = arith.maximumf %parallel_loop3A_1784, %parallel_loop3A_1803 : vector<16xf32>
        %parallel_loop3A_1805 = arith.constant 208 : i32
        %parallel_loop3A_1806 = arith.addi %parallel_loop3A_1745, %parallel_loop3A_1805 : i32
        %parallel_loop3A_1807 = arith.index_cast %parallel_loop3A_1806 : i32 to index
        %parallel_loop3A_1808 = tpu.vector_load %arg4[%parallel_loop3A_1807] {strides = array<i32>} : memref<65536xf32, #tpu.memory_space<vmem>>, vector<16xf32>,
        %parallel_loop3A_1809 = arith.maximumf %parallel_loop3A_1789, %parallel_loop3A_1808 : vector<16xf32>
        %parallel_loop3A_1810 = arith.constant 224 : i32
        %parallel_loop3A_1811 = arith.addi %parallel_loop3A_1745, %parallel_loop3A_1810 : i32
        %parallel_loop3A_1812 = arith.index_cast %parallel_loop3A_1811 : i32 to index
        %parallel_loop3A_1813 = tpu.vector_load %arg4[%parallel_loop3A_1812] {strides = array<i32>} : memref<65536xf32, #tpu.memory_space<vmem>>, vector<16xf32>,
        %parallel_loop3A_1814 = arith.maximumf %parallel_loop3A_1794, %parallel_loop3A_1813 : vector<16xf32>
        %parallel_loop3A_1815 = arith.constant 240 : i32
        %parallel_loop3A_1816 = arith.addi %parallel_loop3A_1745, %parallel_loop3A_1815 : i32
        %parallel_loop3A_1817 = arith.index_cast %parallel_loop3A_1816 : i32 to index
        %parallel_loop3A_1818 = tpu.vector_load %arg4[%parallel_loop3A_1817] {strides = array<i32>} : memref<65536xf32, #tpu.memory_space<vmem>>, vector<16xf32>,
        %parallel_loop3A_1819 = arith.maximumf %parallel_loop3A_1799, %parallel_loop3A_1818 : vector<16xf32>
        %parallel_loop3A_1820 = arith.maximumf %parallel_loop3A_1804, %parallel_loop3A_1809 : vector<16xf32>
        %parallel_loop3A_1821 = arith.maximumf %parallel_loop3A_1814, %parallel_loop3A_1819 : vector<16xf32>
        %parallel_loop3A_1822 = arith.maximumf %parallel_loop3A_1820, %parallel_loop3A_1821 : vector<16xf32>
        %parallel_loop3A_1823 = vector.broadcast %parallel_loop3A_1739 : i32 to vector<16xi32>
        %parallel_loop3A_1824 = arith.addi %mul3A_8, %parallel_loop3A_1823 : vector<16xi32>
        tpu.vector_store_idx %arg5[%parallel_loop3A_1824], %parallel_loop3A_1822 : memref<2048xf32, #tpu.memory_space<vmem>>[vector<16xi32>], vector<16xf32>,
        %parallel_loop3A_1825 = arith.maximumf %parallel_loop3A_1740, %parallel_loop3A_1822 : vector<16xf32>
        %parallel_loop3A_1826 = arith.minimumf %parallel_loop3A_1740, %parallel_loop3A_1822 : vector<16xf32>
        %parallel_loop3A_1827 = arith.maximumf %parallel_loop3A_1741, %parallel_loop3A_1826 : vector<16xf32>
        scf.yield %parallel_loop3A_1825, %parallel_loop3A_1827 : vector<16xf32>, vector<16xf32>
      } {sc.loop_unroll_factor = 4 : i64, sc.parallel_access}
      %masked_sort3A_975 = arith.constant dense<true> : vector<16xi1>
      %masked_sort3A_976, %masked_sort3A_977, %masked_sort3A_978 = tpu.sort %parallel_loop3A_974#0, %iota3A masked %masked_sort3A_975 {descending = true} : (vector<16xf32>, vector<16xi32>, vector<16xi1>) -> (vector<16xi1>, vector<16xf32>, vector<16xi32>)
      %sort3A_979 = arith.constant dense<true> : vector<16xi1>
      %sort3A_980, %sort3A_981, %sort3A_982 = tpu.sort %parallel_loop3A_974#1, %parallel_loop3A_974#1 masked %sort3A_979 : (vector<16xf32>, vector<16xf32>, vector<16xi1>) -> (vector<16xi1>, vector<16xf32>, vector<16xf32>)
      %max3A_983 = arith.maximumf %masked_sort3A_977, %sort3A_981 : vector<16xf32>
      %reduce_min3A_984 = arith.constant true
      %reduce_min3A_985 = vector.broadcast %reduce_min3A_984 : i1 to vector<16xi1>
      %reduce_min3A_986 = tpu.scan <min>, %max3A_983 masked %reduce_min3A_985 : vector<16xf32>, vector<16xi1> -> vector<16xf32>
      %reduce_min3A_987 = vector.extract %reduce_min3A_986[15] : f32 from vector<16xf32>
      %broadcast_in_dim3A_988 = vector.broadcast %reduce_min3A_987 : f32 to vector<16xf32>
      %swap3A_989 = arith.constant 0 : i32
      %swap3A_990 = arith.constant 0 : i32
      %swap3A_991 = arith.index_cast %swap3A_990 : i32 to index
      %swap3A_992 = memref.load %arg14[%swap3A_991] : memref<8xi32, #tpu.memory_space<smem>>
      memref.store %swap3A_989, %arg14[%swap3A_991] : memref<8xi32, #tpu.memory_space<smem>>
      %get3A_993 = arith.constant 0 : index
      %get3A_994 = tpu.vector_load %arg5[%get3A_993] {strides = array<i32>} : memref<2048xf32, #tpu.memory_space<vmem>>, vector<16xf32>,
      %get3A_995 = arith.constant 128 : index
      %get3A_996 = tpu.vector_load %arg5[%get3A_995] {strides = array<i32>} : memref<2048xf32, #tpu.memory_space<vmem>>, vector<16xf32>,
      %get3A_997 = arith.constant 256 : index
      %get3A_998 = tpu.vector_load %arg5[%get3A_997] {strides = array<i32>} : memref<2048xf32, #tpu.memory_space<vmem>>, vector<16xf32>,
      %get3A_999 = arith.constant 384 : index
      %get3A_1000 = tpu.vector_load %arg5[%get3A_999] {strides = array<i32>} : memref<2048xf32, #tpu.memory_space<vmem>>, vector<16xf32>,
      %get3A_1001 = arith.constant 512 : index
      %get3A_1002 = tpu.vector_load %arg5[%get3A_1001] {strides = array<i32>} : memref<2048xf32, #tpu.memory_space<vmem>>, vector<16xf32>,
      %max3A_1003 = arith.maximumf %get3A_994, %get3A_1002 : vector<16xf32>
      %get3A_1004 = arith.constant 640 : index
      %get3A_1005 = tpu.vector_load %arg5[%get3A_1004] {strides = array<i32>} : memref<2048xf32, #tpu.memory_space<vmem>>, vector<16xf32>,
      %max3A_1006 = arith.maximumf %get3A_996, %get3A_1005 : vector<16xf32>
      %get3A_1007 = arith.constant 768 : index
      %get3A_1008 = tpu.vector_load %arg5[%get3A_1007] {strides = array<i32>} : memref<2048xf32, #tpu.memory_space<vmem>>, vector<16xf32>,
      %max3A_1009 = arith.maximumf %get3A_998, %get3A_1008 : vector<16xf32>
      %get3A_1010 = arith.constant 896 : index
      %get3A_1011 = tpu.vector_load %arg5[%get3A_1010] {strides = array<i32>} : memref<2048xf32, #tpu.memory_space<vmem>>, vector<16xf32>,
      %max3A_1012 = arith.maximumf %get3A_1000, %get3A_1011 : vector<16xf32>
      %get3A_1013 = arith.constant 1024 : index
      %get3A_1014 = tpu.vector_load %arg5[%get3A_1013] {strides = array<i32>} : memref<2048xf32, #tpu.memory_space<vmem>>, vector<16xf32>,
      %max3A_1015 = arith.maximumf %max3A_1003, %get3A_1014 : vector<16xf32>
      %get3A_1016 = arith.constant 1152 : index
      %get3A_1017 = tpu.vector_load %arg5[%get3A_1016] {strides = array<i32>} : memref<2048xf32, #tpu.memory_space<vmem>>, vector<16xf32>,
      %max3A_1018 = arith.maximumf %max3A_1006, %get3A_1017 : vector<16xf32>
      %get3A_1019 = arith.constant 1280 : index
      %get3A_1020 = tpu.vector_load %arg5[%get3A_1019] {strides = array<i32>} : memref<2048xf32, #tpu.memory_space<vmem>>, vector<16xf32>,
      %max3A_1021 = arith.maximumf %max3A_1009, %get3A_1020 : vector<16xf32>
      %get3A_1022 = arith.constant 1408 : index
      %get3A_1023 = tpu.vector_load %arg5[%get3A_1022] {strides = array<i32>} : memref<2048xf32, #tpu.memory_space<vmem>>, vector<16xf32>,
      %max3A_1024 = arith.maximumf %max3A_1012, %get3A_1023 : vector<16xf32>
      %get3A_1025 = arith.constant 1536 : index
      %get3A_1026 = tpu.vector_load %arg5[%get3A_1025] {strides = array<i32>} : memref<2048xf32, #tpu.memory_space<vmem>>, vector<16xf32>,
      %max3A_1027 = arith.maximumf %max3A_1015, %get3A_1026 : vector<16xf32>
      %get3A_1028 = arith.constant 1664 : index
      %get3A_1029 = tpu.vector_load %arg5[%get3A_1028] {strides = array<i32>} : memref<2048xf32, #tpu.memory_space<vmem>>, vector<16xf32>,
      %max3A_1030 = arith.maximumf %max3A_1018, %get3A_1029 : vector<16xf32>
      %get3A_1031 = arith.constant 1792 : index
      %get3A_1032 = tpu.vector_load %arg5[%get3A_1031] {strides = array<i32>} : memref<2048xf32, #tpu.memory_space<vmem>>, vector<16xf32>,
      %max3A_1033 = arith.maximumf %max3A_1021, %get3A_1032 : vector<16xf32>
      %get3A_1034 = arith.constant 1920 : index
      %get3A_1035 = tpu.vector_load %arg5[%get3A_1034] {strides = array<i32>} : memref<2048xf32, #tpu.memory_space<vmem>>, vector<16xf32>,
      %max3A_1036 = arith.maximumf %max3A_1024, %get3A_1035 : vector<16xf32>
      %max3A_1037 = arith.maximumf %max3A_1027, %max3A_1030 : vector<16xf32>
      %max3A_1038 = arith.maximumf %max3A_1033, %max3A_1036 : vector<16xf32>
      %max3A_1039 = arith.maximumf %max3A_1037, %max3A_1038 : vector<16xf32>
      %ge3A_1040 = arith.cmpf oge, %max3A_1039, %broadcast_in_dim3A_988 : vector<16xf32>
      %get3A_1041 = arith.constant 0 : i32
      %get3A_1042 = arith.index_cast %get3A_1041 : i32 to index
      %get3A_1043 = memref.load %arg14[%get3A_1042] : memref<8xi32, #tpu.memory_space<smem>>
      %add3A_1044 = arith.constant 0 : i32
      %add3A_1045 = vector.broadcast %add3A_1044 : i32 to vector<16xi32>
      %add3A_1046 = arith.addi %add3A_1045, %iota3A : vector<16xi32>
      %swap3A_1047 = arith.index_cast %get3A_1043 : i32 to index
      %swap3A_1048 = tpu.vector_load %arg11[%swap3A_1047] masked %ge3A_1040 {strides = array<i32>} : memref<144xi32, #tpu.memory_space<vmem>>, vector<16xi32>, vector<16xi1>
      tpu.vector_store %arg11[%swap3A_1047], %add3A_1046 masked %ge3A_1040 {strides = array<i32>} : memref<144xi32, #tpu.memory_space<vmem>>, vector<16xi32>, vector<16xi1>
      %all_reduce_population_count3A_1049 = tpu.all_reduce %ge3A_1040 {dim = 0 : i64, kind = #tpu.reduction_kind<sum>} : vector<16xi1> -> vector<16xi32>
      %swap3A_1050 = arith.constant 0 : index
      %swap3A_1051 = tpu.vector_load %arg15[%swap3A_1050] {strides = array<i32>} : memref<16xi32, #tpu.memory_space<vmem>>, vector<16xi32>,
      tpu.vector_store %arg15[%swap3A_1050], %all_reduce_population_count3A_1049 {strides = array<i32>} : memref<16xi32, #tpu.memory_space<vmem>>, vector<16xi32>,
      %get3A_1052 = arith.constant 0 : index
      %get3A_1053 = tpu.vector_load %arg15[%get3A_1052] {strides = array<i32>} : memref<16xi32, #tpu.memory_space<vmem>>, vector<16xi32>,
      %slice3A_1054 = vector.extract_strided_slice %get3A_1053 {offsets = [0], sizes = [1], strides = [1]} : vector<16xi32> to vector<1xi32>
      %squeeze3A_1055 = vector.extract %slice3A_1054[0] : i32 from vector<1xi32>
      %add3A_1056 = arith.addi %get3A_1043, %squeeze3A_1055 : i32
      %swap3A_1057 = arith.constant 0 : i32
      %swap3A_1058 = arith.index_cast %swap3A_1057 : i32 to index
      %swap3A_1059 = memref.load %arg14[%swap3A_1058] : memref<8xi32, #tpu.memory_space<smem>>
      memref.store %add3A_1056, %arg14[%swap3A_1058] : memref<8xi32, #tpu.memory_space<smem>>
      %get3A_1060 = arith.constant 16 : index
      %get3A_1061 = tpu.vector_load %arg5[%get3A_1060] {strides = array<i32>} : memref<2048xf32, #tpu.memory_space<vmem>>, vector<16xf32>,
      %get3A_1062 = arith.constant 144 : index
      %get3A_1063 = tpu.vector_load %arg5[%get3A_1062] {strides = array<i32>} : memref<2048xf32, #tpu.memory_space<vmem>>, vector<16xf32>,
      %get3A_1064 = arith.constant 272 : index
      %get3A_1065 = tpu.vector_load %arg5[%get3A_1064] {strides = array<i32>} : memref<2048xf32, #tpu.memory_space<vmem>>, vector<16xf32>,
      %get3A_1066 = arith.constant 400 : index
      %get3A_1067 = tpu.vector_load %arg5[%get3A_1066] {strides = array<i32>} : memref<2048xf32, #tpu.memory_space<vmem>>, vector<16xf32>,
      %get3A_1068 = arith.constant 528 : index
      %get3A_1069 = tpu.vector_load %arg5[%get3A_1068] {strides = array<i32>} : memref<2048xf32, #tpu.memory_space<vmem>>, vector<16xf32>,
      %max3A_1070 = arith.maximumf %get3A_1061, %get3A_1069 : vector<16xf32>
      %get3A_1071 = arith.constant 656 : index
      %get3A_1072 = tpu.vector_load %arg5[%get3A_1071] {strides = array<i32>} : memref<2048xf32, #tpu.memory_space<vmem>>, vector<16xf32>,
      %max3A_1073 = arith.maximumf %get3A_1063, %get3A_1072 : vector<16xf32>
      %get3A_1074 = arith.constant 784 : index
      %get3A_1075 = tpu.vector_load %arg5[%get3A_1074] {strides = array<i32>} : memref<2048xf32, #tpu.memory_space<vmem>>, vector<16xf32>,
      %max3A_1076 = arith.maximumf %get3A_1065, %get3A_1075 : vector<16xf32>
      %get3A_1077 = arith.constant 912 : index
      %get3A_1078 = tpu.vector_load %arg5[%get3A_1077] {strides = array<i32>} : memref<2048xf32, #tpu.memory_space<vmem>>, vector<16xf32>,
      %max3A_1079 = arith.maximumf %get3A_1067, %get3A_1078 : vector<16xf32>
      %get3A_1080 = arith.constant 1040 : index
      %get3A_1081 = tpu.vector_load %arg5[%get3A_1080] {strides = array<i32>} : memref<2048xf32, #tpu.memory_space<vmem>>, vector<16xf32>,
      %max3A_1082 = arith.maximumf %max3A_1070, %get3A_1081 : vector<16xf32>
      %get3A_1083 = arith.constant 1168 : index
      %get3A_1084 = tpu.vector_load %arg5[%get3A_1083] {strides = array<i32>} : memref<2048xf32, #tpu.memory_space<vmem>>, vector<16xf32>,
      %max3A_1085 = arith.maximumf %max3A_1073, %get3A_1084 : vector<16xf32>
      %get3A_1086 = arith.constant 1296 : index
      %get3A_1087 = tpu.vector_load %arg5[%get3A_1086] {strides = array<i32>} : memref<2048xf32, #tpu.memory_space<vmem>>, vector<16xf32>,
      %max3A_1088 = arith.maximumf %max3A_1076, %get3A_1087 : vector<16xf32>
      %get3A_1089 = arith.constant 1424 : index
      %get3A_1090 = tpu.vector_load %arg5[%get3A_1089] {strides = array<i32>} : memref<2048xf32, #tpu.memory_space<vmem>>, vector<16xf32>,
      %max3A_1091 = arith.maximumf %max3A_1079, %get3A_1090 : vector<16xf32>
      %get3A_1092 = arith.constant 1552 : index
      %get3A_1093 = tpu.vector_load %arg5[%get3A_1092] {strides = array<i32>} : memref<2048xf32, #tpu.memory_space<vmem>>, vector<16xf32>,
      %max3A_1094 = arith.maximumf %max3A_1082, %get3A_1093 : vector<16xf32>
      %get3A_1095 = arith.constant 1680 : index
      %get3A_1096 = tpu.vector_load %arg5[%get3A_1095] {strides = array<i32>} : memref<2048xf32, #tpu.memory_space<vmem>>, vector<16xf32>,
      %max3A_1097 = arith.maximumf %max3A_1085, %get3A_1096 : vector<16xf32>
      %get3A_1098 = arith.constant 1808 : index
      %get3A_1099 = tpu.vector_load %arg5[%get3A_1098] {strides = array<i32>} : memref<2048xf32, #tpu.memory_space<vmem>>, vector<16xf32>,
      %max3A_1100 = arith.maximumf %max3A_1088, %get3A_1099 : vector<16xf32>
      %get3A_1101 = arith.constant 1936 : index
      %get3A_1102 = tpu.vector_load %arg5[%get3A_1101] {strides = array<i32>} : memref<2048xf32, #tpu.memory_space<vmem>>, vector<16xf32>,
      %max3A_1103 = arith.maximumf %max3A_1091, %get3A_1102 : vector<16xf32>
      %max3A_1104 = arith.maximumf %max3A_1094, %max3A_1097 : vector<16xf32>
      %max3A_1105 = arith.maximumf %max3A_1100, %max3A_1103 : vector<16xf32>
      %max3A_1106 = arith.maximumf %max3A_1104, %max3A_1105 : vector<16xf32>
      %ge3A_1107 = arith.cmpf oge, %max3A_1106, %broadcast_in_dim3A_988 : vector<16xf32>
      %get3A_1108 = arith.constant 0 : i32
      %get3A_1109 = arith.index_cast %get3A_1108 : i32 to index
      %get3A_1110 = memref.load %arg14[%get3A_1109] : memref<8xi32, #tpu.memory_space<smem>>
      %add3A_1111 = arith.constant 16 : i32
      %add3A_1112 = vector.broadcast %add3A_1111 : i32 to vector<16xi32>
      %add3A_1113 = arith.addi %add3A_1112, %iota3A : vector<16xi32>
      %swap3A_1114 = arith.index_cast %get3A_1110 : i32 to index
      %swap3A_1115 = tpu.vector_load %arg11[%swap3A_1114] masked %ge3A_1107 {strides = array<i32>} : memref<144xi32, #tpu.memory_space<vmem>>, vector<16xi32>, vector<16xi1>
      tpu.vector_store %arg11[%swap3A_1114], %add3A_1113 masked %ge3A_1107 {strides = array<i32>} : memref<144xi32, #tpu.memory_space<vmem>>, vector<16xi32>, vector<16xi1>
      %all_reduce_population_count3A_1116 = tpu.all_reduce %ge3A_1107 {dim = 0 : i64, kind = #tpu.reduction_kind<sum>} : vector<16xi1> -> vector<16xi32>
      %swap3A_1117 = arith.constant 0 : index
      %swap3A_1118 = tpu.vector_load %arg15[%swap3A_1117] {strides = array<i32>} : memref<16xi32, #tpu.memory_space<vmem>>, vector<16xi32>,
      tpu.vector_store %arg15[%swap3A_1117], %all_reduce_population_count3A_1116 {strides = array<i32>} : memref<16xi32, #tpu.memory_space<vmem>>, vector<16xi32>,
      %get3A_1119 = arith.constant 0 : index
      %get3A_1120 = tpu.vector_load %arg15[%get3A_1119] {strides = array<i32>} : memref<16xi32, #tpu.memory_space<vmem>>, vector<16xi32>,
      %slice3A_1121 = vector.extract_strided_slice %get3A_1120 {offsets = [0], sizes = [1], strides = [1]} : vector<16xi32> to vector<1xi32>
      %squeeze3A_1122 = vector.extract %slice3A_1121[0] : i32 from vector<1xi32>
      %add3A_1123 = arith.addi %get3A_1110, %squeeze3A_1122 : i32
      %swap3A_1124 = arith.constant 0 : i32
      %swap3A_1125 = arith.index_cast %swap3A_1124 : i32 to index
      %swap3A_1126 = memref.load %arg14[%swap3A_1125] : memref<8xi32, #tpu.memory_space<smem>>
      memref.store %add3A_1123, %arg14[%swap3A_1125] : memref<8xi32, #tpu.memory_space<smem>>
      %get3A_1127 = arith.constant 32 : index
      %get3A_1128 = tpu.vector_load %arg5[%get3A_1127] {strides = array<i32>} : memref<2048xf32, #tpu.memory_space<vmem>>, vector<16xf32>,
      %get3A_1129 = arith.constant 160 : index
      %get3A_1130 = tpu.vector_load %arg5[%get3A_1129] {strides = array<i32>} : memref<2048xf32, #tpu.memory_space<vmem>>, vector<16xf32>,
      %get3A_1131 = arith.constant 288 : index
      %get3A_1132 = tpu.vector_load %arg5[%get3A_1131] {strides = array<i32>} : memref<2048xf32, #tpu.memory_space<vmem>>, vector<16xf32>,
      %get3A_1133 = arith.constant 416 : index
      %get3A_1134 = tpu.vector_load %arg5[%get3A_1133] {strides = array<i32>} : memref<2048xf32, #tpu.memory_space<vmem>>, vector<16xf32>,
      %get3A_1135 = arith.constant 544 : index
      %get3A_1136 = tpu.vector_load %arg5[%get3A_1135] {strides = array<i32>} : memref<2048xf32, #tpu.memory_space<vmem>>, vector<16xf32>,
      %max3A_1137 = arith.maximumf %get3A_1128, %get3A_1136 : vector<16xf32>
      %get3A_1138 = arith.constant 672 : index
      %get3A_1139 = tpu.vector_load %arg5[%get3A_1138] {strides = array<i32>} : memref<2048xf32, #tpu.memory_space<vmem>>, vector<16xf32>,
      %max3A_1140 = arith.maximumf %get3A_1130, %get3A_1139 : vector<16xf32>
      %get3A_1141 = arith.constant 800 : index
      %get3A_1142 = tpu.vector_load %arg5[%get3A_1141] {strides = array<i32>} : memref<2048xf32, #tpu.memory_space<vmem>>, vector<16xf32>,
      %max3A_1143 = arith.maximumf %get3A_1132, %get3A_1142 : vector<16xf32>
      %get3A_1144 = arith.constant 928 : index
      %get3A_1145 = tpu.vector_load %arg5[%get3A_1144] {strides = array<i32>} : memref<2048xf32, #tpu.memory_space<vmem>>, vector<16xf32>,
      %max3A_1146 = arith.maximumf %get3A_1134, %get3A_1145 : vector<16xf32>
      %get3A_1147 = arith.constant 1056 : index
      %get3A_1148 = tpu.vector_load %arg5[%get3A_1147] {strides = array<i32>} : memref<2048xf32, #tpu.memory_space<vmem>>, vector<16xf32>,
      %max3A_1149 = arith.maximumf %max3A_1137, %get3A_1148 : vector<16xf32>
      %get3A_1150 = arith.constant 1184 : index
      %get3A_1151 = tpu.vector_load %arg5[%get3A_1150] {strides = array<i32>} : memref<2048xf32, #tpu.memory_space<vmem>>, vector<16xf32>,
      %max3A_1152 = arith.maximumf %max3A_1140, %get3A_1151 : vector<16xf32>
      %get3A_1153 = arith.constant 1312 : index
      %get3A_1154 = tpu.vector_load %arg5[%get3A_1153] {strides = array<i32>} : memref<2048xf32, #tpu.memory_space<vmem>>, vector<16xf32>,
      %max3A_1155 = arith.maximumf %max3A_1143, %get3A_1154 : vector<16xf32>
      %get3A_1156 = arith.constant 1440 : index
      %get3A_1157 = tpu.vector_load %arg5[%get3A_1156] {strides = array<i32>} : memref<2048xf32, #tpu.memory_space<vmem>>, vector<16xf32>,
      %max3A_1158 = arith.maximumf %max3A_1146, %get3A_1157 : vector<16xf32>
      %get3A_1159 = arith.constant 1568 : index
      %get3A_1160 = tpu.vector_load %arg5[%get3A_1159] {strides = array<i32>} : memref<2048xf32, #tpu.memory_space<vmem>>, vector<16xf32>,
      %max3A_1161 = arith.maximumf %max3A_1149, %get3A_1160 : vector<16xf32>
      %get3A_1162 = arith.constant 1696 : index
      %get3A_1163 = tpu.vector_load %arg5[%get3A_1162] {strides = array<i32>} : memref<2048xf32, #tpu.memory_space<vmem>>, vector<16xf32>,
      %max3A_1164 = arith.maximumf %max3A_1152, %get3A_1163 : vector<16xf32>
      %get3A_1165 = arith.constant 1824 : index
      %get3A_1166 = tpu.vector_load %arg5[%get3A_1165] {strides = array<i32>} : memref<2048xf32, #tpu.memory_space<vmem>>, vector<16xf32>,
      %max3A_1167 = arith.maximumf %max3A_1155, %get3A_1166 : vector<16xf32>
      %get3A_1168 = arith.constant 1952 : index
      %get3A_1169 = tpu.vector_load %arg5[%get3A_1168] {strides = array<i32>} : memref<2048xf32, #tpu.memory_space<vmem>>, vector<16xf32>,
      %max3A_1170 = arith.maximumf %max3A_1158, %get3A_1169 : vector<16xf32>
      %max3A_1171 = arith.maximumf %max3A_1161, %max3A_1164 : vector<16xf32>
      %max3A_1172 = arith.maximumf %max3A_1167, %max3A_1170 : vector<16xf32>
      %max3A_1173 = arith.maximumf %max3A_1171, %max3A_1172 : vector<16xf32>
      %ge3A_1174 = arith.cmpf oge, %max3A_1173, %broadcast_in_dim3A_988 : vector<16xf32>
      %get3A_1175 = arith.constant 0 : i32
      %get3A_1176 = arith.index_cast %get3A_1175 : i32 to index
      %get3A_1177 = memref.load %arg14[%get3A_1176] : memref<8xi32, #tpu.memory_space<smem>>
      %add3A_1178 = arith.constant 32 : i32
      %add3A_1179 = vector.broadcast %add3A_1178 : i32 to vector<16xi32>
      %add3A_1180 = arith.addi %add3A_1179, %iota3A : vector<16xi32>
      %swap3A_1181 = arith.index_cast %get3A_1177 : i32 to index
      %swap3A_1182 = tpu.vector_load %arg11[%swap3A_1181] masked %ge3A_1174 {strides = array<i32>} : memref<144xi32, #tpu.memory_space<vmem>>, vector<16xi32>, vector<16xi1>
      tpu.vector_store %arg11[%swap3A_1181], %add3A_1180 masked %ge3A_1174 {strides = array<i32>} : memref<144xi32, #tpu.memory_space<vmem>>, vector<16xi32>, vector<16xi1>
      %all_reduce_population_count3A_1183 = tpu.all_reduce %ge3A_1174 {dim = 0 : i64, kind = #tpu.reduction_kind<sum>} : vector<16xi1> -> vector<16xi32>
      %swap3A_1184 = arith.constant 0 : index
      %swap3A_1185 = tpu.vector_load %arg15[%swap3A_1184] {strides = array<i32>} : memref<16xi32, #tpu.memory_space<vmem>>, vector<16xi32>,
      tpu.vector_store %arg15[%swap3A_1184], %all_reduce_population_count3A_1183 {strides = array<i32>} : memref<16xi32, #tpu.memory_space<vmem>>, vector<16xi32>,
      %get3A_1186 = arith.constant 0 : index
      %get3A_1187 = tpu.vector_load %arg15[%get3A_1186] {strides = array<i32>} : memref<16xi32, #tpu.memory_space<vmem>>, vector<16xi32>,
      %slice3A_1188 = vector.extract_strided_slice %get3A_1187 {offsets = [0], sizes = [1], strides = [1]} : vector<16xi32> to vector<1xi32>
      %squeeze3A_1189 = vector.extract %slice3A_1188[0] : i32 from vector<1xi32>
      %add3A_1190 = arith.addi %get3A_1177, %squeeze3A_1189 : i32
      %swap3A_1191 = arith.constant 0 : i32
      %swap3A_1192 = arith.index_cast %swap3A_1191 : i32 to index
      %swap3A_1193 = memref.load %arg14[%swap3A_1192] : memref<8xi32, #tpu.memory_space<smem>>
      memref.store %add3A_1190, %arg14[%swap3A_1192] : memref<8xi32, #tpu.memory_space<smem>>
      %get3A_1194 = arith.constant 48 : index
      %get3A_1195 = tpu.vector_load %arg5[%get3A_1194] {strides = array<i32>} : memref<2048xf32, #tpu.memory_space<vmem>>, vector<16xf32>,
      %get3A_1196 = arith.constant 176 : index
      %get3A_1197 = tpu.vector_load %arg5[%get3A_1196] {strides = array<i32>} : memref<2048xf32, #tpu.memory_space<vmem>>, vector<16xf32>,
      %get3A_1198 = arith.constant 304 : index
      %get3A_1199 = tpu.vector_load %arg5[%get3A_1198] {strides = array<i32>} : memref<2048xf32, #tpu.memory_space<vmem>>, vector<16xf32>,
      %get3A_1200 = arith.constant 432 : index
      %get3A_1201 = tpu.vector_load %arg5[%get3A_1200] {strides = array<i32>} : memref<2048xf32, #tpu.memory_space<vmem>>, vector<16xf32>,
      %get3A_1202 = arith.constant 560 : index
      %get3A_1203 = tpu.vector_load %arg5[%get3A_1202] {strides = array<i32>} : memref<2048xf32, #tpu.memory_space<vmem>>, vector<16xf32>,
      %max3A_1204 = arith.maximumf %get3A_1195, %get3A_1203 : vector<16xf32>
      %get3A_1205 = arith.constant 688 : index
      %get3A_1206 = tpu.vector_load %arg5[%get3A_1205] {strides = array<i32>} : memref<2048xf32, #tpu.memory_space<vmem>>, vector<16xf32>,
      %max3A_1207 = arith.maximumf %get3A_1197, %get3A_1206 : vector<16xf32>
      %get3A_1208 = arith.constant 816 : index
      %get3A_1209 = tpu.vector_load %arg5[%get3A_1208] {strides = array<i32>} : memref<2048xf32, #tpu.memory_space<vmem>>, vector<16xf32>,
      %max3A_1210 = arith.maximumf %get3A_1199, %get3A_1209 : vector<16xf32>
      %get3A_1211 = arith.constant 944 : index
      %get3A_1212 = tpu.vector_load %arg5[%get3A_1211] {strides = array<i32>} : memref<2048xf32, #tpu.memory_space<vmem>>, vector<16xf32>,
      %max3A_1213 = arith.maximumf %get3A_1201, %get3A_1212 : vector<16xf32>
      %get3A_1214 = arith.constant 1072 : index
      %get3A_1215 = tpu.vector_load %arg5[%get3A_1214] {strides = array<i32>} : memref<2048xf32, #tpu.memory_space<vmem>>, vector<16xf32>,
      %max3A_1216 = arith.maximumf %max3A_1204, %get3A_1215 : vector<16xf32>
      %get3A_1217 = arith.constant 1200 : index
      %get3A_1218 = tpu.vector_load %arg5[%get3A_1217] {strides = array<i32>} : memref<2048xf32, #tpu.memory_space<vmem>>, vector<16xf32>,
      %max3A_1219 = arith.maximumf %max3A_1207, %get3A_1218 : vector<16xf32>
      %get3A_1220 = arith.constant 1328 : index
      %get3A_1221 = tpu.vector_load %arg5[%get3A_1220] {strides = array<i32>} : memref<2048xf32, #tpu.memory_space<vmem>>, vector<16xf32>,
      %max3A_1222 = arith.maximumf %max3A_1210, %get3A_1221 : vector<16xf32>
      %get3A_1223 = arith.constant 1456 : index
      %get3A_1224 = tpu.vector_load %arg5[%get3A_1223] {strides = array<i32>} : memref<2048xf32, #tpu.memory_space<vmem>>, vector<16xf32>,
      %max3A_1225 = arith.maximumf %max3A_1213, %get3A_1224 : vector<16xf32>
      %get3A_1226 = arith.constant 1584 : index
      %get3A_1227 = tpu.vector_load %arg5[%get3A_1226] {strides = array<i32>} : memref<2048xf32, #tpu.memory_space<vmem>>, vector<16xf32>,
      %max3A_1228 = arith.maximumf %max3A_1216, %get3A_1227 : vector<16xf32>
      %get3A_1229 = arith.constant 1712 : index
      %get3A_1230 = tpu.vector_load %arg5[%get3A_1229] {strides = array<i32>} : memref<2048xf32, #tpu.memory_space<vmem>>, vector<16xf32>,
      %max3A_1231 = arith.maximumf %max3A_1219, %get3A_1230 : vector<16xf32>
      %get3A_1232 = arith.constant 1840 : index
      %get3A_1233 = tpu.vector_load %arg5[%get3A_1232] {strides = array<i32>} : memref<2048xf32, #tpu.memory_space<vmem>>, vector<16xf32>,
      %max3A_1234 = arith.maximumf %max3A_1222, %get3A_1233 : vector<16xf32>
      %get3A_1235 = arith.constant 1968 : index
      %get3A_1236 = tpu.vector_load %arg5[%get3A_1235] {strides = array<i32>} : memref<2048xf32, #tpu.memory_space<vmem>>, vector<16xf32>,
      %max3A_1237 = arith.maximumf %max3A_1225, %get3A_1236 : vector<16xf32>
      %max3A_1238 = arith.maximumf %max3A_1228, %max3A_1231 : vector<16xf32>
      %max3A_1239 = arith.maximumf %max3A_1234, %max3A_1237 : vector<16xf32>
      %max3A_1240 = arith.maximumf %max3A_1238, %max3A_1239 : vector<16xf32>
      %ge3A_1241 = arith.cmpf oge, %max3A_1240, %broadcast_in_dim3A_988 : vector<16xf32>
      %get3A_1242 = arith.constant 0 : i32
      %get3A_1243 = arith.index_cast %get3A_1242 : i32 to index
      %get3A_1244 = memref.load %arg14[%get3A_1243] : memref<8xi32, #tpu.memory_space<smem>>
      %add3A_1245 = arith.constant 48 : i32
      %add3A_1246 = vector.broadcast %add3A_1245 : i32 to vector<16xi32>
      %add3A_1247 = arith.addi %add3A_1246, %iota3A : vector<16xi32>
      %swap3A_1248 = arith.index_cast %get3A_1244 : i32 to index
      %swap3A_1249 = tpu.vector_load %arg11[%swap3A_1248] masked %ge3A_1241 {strides = array<i32>} : memref<144xi32, #tpu.memory_space<vmem>>, vector<16xi32>, vector<16xi1>
      tpu.vector_store %arg11[%swap3A_1248], %add3A_1247 masked %ge3A_1241 {strides = array<i32>} : memref<144xi32, #tpu.memory_space<vmem>>, vector<16xi32>, vector<16xi1>
      %all_reduce_population_count3A_1250 = tpu.all_reduce %ge3A_1241 {dim = 0 : i64, kind = #tpu.reduction_kind<sum>} : vector<16xi1> -> vector<16xi32>
      %swap3A_1251 = arith.constant 0 : index
      %swap3A_1252 = tpu.vector_load %arg15[%swap3A_1251] {strides = array<i32>} : memref<16xi32, #tpu.memory_space<vmem>>, vector<16xi32>,
      tpu.vector_store %arg15[%swap3A_1251], %all_reduce_population_count3A_1250 {strides = array<i32>} : memref<16xi32, #tpu.memory_space<vmem>>, vector<16xi32>,
      %get3A_1253 = arith.constant 0 : index
      %get3A_1254 = tpu.vector_load %arg15[%get3A_1253] {strides = array<i32>} : memref<16xi32, #tpu.memory_space<vmem>>, vector<16xi32>,
      %slice3A_1255 = vector.extract_strided_slice %get3A_1254 {offsets = [0], sizes = [1], strides = [1]} : vector<16xi32> to vector<1xi32>
      %squeeze3A_1256 = vector.extract %slice3A_1255[0] : i32 from vector<1xi32>
      %add3A_1257 = arith.addi %get3A_1244, %squeeze3A_1256 : i32
      %swap3A_1258 = arith.constant 0 : i32
      %swap3A_1259 = arith.index_cast %swap3A_1258 : i32 to index
      %swap3A_1260 = memref.load %arg14[%swap3A_1259] : memref<8xi32, #tpu.memory_space<smem>>
      memref.store %add3A_1257, %arg14[%swap3A_1259] : memref<8xi32, #tpu.memory_space<smem>>
      %get3A_1261 = arith.constant 64 : index
      %get3A_1262 = tpu.vector_load %arg5[%get3A_1261] {strides = array<i32>} : memref<2048xf32, #tpu.memory_space<vmem>>, vector<16xf32>,
      %get3A_1263 = arith.constant 192 : index
      %get3A_1264 = tpu.vector_load %arg5[%get3A_1263] {strides = array<i32>} : memref<2048xf32, #tpu.memory_space<vmem>>, vector<16xf32>,
      %get3A_1265 = arith.constant 320 : index
      %get3A_1266 = tpu.vector_load %arg5[%get3A_1265] {strides = array<i32>} : memref<2048xf32, #tpu.memory_space<vmem>>, vector<16xf32>,
      %get3A_1267 = arith.constant 448 : index
      %get3A_1268 = tpu.vector_load %arg5[%get3A_1267] {strides = array<i32>} : memref<2048xf32, #tpu.memory_space<vmem>>, vector<16xf32>,
      %get3A_1269 = arith.constant 576 : index
      %get3A_1270 = tpu.vector_load %arg5[%get3A_1269] {strides = array<i32>} : memref<2048xf32, #tpu.memory_space<vmem>>, vector<16xf32>,
      %max3A_1271 = arith.maximumf %get3A_1262, %get3A_1270 : vector<16xf32>
      %get3A_1272 = arith.constant 704 : index
      %get3A_1273 = tpu.vector_load %arg5[%get3A_1272] {strides = array<i32>} : memref<2048xf32, #tpu.memory_space<vmem>>, vector<16xf32>,
      %max3A_1274 = arith.maximumf %get3A_1264, %get3A_1273 : vector<16xf32>
      %get3A_1275 = arith.constant 832 : index
      %get3A_1276 = tpu.vector_load %arg5[%get3A_1275] {strides = array<i32>} : memref<2048xf32, #tpu.memory_space<vmem>>, vector<16xf32>,
      %max3A_1277 = arith.maximumf %get3A_1266, %get3A_1276 : vector<16xf32>
      %get3A_1278 = arith.constant 960 : index
      %get3A_1279 = tpu.vector_load %arg5[%get3A_1278] {strides = array<i32>} : memref<2048xf32, #tpu.memory_space<vmem>>, vector<16xf32>,
      %max3A_1280 = arith.maximumf %get3A_1268, %get3A_1279 : vector<16xf32>
      %get3A_1281 = arith.constant 1088 : index
      %get3A_1282 = tpu.vector_load %arg5[%get3A_1281] {strides = array<i32>} : memref<2048xf32, #tpu.memory_space<vmem>>, vector<16xf32>,
      %max3A_1283 = arith.maximumf %max3A_1271, %get3A_1282 : vector<16xf32>
      %get3A_1284 = arith.constant 1216 : index
      %get3A_1285 = tpu.vector_load %arg5[%get3A_1284] {strides = array<i32>} : memref<2048xf32, #tpu.memory_space<vmem>>, vector<16xf32>,
      %max3A_1286 = arith.maximumf %max3A_1274, %get3A_1285 : vector<16xf32>
      %get3A_1287 = arith.constant 1344 : index
      %get3A_1288 = tpu.vector_load %arg5[%get3A_1287] {strides = array<i32>} : memref<2048xf32, #tpu.memory_space<vmem>>, vector<16xf32>,
      %max3A_1289 = arith.maximumf %max3A_1277, %get3A_1288 : vector<16xf32>
      %get3A_1290 = arith.constant 1472 : index
      %get3A_1291 = tpu.vector_load %arg5[%get3A_1290] {strides = array<i32>} : memref<2048xf32, #tpu.memory_space<vmem>>, vector<16xf32>,
      %max3A_1292 = arith.maximumf %max3A_1280, %get3A_1291 : vector<16xf32>
      %get3A_1293 = arith.constant 1600 : index
      %get3A_1294 = tpu.vector_load %arg5[%get3A_1293] {strides = array<i32>} : memref<2048xf32, #tpu.memory_space<vmem>>, vector<16xf32>,
      %max3A_1295 = arith.maximumf %max3A_1283, %get3A_1294 : vector<16xf32>
      %get3A_1296 = arith.constant 1728 : index
      %get3A_1297 = tpu.vector_load %arg5[%get3A_1296] {strides = array<i32>} : memref<2048xf32, #tpu.memory_space<vmem>>, vector<16xf32>,
      %max3A_1298 = arith.maximumf %max3A_1286, %get3A_1297 : vector<16xf32>
      %get3A_1299 = arith.constant 1856 : index
      %get3A_1300 = tpu.vector_load %arg5[%get3A_1299] {strides = array<i32>} : memref<2048xf32, #tpu.memory_space<vmem>>, vector<16xf32>,
      %max3A_1301 = arith.maximumf %max3A_1289, %get3A_1300 : vector<16xf32>
      %get3A_1302 = arith.constant 1984 : index
      %get3A_1303 = tpu.vector_load %arg5[%get3A_1302] {strides = array<i32>} : memref<2048xf32, #tpu.memory_space<vmem>>, vector<16xf32>,
      %max3A_1304 = arith.maximumf %max3A_1292, %get3A_1303 : vector<16xf32>
      %max3A_1305 = arith.maximumf %max3A_1295, %max3A_1298 : vector<16xf32>
      %max3A_1306 = arith.maximumf %max3A_1301, %max3A_1304 : vector<16xf32>
      %max3A_1307 = arith.maximumf %max3A_1305, %max3A_1306 : vector<16xf32>
      %ge3A_1308 = arith.cmpf oge, %max3A_1307, %broadcast_in_dim3A_988 : vector<16xf32>
      %get3A_1309 = arith.constant 0 : i32
      %get3A_1310 = arith.index_cast %get3A_1309 : i32 to index
      %get3A_1311 = memref.load %arg14[%get3A_1310] : memref<8xi32, #tpu.memory_space<smem>>
      %add3A_1312 = arith.constant 64 : i32
      %add3A_1313 = vector.broadcast %add3A_1312 : i32 to vector<16xi32>
      %add3A_1314 = arith.addi %add3A_1313, %iota3A : vector<16xi32>
      %swap3A_1315 = arith.index_cast %get3A_1311 : i32 to index
      %swap3A_1316 = tpu.vector_load %arg11[%swap3A_1315] masked %ge3A_1308 {strides = array<i32>} : memref<144xi32, #tpu.memory_space<vmem>>, vector<16xi32>, vector<16xi1>
      tpu.vector_store %arg11[%swap3A_1315], %add3A_1314 masked %ge3A_1308 {strides = array<i32>} : memref<144xi32, #tpu.memory_space<vmem>>, vector<16xi32>, vector<16xi1>
      %all_reduce_population_count3A_1317 = tpu.all_reduce %ge3A_1308 {dim = 0 : i64, kind = #tpu.reduction_kind<sum>} : vector<16xi1> -> vector<16xi32>
      %swap3A_1318 = arith.constant 0 : index
      %swap3A_1319 = tpu.vector_load %arg15[%swap3A_1318] {strides = array<i32>} : memref<16xi32, #tpu.memory_space<vmem>>, vector<16xi32>,
      tpu.vector_store %arg15[%swap3A_1318], %all_reduce_population_count3A_1317 {strides = array<i32>} : memref<16xi32, #tpu.memory_space<vmem>>, vector<16xi32>,
      %get3A_1320 = arith.constant 0 : index
      %get3A_1321 = tpu.vector_load %arg15[%get3A_1320] {strides = array<i32>} : memref<16xi32, #tpu.memory_space<vmem>>, vector<16xi32>,
      %slice3A_1322 = vector.extract_strided_slice %get3A_1321 {offsets = [0], sizes = [1], strides = [1]} : vector<16xi32> to vector<1xi32>
      %squeeze3A_1323 = vector.extract %slice3A_1322[0] : i32 from vector<1xi32>
      %add3A_1324 = arith.addi %get3A_1311, %squeeze3A_1323 : i32
      %swap3A_1325 = arith.constant 0 : i32
      %swap3A_1326 = arith.index_cast %swap3A_1325 : i32 to index
      %swap3A_1327 = memref.load %arg14[%swap3A_1326] : memref<8xi32, #tpu.memory_space<smem>>
      memref.store %add3A_1324, %arg14[%swap3A_1326] : memref<8xi32, #tpu.memory_space<smem>>
      %get3A_1328 = arith.constant 80 : index
      %get3A_1329 = tpu.vector_load %arg5[%get3A_1328] {strides = array<i32>} : memref<2048xf32, #tpu.memory_space<vmem>>, vector<16xf32>,
      %get3A_1330 = arith.constant 208 : index
      %get3A_1331 = tpu.vector_load %arg5[%get3A_1330] {strides = array<i32>} : memref<2048xf32, #tpu.memory_space<vmem>>, vector<16xf32>,
      %get3A_1332 = arith.constant 336 : index
      %get3A_1333 = tpu.vector_load %arg5[%get3A_1332] {strides = array<i32>} : memref<2048xf32, #tpu.memory_space<vmem>>, vector<16xf32>,
      %get3A_1334 = arith.constant 464 : index
      %get3A_1335 = tpu.vector_load %arg5[%get3A_1334] {strides = array<i32>} : memref<2048xf32, #tpu.memory_space<vmem>>, vector<16xf32>,
      %get3A_1336 = arith.constant 592 : index
      %get3A_1337 = tpu.vector_load %arg5[%get3A_1336] {strides = array<i32>} : memref<2048xf32, #tpu.memory_space<vmem>>, vector<16xf32>,
      %max3A_1338 = arith.maximumf %get3A_1329, %get3A_1337 : vector<16xf32>
      %get3A_1339 = arith.constant 720 : index
      %get3A_1340 = tpu.vector_load %arg5[%get3A_1339] {strides = array<i32>} : memref<2048xf32, #tpu.memory_space<vmem>>, vector<16xf32>,
      %max3A_1341 = arith.maximumf %get3A_1331, %get3A_1340 : vector<16xf32>
      %get3A_1342 = arith.constant 848 : index
      %get3A_1343 = tpu.vector_load %arg5[%get3A_1342] {strides = array<i32>} : memref<2048xf32, #tpu.memory_space<vmem>>, vector<16xf32>,
      %max3A_1344 = arith.maximumf %get3A_1333, %get3A_1343 : vector<16xf32>
      %get3A_1345 = arith.constant 976 : index
      %get3A_1346 = tpu.vector_load %arg5[%get3A_1345] {strides = array<i32>} : memref<2048xf32, #tpu.memory_space<vmem>>, vector<16xf32>,
      %max3A_1347 = arith.maximumf %get3A_1335, %get3A_1346 : vector<16xf32>
      %get3A_1348 = arith.constant 1104 : index
      %get3A_1349 = tpu.vector_load %arg5[%get3A_1348] {strides = array<i32>} : memref<2048xf32, #tpu.memory_space<vmem>>, vector<16xf32>,
      %max3A_1350 = arith.maximumf %max3A_1338, %get3A_1349 : vector<16xf32>
      %get3A_1351 = arith.constant 1232 : index
      %get3A_1352 = tpu.vector_load %arg5[%get3A_1351] {strides = array<i32>} : memref<2048xf32, #tpu.memory_space<vmem>>, vector<16xf32>,
      %max3A_1353 = arith.maximumf %max3A_1341, %get3A_1352 : vector<16xf32>
      %get3A_1354 = arith.constant 1360 : index
      %get3A_1355 = tpu.vector_load %arg5[%get3A_1354] {strides = array<i32>} : memref<2048xf32, #tpu.memory_space<vmem>>, vector<16xf32>,
      %max3A_1356 = arith.maximumf %max3A_1344, %get3A_1355 : vector<16xf32>
      %get3A_1357 = arith.constant 1488 : index
      %get3A_1358 = tpu.vector_load %arg5[%get3A_1357] {strides = array<i32>} : memref<2048xf32, #tpu.memory_space<vmem>>, vector<16xf32>,
      %max3A_1359 = arith.maximumf %max3A_1347, %get3A_1358 : vector<16xf32>
      %get3A_1360 = arith.constant 1616 : index
      %get3A_1361 = tpu.vector_load %arg5[%get3A_1360] {strides = array<i32>} : memref<2048xf32, #tpu.memory_space<vmem>>, vector<16xf32>,
      %max3A_1362 = arith.maximumf %max3A_1350, %get3A_1361 : vector<16xf32>
      %get3A_1363 = arith.constant 1744 : index
      %get3A_1364 = tpu.vector_load %arg5[%get3A_1363] {strides = array<i32>} : memref<2048xf32, #tpu.memory_space<vmem>>, vector<16xf32>,
      %max3A_1365 = arith.maximumf %max3A_1353, %get3A_1364 : vector<16xf32>
      %get3A_1366 = arith.constant 1872 : index
      %get3A_1367 = tpu.vector_load %arg5[%get3A_1366] {strides = array<i32>} : memref<2048xf32, #tpu.memory_space<vmem>>, vector<16xf32>,
      %max3A_1368 = arith.maximumf %max3A_1356, %get3A_1367 : vector<16xf32>
      %get3A_1369 = arith.constant 2000 : index
      %get3A_1370 = tpu.vector_load %arg5[%get3A_1369] {strides = array<i32>} : memref<2048xf32, #tpu.memory_space<vmem>>, vector<16xf32>,
      %max3A_1371 = arith.maximumf %max3A_1359, %get3A_1370 : vector<16xf32>
      %max3A_1372 = arith.maximumf %max3A_1362, %max3A_1365 : vector<16xf32>
      %max3A_1373 = arith.maximumf %max3A_1368, %max3A_1371 : vector<16xf32>
      %max3A_1374 = arith.maximumf %max3A_1372, %max3A_1373 : vector<16xf32>
      %ge3A_1375 = arith.cmpf oge, %max3A_1374, %broadcast_in_dim3A_988 : vector<16xf32>
      %get3A_1376 = arith.constant 0 : i32
      %get3A_1377 = arith.index_cast %get3A_1376 : i32 to index
      %get3A_1378 = memref.load %arg14[%get3A_1377] : memref<8xi32, #tpu.memory_space<smem>>
      %add3A_1379 = arith.constant 80 : i32
      %add3A_1380 = vector.broadcast %add3A_1379 : i32 to vector<16xi32>
      %add3A_1381 = arith.addi %add3A_1380, %iota3A : vector<16xi32>
      %swap3A_1382 = arith.index_cast %get3A_1378 : i32 to index
      %swap3A_1383 = tpu.vector_load %arg11[%swap3A_1382] masked %ge3A_1375 {strides = array<i32>} : memref<144xi32, #tpu.memory_space<vmem>>, vector<16xi32>, vector<16xi1>
      tpu.vector_store %arg11[%swap3A_1382], %add3A_1381 masked %ge3A_1375 {strides = array<i32>} : memref<144xi32, #tpu.memory_space<vmem>>, vector<16xi32>, vector<16xi1>
      %all_reduce_population_count3A_1384 = tpu.all_reduce %ge3A_1375 {dim = 0 : i64, kind = #tpu.reduction_kind<sum>} : vector<16xi1> -> vector<16xi32>
      %swap3A_1385 = arith.constant 0 : index
      %swap3A_1386 = tpu.vector_load %arg15[%swap3A_1385] {strides = array<i32>} : memref<16xi32, #tpu.memory_space<vmem>>, vector<16xi32>,
      tpu.vector_store %arg15[%swap3A_1385], %all_reduce_population_count3A_1384 {strides = array<i32>} : memref<16xi32, #tpu.memory_space<vmem>>, vector<16xi32>,
      %get3A_1387 = arith.constant 0 : index
      %get3A_1388 = tpu.vector_load %arg15[%get3A_1387] {strides = array<i32>} : memref<16xi32, #tpu.memory_space<vmem>>, vector<16xi32>,
      %slice3A_1389 = vector.extract_strided_slice %get3A_1388 {offsets = [0], sizes = [1], strides = [1]} : vector<16xi32> to vector<1xi32>
      %squeeze3A_1390 = vector.extract %slice3A_1389[0] : i32 from vector<1xi32>
      %add3A_1391 = arith.addi %get3A_1378, %squeeze3A_1390 : i32
      %swap3A_1392 = arith.constant 0 : i32
      %swap3A_1393 = arith.index_cast %swap3A_1392 : i32 to index
      %swap3A_1394 = memref.load %arg14[%swap3A_1393] : memref<8xi32, #tpu.memory_space<smem>>
      memref.store %add3A_1391, %arg14[%swap3A_1393] : memref<8xi32, #tpu.memory_space<smem>>
      %get3A_1395 = arith.constant 96 : index
      %get3A_1396 = tpu.vector_load %arg5[%get3A_1395] {strides = array<i32>} : memref<2048xf32, #tpu.memory_space<vmem>>, vector<16xf32>,
      %get3A_1397 = arith.constant 224 : index
      %get3A_1398 = tpu.vector_load %arg5[%get3A_1397] {strides = array<i32>} : memref<2048xf32, #tpu.memory_space<vmem>>, vector<16xf32>,
      %get3A_1399 = arith.constant 352 : index
      %get3A_1400 = tpu.vector_load %arg5[%get3A_1399] {strides = array<i32>} : memref<2048xf32, #tpu.memory_space<vmem>>, vector<16xf32>,
      %get3A_1401 = arith.constant 480 : index
      %get3A_1402 = tpu.vector_load %arg5[%get3A_1401] {strides = array<i32>} : memref<2048xf32, #tpu.memory_space<vmem>>, vector<16xf32>,
      %get3A_1403 = arith.constant 608 : index
      %get3A_1404 = tpu.vector_load %arg5[%get3A_1403] {strides = array<i32>} : memref<2048xf32, #tpu.memory_space<vmem>>, vector<16xf32>,
      %max3A_1405 = arith.maximumf %get3A_1396, %get3A_1404 : vector<16xf32>
      %get3A_1406 = arith.constant 736 : index
      %get3A_1407 = tpu.vector_load %arg5[%get3A_1406] {strides = array<i32>} : memref<2048xf32, #tpu.memory_space<vmem>>, vector<16xf32>,
      %max3A_1408 = arith.maximumf %get3A_1398, %get3A_1407 : vector<16xf32>
      %get3A_1409 = arith.constant 864 : index
      %get3A_1410 = tpu.vector_load %arg5[%get3A_1409] {strides = array<i32>} : memref<2048xf32, #tpu.memory_space<vmem>>, vector<16xf32>,
      %max3A_1411 = arith.maximumf %get3A_1400, %get3A_1410 : vector<16xf32>
      %get3A_1412 = arith.constant 992 : index
      %get3A_1413 = tpu.vector_load %arg5[%get3A_1412] {strides = array<i32>} : memref<2048xf32, #tpu.memory_space<vmem>>, vector<16xf32>,
      %max3A_1414 = arith.maximumf %get3A_1402, %get3A_1413 : vector<16xf32>
      %get3A_1415 = arith.constant 1120 : index
      %get3A_1416 = tpu.vector_load %arg5[%get3A_1415] {strides = array<i32>} : memref<2048xf32, #tpu.memory_space<vmem>>, vector<16xf32>,
      %max3A_1417 = arith.maximumf %max3A_1405, %get3A_1416 : vector<16xf32>
      %get3A_1418 = arith.constant 1248 : index
      %get3A_1419 = tpu.vector_load %arg5[%get3A_1418] {strides = array<i32>} : memref<2048xf32, #tpu.memory_space<vmem>>, vector<16xf32>,
      %max3A_1420 = arith.maximumf %max3A_1408, %get3A_1419 : vector<16xf32>
      %get3A_1421 = arith.constant 1376 : index
      %get3A_1422 = tpu.vector_load %arg5[%get3A_1421] {strides = array<i32>} : memref<2048xf32, #tpu.memory_space<vmem>>, vector<16xf32>,
      %max3A_1423 = arith.maximumf %max3A_1411, %get3A_1422 : vector<16xf32>
      %get3A_1424 = arith.constant 1504 : index
      %get3A_1425 = tpu.vector_load %arg5[%get3A_1424] {strides = array<i32>} : memref<2048xf32, #tpu.memory_space<vmem>>, vector<16xf32>,
      %max3A_1426 = arith.maximumf %max3A_1414, %get3A_1425 : vector<16xf32>
      %get3A_1427 = arith.constant 1632 : index
      %get3A_1428 = tpu.vector_load %arg5[%get3A_1427] {strides = array<i32>} : memref<2048xf32, #tpu.memory_space<vmem>>, vector<16xf32>,
      %max3A_1429 = arith.maximumf %max3A_1417, %get3A_1428 : vector<16xf32>
      %get3A_1430 = arith.constant 1760 : index
      %get3A_1431 = tpu.vector_load %arg5[%get3A_1430] {strides = array<i32>} : memref<2048xf32, #tpu.memory_space<vmem>>, vector<16xf32>,
      %max3A_1432 = arith.maximumf %max3A_1420, %get3A_1431 : vector<16xf32>
      %get3A_1433 = arith.constant 1888 : index
      %get3A_1434 = tpu.vector_load %arg5[%get3A_1433] {strides = array<i32>} : memref<2048xf32, #tpu.memory_space<vmem>>, vector<16xf32>,
      %max3A_1435 = arith.maximumf %max3A_1423, %get3A_1434 : vector<16xf32>
      %get3A_1436 = arith.constant 2016 : index
      %get3A_1437 = tpu.vector_load %arg5[%get3A_1436] {strides = array<i32>} : memref<2048xf32, #tpu.memory_space<vmem>>, vector<16xf32>,
      %max3A_1438 = arith.maximumf %max3A_1426, %get3A_1437 : vector<16xf32>
      %max3A_1439 = arith.maximumf %max3A_1429, %max3A_1432 : vector<16xf32>
      %max3A_1440 = arith.maximumf %max3A_1435, %max3A_1438 : vector<16xf32>
      %max3A_1441 = arith.maximumf %max3A_1439, %max3A_1440 : vector<16xf32>
      %ge3A_1442 = arith.cmpf oge, %max3A_1441, %broadcast_in_dim3A_988 : vector<16xf32>
      %get3A_1443 = arith.constant 0 : i32
      %get3A_1444 = arith.index_cast %get3A_1443 : i32 to index
      %get3A_1445 = memref.load %arg14[%get3A_1444] : memref<8xi32, #tpu.memory_space<smem>>
      %add3A_1446 = arith.constant 96 : i32
      %add3A_1447 = vector.broadcast %add3A_1446 : i32 to vector<16xi32>
      %add3A_1448 = arith.addi %add3A_1447, %iota3A : vector<16xi32>
      %swap3A_1449 = arith.index_cast %get3A_1445 : i32 to index
      %swap3A_1450 = tpu.vector_load %arg11[%swap3A_1449] masked %ge3A_1442 {strides = array<i32>} : memref<144xi32, #tpu.memory_space<vmem>>, vector<16xi32>, vector<16xi1>
      tpu.vector_store %arg11[%swap3A_1449], %add3A_1448 masked %ge3A_1442 {strides = array<i32>} : memref<144xi32, #tpu.memory_space<vmem>>, vector<16xi32>, vector<16xi1>
      %all_reduce_population_count3A_1451 = tpu.all_reduce %ge3A_1442 {dim = 0 : i64, kind = #tpu.reduction_kind<sum>} : vector<16xi1> -> vector<16xi32>
      %swap3A_1452 = arith.constant 0 : index
      %swap3A_1453 = tpu.vector_load %arg15[%swap3A_1452] {strides = array<i32>} : memref<16xi32, #tpu.memory_space<vmem>>, vector<16xi32>,
      tpu.vector_store %arg15[%swap3A_1452], %all_reduce_population_count3A_1451 {strides = array<i32>} : memref<16xi32, #tpu.memory_space<vmem>>, vector<16xi32>,
      %get3A_1454 = arith.constant 0 : index
      %get3A_1455 = tpu.vector_load %arg15[%get3A_1454] {strides = array<i32>} : memref<16xi32, #tpu.memory_space<vmem>>, vector<16xi32>,
      %slice3A_1456 = vector.extract_strided_slice %get3A_1455 {offsets = [0], sizes = [1], strides = [1]} : vector<16xi32> to vector<1xi32>
      %squeeze3A_1457 = vector.extract %slice3A_1456[0] : i32 from vector<1xi32>
      %add3A_1458 = arith.addi %get3A_1445, %squeeze3A_1457 : i32
      %swap3A_1459 = arith.constant 0 : i32
      %swap3A_1460 = arith.index_cast %swap3A_1459 : i32 to index
      %swap3A_1461 = memref.load %arg14[%swap3A_1460] : memref<8xi32, #tpu.memory_space<smem>>
      memref.store %add3A_1458, %arg14[%swap3A_1460] : memref<8xi32, #tpu.memory_space<smem>>
      %get3A_1462 = arith.constant 112 : index
      %get3A_1463 = tpu.vector_load %arg5[%get3A_1462] {strides = array<i32>} : memref<2048xf32, #tpu.memory_space<vmem>>, vector<16xf32>,
      %get3A_1464 = arith.constant 240 : index
      %get3A_1465 = tpu.vector_load %arg5[%get3A_1464] {strides = array<i32>} : memref<2048xf32, #tpu.memory_space<vmem>>, vector<16xf32>,
      %get3A_1466 = arith.constant 368 : index
      %get3A_1467 = tpu.vector_load %arg5[%get3A_1466] {strides = array<i32>} : memref<2048xf32, #tpu.memory_space<vmem>>, vector<16xf32>,
      %get3A_1468 = arith.constant 496 : index
      %get3A_1469 = tpu.vector_load %arg5[%get3A_1468] {strides = array<i32>} : memref<2048xf32, #tpu.memory_space<vmem>>, vector<16xf32>,
      %get3A_1470 = arith.constant 624 : index
      %get3A_1471 = tpu.vector_load %arg5[%get3A_1470] {strides = array<i32>} : memref<2048xf32, #tpu.memory_space<vmem>>, vector<16xf32>,
      %max3A_1472 = arith.maximumf %get3A_1463, %get3A_1471 : vector<16xf32>
      %get3A_1473 = arith.constant 752 : index
      %get3A_1474 = tpu.vector_load %arg5[%get3A_1473] {strides = array<i32>} : memref<2048xf32, #tpu.memory_space<vmem>>, vector<16xf32>,
      %max3A_1475 = arith.maximumf %get3A_1465, %get3A_1474 : vector<16xf32>
      %get3A_1476 = arith.constant 880 : index
      %get3A_1477 = tpu.vector_load %arg5[%get3A_1476] {strides = array<i32>} : memref<2048xf32, #tpu.memory_space<vmem>>, vector<16xf32>,
      %max3A_1478 = arith.maximumf %get3A_1467, %get3A_1477 : vector<16xf32>
      %get3A_1479 = arith.constant 1008 : index
      %get3A_1480 = tpu.vector_load %arg5[%get3A_1479] {strides = array<i32>} : memref<2048xf32, #tpu.memory_space<vmem>>, vector<16xf32>,
      %max3A_1481 = arith.maximumf %get3A_1469, %get3A_1480 : vector<16xf32>
      %get3A_1482 = arith.constant 1136 : index
      %get3A_1483 = tpu.vector_load %arg5[%get3A_1482] {strides = array<i32>} : memref<2048xf32, #tpu.memory_space<vmem>>, vector<16xf32>,
      %max3A_1484 = arith.maximumf %max3A_1472, %get3A_1483 : vector<16xf32>
      %get3A_1485 = arith.constant 1264 : index
      %get3A_1486 = tpu.vector_load %arg5[%get3A_1485] {strides = array<i32>} : memref<2048xf32, #tpu.memory_space<vmem>>, vector<16xf32>,
      %max3A_1487 = arith.maximumf %max3A_1475, %get3A_1486 : vector<16xf32>
      %get3A_1488 = arith.constant 1392 : index
      %get3A_1489 = tpu.vector_load %arg5[%get3A_1488] {strides = array<i32>} : memref<2048xf32, #tpu.memory_space<vmem>>, vector<16xf32>,
      %max3A_1490 = arith.maximumf %max3A_1478, %get3A_1489 : vector<16xf32>
      %get3A_1491 = arith.constant 1520 : index
      %get3A_1492 = tpu.vector_load %arg5[%get3A_1491] {strides = array<i32>} : memref<2048xf32, #tpu.memory_space<vmem>>, vector<16xf32>,
      %max3A_1493 = arith.maximumf %max3A_1481, %get3A_1492 : vector<16xf32>
      %get3A_1494 = arith.constant 1648 : index
      %get3A_1495 = tpu.vector_load %arg5[%get3A_1494] {strides = array<i32>} : memref<2048xf32, #tpu.memory_space<vmem>>, vector<16xf32>,
      %max3A_1496 = arith.maximumf %max3A_1484, %get3A_1495 : vector<16xf32>
      %get3A_1497 = arith.constant 1776 : index
      %get3A_1498 = tpu.vector_load %arg5[%get3A_1497] {strides = array<i32>} : memref<2048xf32, #tpu.memory_space<vmem>>, vector<16xf32>,
      %max3A_1499 = arith.maximumf %max3A_1487, %get3A_1498 : vector<16xf32>
      %get3A_1500 = arith.constant 1904 : index
      %get3A_1501 = tpu.vector_load %arg5[%get3A_1500] {strides = array<i32>} : memref<2048xf32, #tpu.memory_space<vmem>>, vector<16xf32>,
      %max3A_1502 = arith.maximumf %max3A_1490, %get3A_1501 : vector<16xf32>
      %get3A_1503 = arith.constant 2032 : index
      %get3A_1504 = tpu.vector_load %arg5[%get3A_1503] {strides = array<i32>} : memref<2048xf32, #tpu.memory_space<vmem>>, vector<16xf32>,
      %max3A_1505 = arith.maximumf %max3A_1493, %get3A_1504 : vector<16xf32>
      %max3A_1506 = arith.maximumf %max3A_1496, %max3A_1499 : vector<16xf32>
      %max3A_1507 = arith.maximumf %max3A_1502, %max3A_1505 : vector<16xf32>
      %max3A_1508 = arith.maximumf %max3A_1506, %max3A_1507 : vector<16xf32>
      %ge3A_1509 = arith.cmpf oge, %max3A_1508, %broadcast_in_dim3A_988 : vector<16xf32>
      %get3A_1510 = arith.constant 0 : i32
      %get3A_1511 = arith.index_cast %get3A_1510 : i32 to index
      %get3A_1512 = memref.load %arg14[%get3A_1511] : memref<8xi32, #tpu.memory_space<smem>>
      %add3A_1513 = arith.constant 112 : i32
      %add3A_1514 = vector.broadcast %add3A_1513 : i32 to vector<16xi32>
      %add3A_1515 = arith.addi %add3A_1514, %iota3A : vector<16xi32>
      %swap3A_1516 = arith.index_cast %get3A_1512 : i32 to index
      %swap3A_1517 = tpu.vector_load %arg11[%swap3A_1516] masked %ge3A_1509 {strides = array<i32>} : memref<144xi32, #tpu.memory_space<vmem>>, vector<16xi32>, vector<16xi1>
      tpu.vector_store %arg11[%swap3A_1516], %add3A_1515 masked %ge3A_1509 {strides = array<i32>} : memref<144xi32, #tpu.memory_space<vmem>>, vector<16xi32>, vector<16xi1>
      %all_reduce_population_count3A_1518 = tpu.all_reduce %ge3A_1509 {dim = 0 : i64, kind = #tpu.reduction_kind<sum>} : vector<16xi1> -> vector<16xi32>
      %swap3A_1519 = arith.constant 0 : index
      %swap3A_1520 = tpu.vector_load %arg15[%swap3A_1519] {strides = array<i32>} : memref<16xi32, #tpu.memory_space<vmem>>, vector<16xi32>,
      tpu.vector_store %arg15[%swap3A_1519], %all_reduce_population_count3A_1518 {strides = array<i32>} : memref<16xi32, #tpu.memory_space<vmem>>, vector<16xi32>,
      %get3A_1521 = arith.constant 0 : index
      %get3A_1522 = tpu.vector_load %arg15[%get3A_1521] {strides = array<i32>} : memref<16xi32, #tpu.memory_space<vmem>>, vector<16xi32>,
      %slice3A_1523 = vector.extract_strided_slice %get3A_1522 {offsets = [0], sizes = [1], strides = [1]} : vector<16xi32> to vector<1xi32>
      %squeeze3A_1524 = vector.extract %slice3A_1523[0] : i32 from vector<1xi32>
      %add3A_1525 = arith.addi %get3A_1512, %squeeze3A_1524 : i32
      %swap3A_1526 = arith.constant 0 : i32
      %swap3A_1527 = arith.index_cast %swap3A_1526 : i32 to index
      %swap3A_1528 = memref.load %arg14[%swap3A_1527] : memref<8xi32, #tpu.memory_space<smem>>
      memref.store %add3A_1525, %arg14[%swap3A_1527] : memref<8xi32, #tpu.memory_space<smem>>
      %get3A_1529 = arith.constant 0 : i32
      %get3A_1530 = arith.index_cast %get3A_1529 : i32 to index
      %get3A_1531 = memref.load %arg14[%get3A_1530] : memref<8xi32, #tpu.memory_space<smem>>
      %swap3A_1532 = arith.constant 0 : i32
      %swap3A_1533 = arith.constant 1 : i32
      %swap3A_1534 = arith.index_cast %swap3A_1533 : i32 to index
      %swap3A_1535 = memref.load %arg14[%swap3A_1534] : memref<8xi32, #tpu.memory_space<smem>>
      memref.store %swap3A_1532, %arg14[%swap3A_1534] : memref<8xi32, #tpu.memory_space<smem>>
      %while3A_1536 = arith.constant 0 : i32
      %while3A_1537 = arith.constant 0 : i32
      %while3A_1538 = arith.subi %get3A_1531, %while3A_1536 : i32
      %while3A_1539 = arith.addi %while3A_1536, %while3A_1538 : i32
      %while3A_1540 = arith.constant 1 : i32
      %while3A_1541 = arith.divsi %while3A_1538, %while3A_1540 : i32
      %while3A_1542 = arith.muli %while3A_1541, %while3A_1540 : i32
      %while3A_1543 = arith.addi %while3A_1536, %while3A_1542 : i32
      %while3A_1544 = arith.constant 1 : i32
      %while3A_1545 = scf.for %while3A_1739 = %while3A_1536 to %while3A_1543 step %while3A_1544 iter_args(%while3A_1740 = %while3A_1537) -> (i32)  : i32 {
        %get3A_1741 = arith.index_cast %while3A_1739 : i32 to index
        %get3A_1742 = tpu.vector_load %arg11[%get3A_1741] {strides = array<i32>} : memref<144xi32, #tpu.memory_space<vmem>>, vector<16xi32>,
        %slice3A_1743 = vector.extract_strided_slice %get3A_1742 {offsets = [0], sizes = [1], strides = [1]} : vector<16xi32> to vector<1xi32>
        %squeeze3A_1744 = vector.extract %slice3A_1743[0] : i32 from vector<1xi32>
        %add3A_1745 = vector.broadcast %squeeze3A_1744 : i32 to vector<16xi32>
        %add3A_1746 = arith.addi %mul3A_8, %add3A_1745 : vector<16xi32>
        %gather3A_1747 = tpu.vector_load_idx %arg5[%add3A_1746] : memref<2048xf32, #tpu.memory_space<vmem>>[vector<16xi32>], vector<16xf32>,
        %ge3A_1748 = arith.cmpf oge, %gather3A_1747, %broadcast_in_dim3A_988 : vector<16xf32>
        %get3A_1749 = arith.constant 1 : i32
        %get3A_1750 = arith.index_cast %get3A_1749 : i32 to index
        %get3A_1751 = memref.load %arg14[%get3A_1750] : memref<8xi32, #tpu.memory_space<smem>>
        %min3A_1752 = arith.constant 512 : i32
        %min3A_1753 = arith.minsi %get3A_1751, %min3A_1752 : i32
        %mul3A_1754 = arith.constant 16 : i32
        %mul3A_1755 = arith.muli %squeeze3A_1744, %mul3A_1754 : i32
        %add3A_1756 = vector.broadcast %mul3A_1755 : i32 to vector<16xi32>
        %add3A_1757 = arith.addi %add3A_1756, %iota3A : vector<16xi32>
        %swap3A_1758 = arith.index_cast %min3A_1753 : i32 to index
        %swap3A_1759 = tpu.vector_load %arg12[%swap3A_1758] masked %ge3A_1748 {strides = array<i32>} : memref<544xi32, #tpu.memory_space<vmem>>, vector<16xi32>, vector<16xi1>
        tpu.vector_store %arg12[%swap3A_1758], %add3A_1757 masked %ge3A_1748 {strides = array<i32>} : memref<544xi32, #tpu.memory_space<vmem>>, vector<16xi32>, vector<16xi1>
        %all_reduce_population_count3A_1760 = tpu.all_reduce %ge3A_1748 {dim = 0 : i64, kind = #tpu.reduction_kind<sum>} : vector<16xi1> -> vector<16xi32>
        %swap3A_1761 = arith.constant 0 : index
        %swap3A_1762 = tpu.vector_load %arg15[%swap3A_1761] {strides = array<i32>} : memref<16xi32, #tpu.memory_space<vmem>>, vector<16xi32>,
        tpu.vector_store %arg15[%swap3A_1761], %all_reduce_population_count3A_1760 {strides = array<i32>} : memref<16xi32, #tpu.memory_space<vmem>>, vector<16xi32>,
        %get3A_1763 = arith.constant 0 : index
        %get3A_1764 = tpu.vector_load %arg15[%get3A_1763] {strides = array<i32>} : memref<16xi32, #tpu.memory_space<vmem>>, vector<16xi32>,
        %slice3A_1765 = vector.extract_strided_slice %get3A_1764 {offsets = [0], sizes = [1], strides = [1]} : vector<16xi32> to vector<1xi32>
        %squeeze3A_1766 = vector.extract %slice3A_1765[0] : i32 from vector<1xi32>
        %add3A_1767 = arith.addi %get3A_1751, %squeeze3A_1766 : i32
        %swap3A_1768 = arith.constant 1 : i32
        %swap3A_1769 = arith.index_cast %swap3A_1768 : i32 to index
        %swap3A_1770 = memref.load %arg14[%swap3A_1769] : memref<8xi32, #tpu.memory_space<smem>>
        memref.store %add3A_1767, %arg14[%swap3A_1769] : memref<8xi32, #tpu.memory_space<smem>>
        %while3A_1771 = arith.constant 0 : i32
        scf.yield %while3A_1771 : i32
      }
      %while3A_1546 = arith.constant 1 : i32
      %while3A_1547 = scf.for %while3A_1739 = %while3A_1543 to %while3A_1539 step %while3A_1546 iter_args(%while3A_1740 = %while3A_1545) -> (i32)  : i32 {
        %get3A_1741 = arith.index_cast %while3A_1739 : i32 to index
        %get3A_1742 = tpu.vector_load %arg11[%get3A_1741] {strides = array<i32>} : memref<144xi32, #tpu.memory_space<vmem>>, vector<16xi32>,
        %slice3A_1743 = vector.extract_strided_slice %get3A_1742 {offsets = [0], sizes = [1], strides = [1]} : vector<16xi32> to vector<1xi32>
        %squeeze3A_1744 = vector.extract %slice3A_1743[0] : i32 from vector<1xi32>
        %add3A_1745 = vector.broadcast %squeeze3A_1744 : i32 to vector<16xi32>
        %add3A_1746 = arith.addi %mul3A_8, %add3A_1745 : vector<16xi32>
        %gather3A_1747 = tpu.vector_load_idx %arg5[%add3A_1746] : memref<2048xf32, #tpu.memory_space<vmem>>[vector<16xi32>], vector<16xf32>,
        %ge3A_1748 = arith.cmpf oge, %gather3A_1747, %broadcast_in_dim3A_988 : vector<16xf32>
        %get3A_1749 = arith.constant 1 : i32
        %get3A_1750 = arith.index_cast %get3A_1749 : i32 to index
        %get3A_1751 = memref.load %arg14[%get3A_1750] : memref<8xi32, #tpu.memory_space<smem>>
        %min3A_1752 = arith.constant 512 : i32
        %min3A_1753 = arith.minsi %get3A_1751, %min3A_1752 : i32
        %mul3A_1754 = arith.constant 16 : i32
        %mul3A_1755 = arith.muli %squeeze3A_1744, %mul3A_1754 : i32
        %add3A_1756 = vector.broadcast %mul3A_1755 : i32 to vector<16xi32>
        %add3A_1757 = arith.addi %add3A_1756, %iota3A : vector<16xi32>
        %swap3A_1758 = arith.index_cast %min3A_1753 : i32 to index
        %swap3A_1759 = tpu.vector_load %arg12[%swap3A_1758] masked %ge3A_1748 {strides = array<i32>} : memref<544xi32, #tpu.memory_space<vmem>>, vector<16xi32>, vector<16xi1>
        tpu.vector_store %arg12[%swap3A_1758], %add3A_1757 masked %ge3A_1748 {strides = array<i32>} : memref<544xi32, #tpu.memory_space<vmem>>, vector<16xi32>, vector<16xi1>
        %all_reduce_population_count3A_1760 = tpu.all_reduce %ge3A_1748 {dim = 0 : i64, kind = #tpu.reduction_kind<sum>} : vector<16xi1> -> vector<16xi32>
        %swap3A_1761 = arith.constant 0 : index
        %swap3A_1762 = tpu.vector_load %arg15[%swap3A_1761] {strides = array<i32>} : memref<16xi32, #tpu.memory_space<vmem>>, vector<16xi32>,
        tpu.vector_store %arg15[%swap3A_1761], %all_reduce_population_count3A_1760 {strides = array<i32>} : memref<16xi32, #tpu.memory_space<vmem>>, vector<16xi32>,
        %get3A_1763 = arith.constant 0 : index
        %get3A_1764 = tpu.vector_load %arg15[%get3A_1763] {strides = array<i32>} : memref<16xi32, #tpu.memory_space<vmem>>, vector<16xi32>,
        %slice3A_1765 = vector.extract_strided_slice %get3A_1764 {offsets = [0], sizes = [1], strides = [1]} : vector<16xi32> to vector<1xi32>
        %squeeze3A_1766 = vector.extract %slice3A_1765[0] : i32 from vector<1xi32>
        %add3A_1767 = arith.addi %get3A_1751, %squeeze3A_1766 : i32
        %swap3A_1768 = arith.constant 1 : i32
        %swap3A_1769 = arith.index_cast %swap3A_1768 : i32 to index
        %swap3A_1770 = memref.load %arg14[%swap3A_1769] : memref<8xi32, #tpu.memory_space<smem>>
        memref.store %add3A_1767, %arg14[%swap3A_1769] : memref<8xi32, #tpu.memory_space<smem>>
        %while3A_1771 = arith.constant 0 : i32
        scf.yield %while3A_1771 : i32
      }
      %get3A_1548 = arith.constant 1 : i32
      %get3A_1549 = arith.index_cast %get3A_1548 : i32 to index
      %get3A_1550 = memref.load %arg14[%get3A_1549] : memref<8xi32, #tpu.memory_space<smem>>
      %min3A_1551 = arith.constant 512 : i32
      %min3A_1552 = arith.minsi %get3A_1550, %min3A_1551 : i32
      %swap3A_1553 = arith.constant 0 : i32
      %swap3A_1554 = arith.constant 2 : i32
      %swap3A_1555 = arith.index_cast %swap3A_1554 : i32 to index
      %swap3A_1556 = memref.load %arg14[%swap3A_1555] : memref<8xi32, #tpu.memory_space<smem>>
      memref.store %swap3A_1553, %arg14[%swap3A_1555] : memref<8xi32, #tpu.memory_space<smem>>
      %while3A_1557 = arith.constant 0 : i32
      %while3A_1558 = arith.constant 0 : i32
      %while3A_1559 = arith.subi %min3A_1552, %while3A_1557 : i32
      %while3A_1560 = arith.addi %while3A_1557, %while3A_1559 : i32
      %while3A_1561 = arith.constant 1 : i32
      %while3A_1562 = arith.divsi %while3A_1559, %while3A_1561 : i32
      %while3A_1563 = arith.muli %while3A_1562, %while3A_1561 : i32
      %while3A_1564 = arith.addi %while3A_1557, %while3A_1563 : i32
      %while3A_1565 = arith.constant 1 : i32
      %while3A_1566 = scf.for %while3A_1739 = %while3A_1557 to %while3A_1564 step %while3A_1565 iter_args(%while3A_1740 = %while3A_1558) -> (i32)  : i32 {
        %get3A_1741 = arith.index_cast %while3A_1739 : i32 to index
        %get3A_1742 = tpu.vector_load %arg12[%get3A_1741] {strides = array<i32>} : memref<544xi32, #tpu.memory_space<vmem>>, vector<16xi32>,
        %slice3A_1743 = vector.extract_strided_slice %get3A_1742 {offsets = [0], sizes = [1], strides = [1]} : vector<16xi32> to vector<1xi32>
        %squeeze3A_1744 = vector.extract %slice3A_1743[0] : i32 from vector<1xi32>
        %shift_right_arithmetic3A = arith.constant 4 : i32
        %shift_right_arithmetic3A_1745 = arith.shrsi %squeeze3A_1744, %shift_right_arithmetic3A : i32
        %mul3A_1746 = arith.constant 256 : i32
        %mul3A_1747 = arith.muli %shift_right_arithmetic3A_1745, %mul3A_1746 : i32
        %and3A_1748 = arith.constant 15 : i32
        %and3A_1749 = arith.andi %squeeze3A_1744, %and3A_1748 : i32
        %add3A_1750 = arith.addi %mul3A_1747, %and3A_1749 : i32
        %add3A_1751 = vector.broadcast %add3A_1750 : i32 to vector<16xi32>
        %add3A_1752 = arith.addi %add3A_1751, %mul3A_5 : vector<16xi32>
        %add3A_1753 = arith.constant 32768 : i32
        %add3A_1754 = vector.broadcast %add3A_1753 : i32 to vector<16xi32>
        %add3A_1755 = arith.addi %add3A_1752, %add3A_1754 : vector<16xi32>
        %gather3A_1756 = tpu.vector_load_idx %arg4[%add3A_1755] : memref<65536xf32, #tpu.memory_space<vmem>>[vector<16xi32>], vector<16xf32>,
        %ge3A_1757 = arith.cmpf oge, %gather3A_1756, %broadcast_in_dim3A_988 : vector<16xf32>
        %get3A_1758 = arith.constant 2 : i32
        %get3A_1759 = arith.index_cast %get3A_1758 : i32 to index
        %get3A_1760 = memref.load %arg14[%get3A_1759] : memref<8xi32, #tpu.memory_space<smem>>
        %min3A_1761 = arith.constant 512 : i32
        %min3A_1762 = arith.minsi %get3A_1760, %min3A_1761 : i32
        %swap3A_1763 = arith.index_cast %min3A_1762 : i32 to index
        %swap3A_1764 = tpu.vector_load %arg6[%swap3A_1763] masked %ge3A_1757 {strides = array<i32>} : memref<544xf32, #tpu.memory_space<vmem>>, vector<16xf32>, vector<16xi1>
        tpu.vector_store %arg6[%swap3A_1763], %gather3A_1756 masked %ge3A_1757 {strides = array<i32>} : memref<544xf32, #tpu.memory_space<vmem>>, vector<16xf32>, vector<16xi1>
        %swap3A_1765 = arith.index_cast %min3A_1762 : i32 to index
        %swap3A_1766 = tpu.vector_load %arg7[%swap3A_1765] masked %ge3A_1757 {strides = array<i32>} : memref<544xi32, #tpu.memory_space<vmem>>, vector<16xi32>, vector<16xi1>
        tpu.vector_store %arg7[%swap3A_1765], %add3A_1752 masked %ge3A_1757 {strides = array<i32>} : memref<544xi32, #tpu.memory_space<vmem>>, vector<16xi32>, vector<16xi1>
        %all_reduce_population_count3A_1767 = tpu.all_reduce %ge3A_1757 {dim = 0 : i64, kind = #tpu.reduction_kind<sum>} : vector<16xi1> -> vector<16xi32>
        %swap3A_1768 = arith.constant 0 : index
        %swap3A_1769 = tpu.vector_load %arg15[%swap3A_1768] {strides = array<i32>} : memref<16xi32, #tpu.memory_space<vmem>>, vector<16xi32>,
        tpu.vector_store %arg15[%swap3A_1768], %all_reduce_population_count3A_1767 {strides = array<i32>} : memref<16xi32, #tpu.memory_space<vmem>>, vector<16xi32>,
        %get3A_1770 = arith.constant 0 : index
        %get3A_1771 = tpu.vector_load %arg15[%get3A_1770] {strides = array<i32>} : memref<16xi32, #tpu.memory_space<vmem>>, vector<16xi32>,
        %slice3A_1772 = vector.extract_strided_slice %get3A_1771 {offsets = [0], sizes = [1], strides = [1]} : vector<16xi32> to vector<1xi32>
        %squeeze3A_1773 = vector.extract %slice3A_1772[0] : i32 from vector<1xi32>
        %add3A_1774 = arith.addi %get3A_1760, %squeeze3A_1773 : i32
        %swap3A_1775 = arith.constant 2 : i32
        %swap3A_1776 = arith.index_cast %swap3A_1775 : i32 to index
        %swap3A_1777 = memref.load %arg14[%swap3A_1776] : memref<8xi32, #tpu.memory_space<smem>>
        memref.store %add3A_1774, %arg14[%swap3A_1776] : memref<8xi32, #tpu.memory_space<smem>>
        %while3A_1778 = arith.constant 0 : i32
        scf.yield %while3A_1778 : i32
      }
      %while3A_1567 = arith.constant 1 : i32
      %while3A_1568 = scf.for %while3A_1739 = %while3A_1564 to %while3A_1560 step %while3A_1567 iter_args(%while3A_1740 = %while3A_1566) -> (i32)  : i32 {
        %get3A_1741 = arith.index_cast %while3A_1739 : i32 to index
        %get3A_1742 = tpu.vector_load %arg12[%get3A_1741] {strides = array<i32>} : memref<544xi32, #tpu.memory_space<vmem>>, vector<16xi32>,
        %slice3A_1743 = vector.extract_strided_slice %get3A_1742 {offsets = [0], sizes = [1], strides = [1]} : vector<16xi32> to vector<1xi32>
        %squeeze3A_1744 = vector.extract %slice3A_1743[0] : i32 from vector<1xi32>
        %shift_right_arithmetic3A = arith.constant 4 : i32
        %shift_right_arithmetic3A_1745 = arith.shrsi %squeeze3A_1744, %shift_right_arithmetic3A : i32
        %mul3A_1746 = arith.constant 256 : i32
        %mul3A_1747 = arith.muli %shift_right_arithmetic3A_1745, %mul3A_1746 : i32
        %and3A_1748 = arith.constant 15 : i32
        %and3A_1749 = arith.andi %squeeze3A_1744, %and3A_1748 : i32
        %add3A_1750 = arith.addi %mul3A_1747, %and3A_1749 : i32
        %add3A_1751 = vector.broadcast %add3A_1750 : i32 to vector<16xi32>
        %add3A_1752 = arith.addi %add3A_1751, %mul3A_5 : vector<16xi32>
        %add3A_1753 = arith.constant 32768 : i32
        %add3A_1754 = vector.broadcast %add3A_1753 : i32 to vector<16xi32>
        %add3A_1755 = arith.addi %add3A_1752, %add3A_1754 : vector<16xi32>
        %gather3A_1756 = tpu.vector_load_idx %arg4[%add3A_1755] : memref<65536xf32, #tpu.memory_space<vmem>>[vector<16xi32>], vector<16xf32>,
        %ge3A_1757 = arith.cmpf oge, %gather3A_1756, %broadcast_in_dim3A_988 : vector<16xf32>
        %get3A_1758 = arith.constant 2 : i32
        %get3A_1759 = arith.index_cast %get3A_1758 : i32 to index
        %get3A_1760 = memref.load %arg14[%get3A_1759] : memref<8xi32, #tpu.memory_space<smem>>
        %min3A_1761 = arith.constant 512 : i32
        %min3A_1762 = arith.minsi %get3A_1760, %min3A_1761 : i32
        %swap3A_1763 = arith.index_cast %min3A_1762 : i32 to index
        %swap3A_1764 = tpu.vector_load %arg6[%swap3A_1763] masked %ge3A_1757 {strides = array<i32>} : memref<544xf32, #tpu.memory_space<vmem>>, vector<16xf32>, vector<16xi1>
        tpu.vector_store %arg6[%swap3A_1763], %gather3A_1756 masked %ge3A_1757 {strides = array<i32>} : memref<544xf32, #tpu.memory_space<vmem>>, vector<16xf32>, vector<16xi1>
        %swap3A_1765 = arith.index_cast %min3A_1762 : i32 to index
        %swap3A_1766 = tpu.vector_load %arg7[%swap3A_1765] masked %ge3A_1757 {strides = array<i32>} : memref<544xi32, #tpu.memory_space<vmem>>, vector<16xi32>, vector<16xi1>
        tpu.vector_store %arg7[%swap3A_1765], %add3A_1752 masked %ge3A_1757 {strides = array<i32>} : memref<544xi32, #tpu.memory_space<vmem>>, vector<16xi32>, vector<16xi1>
        %all_reduce_population_count3A_1767 = tpu.all_reduce %ge3A_1757 {dim = 0 : i64, kind = #tpu.reduction_kind<sum>} : vector<16xi1> -> vector<16xi32>
        %swap3A_1768 = arith.constant 0 : index
        %swap3A_1769 = tpu.vector_load %arg15[%swap3A_1768] {strides = array<i32>} : memref<16xi32, #tpu.memory_space<vmem>>, vector<16xi32>,
        tpu.vector_store %arg15[%swap3A_1768], %all_reduce_population_count3A_1767 {strides = array<i32>} : memref<16xi32, #tpu.memory_space<vmem>>, vector<16xi32>,
        %get3A_1770 = arith.constant 0 : index
        %get3A_1771 = tpu.vector_load %arg15[%get3A_1770] {strides = array<i32>} : memref<16xi32, #tpu.memory_space<vmem>>, vector<16xi32>,
        %slice3A_1772 = vector.extract_strided_slice %get3A_1771 {offsets = [0], sizes = [1], strides = [1]} : vector<16xi32> to vector<1xi32>
        %squeeze3A_1773 = vector.extract %slice3A_1772[0] : i32 from vector<1xi32>
        %add3A_1774 = arith.addi %get3A_1760, %squeeze3A_1773 : i32
        %swap3A_1775 = arith.constant 2 : i32
        %swap3A_1776 = arith.index_cast %swap3A_1775 : i32 to index
        %swap3A_1777 = memref.load %arg14[%swap3A_1776] : memref<8xi32, #tpu.memory_space<smem>>
        memref.store %add3A_1774, %arg14[%swap3A_1776] : memref<8xi32, #tpu.memory_space<smem>>
        %while3A_1778 = arith.constant 0 : i32
        scf.yield %while3A_1778 : i32
      }
      %get3A_1569 = arith.constant 2 : i32
      %get3A_1570 = arith.index_cast %get3A_1569 : i32 to index
      %get3A_1571 = memref.load %arg14[%get3A_1570] : memref<8xi32, #tpu.memory_space<smem>>
      %min3A_1572 = arith.constant 512 : i32
      %min3A_1573 = arith.minsi %get3A_1571, %min3A_1572 : i32
      %swap3A_1574 = arith.index_cast %min3A_1573 : i32 to index
      %swap3A_1575 = tpu.vector_load %arg6[%swap3A_1574] {strides = array<i32>} : memref<544xf32, #tpu.memory_space<vmem>>, vector<16xf32>,
      tpu.vector_store %arg6[%swap3A_1574], %broadcast_in_dim3A_9 {strides = array<i32>} : memref<544xf32, #tpu.memory_space<vmem>>, vector<16xf32>,
      %get3A_1576 = arith.constant 0 : index
      %get3A_1577 = tpu.vector_load %arg6[%get3A_1576] {strides = array<i32>} : memref<544xf32, #tpu.memory_space<vmem>>, vector<16xf32>,
      %masked_sort3A_1578 = arith.constant dense<true> : vector<16xi1>
      %masked_sort3A_1579, %masked_sort3A_1580, %masked_sort3A_1581 = tpu.sort %get3A_1577, %iota3A masked %masked_sort3A_1578 {descending = true} : (vector<16xf32>, vector<16xi32>, vector<16xi1>) -> (vector<16xi1>, vector<16xf32>, vector<16xi32>)
      %add3A_1582 = arith.constant 16 : i32
      %add3A_1583 = arith.addi %min3A_1573, %add3A_1582 : i32
      %sub3A_1584 = arith.constant 1 : i32
      %sub3A_1585 = arith.subi %add3A_1583, %sub3A_1584 : i32
      %jit3A_1586 = arith.constant 16 : i32
      %div3A_1587 = arith.divsi %sub3A_1585, %jit3A_1586 : i32
      %sign3A_1588 = arith.constant 0 : i32
      %sign3A_1589 = arith.cmpi sgt, %sub3A_1585, %sign3A_1588 : i32
      %sign3A_1590 = arith.extui %sign3A_1589 : i1 to i32
      %sign3A_1591 = arith.constant 0 : i32
      %sign3A_1592 = arith.cmpi slt, %sub3A_1585, %sign3A_1591 : i32
      %sign3A_1593 = arith.extui %sign3A_1592 : i1 to i32
      %sign3A_1594 = arith.subi %sign3A_1590, %sign3A_1593 : i32
      %sign3A_1595 = arith.constant 0 : i32
      %sign3A_1596 = arith.cmpi sgt, %jit3A_1586, %sign3A_1595 : i32
      %sign3A_1597 = arith.extui %sign3A_1596 : i1 to i32
      %sign3A_1598 = arith.constant 0 : i32
      %sign3A_1599 = arith.cmpi slt, %jit3A_1586, %sign3A_1598 : i32
      %sign3A_1600 = arith.extui %sign3A_1599 : i1 to i32
      %sign3A_1601 = arith.subi %sign3A_1597, %sign3A_1600 : i32
      %ne3A_1602 = arith.cmpi ne, %sign3A_1594, %sign3A_1601 : i32
      %rem3A_1603 = arith.remsi %sub3A_1585, %jit3A_1586 : i32
      %ne3A_1604 = arith.constant 0 : i32
      %ne3A_1605 = arith.cmpi ne, %rem3A_1603, %ne3A_1604 : i32
      %and3A_1606 = arith.andi %ne3A_1602, %ne3A_1605 : i1
      %sub3A_1607 = arith.constant 1 : i32
      %sub3A_1608 = arith.subi %div3A_1587, %sub3A_1607 : i32
      %select_n3A_1609 = arith.select %and3A_1606, %sub3A_1608, %div3A_1587 : i32
      %while3A_1610 = arith.constant 1 : i32
      %while3A_1611 = arith.subi %select_n3A_1609, %while3A_1610 : i32
      %while3A_1612 = arith.addi %while3A_1610, %while3A_1611 : i32
      %while3A_1613 = arith.constant 1 : i32
      %while3A_1614 = arith.divsi %while3A_1611, %while3A_1613 : i32
      %while3A_1615 = arith.muli %while3A_1614, %while3A_1613 : i32
      %while3A_1616 = arith.addi %while3A_1610, %while3A_1615 : i32
      %while3A_1617 = arith.constant 1 : i32
      %while3A_1618 = scf.for %while3A_1739 = %while3A_1610 to %while3A_1616 step %while3A_1617 iter_args(%while3A_1740 = %masked_sort3A_1580) -> (vector<16xf32>)  : i32 {
        %mul3A_1741 = arith.constant 16 : i32
        %mul3A_1742 = arith.muli %while3A_1739, %mul3A_1741 : i32
        %get3A_1743 = arith.index_cast %mul3A_1742 : i32 to index
        %get3A_1744 = tpu.vector_load %arg6[%get3A_1743] {strides = array<i32>} : memref<544xf32, #tpu.memory_space<vmem>>, vector<16xf32>,
        %sort3A_1745 = arith.constant dense<true> : vector<16xi1>
        %sort3A_1746, %sort3A_1747, %sort3A_1748 = tpu.sort %get3A_1744, %get3A_1744 masked %sort3A_1745 : (vector<16xf32>, vector<16xf32>, vector<16xi1>) -> (vector<16xi1>, vector<16xf32>, vector<16xf32>)
        %max3A_1749 = arith.maximumf %while3A_1740, %sort3A_1747 : vector<16xf32>
        %masked_sort3A_1750 = arith.constant dense<true> : vector<16xi1>
        %masked_sort3A_1751, %masked_sort3A_1752, %masked_sort3A_1753 = tpu.sort %max3A_1749, %iota3A masked %masked_sort3A_1750 {descending = true} : (vector<16xf32>, vector<16xi32>, vector<16xi1>) -> (vector<16xi1>, vector<16xf32>, vector<16xi32>)
        scf.yield %masked_sort3A_1752 : vector<16xf32>
      }
      %while3A_1619 = arith.constant 1 : i32
      %while3A_1620 = scf.for %while3A_1739 = %while3A_1616 to %while3A_1612 step %while3A_1619 iter_args(%while3A_1740 = %while3A_1618) -> (vector<16xf32>)  : i32 {
        %mul3A_1741 = arith.constant 16 : i32
        %mul3A_1742 = arith.muli %while3A_1739, %mul3A_1741 : i32
        %get3A_1743 = arith.index_cast %mul3A_1742 : i32 to index
        %get3A_1744 = tpu.vector_load %arg6[%get3A_1743] {strides = array<i32>} : memref<544xf32, #tpu.memory_space<vmem>>, vector<16xf32>,
        %sort3A_1745 = arith.constant dense<true> : vector<16xi1>
        %sort3A_1746, %sort3A_1747, %sort3A_1748 = tpu.sort %get3A_1744, %get3A_1744 masked %sort3A_1745 : (vector<16xf32>, vector<16xf32>, vector<16xi1>) -> (vector<16xi1>, vector<16xf32>, vector<16xf32>)
        %max3A_1749 = arith.maximumf %while3A_1740, %sort3A_1747 : vector<16xf32>
        %masked_sort3A_1750 = arith.constant dense<true> : vector<16xi1>
        %masked_sort3A_1751, %masked_sort3A_1752, %masked_sort3A_1753 = tpu.sort %max3A_1749, %iota3A masked %masked_sort3A_1750 {descending = true} : (vector<16xf32>, vector<16xi32>, vector<16xi1>) -> (vector<16xi1>, vector<16xf32>, vector<16xi32>)
        scf.yield %masked_sort3A_1752 : vector<16xf32>
      }
      %reduce_min3A_1621 = arith.constant true
      %reduce_min3A_1622 = vector.broadcast %reduce_min3A_1621 : i1 to vector<16xi1>
      %reduce_min3A_1623 = tpu.scan <min>, %while3A_1620 masked %reduce_min3A_1622 : vector<16xf32>, vector<16xi1> -> vector<16xf32>
      %reduce_min3A_1624 = vector.extract %reduce_min3A_1623[15] : f32 from vector<16xf32>
      %broadcast_in_dim3A_1625 = vector.broadcast %reduce_min3A_1624 : f32 to vector<16xf32>
      %gt3A_1626 = arith.cmpf ogt, %while3A_1620, %broadcast_in_dim3A_1625 : vector<16xf32>
      %convert_element_type3A_1627 = arith.extui %gt3A_1626 : vector<16xi1> to vector<16xi32>
      %reduce_sum3A_1628 = arith.constant true
      %reduce_sum3A_1629 = vector.broadcast %reduce_sum3A_1628 : i1 to vector<16xi1>
      %reduce_sum3A_1630 = tpu.scan <sum>, %convert_element_type3A_1627 masked %reduce_sum3A_1629 : vector<16xi32>, vector<16xi1> -> vector<16xi32>
      %reduce_sum3A_1631 = vector.extract %reduce_sum3A_1630[15] : i32 from vector<16xi32>
      %swap3A_1632 = arith.constant 0 : i32
      %swap3A_1633 = arith.constant 1 : i32
      %swap3A_1634 = arith.index_cast %swap3A_1633 : i32 to index
      %swap3A_1635 = memref.load %arg14[%swap3A_1634] : memref<8xi32, #tpu.memory_space<smem>>
      memref.store %swap3A_1632, %arg14[%swap3A_1634] : memref<8xi32, #tpu.memory_space<smem>>
      %swap3A_1636 = arith.constant 0 : i32
      %swap3A_1637 = arith.constant 2 : i32
      %swap3A_1638 = arith.index_cast %swap3A_1637 : i32 to index
      %swap3A_1639 = memref.load %arg14[%swap3A_1638] : memref<8xi32, #tpu.memory_space<smem>>
      memref.store %swap3A_1636, %arg14[%swap3A_1638] : memref<8xi32, #tpu.memory_space<smem>>
      %while3A_1640 = arith.constant 0 : i32
      %while3A_1641 = arith.constant 0 : i32
      %while3A_1642 = arith.subi %select_n3A_1609, %while3A_1640 : i32
      %while3A_1643 = arith.addi %while3A_1640, %while3A_1642 : i32
      %while3A_1644 = arith.constant 1 : i32
      %while3A_1645 = arith.divsi %while3A_1642, %while3A_1644 : i32
      %while3A_1646 = arith.muli %while3A_1645, %while3A_1644 : i32
      %while3A_1647 = arith.addi %while3A_1640, %while3A_1646 : i32
      %while3A_1648 = arith.constant 1 : i32
      %while3A_1649 = scf.for %while3A_1739 = %while3A_1640 to %while3A_1647 step %while3A_1648 iter_args(%while3A_1740 = %while3A_1641) -> (i32)  : i32 {
        %mul3A_1741 = arith.constant 16 : i32
        %mul3A_1742 = arith.muli %while3A_1739, %mul3A_1741 : i32
        %get3A_1743 = arith.index_cast %mul3A_1742 : i32 to index
        %get3A_1744 = tpu.vector_load %arg6[%get3A_1743] {strides = array<i32>} : memref<544xf32, #tpu.memory_space<vmem>>, vector<16xf32>,
        %mul3A_1745 = arith.constant 16 : i32
        %mul3A_1746 = arith.muli %while3A_1739, %mul3A_1745 : i32
        %get3A_1747 = arith.index_cast %mul3A_1746 : i32 to index
        %get3A_1748 = tpu.vector_load %arg7[%get3A_1747] {strides = array<i32>} : memref<544xi32, #tpu.memory_space<vmem>>, vector<16xi32>,
        %gt3A_1749 = arith.cmpf ogt, %get3A_1744, %broadcast_in_dim3A_1625 : vector<16xf32>
        %get3A_1750 = arith.constant 1 : i32
        %get3A_1751 = arith.index_cast %get3A_1750 : i32 to index
        %get3A_1752 = memref.load %arg14[%get3A_1751] : memref<8xi32, #tpu.memory_space<smem>>
        %swap3A_1753 = arith.index_cast %get3A_1752 : i32 to index
        %swap3A_1754 = tpu.vector_load %arg8[%swap3A_1753] masked %gt3A_1749 {strides = array<i32>} : memref<32xf32, #tpu.memory_space<vmem>>, vector<16xf32>, vector<16xi1>
        tpu.vector_store %arg8[%swap3A_1753], %get3A_1744 masked %gt3A_1749 {strides = array<i32>} : memref<32xf32, #tpu.memory_space<vmem>>, vector<16xf32>, vector<16xi1>
        %swap3A_1755 = arith.index_cast %get3A_1752 : i32 to index
        %swap3A_1756 = tpu.vector_load %arg9[%swap3A_1755] masked %gt3A_1749 {strides = array<i32>} : memref<32xi32, #tpu.memory_space<vmem>>, vector<16xi32>, vector<16xi1>
        tpu.vector_store %arg9[%swap3A_1755], %get3A_1748 masked %gt3A_1749 {strides = array<i32>} : memref<32xi32, #tpu.memory_space<vmem>>, vector<16xi32>, vector<16xi1>
        %all_reduce_population_count3A_1757 = tpu.all_reduce %gt3A_1749 {dim = 0 : i64, kind = #tpu.reduction_kind<sum>} : vector<16xi1> -> vector<16xi32>
        %swap3A_1758 = arith.constant 0 : index
        %swap3A_1759 = tpu.vector_load %arg15[%swap3A_1758] {strides = array<i32>} : memref<16xi32, #tpu.memory_space<vmem>>, vector<16xi32>,
        tpu.vector_store %arg15[%swap3A_1758], %all_reduce_population_count3A_1757 {strides = array<i32>} : memref<16xi32, #tpu.memory_space<vmem>>, vector<16xi32>,
        %get3A_1760 = arith.constant 0 : index
        %get3A_1761 = tpu.vector_load %arg15[%get3A_1760] {strides = array<i32>} : memref<16xi32, #tpu.memory_space<vmem>>, vector<16xi32>,
        %slice3A_1762 = vector.extract_strided_slice %get3A_1761 {offsets = [0], sizes = [1], strides = [1]} : vector<16xi32> to vector<1xi32>
        %squeeze3A_1763 = vector.extract %slice3A_1762[0] : i32 from vector<1xi32>
        %add3A_1764 = arith.addi %get3A_1752, %squeeze3A_1763 : i32
        %swap3A_1765 = arith.constant 1 : i32
        %swap3A_1766 = arith.index_cast %swap3A_1765 : i32 to index
        %swap3A_1767 = memref.load %arg14[%swap3A_1766] : memref<8xi32, #tpu.memory_space<smem>>
        memref.store %add3A_1764, %arg14[%swap3A_1766] : memref<8xi32, #tpu.memory_space<smem>>
        %eq3A_1768 = arith.cmpf oeq, %get3A_1744, %broadcast_in_dim3A_1625 : vector<16xf32>
        %get3A_1769 = arith.constant 2 : i32
        %get3A_1770 = arith.index_cast %get3A_1769 : i32 to index
        %get3A_1771 = memref.load %arg14[%get3A_1770] : memref<8xi32, #tpu.memory_space<smem>>
        %min3A_1772 = arith.constant 512 : i32
        %min3A_1773 = arith.minsi %get3A_1771, %min3A_1772 : i32
        %swap3A_1774 = arith.index_cast %min3A_1773 : i32 to index
        %swap3A_1775 = tpu.vector_load %arg10[%swap3A_1774] masked %eq3A_1768 {strides = array<i32>} : memref<544xi32, #tpu.memory_space<vmem>>, vector<16xi32>, vector<16xi1>
        tpu.vector_store %arg10[%swap3A_1774], %get3A_1748 masked %eq3A_1768 {strides = array<i32>} : memref<544xi32, #tpu.memory_space<vmem>>, vector<16xi32>, vector<16xi1>
        %all_reduce_population_count3A_1776 = tpu.all_reduce %eq3A_1768 {dim = 0 : i64, kind = #tpu.reduction_kind<sum>} : vector<16xi1> -> vector<16xi32>
        %swap3A_1777 = arith.constant 0 : index
        %swap3A_1778 = tpu.vector_load %arg15[%swap3A_1777] {strides = array<i32>} : memref<16xi32, #tpu.memory_space<vmem>>, vector<16xi32>,
        tpu.vector_store %arg15[%swap3A_1777], %all_reduce_population_count3A_1776 {strides = array<i32>} : memref<16xi32, #tpu.memory_space<vmem>>, vector<16xi32>,
        %get3A_1779 = arith.constant 0 : index
        %get3A_1780 = tpu.vector_load %arg15[%get3A_1779] {strides = array<i32>} : memref<16xi32, #tpu.memory_space<vmem>>, vector<16xi32>,
        %slice3A_1781 = vector.extract_strided_slice %get3A_1780 {offsets = [0], sizes = [1], strides = [1]} : vector<16xi32> to vector<1xi32>
        %squeeze3A_1782 = vector.extract %slice3A_1781[0] : i32 from vector<1xi32>
        %add3A_1783 = arith.addi %get3A_1771, %squeeze3A_1782 : i32
        %swap3A_1784 = arith.constant 2 : i32
        %swap3A_1785 = arith.index_cast %swap3A_1784 : i32 to index
        %swap3A_1786 = memref.load %arg14[%swap3A_1785] : memref<8xi32, #tpu.memory_space<smem>>
        memref.store %add3A_1783, %arg14[%swap3A_1785] : memref<8xi32, #tpu.memory_space<smem>>
        %while3A_1787 = arith.constant 0 : i32
        scf.yield %while3A_1787 : i32
      }
      %while3A_1650 = arith.constant 1 : i32
      %while3A_1651 = scf.for %while3A_1739 = %while3A_1647 to %while3A_1643 step %while3A_1650 iter_args(%while3A_1740 = %while3A_1649) -> (i32)  : i32 {
        %mul3A_1741 = arith.constant 16 : i32
        %mul3A_1742 = arith.muli %while3A_1739, %mul3A_1741 : i32
        %get3A_1743 = arith.index_cast %mul3A_1742 : i32 to index
        %get3A_1744 = tpu.vector_load %arg6[%get3A_1743] {strides = array<i32>} : memref<544xf32, #tpu.memory_space<vmem>>, vector<16xf32>,
        %mul3A_1745 = arith.constant 16 : i32
        %mul3A_1746 = arith.muli %while3A_1739, %mul3A_1745 : i32
        %get3A_1747 = arith.index_cast %mul3A_1746 : i32 to index
        %get3A_1748 = tpu.vector_load %arg7[%get3A_1747] {strides = array<i32>} : memref<544xi32, #tpu.memory_space<vmem>>, vector<16xi32>,
        %gt3A_1749 = arith.cmpf ogt, %get3A_1744, %broadcast_in_dim3A_1625 : vector<16xf32>
        %get3A_1750 = arith.constant 1 : i32
        %get3A_1751 = arith.index_cast %get3A_1750 : i32 to index
        %get3A_1752 = memref.load %arg14[%get3A_1751] : memref<8xi32, #tpu.memory_space<smem>>
        %swap3A_1753 = arith.index_cast %get3A_1752 : i32 to index
        %swap3A_1754 = tpu.vector_load %arg8[%swap3A_1753] masked %gt3A_1749 {strides = array<i32>} : memref<32xf32, #tpu.memory_space<vmem>>, vector<16xf32>, vector<16xi1>
        tpu.vector_store %arg8[%swap3A_1753], %get3A_1744 masked %gt3A_1749 {strides = array<i32>} : memref<32xf32, #tpu.memory_space<vmem>>, vector<16xf32>, vector<16xi1>
        %swap3A_1755 = arith.index_cast %get3A_1752 : i32 to index
        %swap3A_1756 = tpu.vector_load %arg9[%swap3A_1755] masked %gt3A_1749 {strides = array<i32>} : memref<32xi32, #tpu.memory_space<vmem>>, vector<16xi32>, vector<16xi1>
        tpu.vector_store %arg9[%swap3A_1755], %get3A_1748 masked %gt3A_1749 {strides = array<i32>} : memref<32xi32, #tpu.memory_space<vmem>>, vector<16xi32>, vector<16xi1>
        %all_reduce_population_count3A_1757 = tpu.all_reduce %gt3A_1749 {dim = 0 : i64, kind = #tpu.reduction_kind<sum>} : vector<16xi1> -> vector<16xi32>
        %swap3A_1758 = arith.constant 0 : index
        %swap3A_1759 = tpu.vector_load %arg15[%swap3A_1758] {strides = array<i32>} : memref<16xi32, #tpu.memory_space<vmem>>, vector<16xi32>,
        tpu.vector_store %arg15[%swap3A_1758], %all_reduce_population_count3A_1757 {strides = array<i32>} : memref<16xi32, #tpu.memory_space<vmem>>, vector<16xi32>,
        %get3A_1760 = arith.constant 0 : index
        %get3A_1761 = tpu.vector_load %arg15[%get3A_1760] {strides = array<i32>} : memref<16xi32, #tpu.memory_space<vmem>>, vector<16xi32>,
        %slice3A_1762 = vector.extract_strided_slice %get3A_1761 {offsets = [0], sizes = [1], strides = [1]} : vector<16xi32> to vector<1xi32>
        %squeeze3A_1763 = vector.extract %slice3A_1762[0] : i32 from vector<1xi32>
        %add3A_1764 = arith.addi %get3A_1752, %squeeze3A_1763 : i32
        %swap3A_1765 = arith.constant 1 : i32
        %swap3A_1766 = arith.index_cast %swap3A_1765 : i32 to index
        %swap3A_1767 = memref.load %arg14[%swap3A_1766] : memref<8xi32, #tpu.memory_space<smem>>
        memref.store %add3A_1764, %arg14[%swap3A_1766] : memref<8xi32, #tpu.memory_space<smem>>
        %eq3A_1768 = arith.cmpf oeq, %get3A_1744, %broadcast_in_dim3A_1625 : vector<16xf32>
        %get3A_1769 = arith.constant 2 : i32
        %get3A_1770 = arith.index_cast %get3A_1769 : i32 to index
        %get3A_1771 = memref.load %arg14[%get3A_1770] : memref<8xi32, #tpu.memory_space<smem>>
        %min3A_1772 = arith.constant 512 : i32
        %min3A_1773 = arith.minsi %get3A_1771, %min3A_1772 : i32
        %swap3A_1774 = arith.index_cast %min3A_1773 : i32 to index
        %swap3A_1775 = tpu.vector_load %arg10[%swap3A_1774] masked %eq3A_1768 {strides = array<i32>} : memref<544xi32, #tpu.memory_space<vmem>>, vector<16xi32>, vector<16xi1>
        tpu.vector_store %arg10[%swap3A_1774], %get3A_1748 masked %eq3A_1768 {strides = array<i32>} : memref<544xi32, #tpu.memory_space<vmem>>, vector<16xi32>, vector<16xi1>
        %all_reduce_population_count3A_1776 = tpu.all_reduce %eq3A_1768 {dim = 0 : i64, kind = #tpu.reduction_kind<sum>} : vector<16xi1> -> vector<16xi32>
        %swap3A_1777 = arith.constant 0 : index
        %swap3A_1778 = tpu.vector_load %arg15[%swap3A_1777] {strides = array<i32>} : memref<16xi32, #tpu.memory_space<vmem>>, vector<16xi32>,
        tpu.vector_store %arg15[%swap3A_1777], %all_reduce_population_count3A_1776 {strides = array<i32>} : memref<16xi32, #tpu.memory_space<vmem>>, vector<16xi32>,
        %get3A_1779 = arith.constant 0 : index
        %get3A_1780 = tpu.vector_load %arg15[%get3A_1779] {strides = array<i32>} : memref<16xi32, #tpu.memory_space<vmem>>, vector<16xi32>,
        %slice3A_1781 = vector.extract_strided_slice %get3A_1780 {offsets = [0], sizes = [1], strides = [1]} : vector<16xi32> to vector<1xi32>
        %squeeze3A_1782 = vector.extract %slice3A_1781[0] : i32 from vector<1xi32>
        %add3A_1783 = arith.addi %get3A_1771, %squeeze3A_1782 : i32
        %swap3A_1784 = arith.constant 2 : i32
        %swap3A_1785 = arith.index_cast %swap3A_1784 : i32 to index
        %swap3A_1786 = memref.load %arg14[%swap3A_1785] : memref<8xi32, #tpu.memory_space<smem>>
        memref.store %add3A_1783, %arg14[%swap3A_1785] : memref<8xi32, #tpu.memory_space<smem>>
        %while3A_1787 = arith.constant 0 : i32
        scf.yield %while3A_1787 : i32
      }
      %get3A_1652 = arith.constant 2 : i32
      %get3A_1653 = arith.index_cast %get3A_1652 : i32 to index
      %get3A_1654 = memref.load %arg14[%get3A_1653] : memref<8xi32, #tpu.memory_space<smem>>
      %min3A_1655 = arith.constant 512 : i32
      %min3A_1656 = arith.minsi %get3A_1654, %min3A_1655 : i32
      %broadcast_in_dim3A_1657 = arith.constant 2147483647 : i32
      %broadcast_in_dim3A_1658 = vector.broadcast %broadcast_in_dim3A_1657 : i32 to vector<16xi32>
      %swap3A_1659 = arith.index_cast %min3A_1656 : i32 to index
      %swap3A_1660 = tpu.vector_load %arg10[%swap3A_1659] {strides = array<i32>} : memref<544xi32, #tpu.memory_space<vmem>>, vector<16xi32>,
      tpu.vector_store %arg10[%swap3A_1659], %broadcast_in_dim3A_1658 {strides = array<i32>} : memref<544xi32, #tpu.memory_space<vmem>>, vector<16xi32>,
      %get3A_1661 = arith.constant 0 : index
      %get3A_1662 = tpu.vector_load %arg10[%get3A_1661] {strides = array<i32>} : memref<544xi32, #tpu.memory_space<vmem>>, vector<16xi32>,
      %sort3A_1663 = arith.constant dense<true> : vector<16xi1>
      %sort3A_1664, %sort3A_1665, %sort3A_1666 = tpu.sort %get3A_1662, %get3A_1662 masked %sort3A_1663 : (vector<16xi32>, vector<16xi32>, vector<16xi1>) -> (vector<16xi1>, vector<16xi32>, vector<16xi32>)
      %add3A_1667 = arith.constant 16 : i32
      %add3A_1668 = arith.addi %min3A_1656, %add3A_1667 : i32
      %sub3A_1669 = arith.constant 1 : i32
      %sub3A_1670 = arith.subi %add3A_1668, %sub3A_1669 : i32
      %jit3A_1671 = arith.constant 16 : i32
      %div3A_1672 = arith.divsi %sub3A_1670, %jit3A_1671 : i32
      %sign3A_1673 = arith.constant 0 : i32
      %sign3A_1674 = arith.cmpi sgt, %sub3A_1670, %sign3A_1673 : i32
      %sign3A_1675 = arith.extui %sign3A_1674 : i1 to i32
      %sign3A_1676 = arith.constant 0 : i32
      %sign3A_1677 = arith.cmpi slt, %sub3A_1670, %sign3A_1676 : i32
      %sign3A_1678 = arith.extui %sign3A_1677 : i1 to i32
      %sign3A_1679 = arith.subi %sign3A_1675, %sign3A_1678 : i32
      %sign3A_1680 = arith.constant 0 : i32
      %sign3A_1681 = arith.cmpi sgt, %jit3A_1671, %sign3A_1680 : i32
      %sign3A_1682 = arith.extui %sign3A_1681 : i1 to i32
      %sign3A_1683 = arith.constant 0 : i32
      %sign3A_1684 = arith.cmpi slt, %jit3A_1671, %sign3A_1683 : i32
      %sign3A_1685 = arith.extui %sign3A_1684 : i1 to i32
      %sign3A_1686 = arith.subi %sign3A_1682, %sign3A_1685 : i32
      %ne3A_1687 = arith.cmpi ne, %sign3A_1679, %sign3A_1686 : i32
      %rem3A_1688 = arith.remsi %sub3A_1670, %jit3A_1671 : i32
      %ne3A_1689 = arith.constant 0 : i32
      %ne3A_1690 = arith.cmpi ne, %rem3A_1688, %ne3A_1689 : i32
      %and3A_1691 = arith.andi %ne3A_1687, %ne3A_1690 : i1
      %sub3A_1692 = arith.constant 1 : i32
      %sub3A_1693 = arith.subi %div3A_1672, %sub3A_1692 : i32
      %select_n3A_1694 = arith.select %and3A_1691, %sub3A_1693, %div3A_1672 : i32
      %while3A_1695 = arith.constant 1 : i32
      %while3A_1696 = arith.subi %select_n3A_1694, %while3A_1695 : i32
      %while3A_1697 = arith.addi %while3A_1695, %while3A_1696 : i32
      %while3A_1698 = arith.constant 1 : i32
      %while3A_1699 = arith.divsi %while3A_1696, %while3A_1698 : i32
      %while3A_1700 = arith.muli %while3A_1699, %while3A_1698 : i32
      %while3A_1701 = arith.addi %while3A_1695, %while3A_1700 : i32
      %while3A_1702 = arith.constant 1 : i32
      %while3A_1703 = scf.for %while3A_1739 = %while3A_1695 to %while3A_1701 step %while3A_1702 iter_args(%while3A_1740 = %sort3A_1665) -> (vector<16xi32>)  : i32 {
        %mul3A_1741 = arith.constant 16 : i32
        %mul3A_1742 = arith.muli %while3A_1739, %mul3A_1741 : i32
        %get3A_1743 = arith.index_cast %mul3A_1742 : i32 to index
        %get3A_1744 = tpu.vector_load %arg10[%get3A_1743] {strides = array<i32>} : memref<544xi32, #tpu.memory_space<vmem>>, vector<16xi32>,
        %masked_sort3A_1745 = arith.constant dense<true> : vector<16xi1>
        %masked_sort3A_1746 = arith.constant -2147483648 : i32
        %masked_sort3A_1747 = vector.broadcast %masked_sort3A_1746 : i32 to vector<16xi32>
        %masked_sort3A_1748 = arith.xori %get3A_1744, %masked_sort3A_1747 : vector<16xi32>
        %masked_sort3A_1749, %masked_sort3A_1750, %masked_sort3A_1751 = tpu.sort %masked_sort3A_1748, %iota3A masked %masked_sort3A_1745 {descending = true} : (vector<16xi32>, vector<16xi32>, vector<16xi1>) -> (vector<16xi1>, vector<16xi32>, vector<16xi32>)
        %masked_sort3A_1752 = arith.xori %masked_sort3A_1750, %masked_sort3A_1747 : vector<16xi32>
        %min3A_1753 = arith.minsi %while3A_1740, %masked_sort3A_1752 : vector<16xi32>
        %sort3A_1754 = arith.constant dense<true> : vector<16xi1>
        %sort3A_1755, %sort3A_1756, %sort3A_1757 = tpu.sort %min3A_1753, %min3A_1753 masked %sort3A_1754 : (vector<16xi32>, vector<16xi32>, vector<16xi1>) -> (vector<16xi1>, vector<16xi32>, vector<16xi32>)
        scf.yield %sort3A_1756 : vector<16xi32>
      }
      %while3A_1704 = arith.constant 1 : i32
      %while3A_1705 = scf.for %while3A_1739 = %while3A_1701 to %while3A_1697 step %while3A_1704 iter_args(%while3A_1740 = %while3A_1703) -> (vector<16xi32>)  : i32 {
        %mul3A_1741 = arith.constant 16 : i32
        %mul3A_1742 = arith.muli %while3A_1739, %mul3A_1741 : i32
        %get3A_1743 = arith.index_cast %mul3A_1742 : i32 to index
        %get3A_1744 = tpu.vector_load %arg10[%get3A_1743] {strides = array<i32>} : memref<544xi32, #tpu.memory_space<vmem>>, vector<16xi32>,
        %masked_sort3A_1745 = arith.constant dense<true> : vector<16xi1>
        %masked_sort3A_1746 = arith.constant -2147483648 : i32
        %masked_sort3A_1747 = vector.broadcast %masked_sort3A_1746 : i32 to vector<16xi32>
        %masked_sort3A_1748 = arith.xori %get3A_1744, %masked_sort3A_1747 : vector<16xi32>
        %masked_sort3A_1749, %masked_sort3A_1750, %masked_sort3A_1751 = tpu.sort %masked_sort3A_1748, %iota3A masked %masked_sort3A_1745 {descending = true} : (vector<16xi32>, vector<16xi32>, vector<16xi1>) -> (vector<16xi1>, vector<16xi32>, vector<16xi32>)
        %masked_sort3A_1752 = arith.xori %masked_sort3A_1750, %masked_sort3A_1747 : vector<16xi32>
        %min3A_1753 = arith.minsi %while3A_1740, %masked_sort3A_1752 : vector<16xi32>
        %sort3A_1754 = arith.constant dense<true> : vector<16xi1>
        %sort3A_1755, %sort3A_1756, %sort3A_1757 = tpu.sort %min3A_1753, %min3A_1753 masked %sort3A_1754 : (vector<16xi32>, vector<16xi32>, vector<16xi1>) -> (vector<16xi1>, vector<16xi32>, vector<16xi32>)
        scf.yield %sort3A_1756 : vector<16xi32>
      }
      %swap3A_1706 = arith.constant 0 : index
      %swap3A_1707 = tpu.vector_load %arg10[%swap3A_1706] {strides = array<i32>} : memref<544xi32, #tpu.memory_space<vmem>>, vector<16xi32>,
      tpu.vector_store %arg10[%swap3A_1706], %while3A_1705 {strides = array<i32>} : memref<544xi32, #tpu.memory_space<vmem>>, vector<16xi32>,
      %sub3A_1708 = vector.broadcast %reduce_sum3A_1631 : i32 to vector<16xi32>
      %sub3A_1709 = arith.subi %iota3A, %sub3A_1708 : vector<16xi32>
      %max3A_1710 = arith.constant 0 : i32
      %max3A_1711 = vector.broadcast %max3A_1710 : i32 to vector<16xi32>
      %max3A_1712 = arith.maxsi %sub3A_1709, %max3A_1711 : vector<16xi32>
      %gather3A_1713 = tpu.vector_load_idx %arg10[%max3A_1712] : memref<544xi32, #tpu.memory_space<vmem>>[vector<16xi32>], vector<16xi32>,
      %lt3A_1714 = vector.broadcast %reduce_sum3A_1631 : i32 to vector<16xi32>
      %lt3A_1715 = arith.cmpi slt, %iota3A, %lt3A_1714 : vector<16xi32>
      %get3A_1716 = arith.constant 0 : index
      %get3A_1717 = tpu.vector_load %arg9[%get3A_1716] {strides = array<i32>} : memref<32xi32, #tpu.memory_space<vmem>>, vector<16xi32>,
      %select_n3A_1718 = arith.select %lt3A_1715, %get3A_1717, %gather3A_1713 : vector<16xi1>, vector<16xi32>
      %lt3A_1719 = vector.broadcast %reduce_sum3A_1631 : i32 to vector<16xi32>
      %lt3A_1720 = arith.cmpi slt, %iota3A, %lt3A_1719 : vector<16xi32>
      %get3A_1721 = arith.constant 0 : index
      %get3A_1722 = tpu.vector_load %arg8[%get3A_1721] {strides = array<i32>} : memref<32xf32, #tpu.memory_space<vmem>>, vector<16xf32>,
      %select_n3A_1723 = arith.select %lt3A_1720, %get3A_1722, %broadcast_in_dim3A_1625 : vector<16xi1>, vector<16xf32>
      %masked_sort3A_1724 = arith.constant dense<true> : vector<16xi1>
      %masked_sort3A_1725 = arith.constant -2147483648 : i32
      %masked_sort3A_1726 = vector.broadcast %masked_sort3A_1725 : i32 to vector<16xi32>
      %masked_sort3A_1727 = arith.xori %select_n3A_1718, %masked_sort3A_1726 : vector<16xi32>
      %masked_sort3A_1728, %masked_sort3A_1729, %masked_sort3A_1730 = tpu.sort %masked_sort3A_1727, %select_n3A_1723 masked %masked_sort3A_1724 : (vector<16xi32>, vector<16xf32>, vector<16xi1>) -> (vector<16xi1>, vector<16xi32>, vector<16xf32>)
      %masked_sort3A_1731 = arith.xori %masked_sort3A_1729, %masked_sort3A_1726 : vector<16xi32>
      %add3A_1732 = arith.constant 1 : i32
      %add3A_1733 = arith.addi %mul3A_62, %add3A_1732 : i32
      %mul3A_1734 = arith.constant 16 : i32
      %mul3A_1735 = arith.muli %add3A_1733, %mul3A_1734 : i32
      %swap3A_1736 = arith.index_cast %mul3A_1735 : i32 to index
      %swap3A_1737 = tpu.vector_load %arg13[%swap3A_1736] {strides = array<i32>} : memref<1024xf32, #tpu.memory_space<vmem>>, vector<16xf32>,
      tpu.vector_store %arg13[%swap3A_1736], %masked_sort3A_1730 {strides = array<i32>} : memref<1024xf32, #tpu.memory_space<vmem>>, vector<16xf32>,
      %scan3A_1738 = arith.constant 0 : i32
      scf.yield %scan3A_1738 : i32
    }
    %scan3A_56 = arith.constant 32 : i32
    %mul3A_57 = arith.constant 16 : i32
    %mul3A_58 = arith.muli %mul3A_2, %mul3A_57 : i32
    "tpu.region"() ({
      %run_scoped3A = tpu.sem_alloc : memref<!tpu.dma_semaphore, #tpu.memory_space<semaphore_mem>>
      %dma_start3A_59 = tpu.memref_slice %arg3[%mul3A_58] : memref<32768xf32, #tpu.memory_space<hbm>> -> memref<1024xf32, #tpu.memory_space<hbm>>
      %dma_start3A_60 = tpu.memref_slice %arg3[%mul3A_58] : memref<32768xf32, #tpu.memory_space<hbm>> -> memref<1024xf32, #tpu.memory_space<hbm>>
      tpu.enqueue_dma source(%arg13 : memref<1024xf32, #tpu.memory_space<vmem>>) target(%dma_start3A_60 : memref<1024xf32, #tpu.memory_space<hbm>>) target_semaphore(%run_scoped3A : memref<!tpu.dma_semaphore, #tpu.memory_space<semaphore_mem>>)
      %dma_wait3A = tpu.memref_slice %arg3[%mul3A_58] : memref<32768xf32, #tpu.memory_space<hbm>> -> memref<1024xf32, #tpu.memory_space<hbm>>
      %dma_wait3A_61 = tpu.memref_slice %arg3[%mul3A_58] : memref<32768xf32, #tpu.memory_space<hbm>> -> memref<1024xf32, #tpu.memory_space<hbm>>
      tpu.wait_dma2 semaphore(%run_scoped3A : memref<!tpu.dma_semaphore, #tpu.memory_space<semaphore_mem>>) src(%arg13 : memref<1024xf32, #tpu.memory_space<vmem>>) dst(%dma_wait3A_61 : memref<1024xf32, #tpu.memory_space<hbm>>)
      tpu.yield
    }) : () -> ()
    return
  }
}

</mosaic_0001>

<sc_bundles>
// kernel: _kmax_sc.3.cloned.1.call-start
scs
__scs_entry_jumppad:
0x0: {  	(pc) =	sbr.rel $0x88, $3  }
0x1: {  	(tag) =	ssettag $0x0;
	lr =	simm.s32 $0x1  }
0x2: {  	[smem:$0x3FA0] =	sst lr;
	_ =	strace $0xD0000000  }
0x3: {  	_ = 	snop  }
0x4: {  	_ = 	snop  }
0x5: {  	_ = 	snop  }
0x6: {  	_ = 	snop  }
0x7: {  	_ = 	snop  }
__scs_overlays_trampoline_lowered:
0x8: {  	[smem:$0x3FAF] =	sst s0  }
0x9: {  	[smem:$0x3FB0] =	sst s1  }
0xa: {  	[smem:$0x3FB1] =	sst s2  }
0xb: {  	[smem:$0x3FB2] =	sst s3  }
0xc: {  	[smem:$0x3FB3] =	sst s4  }
0xd: {  	[smem:$0x3FB4] =	sst s5  }
0xe: {  	[smem:$0x3FB5] =	sst s6  }
0xf: {  	[smem:$0x3FB6] =	sst s7  }
0x10: {  	[smem:$0x3FB7] =	sst s8  }
0x11: {  	[smem:$0x3FB8] =	sst s9;
	s0 =	simm.s32 @!p0 $0x0  }
0x12: {  	s1 =	sld [smem:$0x3F9E];
	s0 =	simm.s32 @p0 $0x1  }
0x13: {  	[smem:$0x3FB9] =	sst s0;
	s0 =	simm.s32 @!p1 $0x0  }
0x14: {  	s2 =	sld [smem:$0x3F9D];
	s0 =	simm.s32 @p1 $0x1  }
0x15: {  	[smem:$0x3FBA] =	sst s0;
	s0 =	simm.s32 @!p2 $0x0  }
0x16: {  	s3 =	sld [smem:$0x3FDB];
	s0 =	simm.s32 @p2 $0x1  }
0x17: {  	s4 =	simm.s32 $0x1BF5;
	[smem:$0x3FBC] =	sst s0  }
0x18: {  	s0 =	sld [smem:$0x3F9F];
	_ =	swait.ge [sflag:s4], $0x0  }
0x19: {  	s7 =	sld [smem:$0x3FA0]  }
0x1a: {  	s8 =	sadd.s32 $0xFFFFE003, lr  }
0x1b: {  	s9 =	sadd.s32 $0xFFFFFEF7, lr;
	s5 =	simm.s32 $0xFFFFFFFF;
	p2 =	slt.u32 s8, $0xFFFFF086  }
0x1c: {  	p1 =	slt.u32 s9, $0xF7A;
	s5 =	simm.s32 @!p2 $0x0  }
0x1d: {  	s5 =	simm.s32 @p1 $0x1;
	p0 =	seq.s32 s7, s2  }
0x1e: {  	s7 =	smul.u32 @!p0 $0xF7A, s2;
	p2 =	seq.s32 @!p0 s5, $0x0  }
0x1f: {  	s9 =	smul.u32 $0xF7A, s1;
	s8 =	simm.s32 @!p0 $0x1BF5;
	p2 =	por !p2, p0  }
0x20: {  	[sflag:s8] =	ssyncset.s32 @!p0 $0xFFFFF086;
	s6 =	sadd.s32 @!p0 s3, s7;
	s7 =	simm.s32 @!p0 $0x108  }
0x21: {  	s3 =	sadd.s32 s3, s9;
	s6 =	sadd.s32 @!p0 $0x88, s6;
	s7 =	simm.s32 @p2 $0x1082  }
0x22: {  	[simem:s7], [sflag:s8] =	dma.local @!p0 [hbm:s6], $0xF7A  }
0x23: {  	s9 =	sor.u32 $0xD0000000, s2;
	s6 =	simm.s32 $0x108;
	_ =	swait.ge @!p0 [sflag:s8], $0x0  }
0x24: {  	s3 =	sadd.s32 $0x88, s3;
	s6 =	simm.s32 @!p1 $0x1082;
	[sflag:s4] =	ssyncset.s32 $0xFFFFF086  }
0x25: {  	[simem:s6], [sflag:s4] =	dma.local [hbm:s3], $0xF7A  }
0x26: {  	[smem:$0x3FA0] =	sst s1;
	(tag) =	ssettag s2;
	_ =	strace s9  }
0x27: {  	s1 =	sld [smem:$0x3FB0]  }
0x28: {  	s2 =	sld [smem:$0x3FB1]  }
0x29: {  	s4 =	sld [smem:$0x3FB3]  }
0x2a: {  	p0 =	seq.s32 s5, $0x0;
	s5 =	sld [smem:$0x3FB4]  }
0x2b: {  	s6 =	sld [smem:$0x3FB5]  }
0x2c: {  	s7 =	sld [smem:$0x3FB6]  }
0x2d: {  	s3 =	simm.s32 $0x108;
	s8 =	sld [smem:$0x3FB7]  }
0x2e: {  	s3 =	simm.s32 @!p0 $0x1082;
	s9 =	sld [smem:$0x3FB8]  }
0x2f: {  	lr =	sadd.s32 s0, s3;
	s0 =	sld [smem:$0x3FAF]  }
0x30: {  	s3 =	sld [smem:$0x3FB2]  }
0x31: {  	[smem:$0x3FBB] =	sst s10  }
0x32: {  	s10 =	sld [smem:$0x3FB9];
	_ =	sdelay $0x3  }
0x33: {  	p0 =	seq.s32 s10, $0x1;
	s10 =	sld [smem:$0x3FBB];
	_ =	sdelay $0x3  }
0x34: {  	[smem:$0x3FBB] =	sst s10  }
0x35: {  	s10 =	sld [smem:$0x3FBA];
	_ =	sdelay $0x3  }
0x36: {  	p1 =	seq.s32 s10, $0x1;
	s10 =	sld [smem:$0x3FBB];
	_ =	sdelay $0x3  }
0x37: {  	[smem:$0x3FBB] =	sst s10  }
0x38: {  	s10 =	sld [smem:$0x3FBC]  }
0x39: {  	_ = 	snop;
	(pc) =	sbr.ind lr, $3  }
0x3a: {  	_ = 	snop  }
0x3b: {  	_ = 	snop  }
0x3c: {  	p2 =	seq.s32 s10, $0x1;
	s10 =	sld [smem:$0x3FBB]  }
0x3d: {  	_ =	shalt  }
0x3e: {  	_ =	shalt  }
0x3f: {  	_ =	shalt  }
0x40: {  	_ =	shalt  }
0x41: {  	_ =	shalt  }
0x42: {  	_ =	shalt  }
0x43: {  	_ =	shalt  }
0x44: {  	_ =	shalt  }
0x45: {  	_ =	shalt  }
0x46: {  	_ =	shalt  }
0x47: {  	_ =	shalt  }
0x48: {  	_ =	shalt  }
0x49: {  	_ =	shalt  }
0x4a: {  	_ =	shalt  }
0x4b: {  	_ =	shalt  }
0x4c: {  	_ =	shalt  }
0x4d: {  	_ =	shalt  }
0x4e: {  	_ =	shalt  }
0x4f: {  	_ =	shalt  }
0x50: {  	_ =	shalt  }
0x51: {  	_ =	shalt  }
0x52: {  	_ =	shalt  }
0x53: {  	_ =	shalt  }
0x54: {  	_ =	shalt  }
0x55: {  	_ =	shalt  }
0x56: {  	_ =	shalt  }
0x57: {  	_ =	shalt  }
0x58: {  	_ =	shalt  }
0x59: {  	_ =	shalt  }
0x5a: {  	_ =	shalt  }
0x5b: {  	_ =	shalt  }
0x5c: {  	_ =	shalt  }
0x5d: {  	_ =	shalt  }
0x5e: {  	_ =	shalt  }
0x5f: {  	_ =	shalt  }
0x60: {  	_ =	shalt  }
0x61: {  	_ =	shalt  }
0x62: {  	_ =	shalt  }
0x63: {  	_ =	shalt  }
0x64: {  	_ =	shalt  }
0x65: {  	_ =	shalt  }
0x66: {  	_ =	shalt  }
0x67: {  	_ =	shalt  }
0x68: {  	_ =	shalt  }
0x69: {  	_ =	shalt  }
0x6a: {  	_ =	shalt  }
0x6b: {  	_ =	shalt  }
0x6c: {  	_ =	shalt  }
0x6d: {  	_ =	shalt  }
0x6e: {  	_ =	shalt  }
0x6f: {  	_ =	shalt  }
0x70: {  	_ =	shalt  }
0x71: {  	_ =	shalt  }
0x72: {  	_ =	shalt  }
0x73: {  	_ =	shalt  }
0x74: {  	_ =	shalt  }
0x75: {  	_ =	shalt  }
0x76: {  	_ =	shalt  }
0x77: {  	_ =	shalt  }
0x78: {  	_ =	shalt  }
0x79: {  	_ =	shalt  }
0x7a: {  	_ =	shalt  }
0x7b: {  	_ =	shalt  }
0x7c: {  	_ =	shalt  }
0x7d: {  	_ =	shalt  }
0x7e: {  	_ =	shalt  }
0x7f: {  	_ =	shalt  }
0x80: {  	_ =	shalt  }
0x81: {  	_ =	shalt  }
0x82: {  	_ =	shalt  }
0x83: {  	_ =	shalt  }
0x84: {  	_ =	shalt  }
0x85: {  	_ =	shalt  }
0x86: {  	_ =	shalt  }
0x87: {  	_ =	shalt  }
.Lfunc_end0:
.L_simem_size_0:
called_computation_lowered:
.L_overlay_start_0:
0x88: {  	s2 =	sld [smem:$0x3FD9]  }
0x89: {  	s3 =	sld [smem:$0x3FFE];
	_ =	sdelay $0x1  }
0x8a: {  	s1 =	srdreg.scid  }
0x8b: {  	s0 =	sand.u32 $0x1, s1  }
0x8c: {  	s18 =	sshll.u32 s0, $0xA;
	s2 =	sadd.s32 s3, s2  }
0x8d: {  	s2 =	sadd.s32 s2, s18  }
0x8e: {  	[smem:$0x3FC7] =	sst s2  }
0x8f: {  	_ = 	snop  }
0x90: {  	s2 =	sld [smem:$0x3FC9]  }
0x91: {  	s19 =	sld [smem:$0x3FD0];
	(tm) =	ssettm $0x1  }
0x92: {  	s4 =	sld [smem:$0x3FFB];
	_ =	sdelay $0x3  }
0x93: {  	_ =	strace s4  }
0x94: {  	s4 =	sld [smem:$0x3FFC];
	_ =	sdelay $0x3  }
0x95: {  	_ =	strace s4  }
0x96: {  	s4 =	sld [smem:$0x3FFD];
	_ =	sdelay $0x3  }
0x97: {  	_ =	strace s4  }
0x98: {  	_ =	strace $0x8FFFFFFF  }
0x99: {  	s20 =	sld [smem:$0x3FDB];
	_ =	sdelay $0x1  }
0x9a: {  	s5 =	simm.s32 $_scs_section_size  }
0x9b: {  	s6 =	simm.s32 $_size__tile_overlayer_lowered;
	s7 =	simm.s32 $_tile_overlayer_lowered  }
0x9c: {  	s23 =	simm.s32 $0x1BFF;
	s22 =	sshll.u32 s7, $0x1;
	s4 =	sadd.s32 s5, s20  }
0x9d: {  	s8 =	simm.s32 $0x0;
	s21 =	sshll.u32 s6, $0x1;
	s6 =	sadd.s32 s22, s4  }
0x9e: {  	[timem:s8], [sflag:s23] =	dma.local [hbm:s6], s21  }
0x9f: {  	_ =	swait.ge [sflag:s23], s21  }
0xa0: {  	s5 =	ssub.s32 $0x0, s21;
	[sflag:s23] =	ssyncset.done $0x0  }
0xa1: {  	[sflag:s23] =	ssyncadd.s32 s5;
	_ =	sdelay $0x1  }
0xa2: {  	s24 =	simm.s32 $0x1B8B  }
0xa3: {  	_ =	swait.ge [sflag:s24], $0x1  }
0xa4: {  	[sflag:s24] =	ssyncset.done $0x0  }
0xa5: {  	s25 =	simm.s32 $0x1B8E;
	[sflag:s24] =	ssyncadd.s32 $0xFFFFFFFF  }
0xa6: {  	s26 =	simm.s32 $execute0_lowered;
	[smem:$0x3FD2] =	sst s25  }
0xa7: {  	s5 =	sshll.u32 s26, $0x1;
	_ =	strace $0x80000046;
	[dreg:$0x1] =	wrdreg $0xFFFFFFFF  }
0xa8: {  	s28 =	simm.s32 $_size_execute0_lowered;
	s4 =	sadd.s32 s4, s5;
	[dreg:$0x0] =	wrdreg $0x0  }
0xa9: {  	s5 =	sshll.u32 s28, $0x1;
	[dreg:$0x2] =	wrdreg s4  }
0xaa: {  	[dreg:$0x3] =	wrdreg s5  }
0xab: {  	[dreg:$0x4] =	wrdreg $0xC0  }
0xac: {  	_ =	task [dreg:s8], $0x5FFFF  }
0xad: {  	[dreg:$0x1] =	wrdreg $0xFFFFFFFF  }
0xae: {  	[dreg:$0x0] =	wrdreg $0x60  }
0xaf: {  	[dreg:$0x2] =	wrdreg s2  }
0xb0: {  	[dreg:$0x3] =	wrdreg s19  }
0xb1: {  	[dreg:$0x4] =	wrdreg $0x9  }
0xb2: {  	_ =	task.clear_ibuf [dreg:s8], $0x5FFFF;
	_ =	strace $0x90000046  }
0xb3: {  	s29 =	simm.s32 $0x9;
	_ =	strace $0x80000048  }
0xb4: {  	_ =	swait.ge [sflag:s29], $0x1  }
0xb5: {  	[sflag:s29] =	ssyncadd.s32 $0xFFFFFFFF  }
0xb6: {  	_ =	strace $0x90000048  }
0xb7: {  	_ =	sfence  }
0xb8: {  	s30 =	sld [smem:$0x0];
	_ =	sdelay $0x2  }
0xb9: {  	s31 =	sshll.u32 s1, $0xD;
	s1 =	sshrl.u32 s1, $0x2  }
0xba: {  	s3 =	sand.u32 $0x4000, s31;
	s1 =	sadd.s32 s1, s30  }
0xbb: {  	s0 =	sor.u32 s3, s0;
	s1 =	sshll.u32 s1, $0x11  }
0xbc: {  	s0 =	sor.u32 s1, s0  }
0xbd: {  	s0 =	sadd.s32 $0x8F2B, s0  }
0xbe: {  	[sflag:s0] =	ssyncadd.remote.s32 $0x1  }
0xbf: {  	_ =	sfence.sel $0xFFFF  }
0xc0: {  	[dreg:$0x0] =	wrdreg $0xFFFFFFFF;
	(pc) =	sbr.abs _section_cstart, $3  }
0xc1: {  	[dreg:$0x1] =	wrdreg $0xFFFFFFFF  }
0xc2: {  	_ =	task.clear_ibuf [dreg:s8], $0x2FFFF;
	_ =	strace $0x9FFFFFFF  }
0xc3: {  	(tm) =	ssettm $0x7FFFFFFF  }
tec
execute0_lowered:
.L_overlay_start_1:
0x0: {  	(tag) =	ssettag $0x1  }
0x1: {  	s2 =	rddreg [dreg:$0x0]  }
0x2: {  	s6 =	rddreg [dreg:$0x1]  }
0x3: {  	s3 =	srdreg.scid;
	s0 =	rddreg [dreg:$0x2]  }
0x4: {  	s1 =	stileid.u32;
	s9 =	simm.s32 $0x400;
	s10 =	simm.s32 $0x1  }
0x5: {  	s11 =	simm.s32 $0x8000;
	s12 =	simm.s32 $0x10000;
	s13 =	simm.s32 $0x10E00  }
0x6: {  	s14 =	simm.s32 $0x2;
	s15 =	simm.s32 $0x11400;
	s16 =	simm.s32 $0x3  }
0x7: {  	s17 =	simm.s32 $0x0;
	s4 =	sand.u32 $0x1, s3;
	s3 =	simm.s32 $0x0  }
.Ltmp0:
0x8: {  	v0 =	vlaneseq.u32;
	s7 =	sshll.u32 s1, $0x1;
	s5 =	ssub.s32 $0x2, s4;
	(pc) =	sbr.rel .LBB2_1-.Ltmp0, $4  }
0x9: {  	v10 =	vimm.f32 $-Inf;
	v11 =	vimm.s32 $0x0;
	v12 =	vimm.s32 $0x7FFFFFFF;
	[smem:$0x7FF] =	sst s3;
	s7 =	sor.u32 s4, s7;
	s8 =	sshrl.u32 s5, $0x1  }
0xa: {  	v1 =	vmul.u32 $0x80, v0;
	v2 =	vor.u32 $0x10, v0;
	v3 =	vor.u32 $0x20, v0;
	_ =	strace $0x80000047;
	s31 =	sshll.u32 s7, $0x12;
	s4 =	sshll.u32 s7, $0x6  }
0xb: {  	v4 =	vor.u32 $0x30, v0;
	v5 =	vor.u32 $0x40, v0;
	v6 =	vor.u32 $0x50, v0;
	s7 =	sshll.u32 s7, $0x7;
	s8 =	ssub.s32 s5, s8;
	s5 =	sadd.s32 s2, s31  }
0xc: {  	v7 =	vor.u32 $0x60, v0;
	v8 =	vor.u32 $0x70, v0;
	v9 =	vmul.u32 $0x10, v0;
	s6 =	sadd.s32 s6, s7;
	s7 =	smax.u32 s8, $0x1;
	s8 =	simm.s32 $0x80  }
.LBB2_77:
0xd: {  	s17 =	sadd.s32 $0x1, s17  }
0xe: {  	p0 =	sne.s32 s17, s7  }
.Ltmp1:
0xf: {  	_ = 	snop;
	(pc) =	sbr.rel @!p0 .LBB2_78-.Ltmp1, $4  }
0x10: {  	[hbm4b:s6+s3] =	stream.linear.scatter [tilespmem:s15], [sflag:$0x3], $0x400, $0x38;
	[tilespmem:$0x11880] =	vst v63  }
0x11: {  	_ =	swait.ge [sflag:s16], $0x400  }
0x12: {  	[sflag:s16] =	ssyncset.done $0x0  }
0x13: {  	[sflag:s16] =	ssyncadd.s32 $0xFFFFFC00  }
.LBB2_1:
.Ltmp2:
0x14: {  	(pc) =	sbr.rel .LBB2_2-.Ltmp2, $3  }
0x15: {  	_ =	sdelay $0x1  }
0x16: {  	[tilespmem:s3], [sflag:$0x1] =	stream.strided.gather [hbm4b:s5+s8], $0x8000, s9, s8, $0x38;
	[tilespmem:$0x11880] =	vst v63  }
0x17: {  	s18 =	simm.s32 $0x0  }
.LBB2_70:
0x18: {  	_ = 	snop  }
.LBB2_75:
0x19: {  	v17, _, _ =	vpop @p0 (xrf1)  }
0x1a: {  	v18, _, _ =	vpop @p1 (xrf1)  }
0x1b: {  	v17 =	vxor.u32 @p0 $0x80000000, v17;
	v18 =	vpsel p1, v18, v15  }
0x1c: {  	v16 =	vxor.u32 $0x80000000, v16;
	vm0 =	vlt.s32 @p0 v18, v17  }
0x1d: {  	(xrf1) =	vsort.dscd.msk.u32 $0xffff, v16, v0;
	v16 =	vsel @p0 vm0, v18, v17  }
0x1e: {  	(xrf1) =	vsort.ascd.msk.u32 @p0 $0xffff, v16, v16;
	_ =	sdelay $0xc  }
0x1f: {  	v16, _, _ =	vpop (xrf1)  }
0x20: {  	v17, _, _ =	vpop @p0 (xrf1)  }
0x21: {  	v16 =	vxor.u32 $0x80000000, v16;
	v15 =	vpsel p0, v17, v15  }
0x22: {  	vm15 =	vlt.s32 v15, v16  }
0x23: {  	v15 =	vsel vm15, v15, v16  }
0x24: {  	(xrf1) =	vsort.ascd.msk.u32 $0xffff, v15, v15;
	_ =	sdelay $0xd  }
0x25: {  	v15, _, _ =	vpop (xrf1)  }
.LBB2_76:
0x26: {  	v14 =	vbroadcast v14, $0xF;
	_ =	sdelay $0x1  }
0x27: {  	v16 =	vsub.s32 v0, v14  }
0x28: {  	vm0 =	vgt.s32 v16, $0x0  }
0x29: {  	v16 =	vnsel vm0, $0x0, v16;
	_ =	sdelay $0x3  }
0x2a: {  	[tilespmem:$0x10E00] =	vst v15;
	v63 =	vld [tilespmem:$0x10D80]  }
0x2b: {  	v15 =	vld.idx.msk [tilespmem:v16+s13+$0x0], $0xffff  }
0x2c: {  	v17 =	vld [tilespmem:$0x10D00];
	_ =	sdelay $0x2  }
0x2d: {  	vm15 =	vlt.s32 v0, v14  }
0x2e: {  	v14 =	vsel vm15, v63, v15  }
0x2f: {  	v13 =	vsel vm15, v17, v13;
	v14 =	vxor.u32 $0x80000000, v14  }
0x30: {  	(xrf1) =	vsort.ascd.msk.u32 $0xffff, v14, v13;
	_ =	sdelay $0x8  }
0x31: {  	s18 =	sadd.s32 $0x1, s18  }
0x32: {  	p0 =	sne.s32 s18, $0x20  }
.Ltmp3:
0x33: {  	_ = 	snop;
	(pc) =	sbr.rel @!p0 .LBB2_77-.Ltmp3, $3  }
0x34: {  	_ =	sdelay $0x1  }
0x35: {  	s19 =	sand.u32 $0x3FFFFFF0, s19;
	_, v13, _ =	vpop (xrf1)  }
0x36: {  	[tilespmem:s19+$0x11400] =	vst v13  }
.LBB2_2:
0x37: {  	s20 =	sshll.u32 s18, $0x1  }
0x38: {  	_ =	swait.ge [sflag:s10], $0x8000;
	s19 =	sshllo.u32 s18, $0x1;
	s21 =	sadd.s32 s4, s20  }
0x39: {  	s22 =	sshll.u32 s18, $0xD;
	s19 =	sshll.u32 s19, $0x4;
	s21 =	sshll.u32 s21, $0xC  }
0x3a: {  	s22 =	sand.u32 $0x18000, s22;
	s23 =	sand.u32 $0x70, s19;
	s21 =	sand.u32 $0xFFE0000, s21  }
0x3b: {  	[sflag:s10] =	ssyncset.done $0x0;
	s28 =	sadd.s32 s2, s23;
	s21 =	sor.u32 s21, s22  }
0x3c: {  	s29 =	simm.s32 $0x200;
	[sflag:s10] =	ssyncadd.s32 $0xFFFF8000;
	s21 =	sadd.s32 s21, s28  }
0x3d: {  	[tilespmem:s11], [sflag:$0x2] =	stream.strided.gather [hbm4b:s21+s8], $0x8000, s9, s8, $0x38;
	[tilespmem:$0x11880] =	vst v63  }
0x3e: {  	v14 =	vld [tilespmem:s29+$0xF0]  }
0x3f: {  	v18 =	vld [tilespmem:s29+$0xD0]  }
0x40: {  	v13 =	vld [tilespmem:s29+$0x170]  }
0x41: {  	v15 =	vld [tilespmem:s29+$0x160]  }
0x42: {  	v16 =	vld [tilespmem:s29+$0x150]  }
0x43: {  	v17 =	vld [tilespmem:s29+$0x140]  }
0x44: {  	v19 =	vld [tilespmem:s29+$0x130]  }
0x45: {  	v20 =	vld [tilespmem:s29+$0x120]  }
0x46: {  	v21 =	vld [tilespmem:s29+$0x110]  }
0x47: {  	v22 =	vld [tilespmem:s29+$0x100]  }
0x48: {  	v23 =	vld [tilespmem:s29+$0xB0]  }
0x49: {  	v24 =	vld [tilespmem:s29+$0xA0]  }
0x4a: {  	v25 =	vld [tilespmem:s29+$0x90]  }
0x4b: {  	v26 =	vld [tilespmem:s29+$0x80]  }
0x4c: {  	v27 =	vld [tilespmem:s29+$0x70]  }
0x4d: {  	v28 =	vld [tilespmem:s29+$0x60]  }
0x4e: {  	v29 =	vld [tilespmem:s29+$0x50]  }
0x4f: {  	v30 =	vld [tilespmem:s29+$0x40]  }
0x50: {  	v31 =	vld [tilespmem:s29+$0x30]  }
0x51: {  	v32 =	vld [tilespmem:s29+$0x20]  }
0x52: {  	v33 =	vld [tilespmem:s29+$0x10]  }
0x53: {  	v34 =	vld [tilespmem:s29+$0xFFFFFFF0]  }
0x54: {  	v35 =	vld [tilespmem:s29+$0xFFFFFFE0]  }
0x55: {  	v36 =	vld [tilespmem:s29+$0x0]  }
0x56: {  	v37 =	vld [tilespmem:s29+$0xFFFFFFC0]  }
0x57: {  	v38 =	vld [tilespmem:s29+$0xFFFFFFB0]  }
0x58: {  	v39 =	vld [tilespmem:s29+$0xFFFFFFA0]  }
0x59: {  	v40 =	vld [tilespmem:s29+$0xFFFFFF90]  }
0x5a: {  	v41 =	vld [tilespmem:s29+$0xFFFFFF80]  }
0x5b: {  	v42 =	vld [tilespmem:s29+$0xFFFFFEF0]  }
0x5c: {  	v43 =	vld [tilespmem:s29+$0xFFFFFEE0]  }
0x5d: {  	v44 =	vld [tilespmem:s29+$0xFFFFFED0]  }
0x5e: {  	v45 =	vld [tilespmem:s29+$0xFFFFFF70]  }
0x5f: {  	v46 =	vld [tilespmem:s29+$0xFFFFFF60]  }
0x60: {  	v47 =	vld [tilespmem:s29+$0xFFFFFF50]  }
0x61: {  	v48 =	vld [tilespmem:s29+$0xFFFFFF40]  }
0x62: {  	v49 =	vld [tilespmem:s29+$0xFFFFFF30]  }
0x63: {  	v50 =	vld [tilespmem:s29+$0xFFFFFF20]  }
0x64: {  	v51 =	vld [tilespmem:s29+$0xFFFFFF10]  }
0x65: {  	v52 =	vld [tilespmem:s29+$0xFFFFFF00]  }
0x66: {  	v53 =	vld [tilespmem:s29+$0xFFFFFEB0]  }
0x67: {  	v54 =	vld [tilespmem:s29+$0xFFFFFEA0]  }
0x68: {  	v55 =	vld [tilespmem:s29+$0xFFFFFE90]  }
0x69: {  	v58 =	vimm.f32 $-Inf;
	v59 =	vld [tilespmem:s29+$0xFFFFFE80]  }
0x6a: {  	v13 =	vmax.f32 v19, v13;
	v19 =	vld [tilespmem:s29+$0xFFFFFE00];
	v15 =	vmax.f32 v20, v15;
	v16 =	vmax.f32 v21, v16  }
0x6b: {  	v17 =	vmax.f32 v22, v17;
	v20 =	vld [tilespmem:s29+$0xFFFFFE70];
	v21 =	vmax.f32 v31, v27;
	v22 =	vmax.f32 v32, v28  }
0x6c: {  	v27 =	vmax.f32 v33, v29;
	v28 =	vld [tilespmem:s29+$0xFFFFFE60];
	v31 =	vmax.f32 v52, v48;
	v21 =	vmax.f32 v21, v23  }
0x6d: {  	v22 =	vmax.f32 v22, v24;
	v23 =	vmax.f32 v27, v25;
	v24 =	vld [tilespmem:s29+$0xFFFFFE50];
	v31 =	vmax.f32 v31, v41  }
0x6e: {  	v25 =	vld [tilespmem:s29+$0xFFFFFE30];
	v29 =	vmax.f32 v21, v14;
	v18 =	vmax.f32 v23, v18;
	v14 =	vmax.f32 v36, v30  }
0x6f: {  	v21 =	vld [tilespmem:s29+$0xFFFFFE40];
	v23 =	vmax.f32 v50, v46;
	v30 =	vmax.f32 v14, v26;
	v14 =	vmax.f32 v49, v45  }
0x70: {  	v27 =	vld [tilespmem:s29+$0xFFFFFE20];
	v26 =	vmax.f32 v51, v47;
	v23 =	vmax.f32 v23, v39;
	v14 =	vmax.f32 v14, v38  }
0x71: {  	s31 =	simm.s32 $0x2;
	v57 =	vmax.f32 v26, v40;
	v26 =	vld [tilespmem:s29+$0xFFFFFE10];
	v23 =	vmax.f32 v23, v35;
	v14 =	vmax.f32 v14, v34  }
0x72: {  	v63 =	vmov s31;
	s21 =	simm.s32 $0x0;
	v31 =	vmax.f32 v31, v37;
	v35 =	vmax.f32 v23, v14;
	v23 =	vld [tilespmem:s29+$0xFFFFFEC0]  }
0x73: {  	v34 =	vand.u32 $0x7E, v63;
	v14 =	vmov s21;
	v20 =	vmax.f32 v25, v20;
	v25 =	vld [tilespmem:s29+$0xFFFFFFD0]  }
0x74: {  	v60 =	vld [tilespmem:s29+$0xE0];
	v19 =	vmax.f32 v19, v21;
	v14 =	vand.u32 $0x7C, v14;
	v20 =	vmax.f32 v20, v53  }
0x75: {  	v21 =	vbroadcast v14, $0x0;
	v14 =	vmax.f32 v27, v28;
	v28 =	vld [tilespmem:s29+$0xC0];
	v20 =	vmax.f32 v20, v42  }
0x76: {  	v19 =	vmax.f32 v19, v59;
	v24 =	vmax.f32 v26, v24;
	v26 =	vmax.f32 v14, v54;
	v14 =	vld [tilespmem:s29+$0x1C0]  }
0x77: {  	v27 =	vmax.f32 v24, v55;
	v21 =	vor.u32 v1, v21;
	v24 =	vld [tilespmem:s29+$0x180];
	v19 =	vmax.f32 v19, v23  }
0x78: {  	v23 =	vmax.f32 v27, v44;
	v27 =	vmax.f32 v26, v43;
	v26 =	vld [tilespmem:s29+$0x190];
	v25 =	vmax.f32 v57, v25  }
0x79: {  	s30 =	simm.s32 $0x1;
	v19 =	vmax.f32 v19, v23;
	v20 =	vmax.f32 v27, v20;
	v27 =	vld [tilespmem:s29+$0x1A0];
	v61 =	vmax.f32 v31, v25  }
0x7a: {  	v25 =	vld [tilespmem:s29+$0x1B0];
	v23 =	vmax.f32 v19, v20;
	v19 =	vmov s30;
	v31 =	vmax.f32 v30, v28  }
0x7b: {  	v30 =	vmax.f32 v22, v60;
	v28 =	vld [tilespmem:s29+$0x1D0];
	v22 =	vmax.f32 v61, v35;
	v20 =	vmin.f32 v58, v23  }
0x7c: {  	v62 =	vmax.f32 v58, v23;
	v33 =	vmax.f32 v30, v29;
	v30 =	vld [tilespmem:s29+$0x1E0];
	v32 =	vmax.f32 v58, v20  }
0x7d: {  	s23 =	simm.s32 $0x600;
	s22 =	simm.s32 $0x4;
	v20 =	vand.u32 $0x7D, v19;
	v19 =	vld [tilespmem:s29+$0x1F0];
	v29 =	vmax.f32 v62, v22;
	v35 =	vmin.f32 v62, v22  }
.LBB2_3:
0x7e: {  	v36 =	vld [tilespmem:s23+$0xF0];
	p0 =	slt.u32 s22, $0x7C;
	v32 =	vmax.f32 v32, v35;
	v18 =	vmax.f32 v31, v18;
	v31 =	vbroadcast v34, $0x0;
	s24 =	smov.u32 s22;
	s22 =	sadd.s32 $0x4, s22  }
0x7f: {  	v17 =	vmax.f32 v17, v24;
	v16 =	vmax.f32 v16, v26;
	v34 =	vld [tilespmem:s23+$0xD0];
	v18 =	vmax.f32 v18, v33  }
0x80: {  	v15 =	vmax.f32 v15, v27;
	v24 =	vld [tilespmem:s23+$0x1C0];
	v26 =	vmax.f32 v29, v18;
	v29 =	vmin.f32 v29, v18  }
0x81: {  	v20 =	vbroadcast v20, $0x0;
	s25 =	sadd.s32 $0x3, s21;
	s21 =	smov.u32 s24;
	v27 =	vld [tilespmem:s23+$0x170];
	v29 =	vmax.f32 v32, v29;
	v15 =	vmax.f32 v15, v30  }
0x82: {  	v13 =	vmax.f32 v13, v25;
	v16 =	vmax.f32 v16, v28;
	v31 =	vor.u32 v1, v31;
	v30 =	vld [tilespmem:s23+$0x160]  }
0x83: {  	v13 =	vmax.f32 v13, v19;
	v25 =	vld [tilespmem:s23+$0x150];
	[tilespmem:v21+s12+$0x0] =	vst.idx.msk $0xffff, v23;
	v21 =	vor.u32 v1, v20;
	v20 =	vor.u32 s25, v1  }
0x84: {  	v17 =	vmax.f32 v17, v14;
	v13 =	vmax.f32 v15, v13;
	v23 =	vld [tilespmem:s23+$0x140]  }
0x85: {  	v16 =	vmax.f32 v17, v16;
	v15 =	vld [tilespmem:s23+$0x130];
	v14 =	vmov v24  }
0x86: {  	v13 =	vmax.f32 v16, v13;
	v17 =	vld [tilespmem:s23+$0x120]  }
0x87: {  	v19 =	vmax.f32 v26, v13;
	v16 =	vld [tilespmem:s23+$0x110];
	[tilespmem:v31+s12+$0x0] =	vst.idx.msk $0xffff, v18;
	v18 =	vmin.f32 v26, v13  }
0x88: {  	v24 =	vld [tilespmem:s23+$0x100];
	[tilespmem:v20+s12+$0x0] =	vst.idx.msk $0xffff, v13;
	v20 =	vmax.f32 v29, v18  }
0x89: {  	v18 =	vld [tilespmem:s23+$0xB0];
	[tilespmem:v21+s12+$0x0] =	vst.idx.msk $0xffff, v22  }
0x8a: {  	v21 =	vld [tilespmem:s23+$0xA0];
	v13 =	vmax.f32 v15, v27  }
0x8b: {  	v22 =	vld [tilespmem:s23+$0x90];
	v15 =	vmax.f32 v17, v30  }
0x8c: {  	v26 =	vld [tilespmem:s23+$0x80];
	v16 =	vmax.f32 v16, v25  }
0x8d: {  	v25 =	vld [tilespmem:s23+$0x70];
	v17 =	vmax.f32 v24, v23  }
0x8e: {  	v23 =	vld [tilespmem:s23+$0x60]  }
0x8f: {  	v24 =	vld [tilespmem:s23+$0x50]  }
0x90: {  	v27 =	vld [tilespmem:s23+$0x40]  }
0x91: {  	v28 =	vld [tilespmem:s23+$0x30]  }
0x92: {  	v29 =	vld [tilespmem:s23+$0x20]  }
0x93: {  	v30 =	vld [tilespmem:s23+$0x10]  }
0x94: {  	v31 =	vld [tilespmem:s23+$0xFFFFFFF0]  }
0x95: {  	v32 =	vld [tilespmem:s23+$0xFFFFFFE0]  }
0x96: {  	v33 =	vld [tilespmem:s23+$0x0];
	v25 =	vmax.f32 v28, v25  }
0x97: {  	v28 =	vld [tilespmem:s23+$0xFFFFFFC0];
	v23 =	vmax.f32 v29, v23;
	v18 =	vmax.f32 v25, v18  }
0x98: {  	v25 =	vld [tilespmem:s23+$0xFFFFFFB0];
	v24 =	vmax.f32 v30, v24;
	v29 =	vmax.f32 v23, v21;
	v30 =	vmax.f32 v18, v36  }
0x99: {  	v21 =	vld [tilespmem:s23+$0xFFFFFFA0];
	v18 =	vmax.f32 v24, v22  }
0x9a: {  	v22 =	vld [tilespmem:s23+$0xFFFFFF90];
	v18 =	vmax.f32 v18, v34  }
0x9b: {  	v23 =	vld [tilespmem:s23+$0xFFFFFF80];
	v24 =	vmax.f32 v33, v27  }
0x9c: {  	v27 =	vld [tilespmem:s23+$0xFFFFFEF0];
	v33 =	vmax.f32 v24, v26  }
0x9d: {  	v26 =	vld [tilespmem:s23+$0xFFFFFEE0]  }
0x9e: {  	v34 =	vld [tilespmem:s23+$0xFFFFFED0]  }
0x9f: {  	v24 =	vld [tilespmem:s23+$0xFFFFFF70]  }
0xa0: {  	v35 =	vld [tilespmem:s23+$0xFFFFFF60]  }
0xa1: {  	v36 =	vld [tilespmem:s23+$0xFFFFFF50]  }
0xa2: {  	v37 =	vld [tilespmem:s23+$0xFFFFFF40]  }
0xa3: {  	v38 =	vld [tilespmem:s23+$0xFFFFFF30]  }
0xa4: {  	v39 =	vld [tilespmem:s23+$0xFFFFFF20]  }
0xa5: {  	v40 =	vld [tilespmem:s23+$0xFFFFFF10]  }
0xa6: {  	v41 =	vld [tilespmem:s23+$0xFFFFFF00]  }
0xa7: {  	v42 =	vld [tilespmem:s23+$0xFFFFFEB0]  }
0xa8: {  	v43 =	vld [tilespmem:s23+$0xFFFFFEA0];
	v24 =	vmax.f32 v38, v24  }
0xa9: {  	v38 =	vld [tilespmem:s23+$0xFFFFFE90];
	v35 =	vmax.f32 v39, v35;
	v24 =	vmax.f32 v24, v25  }
0xaa: {  	v25 =	vld [tilespmem:s23+$0xFFFFFE00];
	v36 =	vmax.f32 v40, v36;
	v21 =	vmax.f32 v35, v21;
	v24 =	vmax.f32 v24, v31  }
0xab: {  	v31 =	vld [tilespmem:s23+$0xFFFFFE70];
	v35 =	vmax.f32 v41, v37;
	v22 =	vmax.f32 v36, v22;
	v21 =	vmax.f32 v21, v32  }
0xac: {  	v32 =	vld [tilespmem:s23+$0xFFFFFE60];
	v23 =	vmax.f32 v35, v23;
	v35 =	vmax.f32 v21, v24  }
0xad: {  	v21 =	vld [tilespmem:s23+$0xFFFFFE50];
	v28 =	vmax.f32 v23, v28  }
0xae: {  	v23 =	vld [tilespmem:s23+$0xFFFFFE40]  }
0xaf: {  	v24 =	vld [tilespmem:s23+$0xFFFFFE30]  }
0xb0: {  	v36 =	vld [tilespmem:s23+$0xFFFFFE20]  }
0xb1: {  	v37 =	vld [tilespmem:s23+$0xFFFFFE10]  }
0xb2: {  	v40 =	vmov s21;
	v39 =	vld [tilespmem:s23+$0xFFFFFE80]  }
0xb3: {  	v40 =	vand.u32 $0x7C, v40;
	v23 =	vmax.f32 v25, v23;
	v25 =	vld [tilespmem:s23+$0xFFFFFEC0]  }
0xb4: {  	v24 =	vmax.f32 v24, v31;
	v31 =	vbroadcast v40, $0x0;
	v40 =	vld [tilespmem:s23+$0xFFFFFFD0]  }
0xb5: {  	v32 =	vmax.f32 v36, v32;
	v24 =	vmax.f32 v24, v42;
	v36 =	vld [tilespmem:s23+$0xC0]  }
0xb6: {  	v21 =	vmax.f32 v37, v21;
	v32 =	vmax.f32 v32, v43;
	v27 =	vmax.f32 v24, v27;
	v37 =	vld [tilespmem:s23+$0xE0]  }
0xb7: {  	v23 =	vmax.f32 v23, v39;
	v38 =	vmax.f32 v21, v38;
	v21 =	vor.u32 v1, v31;
	v24 =	vld [tilespmem:s23+$0x180]  }
0xb8: {  	s24 =	sadd.s32 $0x2, s21;
	v31 =	vmax.f32 v32, v26;
	v23 =	vmax.f32 v23, v25;
	v25 =	vmax.f32 v38, v34;
	v26 =	vld [tilespmem:s23+$0x190]  }
0xb9: {  	s25 =	sadd.s32 $0x1, s21;
	v23 =	vmax.f32 v23, v25;
	v25 =	vmax.f32 v31, v27;
	v22 =	vmax.f32 v22, v40;
	v27 =	vld [tilespmem:s23+$0x1A0]  }
.Ltmp4:
0xba: {  	v34 =	vmov s25;
	v23 =	vmax.f32 v23, v25;
	v22 =	vmax.f32 v28, v22;
	v25 =	vld [tilespmem:s23+$0x1B0];
	(pc) =	sbr.rel @p0 .LBB2_3-.Ltmp4, $4  }
0xbb: {  	v31 =	vmax.f32 v33, v36;
	v32 =	vmin.f32 v19, v23;
	v29 =	vmax.f32 v29, v37;
	v28 =	vld [tilespmem:s23+$0x1D0]  }
0xbc: {  	v36 =	vmax.f32 v19, v23;
	v32 =	vmax.f32 v20, v32;
	v20 =	vand.u32 $0x7D, v34;
	v19 =	vld [tilespmem:s23+$0x1F0]  }
0xbd: {  	v22 =	vmax.f32 v22, v35;
	v33 =	vmax.f32 v29, v30;
	v34 =	vmov s24;
	v30 =	vld [tilespmem:s23+$0x1E0]  }
0xbe: {  	v29 =	vmax.f32 v36, v22;
	v35 =	vmin.f32 v36, v22;
	v34 =	vand.u32 $0x7E, v34;
	s23 =	sadd.s32 $0x400, s23  }
0xbf: {  	_ = 	snop  }
0xc0: {  	v18 =	vmax.f32 v31, v18;
	v36 =	vmax.f32 v32, v35;
	v37 =	vbroadcast v34, $0x0  }
0xc1: {  	v17 =	vmax.f32 v17, v24;
	v16 =	vmax.f32 v16, v26;
	v15 =	vmax.f32 v15, v27  }
0xc2: {  	v20 =	vbroadcast v20, $0x0;
	s21 =	sadd.s32 $0x3, s21;
	v13 =	vmax.f32 v13, v25;
	v18 =	vmax.f32 v18, v33  }
0xc3: {  	[tilespmem:v21+s12+$0x0] =	vst.idx.msk $0xffff, v23;
	v16 =	vmax.f32 v16, v28;
	v40 =	vor.u32 s21, v1;
	v14 =	vmax.f32 v17, v14  }
0xc4: {  	v39 =	vor.u32 v1, v37;
	v13 =	vmax.f32 v13, v19;
	v15 =	vmax.f32 v15, v30  }
0xc5: {  	v41 =	vor.u32 v1, v20;
	v14 =	vmax.f32 v14, v16;
	v13 =	vmax.f32 v15, v13  }
0xc6: {  	v38 =	vmin.f32 v29, v18;
	v15 =	vmax.f32 v29, v18;
	v13 =	vmax.f32 v14, v13  }
0xc7: {  	v42 =	vmax.f32 v36, v38;
	v14 =	vmax.f32 v15, v13;
	v15 =	vmin.f32 v15, v13  }
0xc8: {  	[tilespmem:v40+s12+$0x0] =	vst.idx.msk $0xffff, v13;
	v15 =	vmax.f32 v42, v15;
	(xrf1) =	vsort.dscd.msk.f32 $0xffff, v14, v0  }
0xc9: {  	[tilespmem:v39+s12+$0x0] =	vst.idx.msk $0xffff, v18;
	(xrf1) =	vsort.ascd.msk.f32 $0xffff, v15, v15  }
0xca: {  	[tilespmem:v41+s12+$0x0] =	vst.idx.msk $0xffff, v22  }
0xcb: {  	v13 =	vld [tilespmem:$0x10000]  }
0xcc: {  	v14 =	vld [tilespmem:$0x10080]  }
0xcd: {  	v15 =	vld [tilespmem:$0x10100]  }
0xce: {  	v43 =	vld [tilespmem:$0x10180]  }
0xcf: {  	v17 =	vld [tilespmem:$0x10200]  }
0xd0: {  	v18 =	vld [tilespmem:$0x10280]  }
0xd1: {  	v19 =	vld [tilespmem:$0x10300]  }
0xd2: {  	v44 =	vld [tilespmem:$0x10380]  }
0xd3: {  	v21 =	vld [tilespmem:$0x10400]  }
0xd4: {  	v22 =	vld [tilespmem:$0x10480]  }
0xd5: {  	v23 =	vld [tilespmem:$0x10500]  }
0xd6: {  	v46 =	vld [tilespmem:$0x10580];
	v45, _, _ =	vpop (xrf1)  }
0xd7: {  	v48 =	vld [tilespmem:$0x10600];
	v47, _, _ =	vpop (xrf1)  }
0xd8: {  	v49 =	vld [tilespmem:$0x10680];
	v24 =	vmax.f32 v45, v47  }
0xd9: {  	v50 =	vld [tilespmem:$0x10700];
	(xrf0) =	vmin.scan.msk.f32 $0xffff, v24  }
0xda: {  	v51 =	vld [tilespmem:$0x10780]  }
0xdb: {  	v13 =	vmax.f32 v13, v17  }
0xdc: {  	v14 =	vmax.f32 v14, v18;
	v13 =	vmax.f32 v13, v21  }
0xdd: {  	v15 =	vmax.f32 v15, v19;
	v16 =	vmax.f32 v43, v44;
	v14 =	vmax.f32 v14, v22  }
0xde: {  	v15 =	vmax.f32 v15, v23;
	v16 =	vmax.f32 v16, v46;
	v52 =	vmax.f32 v13, v48  }
0xdf: {  	v14 =	vmax.f32 v14, v49;
	v15 =	vmax.f32 v15, v50;
	v16 =	vmax.f32 v16, v51;
	v13, _, _ =	vpop (xrf0)  }
0xe0: {  	v14 =	vmax.f32 v52, v14;
	v15 =	vmax.f32 v15, v16;
	v13 =	vbroadcast v13, $0xF  }
0xe1: {  	v14 =	vmax.f32 v14, v15  }
0xe2: {  	s21 =	simm.s32 $0x11080;
	vm0 =	vge.f32 v14, v13  }
0xe3: {  	[tilespmem:s21+$0x0] =	vst.msk vm0, v0  }
0xe4: {  	v14 =	vld [tilespmem:$0x10010]  }
0xe5: {  	v15 =	vld [tilespmem:$0x10090]  }
0xe6: {  	v53 =	vld [tilespmem:$0x10110]  }
0xe7: {  	v54 =	vld [tilespmem:$0x10190]  }
0xe8: {  	v55 =	vld [tilespmem:$0x10210]  }
0xe9: {  	v56 =	vld [tilespmem:$0x10290]  }
0xea: {  	v57 =	vmpcnt.ones.xlane vm0;
	v58 =	vld [tilespmem:$0x10310]  }
0xeb: {  	v59 =	vld [tilespmem:$0x10390]  }
0xec: {  	v60 =	vld [tilespmem:$0x10410];
	(v2sf) =	vpush v57, $0x0  }
0xed: {  	v61 =	vld [tilespmem:$0x10490]  }
0xee: {  	v62 =	vld [tilespmem:$0x10510]  }
0xef: {  	v63 =	vld [tilespmem:$0x10590]  }
0xf0: {  	v33 =	vld [tilespmem:$0x10610]  }
0xf1: {  	v34 =	vld [tilespmem:$0x10690]  }
0xf2: {  	v35 =	vld [tilespmem:$0x10710]  }
0xf3: {  	v36 =	vld [tilespmem:$0x10790];
	_ =	sdelay $0x1  }
0xf4: {  	v14 =	vmax.f32 v14, v55;
	v15 =	vmax.f32 v15, v56;
	v16 =	vmax.f32 v53, v58  }
0xf5: {  	v17 =	vmax.f32 v54, v59;
	v14 =	vmax.f32 v14, v60;
	v15 =	vmax.f32 v15, v61  }
0xf6: {  	v16 =	vmax.f32 v16, v62;
	v17 =	vmax.f32 v17, v63;
	v14 =	vmax.f32 v14, v33  }
0xf7: {  	v15 =	vmax.f32 v15, v34;
	v16 =	vmax.f32 v16, v35;
	v17 =	vmax.f32 v17, v36  }
0xf8: {  	v14 =	vmax.f32 v14, v15;
	v15 =	vmax.f32 v16, v17  }
0xf9: {  	v14 =	vmax.f32 v14, v15  }
0xfa: {  	[tilespmem:$0x11800] =	vst v57;
	vm9 =	vge.f32 v14, v13;
	s22 =	spop (v2sf)  }
0xfb: {  	[tilespmem:s22+$0x11080] =	vst.msk vm9, v2  }
0xfc: {  	v14 =	vld [tilespmem:$0x10020]  }
0xfd: {  	v15 =	vld [tilespmem:$0x100A0]  }
0xfe: {  	v37 =	vld [tilespmem:$0x10120]  }
0xff: {  	v38 =	vld [tilespmem:$0x101A0]  }
0x100: {  	v39 =	vld [tilespmem:$0x10220]  }
0x101: {  	v40 =	vmpcnt.ones.xlane vm9;
	v41 =	vld [tilespmem:$0x102A0]  }
0x102: {  	v42 =	vld [tilespmem:$0x10320]  }
0x103: {  	(v2sf) =	vpush v40, $0x0;
	v43 =	vld [tilespmem:$0x103A0]  }
0x104: {  	v44 =	vld [tilespmem:$0x10420]  }
0x105: {  	v45 =	vld [tilespmem:$0x104A0]  }
0x106: {  	v46 =	vld [tilespmem:$0x10520]  }
0x107: {  	v47 =	vld [tilespmem:$0x105A0]  }
0x108: {  	v48 =	vld [tilespmem:$0x10620]  }
0x109: {  	v49 =	vld [tilespmem:$0x106A0]  }
0x10a: {  	v50 =	vld [tilespmem:$0x10720]  }
0x10b: {  	v51 =	vld [tilespmem:$0x107A0];
	_ =	sdelay $0x1  }
0x10c: {  	v14 =	vmax.f32 v14, v39;
	v15 =	vmax.f32 v15, v41;
	v16 =	vmax.f32 v37, v42  }
0x10d: {  	v17 =	vmax.f32 v38, v43;
	v14 =	vmax.f32 v14, v44;
	v15 =	vmax.f32 v15, v45  }
0x10e: {  	v16 =	vmax.f32 v16, v46;
	v17 =	vmax.f32 v17, v47;
	v14 =	vmax.f32 v14, v48  }
0x10f: {  	v15 =	vmax.f32 v15, v49;
	v16 =	vmax.f32 v16, v50;
	v17 =	vmax.f32 v17, v51  }
0x110: {  	v14 =	vmax.f32 v14, v15;
	v15 =	vmax.f32 v16, v17  }
0x111: {  	v14 =	vmax.f32 v14, v15;
	s23 =	spop (v2sf)  }
0x112: {  	[tilespmem:$0x11800] =	vst v40;
	vm10 =	vge.f32 v14, v13;
	s22 =	sadd.s32 s22, s23  }
0x113: {  	[tilespmem:s22+$0x11080] =	vst.msk vm10, v3  }
0x114: {  	v14 =	vld [tilespmem:$0x10030]  }
0x115: {  	v15 =	vld [tilespmem:$0x100B0]  }
0x116: {  	v52 =	vld [tilespmem:$0x10130]  }
0x117: {  	v53 =	vld [tilespmem:$0x101B0]  }
0x118: {  	v54 =	vld [tilespmem:$0x10230]  }
0x119: {  	v55 =	vmpcnt.ones.xlane vm10;
	v56 =	vld [tilespmem:$0x102B0]  }
0x11a: {  	v57 =	vld [tilespmem:$0x10330]  }
0x11b: {  	(v2sf) =	vpush v55, $0x0;
	v58 =	vld [tilespmem:$0x103B0]  }
0x11c: {  	v59 =	vld [tilespmem:$0x10430]  }
0x11d: {  	v60 =	vld [tilespmem:$0x104B0]  }
0x11e: {  	v61 =	vld [tilespmem:$0x10530]  }
0x11f: {  	v62 =	vld [tilespmem:$0x105B0]  }
0x120: {  	v63 =	vld [tilespmem:$0x10630]  }
0x121: {  	v33 =	vld [tilespmem:$0x106B0]  }
0x122: {  	v34 =	vld [tilespmem:$0x10730]  }
0x123: {  	v35 =	vld [tilespmem:$0x107B0];
	_ =	sdelay $0x1  }
0x124: {  	v14 =	vmax.f32 v14, v54;
	v15 =	vmax.f32 v15, v56;
	v16 =	vmax.f32 v52, v57  }
0x125: {  	v17 =	vmax.f32 v53, v58;
	v14 =	vmax.f32 v14, v59;
	v15 =	vmax.f32 v15, v60  }
0x126: {  	v16 =	vmax.f32 v16, v61;
	v17 =	vmax.f32 v17, v62;
	v14 =	vmax.f32 v14, v63  }
0x127: {  	v15 =	vmax.f32 v15, v33;
	v16 =	vmax.f32 v16, v34;
	v17 =	vmax.f32 v17, v35  }
0x128: {  	v14 =	vmax.f32 v14, v15;
	v15 =	vmax.f32 v16, v17  }
0x129: {  	v14 =	vmax.f32 v14, v15;
	s25 =	spop (v2sf)  }
0x12a: {  	[tilespmem:$0x11800] =	vst v55;
	vm11 =	vge.f32 v14, v13;
	s22 =	sadd.s32 s22, s25  }
0x12b: {  	[tilespmem:s22+$0x11080] =	vst.msk vm11, v4  }
0x12c: {  	v14 =	vld [tilespmem:$0x10040]  }
0x12d: {  	v15 =	vld [tilespmem:$0x100C0]  }
0x12e: {  	v36 =	vld [tilespmem:$0x10140]  }
0x12f: {  	v37 =	vld [tilespmem:$0x101C0]  }
0x130: {  	v38 =	vld [tilespmem:$0x10240]  }
0x131: {  	v39 =	vmpcnt.ones.xlane vm11;
	v40 =	vld [tilespmem:$0x102C0]  }
0x132: {  	v41 =	vld [tilespmem:$0x10340]  }
0x133: {  	(v2sf) =	vpush v39, $0x0;
	v42 =	vld [tilespmem:$0x103C0]  }
0x134: {  	v43 =	vld [tilespmem:$0x10440]  }
0x135: {  	v44 =	vld [tilespmem:$0x104C0]  }
0x136: {  	v45 =	vld [tilespmem:$0x10540]  }
0x137: {  	v46 =	vld [tilespmem:$0x105C0]  }
0x138: {  	v47 =	vld [tilespmem:$0x10640]  }
0x139: {  	v48 =	vld [tilespmem:$0x106C0]  }
0x13a: {  	v49 =	vld [tilespmem:$0x10740]  }
0x13b: {  	v50 =	vld [tilespmem:$0x107C0];
	_ =	sdelay $0x1  }
0x13c: {  	v14 =	vmax.f32 v14, v38;
	v15 =	vmax.f32 v15, v40;
	v16 =	vmax.f32 v36, v41  }
0x13d: {  	v17 =	vmax.f32 v37, v42;
	v14 =	vmax.f32 v14, v43;
	v15 =	vmax.f32 v15, v44  }
0x13e: {  	v16 =	vmax.f32 v16, v45;
	v17 =	vmax.f32 v17, v46;
	v14 =	vmax.f32 v14, v47  }
0x13f: {  	v15 =	vmax.f32 v15, v48;
	v16 =	vmax.f32 v16, v49;
	v17 =	vmax.f32 v17, v50  }
0x140: {  	v14 =	vmax.f32 v14, v15;
	v15 =	vmax.f32 v16, v17  }
0x141: {  	v14 =	vmax.f32 v14, v15;
	s26 =	spop (v2sf)  }
0x142: {  	[tilespmem:$0x11800] =	vst v39;
	vm12 =	vge.f32 v14, v13;
	s22 =	sadd.s32 s22, s26  }
0x143: {  	[tilespmem:s22+$0x11080] =	vst.msk vm12, v5  }
0x144: {  	v14 =	vld [tilespmem:$0x10050]  }
0x145: {  	v15 =	vld [tilespmem:$0x100D0]  }
0x146: {  	v51 =	vld [tilespmem:$0x10150]  }
0x147: {  	v52 =	vld [tilespmem:$0x101D0]  }
0x148: {  	v53 =	vld [tilespmem:$0x10250]  }
0x149: {  	v54 =	vmpcnt.ones.xlane vm12;
	v55 =	vld [tilespmem:$0x102D0]  }
0x14a: {  	v56 =	vld [tilespmem:$0x10350]  }
0x14b: {  	(v2sf) =	vpush v54, $0x0;
	v57 =	vld [tilespmem:$0x103D0]  }
0x14c: {  	v58 =	vld [tilespmem:$0x10450]  }
0x14d: {  	v59 =	vld [tilespmem:$0x104D0]  }
0x14e: {  	v60 =	vld [tilespmem:$0x10550]  }
0x14f: {  	v61 =	vld [tilespmem:$0x105D0]  }
0x150: {  	v62 =	vld [tilespmem:$0x10650]  }
0x151: {  	v63 =	vld [tilespmem:$0x106D0]  }
0x152: {  	v33 =	vld [tilespmem:$0x10750]  }
0x153: {  	v34 =	vld [tilespmem:$0x107D0];
	_ =	sdelay $0x1  }
0x154: {  	v14 =	vmax.f32 v14, v53;
	v15 =	vmax.f32 v15, v55;
	v16 =	vmax.f32 v51, v56  }
0x155: {  	v17 =	vmax.f32 v52, v57;
	v14 =	vmax.f32 v14, v58;
	v15 =	vmax.f32 v15, v59  }
0x156: {  	v16 =	vmax.f32 v16, v60;
	v17 =	vmax.f32 v17, v61;
	v14 =	vmax.f32 v14, v62  }
0x157: {  	v15 =	vmax.f32 v15, v63;
	v16 =	vmax.f32 v16, v33;
	v17 =	vmax.f32 v17, v34  }
0x158: {  	v14 =	vmax.f32 v14, v15;
	v15 =	vmax.f32 v16, v17  }
0x159: {  	v14 =	vmax.f32 v14, v15;
	s28 =	spop (v2sf)  }
0x15a: {  	[tilespmem:$0x11800] =	vst v54;
	vm13 =	vge.f32 v14, v13;
	s22 =	sadd.s32 s22, s28  }
0x15b: {  	[tilespmem:s22+$0x11080] =	vst.msk vm13, v6  }
0x15c: {  	v14 =	vld [tilespmem:$0x10060]  }
0x15d: {  	v15 =	vld [tilespmem:$0x100E0]  }
0x15e: {  	v35 =	vld [tilespmem:$0x10160]  }
0x15f: {  	v36 =	vld [tilespmem:$0x101E0]  }
0x160: {  	v37 =	vld [tilespmem:$0x10260]  }
0x161: {  	v38 =	vmpcnt.ones.xlane vm13;
	v39 =	vld [tilespmem:$0x102E0]  }
0x162: {  	v40 =	vld [tilespmem:$0x10360]  }
0x163: {  	(v2sf) =	vpush v38, $0x0;
	v41 =	vld [tilespmem:$0x103E0]  }
0x164: {  	v42 =	vld [tilespmem:$0x10460]  }
0x165: {  	v43 =	vld [tilespmem:$0x104E0]  }
0x166: {  	v44 =	vld [tilespmem:$0x10560]  }
0x167: {  	v45 =	vld [tilespmem:$0x105E0]  }
0x168: {  	v46 =	vld [tilespmem:$0x10660]  }
0x169: {  	v47 =	vld [tilespmem:$0x106E0]  }
0x16a: {  	v48 =	vld [tilespmem:$0x10760]  }
0x16b: {  	v49 =	vld [tilespmem:$0x107E0];
	_ =	sdelay $0x1  }
0x16c: {  	v14 =	vmax.f32 v14, v37;
	v15 =	vmax.f32 v15, v39;
	v16 =	vmax.f32 v35, v40  }
0x16d: {  	v17 =	vmax.f32 v36, v41;
	v14 =	vmax.f32 v14, v42;
	v15 =	vmax.f32 v15, v43  }
0x16e: {  	v16 =	vmax.f32 v16, v44;
	v17 =	vmax.f32 v17, v45;
	v14 =	vmax.f32 v14, v46  }
0x16f: {  	v15 =	vmax.f32 v15, v47;
	v16 =	vmax.f32 v16, v48;
	v17 =	vmax.f32 v17, v49  }
0x170: {  	v14 =	vmax.f32 v14, v15;
	v15 =	vmax.f32 v16, v17  }
0x171: {  	v14 =	vmax.f32 v14, v15;
	s29 =	spop (v2sf)  }
0x172: {  	[tilespmem:$0x11800] =	vst v38;
	vm14 =	vge.f32 v14, v13;
	s22 =	sadd.s32 s22, s29  }
0x173: {  	[tilespmem:s22+$0x11080] =	vst.msk vm14, v7  }
0x174: {  	v14 =	vld [tilespmem:$0x10070]  }
0x175: {  	v15 =	vld [tilespmem:$0x100F0]  }
0x176: {  	v50 =	vld [tilespmem:$0x10170]  }
0x177: {  	v51 =	vld [tilespmem:$0x101F0]  }
0x178: {  	v52 =	vld [tilespmem:$0x10270]  }
0x179: {  	v53 =	vld [tilespmem:$0x102F0]  }
0x17a: {  	v54 =	vld [tilespmem:$0x10370]  }
0x17b: {  	v55 =	vld [tilespmem:$0x103F0]  }
0x17c: {  	v56 =	vld [tilespmem:$0x10470]  }
0x17d: {  	v57 =	vld [tilespmem:$0x104F0]  }
0x17e: {  	v58 =	vld [tilespmem:$0x10570]  }
0x17f: {  	v59 =	vld [tilespmem:$0x105F0]  }
0x180: {  	v60 =	vld [tilespmem:$0x10670]  }
0x181: {  	v61 =	vld [tilespmem:$0x106F0]  }
0x182: {  	v62 =	vld [tilespmem:$0x10770]  }
0x183: {  	v63 =	vld [tilespmem:$0x107F0];
	_ =	sdelay $0x1  }
0x184: {  	v14 =	vmax.f32 v14, v52;
	v15 =	vmax.f32 v15, v53;
	v16 =	vmax.f32 v50, v54  }
0x185: {  	v17 =	vmax.f32 v51, v55;
	v14 =	vmax.f32 v14, v56;
	v15 =	vmax.f32 v15, v57  }
0x186: {  	v16 =	vmax.f32 v16, v58;
	v17 =	vmax.f32 v17, v59;
	v14 =	vmax.f32 v14, v60  }
0x187: {  	v15 =	vmax.f32 v15, v61;
	v16 =	vmax.f32 v16, v62;
	v17 =	vmax.f32 v17, v63  }
0x188: {  	v14 =	vmax.f32 v14, v15;
	v15 =	vmax.f32 v16, v17  }
0x189: {  	v14 =	vmax.f32 v14, v15  }
0x18a: {  	v15 =	vmpcnt.ones.xlane vm14;
	vm15 =	vge.f32 v14, v13  }
0x18b: {  	v14 =	vmpcnt.ones.xlane vm15  }
0x18c: {  	(v2sf) =	vpush v15, $0x0  }
0x18d: {  	(v2sf) =	vpush v14, $0x0;
	_ =	sdelay $0xd  }
0x18e: {  	s30 =	spop (v2sf)  }
0x18f: {  	s22 =	sadd.s32 s22, s30;
	s31 =	spop (v2sf)  }
0x190: {  	s23 =	sadd.s32 s22, s31  }
0x191: {  	p0 =	slt.s32 s23, $0x1  }
.Ltmp5:
0x192: {  	_ = 	snop;
	(pc) =	sbr.rel @p0 .LBB2_17-.Ltmp5, $4  }
0x193: {  	_ = 	snop  }
0x194: {  	[tilespmem:$0x11800] =	vst v15  }
0x195: {  	[tilespmem:s22+$0x11080] =	vst.msk vm15, v8  }
0x196: {  	[tilespmem:$0x11800] =	vst v14;
	s22 =	simm.s32 $0x0;
	[smem:$0x0] =	sst s23  }
0x197: {  	v14 =	vld [tilespmem:s21+$0x0]  }
0x198: {  	s25 =	sadd.s32 $0x1, s22  }
0x199: {  	p1 =	slt.s32 s25, s23  }
.Ltmp6:
0x19a: {  	_ = 	snop;
	(pc) =	sbr.rel @!p1 .LBB2_6-.Ltmp6, $3  }
0x19b: {  	_ = 	snop  }
0x19c: {  	v15 =	vbroadcast v14, $0x0;
	_ =	sdelay $0x1  }
0x19d: {  	p0 =	por $0x0, $0x0;
	(v2sf) =	vpush v14, $0x0;
	v14 =	vadd.s32 v1, v15  }
0x19e: {  	_ =	sdelay $0x6  }
0x19f: {  	v14 =	vld.idx.msk [tilespmem:v14+s12+$0x0], $0xffff;
	_ =	sdelay $0x4  }
0x1a0: {  	vm0 =	vge.f32 v14, v13  }
0x1a1: {  	v14 =	vmpcnt.ones.xlane vm0  }
0x1a2: {  	s24 =	spop (v2sf)  }
0x1a3: {  	p0 =	slt.s32 s22, $0x200;
	s26 =	simm.s32 $0x0;
	(v2sf) =	vpush v14, $0x0;
	s24 =	sshll.u32 s24, $0x4  }
0x1a4: {  	s26 =	simm.s32 @!p0 $0x200;
	v15 =	vor.u32 s24, v0  }
0x1a5: {  	[tilespmem:s26+$0x11180] =	vst.msk vm0, v15  }
0x1a6: {  	s24 =	sadd.s32 $0x1, s21;
	[tilespmem:$0x11800] =	vst v14  }
0x1a7: {  	v14 =	vld [tilespmem:s24+$0x0];
	_ =	sdelay $0x4  }
0x1a8: {  	s25 =	sadd.s32 $0x1, s25;
	v15 =	vbroadcast v14, $0x0;
	(v2sf) =	vpush v14, $0x0  }
0x1a9: {  	p1 =	slt.s32 s25, s23  }
.Ltmp7:
0x1aa: {  	v14 =	vadd.s32 v1, v15;
	(pc) =	sbr.rel @!p1 .LBB2_8-.Ltmp7, $2  }
0x1ab: {  	_ =	sdelay $0x2  }
0x1ac: {  	p0 =	por $0x1, $0x1;
	s21 =	simm.s32 $0x0;
	s26 =	spop (v2sf)  }
.LBB2_9:
0x1ad: {  	s25 =	sadd.s32 $0x1, s25;
	v14 =	vld.idx.msk [tilespmem:v14+s12+$0x0], $0xffff;
	s21 =	sadd.s32 s21, s26  }
0x1ae: {  	p1 =	slt.s32 s25, s23;
	p2 =	slt.s32 s21, $0x200;
	_ =	sdelay $0x4  }
0x1af: {  	vm0 =	vge.f32 v14, v13  }
0x1b0: {  	v14 =	vmpcnt.ones.xlane vm0  }
0x1b1: {  	s26 =	spop (v2sf)  }
0x1b2: {  	s28 =	smov.u32 s21;
	s26 =	sshll.u32 s26, $0x4;
	(v2sf) =	vpush v14, $0x0  }
0x1b3: {  	s28 =	simm.s32 @!p2 $0x200;
	v15 =	vor.u32 s26, v0  }
0x1b4: {  	[tilespmem:s28+$0x11180] =	vst.msk vm0, v15  }
0x1b5: {  	s24 =	sadd.s32 $0x1, s24;
	[tilespmem:$0x11800] =	vst v14  }
0x1b6: {  	v14 =	vld [tilespmem:s24+$0x0];
	_ =	sdelay $0x4  }
0x1b7: {  	v15 =	vbroadcast v14, $0x0;
	(v2sf) =	vpush v14, $0x0;
	_ =	sdelay $0x1  }
.Ltmp8:
0x1b8: {  	v14 =	vadd.s32 v1, v15;
	(pc) =	sbr.rel @p1 .LBB2_9-.Ltmp8, $2  }
0x1b9: {  	_ =	sdelay $0x2  }
0x1ba: {  	s26 =	spop (v2sf)  }
.LBB2_10:
0x1bb: {  	_ =	sdelay $0x3  }
0x1bc: {  	v14 =	vld.idx.msk [tilespmem:v14+s12+$0x0], $0xffff;
	_ =	sdelay $0x4  }
0x1bd: {  	vm0 =	vge.f32 v14, v13  }
0x1be: {  	v14 =	vmpcnt.ones.xlane vm0;
	_ =	sdelay $0x1  }
0x1bf: {  	(v2sf) =	vpush v14, $0x0;
	_ =	sdelay $0xc  }
0x1c0: {  	s21 =	sadd.s32 @p0 s21, s26  }
0x1c1: {  	s22 =	smov.u32 @p0 s21;
	s23 =	spop (v2sf)  }
0x1c2: {  	p0 =	slt.s32 s22, $0x200;
	s24 =	spop (v2sf)  }
0x1c3: {  	s31 =	sshll.u32 s23, $0x4;
	s23 =	smov.u32 s22;
	s21 =	sadd.s32 s22, s24  }
0x1c4: {  	s23 =	simm.s32 @!p0 $0x200;
	p0 =	slt.s32 s21, $0x1  }
.Ltmp9:
0x1c5: {  	_ = 	snop;
	(pc) =	sbr.rel @p0 .LBB2_17-.Ltmp9, $4  }
0x1c6: {  	_ = 	snop  }
0x1c7: {  	v15 =	vor.u32 s31, v0  }
0x1c8: {  	[tilespmem:s23+$0x11180] =	vst.msk vm0, v15  }
0x1c9: {  	[tilespmem:$0x11800] =	vst v14;
	s22 =	simm.s32 $0x0  }
0x1ca: {  	p0 =	slt.s32 s21, $0x200  }
0x1cb: {  	s21 =	simm.s32 @!p0 $0x200  }
0x1cc: {  	p1 =	sne.s32 s21, $0x1  }
.Ltmp10:
0x1cd: {  	_ = 	snop;
	(pc) =	sbr.rel @!p1 .LBB2_12-.Ltmp10, $3  }
0x1ce: {  	_ =	sdelay $0x1  }
0x1cf: {  	s23 =	simm.s32 $0x11180  }
0x1d0: {  	v14 =	vld [tilespmem:s23+$0x0];
	p0 =	por $0x0, $0x0;
	s21 =	sadd.s32 $0xFFFFFFFF, s21  }
0x1d1: {  	_ =	sdelay $0x3  }
0x1d2: {  	(v2sf) =	vpush v14, $0x0;
	_ =	sdelay $0xe  }
0x1d3: {  	s23 =	spop (v2sf)  }
0x1d4: {  	s24 =	sshll.u32 s23, $0x4  }
0x1d5: {  	s23 =	sand.u32 $0xF, s23;
	s24 =	sand.u32 $0xFFFFFF00, s24  }
0x1d6: {  	s23 =	sor.u32 s23, s24  }
0x1d7: {  	v14 =	vor.u32 s23, v9;
	_ =	sdelay $0x4  }
0x1d8: {  	v15 =	vld.idx.msk [tilespmem:v14+s3+$0x0], $0xffff;
	_ =	sdelay $0x3  }
0x1d9: {  	p0 =	por $0x1, $0x1;
	p1 =	sne.s32 s21, $0x1;
	s23 =	simm.s32 $0x0  }
.Ltmp11:
0x1da: {  	s23 =	simm.s32 @!p0 $0x200;
	vm0 =	vge.f32 v15, v13;
	(pc) =	sbr.rel @!p1 .LBB2_14-.Ltmp11, $4  }
0x1db: {  	[tilespmem:s23+$0x10800] =	vst.msk vm0, v15;
	v15 =	vmpcnt.ones.xlane vm0  }
0x1dc: {  	[tilespmem:s23+$0x10A80] =	vst.msk vm0, v14  }
0x1dd: {  	s23 =	simm.s32 $0x11181;
	[tilespmem:$0x11800] =	vst v15;
	(v2sf) =	vpush v15, $0x0  }
0x1de: {  	s24 =	sadd.s32 $0xFFFFFFFF, s21;
	s21 =	simm.s32 $0x0;
	p0 =	por $0x1, $0x1;
	v14 =	vld [tilespmem:s23+$0x0]  }
.LBB2_15:
0x1df: {  	p1 =	sne.s32 s24, $0x1;
	_ =	sdelay $0x3  }
0x1e0: {  	(v2sf) =	vpush v14, $0x0;
	_ =	sdelay $0x8  }
0x1e1: {  	s25 =	spop (v2sf)  }
0x1e2: {  	s21 =	sadd.s32 s21, s25  }
0x1e3: {  	p2 =	slt.s32 s21, $0x200;
	s25 =	smov.u32 s21  }
0x1e4: {  	s25 =	simm.s32 @!p2 $0x200;
	_ =	sdelay $0x2  }
0x1e5: {  	s26 =	spop (v2sf)  }
0x1e6: {  	s28 =	sshll.u32 s26, $0x4  }
0x1e7: {  	s26 =	sand.u32 $0xF, s26;
	s28 =	sand.u32 $0xFFFFFF00, s28  }
0x1e8: {  	s26 =	sor.u32 s26, s28  }
0x1e9: {  	v14 =	vor.u32 s26, v9;
	_ =	sdelay $0x4  }
0x1ea: {  	v15 =	vld.idx.msk [tilespmem:v14+s3+$0x0], $0xffff;
	_ =	sdelay $0x5  }
.Ltmp12:
0x1eb: {  	vm0 =	vge.f32 v15, v13;
	(pc) =	sbr.rel @p1 .LBB2_15-.Ltmp12, $4  }
0x1ec: {  	[tilespmem:s25+$0x10800] =	vst.msk vm0, v15;
	v15 =	vmpcnt.ones.xlane vm0  }
0x1ed: {  	[tilespmem:s25+$0x10A80] =	vst.msk vm0, v14  }
0x1ee: {  	s23 =	sadd.s32 $0x1, s23;
	[tilespmem:$0x11800] =	vst v15;
	(v2sf) =	vpush v15, $0x0  }
0x1ef: {  	s24 =	sadd.s32 $0xFFFFFFFF, s24;
	v14 =	vld [tilespmem:s23+$0x0]  }
.LBB2_16:
0x1f0: {  	_ =	sdelay $0x3  }
0x1f1: {  	(v2sf) =	vpush v14, $0x0;
	_ =	sdelay $0xd  }
0x1f2: {  	s23 =	spop @p0 (v2sf)  }
0x1f3: {  	s24 =	spop (v2sf)  }
0x1f4: {  	s25 =	sshll.u32 s24, $0x4  }
0x1f5: {  	s24 =	sand.u32 $0xF, s24;
	s25 =	sand.u32 $0xFFFFFF00, s25  }
0x1f6: {  	s24 =	sor.u32 s24, s25  }
0x1f7: {  	v14 =	vor.u32 s24, v9;
	_ =	sdelay $0x4  }
0x1f8: {  	v15 =	vld.idx.msk [tilespmem:v14+s3+$0x0], $0xffff;
	_ =	sdelay $0x4  }
0x1f9: {  	vm0 =	vge.f32 v15, v13  }
0x1fa: {  	v13 =	vmpcnt.ones.xlane vm0;
	_ =	sdelay $0x1  }
0x1fb: {  	(v2sf) =	vpush v13, $0x0;
	_ =	sdelay $0x9  }
0x1fc: {  	s21 =	sadd.s32 @p0 s21, s23  }
0x1fd: {  	s22 =	smov.u32 @p0 s21  }
0x1fe: {  	p0 =	slt.s32 s22, $0x200;
	s21 =	smov.u32 s22  }
0x1ff: {  	s21 =	simm.s32 @!p0 $0x200  }
0x200: {  	[tilespmem:s21+$0x10800] =	vst.msk vm0, v15  }
0x201: {  	[tilespmem:s21+$0x10A80] =	vst.msk vm0, v14;
	s31 =	spop (v2sf)  }
0x202: {  	[tilespmem:$0x11800] =	vst v13;
	s22 =	sadd.s32 s22, s31  }
.LBB2_17:
0x203: {  	p0 =	slt.s32 s22, $0x200  }
0x204: {  	p1 =	slt.s32 s22, $0xFFFFFFF2;
	s22 =	simm.s32 @!p0 $0x200  }
0x205: {  	[tilespmem:s22+$0x10800] =	vst v10  }
0x206: {  	v13 =	vld [tilespmem:$0x10800];
	_ =	sdelay $0x4  }
0x207: {  	(xrf1) =	vsort.dscd.msk.f32 $0xffff, v13, v0;
	_ =	sdelay $0x1  }
0x208: {  	s21 =	sadd.s32 $0xF, s22  }
0x209: {  	s22 =	sand.u32 $0xF, s21  }
0x20a: {  	s31 =	sshra.s32 s21, $0x1F;
	p6 =	sne.s32 s22, $0x0  }
0x20b: {  	s22 =	sshrl.u32 s31, $0x1C;
	p0 =	por !p1, !p6  }
0x20c: {  	s23 =	simm.s32 $0x1;
	s21 =	sadd.s32 s22, s21;
	p0 =	por !p0, !p0  }
0x20d: {  	s22 =	sshra.s32 s21, $0x4;
	s23 =	simm.s32 @!p0 $0x0  }
0x20e: {  	s21 =	ssub.s32 s22, s23  }
0x20f: {  	p1 =	slt.s32 s21, $0x2  }
.Ltmp13:
0x210: {  	_ = 	snop;
	(pc) =	sbr.rel @p1 .LBB2_25-.Ltmp13, $2  }
0x211: {  	_ =	sdelay $0x2  }
0x212: {  	v14, _, _ =	vpop (xrf1)  }
0x213: {  	s23 =	simm.s32 $0xFFFFFFFF  }
0x214: {  	s23 =	simm.s32 @!p0 $0x0  }
0x215: {  	s22 =	sadd.s32 s23, s22  }
0x216: {  	s22 =	sadd.s32 $0xFFFFFFFF, s22  }
0x217: {  	p2 =	sne.s32 s22, $0x1  }
.Ltmp14:
0x218: {  	_ = 	snop;
	(pc) =	sbr.rel @!p2 .LBB2_19-.Ltmp14, $3  }
0x219: {  	_ =	sdelay $0x1  }
0x21a: {  	s31 =	simm.s32 $0x10810  }
0x21b: {  	p1 =	por $0x0, $0x0;
	v13 =	vld [tilespmem:s31+$0x0];
	p0 =	por $0x0, $0x0;
	s22 =	sadd.s32 $0xFFFFFFFF, s22  }
0x21c: {  	p2 =	sne.s32 s22, $0x1  }
.Ltmp15:
0x21d: {  	_ = 	snop;
	(pc) =	sbr.rel @!p2 .LBB2_21-.Ltmp15, $3  }
0x21e: {  	_ =	sdelay $0x1  }
0x21f: {  	s23 =	simm.s32 $0x10820  }
0x220: {  	p0 =	por $0x1, $0x1;
	(xrf1) =	vsort.ascd.msk.f32 $0xffff, v13, v13;
	v13 =	vld [tilespmem:s23+$0x0];
	s23 =	sadd.s32 $0xFFFFFFFF, s22  }
0x221: {  	_ =	sdelay $0xc  }
0x222: {  	v15, _, _ =	vpop (xrf1)  }
0x223: {  	(xrf1) =	vsort.ascd.msk.f32 $0xffff, v13, v13;
	v13 =	vmax.f32 v14, v15  }
0x224: {  	(xrf1) =	vsort.dscd.msk.f32 $0xffff, v13, v0;
	_ =	sdelay $0x5  }
0x225: {  	p2 =	sne.s32 s23, $0x1  }
.Ltmp16:
0x226: {  	_ = 	snop;
	(pc) =	sbr.rel @!p2 .LBB2_24-.Ltmp16, $4  }
0x227: {  	_ = 	snop  }
0x228: {  	s22 =	simm.s32 $0x10830  }
0x229: {  	v13 =	vld [tilespmem:s22+$0x0]  }
0x22a: {  	s23 =	sadd.s32 $0xFFFFFFFF, s23;
	p1 =	por $0x1, $0x1  }
.LBB2_23:
0x22b: {  	p2 =	sne.s32 s23, $0x1  }
0x22c: {  	v15, _, _ =	vpop (xrf1)  }
0x22d: {  	v16, _, _ =	vpop (xrf1)  }
0x22e: {  	(xrf1) =	vsort.ascd.msk.f32 $0xffff, v13, v13;
	v13 =	vmax.f32 v16, v15  }
0x22f: {  	(xrf1) =	vsort.dscd.msk.f32 $0xffff, v13, v0;
	_ =	sdelay $0x6  }
.Ltmp17:
0x230: {  	(pc) =	sbr.rel @p2 .LBB2_23-.Ltmp17, $4  }
0x231: {  	_ = 	snop  }
0x232: {  	s22 =	sadd.s32 $0x10, s22  }
0x233: {  	v13 =	vld [tilespmem:s22+$0x0]  }
0x234: {  	s23 =	sadd.s32 $0xFFFFFFFF, s23  }
.LBB2_24:
0x235: {  	_ = 	snop  }
0x236: {  	v15, _, _ =	vpop @p0 (xrf1)  }
0x237: {  	v16, _, _ =	vpop @p1 (xrf1)  }
0x238: {  	v16 =	vpsel p1, v16, v14  }
0x239: {  	(xrf1) =	vsort.ascd.msk.f32 $0xffff, v13, v13;
	v13 =	vmax.f32 @p0 v16, v15  }
0x23a: {  	(xrf1) =	vsort.dscd.msk.f32 @p0 $0xffff, v13, v0;
	_ =	sdelay $0xc  }
0x23b: {  	v13, _, _ =	vpop (xrf1)  }
0x23c: {  	v15, _, _ =	vpop @p0 (xrf1)  }
0x23d: {  	v14 =	vpsel p0, v15, v14  }
0x23e: {  	v13 =	vmax.f32 v14, v13  }
0x23f: {  	(xrf1) =	vsort.dscd.msk.f32 $0xffff, v13, v0;
	_ =	sdelay $0xd  }
0x240: {  	v14, _, _ =	vpop (xrf1)  }
.LBB2_25:
0x241: {  	(xrf0) =	vmin.scan.msk.f32 $0xffff, v14;
	_ =	sdelay $0x5  }
0x242: {  	v13, _, _ =	vpop (xrf0)  }
0x243: {  	v13 =	vbroadcast v13, $0xF;
	_ =	sdelay $0x1  }
0x244: {  	vm0 =	vgt.f32 v14, v13  }
0x245: {  	v14 =	vsel vm0, $0x1, v11  }
0x246: {  	(xrf0) =	vadd.scan.msk.s32 $0xffff, v14  }
0x247: {  	p0 =	slt.s32 s21, $0x1  }
.Ltmp18:
0x248: {  	_ = 	snop;
	(pc) =	sbr.rel @p0 .LBB2_31-.Ltmp18, $4  }
0x249: {  	_ = 	snop  }
0x24a: {  	s22 =	simm.s32 $0x0  }
0x24b: {  	[smem:$0x1] =	sst s22  }
0x24c: {  	[smem:$0x2] =	sst s22;
	v14, _, _ =	vpop (xrf0)  }
0x24d: {  	s23 =	simm.s32 $0x10800  }
0x24e: {  	v17 =	vld [tilespmem:s23+$0x0];
	_ =	sdelay $0x3  }
0x24f: {  	p1 =	sne.s32 s21, $0x1  }
.Ltmp19:
0x250: {  	vm1 =	vgt.f32 v17, v13;
	(pc) =	sbr.rel @!p1 .LBB2_27-.Ltmp19, $4  }
0x251: {  	vm0 =	veq.f32 v17, v13;
	v18 =	vmpcnt.ones.xlane vm1  }
0x252: {  	v15 =	vmpcnt.ones.xlane vm0  }
0x253: {  	s31 =	simm.s32 $0x10A80;
	(v2sf) =	vpush v18, $0x0  }
0x254: {  	s21 =	sadd.s32 $0xFFFFFFFF, s21;
	p0 =	por $0x0, $0x0;
	v16 =	vld [tilespmem:s31+$0x0];
	[tilespmem:s22+$0x10D00] =	vst.msk vm1, v17;
	(v2sf) =	vpush v15, $0x0  }
0x255: {  	_ =	sdelay $0x2  }
0x256: {  	p0 =	por $0x1, $0x1  }
0x257: {  	[tilespmem:s22+$0x10D80] =	vst.msk vm1, v16;
	s22 =	simm.s32 @!p0 $0x200  }
0x258: {  	[tilespmem:s22+$0x10E00] =	vst.msk vm0, v16  }
0x259: {  	s23 =	simm.s32 $0x10810;
	[tilespmem:$0x11800] =	vst v15  }
0x25a: {  	v17 =	vld [tilespmem:s23+$0x0];
	_ =	sdelay $0x3  }
0x25b: {  	p1 =	sne.s32 s21, $0x1  }
.Ltmp20:
0x25c: {  	vm1 =	vgt.f32 v17, v13;
	(pc) =	sbr.rel @!p1 .LBB2_30-.Ltmp20, $4  }
0x25d: {  	s24 =	simm.s32 $0x10A90;
	vm0 =	veq.f32 v17, v13;
	v18 =	vmpcnt.ones.xlane vm1  }
0x25e: {  	v16 =	vld [tilespmem:s24+$0x0];
	v15 =	vmpcnt.ones.xlane vm0;
	s30 =	spop (v2sf)  }
0x25f: {  	s25 =	sadd.s32 $0xFFFFFFFF, s21;
	s21 =	sadd.s32 $0x0, s30;
	s31 =	spop (v2sf);
	(v2sf) =	vpush v18, $0x0  }
0x260: {  	p0 =	por $0x1, $0x1;
	[tilespmem:s21+$0x10D00] =	vst.msk vm1, v17;
	[smem:$0x1] =	sst s21;
	s22 =	sadd.s32 $0x0, s31;
	(v2sf) =	vpush v15, $0x0  }
.LBB2_29:
0x261: {  	p1 =	sne.s32 s25, $0x1  }
0x262: {  	p2 =	slt.s32 s22, $0x200;
	[smem:$0x2] =	sst s22;
	s26 =	smov.u32 s22  }
0x263: {  	s25 =	sadd.s32 $0xFFFFFFFF, s25;
	[tilespmem:s21+$0x10D80] =	vst.msk vm1, v16;
	s26 =	simm.s32 @!p2 $0x200  }
0x264: {  	[tilespmem:s26+$0x10E00] =	vst.msk vm0, v16  }
0x265: {  	s23 =	sadd.s32 $0x10, s23;
	[tilespmem:$0x11800] =	vst v15  }
0x266: {  	v17 =	vld [tilespmem:s23+$0x0];
	_ =	sdelay $0x4  }
0x267: {  	vm1 =	vgt.f32 v17, v13;
	vm0 =	veq.f32 v17, v13  }
.Ltmp21:
0x268: {  	s24 =	sadd.s32 $0x10, s24;
	v18 =	vmpcnt.ones.xlane vm1;
	v15 =	vmpcnt.ones.xlane vm0;
	(pc) =	sbr.rel @p1 .LBB2_29-.Ltmp21, $4  }
0x269: {  	v16 =	vld [tilespmem:s24+$0x0]  }
0x26a: {  	(v2sf) =	vpush v18, $0x0;
	s26 =	spop (v2sf)  }
0x26b: {  	(v2sf) =	vpush v15, $0x0;
	s21 =	sadd.s32 s21, s26;
	s26 =	spop (v2sf)  }
0x26c: {  	[tilespmem:s21+$0x10D00] =	vst.msk vm1, v17;
	[smem:$0x1] =	sst s21;
	s22 =	sadd.s32 s22, s26  }
.LBB2_30:
0x26d: {  	_ =	sdelay $0xb  }
0x26e: {  	p1 =	slt.s32 s22, $0x200  }
0x26f: {  	[smem:$0x2] =	sst @p0 s22;
	s23 =	smov.u32 s22;
	s24 =	spop (v2sf)  }
0x270: {  	s23 =	simm.s32 @!p1 $0x200;
	[tilespmem:s21+$0x10D80] =	vst.msk vm1, v16;
	s30 =	sadd.s32 s21, s24;
	s31 =	spop (v2sf)  }
0x271: {  	[tilespmem:s23+$0x10E00] =	vst.msk vm0, v16;
	[smem:$0x1] =	sst s30;
	s22 =	sadd.s32 s22, s31  }
0x272: {  	[tilespmem:$0x11800] =	vst v15;
	[smem:$0x2] =	sst s22  }
.LBB2_31:
0x273: {  	p0 =	slt.s32 s22, $0x200  }
0x274: {  	p1 =	slt.s32 s22, $0xFFFFFFF2;
	s22 =	simm.s32 @!p0 $0x200  }
0x275: {  	[tilespmem:s22+$0x10E00] =	vst v12  }
0x276: {  	v15 =	vld [tilespmem:$0x10E00];
	_ =	sdelay $0x4  }
0x277: {  	(xrf1) =	vsort.ascd.msk.u32 $0xffff, v15, v15;
	_ =	sdelay $0x1  }
0x278: {  	s21 =	sadd.s32 $0xF, s22  }
0x279: {  	s22 =	sand.u32 $0xF, s21  }
0x27a: {  	s31 =	sshra.s32 s21, $0x1F;
	p6 =	sne.s32 s22, $0x0  }
0x27b: {  	s22 =	sshrl.u32 s31, $0x1C;
	p0 =	por !p1, !p6  }
0x27c: {  	s21 =	sadd.s32 s22, s21;
	s22 =	simm.s32 $0x1;
	p0 =	por !p0, !p0  }
0x27d: {  	s21 =	sshra.s32 s21, $0x4;
	s22 =	simm.s32 @!p0 $0x0  }
0x27e: {  	s22 =	ssub.s32 s21, s22  }
0x27f: {  	p1 =	slt.s32 s22, $0x2  }
.Ltmp22:
0x280: {  	_ = 	snop;
	(pc) =	sbr.rel @p1 .LBB2_39-.Ltmp22, $2  }
0x281: {  	_ =	sdelay $0x2  }
0x282: {  	v15, _, _ =	vpop (xrf1)  }
0x283: {  	s22 =	simm.s32 $0xFFFFFFFF  }
0x284: {  	s22 =	simm.s32 @!p0 $0x0  }
0x285: {  	s21 =	sadd.s32 s22, s21  }
0x286: {  	s21 =	sadd.s32 $0xFFFFFFFF, s21  }
0x287: {  	p2 =	sne.s32 s21, $0x1  }
.Ltmp23:
0x288: {  	_ = 	snop;
	(pc) =	sbr.rel @!p2 .LBB2_33-.Ltmp23, $3  }
0x289: {  	_ =	sdelay $0x1  }
0x28a: {  	s31 =	simm.s32 $0x10E10  }
0x28b: {  	p1 =	por $0x0, $0x0;
	v16 =	vld [tilespmem:s31+$0x0];
	p0 =	por $0x0, $0x0;
	s21 =	sadd.s32 $0xFFFFFFFF, s21  }
0x28c: {  	p2 =	sne.s32 s21, $0x1  }
.Ltmp24:
0x28d: {  	_ = 	snop;
	(pc) =	sbr.rel @!p2 .LBB2_35-.Ltmp24, $3  }
0x28e: {  	_ =	sdelay $0x1  }
0x28f: {  	s22 =	simm.s32 $0x10E20;
	v16 =	vxor.u32 $0x80000000, v16  }
0x290: {  	p0 =	por $0x1, $0x1;
	(xrf1) =	vsort.dscd.msk.u32 $0xffff, v16, v0;
	v16 =	vld [tilespmem:s22+$0x0];
	s22 =	sadd.s32 $0xFFFFFFFF, s21  }
0x291: {  	_ =	sdelay $0xc  }
0x292: {  	v17, _, _ =	vpop (xrf1)  }
0x293: {  	v17 =	vxor.u32 $0x80000000, v17  }
0x294: {  	v16 =	vxor.u32 $0x80000000, v16;
	vm0 =	vlt.s32 v15, v17  }
0x295: {  	(xrf1) =	vsort.dscd.msk.u32 $0xffff, v16, v0;
	v16 =	vsel vm0, v15, v17  }
0x296: {  	(xrf1) =	vsort.ascd.msk.u32 $0xffff, v16, v16;
	_ =	sdelay $0x4  }
0x297: {  	p2 =	sne.s32 s22, $0x1  }
.Ltmp25:
0x298: {  	_ = 	snop;
	(pc) =	sbr.rel @!p2 .LBB2_38-.Ltmp25, $3  }
0x299: {  	_ =	sdelay $0x1  }
0x29a: {  	s21 =	simm.s32 $0x10E30  }
0x29b: {  	s22 =	sadd.s32 $0xFFFFFFFF, s22;
	p1 =	por $0x1, $0x1;
	v16 =	vld [tilespmem:s21+$0x0]  }
.LBB2_37:
0x29c: {  	p2 =	sne.s32 s22, $0x1;
	_ =	sdelay $0x1  }
0x29d: {  	v17, _, _ =	vpop (xrf1)  }
0x29e: {  	v17 =	vxor.u32 $0x80000000, v17;
	v18, _, _ =	vpop (xrf1)  }
0x29f: {  	v16 =	vxor.u32 $0x80000000, v16;
	vm0 =	vlt.s32 v18, v17  }
0x2a0: {  	(xrf1) =	vsort.dscd.msk.u32 $0xffff, v16, v0;
	v16 =	vsel vm0, v18, v17  }
0x2a1: {  	(xrf1) =	vsort.ascd.msk.u32 $0xffff, v16, v16;
	_ =	sdelay $0x5  }
.Ltmp26:
0x2a2: {  	(pc) =	sbr.rel @p2 .LBB2_37-.Ltmp26, $3  }
0x2a3: {  	_ =	sdelay $0x1  }
0x2a4: {  	s21 =	sadd.s32 $0x10, s21  }
0x2a5: {  	s22 =	sadd.s32 $0xFFFFFFFF, s22;
	v16 =	vld [tilespmem:s21+$0x0]  }
.LBB2_38:
0x2a6: {  	_ =	sdelay $0x1  }
0x2a7: {  	v17, _, _ =	vpop @p0 (xrf1)  }
0x2a8: {  	v18, _, _ =	vpop @p1 (xrf1)  }
0x2a9: {  	v17 =	vxor.u32 @p0 $0x80000000, v17;
	v18 =	vpsel p1, v18, v15  }
0x2aa: {  	v16 =	vxor.u32 $0x80000000, v16;
	vm0 =	vlt.s32 @p0 v18, v17  }
0x2ab: {  	(xrf1) =	vsort.dscd.msk.u32 $0xffff, v16, v0;
	v16 =	vsel @p0 vm0, v18, v17  }
0x2ac: {  	(xrf1) =	vsort.ascd.msk.u32 @p0 $0xffff, v16, v16;
	_ =	sdelay $0xc  }
0x2ad: {  	v16, _, _ =	vpop (xrf1)  }
0x2ae: {  	v17, _, _ =	vpop @p0 (xrf1)  }
0x2af: {  	v16 =	vxor.u32 $0x80000000, v16;
	v15 =	vpsel p0, v17, v15  }
0x2b0: {  	vm15 =	vlt.s32 v15, v16  }
0x2b1: {  	v15 =	vsel vm15, v15, v16  }
0x2b2: {  	(xrf1) =	vsort.ascd.msk.u32 $0xffff, v15, v15;
	_ =	sdelay $0xd  }
0x2b3: {  	v15, _, _ =	vpop (xrf1)  }
.LBB2_39:
0x2b4: {  	v14 =	vbroadcast v14, $0xF;
	_ =	sdelay $0x1  }
0x2b5: {  	v16 =	vsub.s32 v0, v14  }
0x2b6: {  	vm0 =	vgt.s32 v16, $0x0  }
0x2b7: {  	v16 =	vnsel vm0, $0x0, v16;
	_ =	sdelay $0x3  }
0x2b8: {  	[tilespmem:$0x10E00] =	vst v15  }
0x2b9: {  	v15 =	vld.idx.msk [tilespmem:v16+s13+$0x0], $0xffff  }
0x2ba: {  	v16 =	vld [tilespmem:$0x10D80]  }
0x2bb: {  	v17 =	vld [tilespmem:$0x10D00];
	_ =	sdelay $0x2  }
0x2bc: {  	vm15 =	vlt.s32 v0, v14  }
0x2bd: {  	v14 =	vsel vm15, v16, v15  }
0x2be: {  	v13 =	vsel vm15, v17, v13;
	v14 =	vxor.u32 $0x80000000, v14  }
0x2bf: {  	(xrf1) =	vsort.ascd.msk.u32 $0xffff, v14, v13;
	_ =	sdelay $0xb  }
0x2c0: {  	p0 =	seq.s32 s18, $0x1F  }
0x2c1: {  	s21 =	sshll.u32 s18, $0x5;
	s20 =	sadd.s32 @!p0 $0x2, s20  }
0x2c2: {  	s29 =	simm.s32 $0x83F0;
	s21 =	sand.u32 $0x3FFFFFE0, s21;
	s22 =	sshll.u32 @!p0 s20, $0xC;
	_, v13, _ =	vpop (xrf1)  }
0x2c3: {  	s23 =	simm.s32 @!p0 $0x0;
	s22 =	sand.u32 @!p0 $0x18000, s22;
	[tilespmem:s21+$0x11400] =	vst v13;
	s21 =	sadd.s32 @!p0 s4, s20  }
0x2c4: {  	s20 =	sshll.u32 @!p0 s20, $0x4;
	_ =	swait.ge [sflag:s14], $0x8000;
	s21 =	sshll.u32 @!p0 s21, $0xC  }
0x2c5: {  	s20 =	sand.u32 @!p0 $0x60, s20;
	s21 =	sand.u32 @!p0 $0xFFE0000, s21;
	[sflag:s14] =	ssyncset.done $0x0  }
0x2c6: {  	s20 =	sadd.s32 @!p0 s2, s20;
	s21 =	sor.u32 @!p0 s21, s22;
	[sflag:s14] =	ssyncadd.s32 $0xFFFF8000  }
0x2c7: {  	s22 =	simm.s32 @!p0 $0x400;
	s20 =	sadd.s32 @!p0 s21, s20;
	s21 =	simm.s32 @!p0 $0x80  }
0x2c8: {  	[tilespmem:s23], [sflag:$0x1] =	stream.strided.gather @!p0 [hbm4b:s20+s21], $0x8000, s22, s21, $0x38;
	[tilespmem:$0x11880] =	vst v63  }
0x2c9: {  	v14 =	vld [tilespmem:s29+$0xFFFFFF00]  }
0x2ca: {  	v18 =	vld [tilespmem:s29+$0xFFFFFEE0]  }
0x2cb: {  	v13 =	vld [tilespmem:s29+$0xFFFFFF80]  }
0x2cc: {  	v15 =	vld [tilespmem:s29+$0xFFFFFF70]  }
0x2cd: {  	v16 =	vld [tilespmem:s29+$0xFFFFFF60]  }
0x2ce: {  	v17 =	vld [tilespmem:s29+$0xFFFFFF50]  }
0x2cf: {  	v19 =	vld [tilespmem:s29+$0xFFFFFF40]  }
0x2d0: {  	v20 =	vld [tilespmem:s29+$0xFFFFFF30]  }
0x2d1: {  	v21 =	vld [tilespmem:s29+$0xFFFFFF20]  }
0x2d2: {  	v22 =	vld [tilespmem:s29+$0xFFFFFF10]  }
0x2d3: {  	v23 =	vld [tilespmem:s29+$0xFFFFFEC0]  }
0x2d4: {  	v24 =	vld [tilespmem:s29+$0xFFFFFEB0]  }
0x2d5: {  	v25 =	vld [tilespmem:s29+$0xFFFFFEA0]  }
0x2d6: {  	v26 =	vld [tilespmem:s29+$0xFFFFFE90]  }
0x2d7: {  	v27 =	vld [tilespmem:s29+$0xFFFFFE80]  }
0x2d8: {  	v28 =	vld [tilespmem:s29+$0xFFFFFE70]  }
0x2d9: {  	v29 =	vld [tilespmem:s29+$0xFFFFFE60]  }
0x2da: {  	v30 =	vld [tilespmem:s29+$0xFFFFFE50]  }
0x2db: {  	v31 =	vld [tilespmem:s29+$0xFFFFFE40]  }
0x2dc: {  	v32 =	vld [tilespmem:s29+$0xFFFFFE30]  }
0x2dd: {  	v33 =	vld [tilespmem:s29+$0xFFFFFE20]  }
0x2de: {  	v34 =	vld [tilespmem:s29+$0xFFFFFE00]  }
0x2df: {  	v35 =	vld [tilespmem:s29+$0xFFFFFDF0]  }
0x2e0: {  	v36 =	vld [tilespmem:s29+$0xFFFFFE10]  }
0x2e1: {  	v37 =	vld [tilespmem:s29+$0xFFFFFDD0]  }
0x2e2: {  	v38 =	vld [tilespmem:s29+$0xFFFFFDC0]  }
0x2e3: {  	v39 =	vld [tilespmem:s29+$0xFFFFFDB0]  }
0x2e4: {  	v40 =	vld [tilespmem:s29+$0xFFFFFDA0]  }
0x2e5: {  	v41 =	vld [tilespmem:s29+$0xFFFFFD90]  }
0x2e6: {  	v42 =	vld [tilespmem:s29+$0xFFFFFD00]  }
0x2e7: {  	v43 =	vld [tilespmem:s29+$0xFFFFFCF0]  }
0x2e8: {  	v44 =	vld [tilespmem:s29+$0xFFFFFCE0]  }
0x2e9: {  	v45 =	vld [tilespmem:s29+$0xFFFFFD80]  }
0x2ea: {  	v46 =	vld [tilespmem:s29+$0xFFFFFD70]  }
0x2eb: {  	v47 =	vld [tilespmem:s29+$0xFFFFFD60]  }
0x2ec: {  	v48 =	vld [tilespmem:s29+$0xFFFFFD50]  }
0x2ed: {  	v49 =	vld [tilespmem:s29+$0xFFFFFD40]  }
0x2ee: {  	v50 =	vld [tilespmem:s29+$0xFFFFFD30]  }
0x2ef: {  	v51 =	vld [tilespmem:s29+$0xFFFFFD20]  }
0x2f0: {  	v52 =	vld [tilespmem:s29+$0xFFFFFD10]  }
0x2f1: {  	v53 =	vld [tilespmem:s29+$0xFFFFFCC0]  }
0x2f2: {  	v54 =	vld [tilespmem:s29+$0xFFFFFCB0]  }
0x2f3: {  	v55 =	vld [tilespmem:s29+$0xFFFFFCA0]  }
0x2f4: {  	v58 =	vimm.f32 $-Inf;
	v59 =	vld [tilespmem:s29+$0xFFFFFC90]  }
0x2f5: {  	v13 =	vmax.f32 v19, v13;
	v19 =	vld [tilespmem:s29+$0xFFFFFC10];
	v15 =	vmax.f32 v20, v15;
	v16 =	vmax.f32 v21, v16  }
0x2f6: {  	v17 =	vmax.f32 v22, v17;
	v20 =	vld [tilespmem:s29+$0xFFFFFC80];
	v21 =	vmax.f32 v31, v27;
	v22 =	vmax.f32 v32, v28  }
0x2f7: {  	v27 =	vmax.f32 v33, v29;
	v28 =	vld [tilespmem:s29+$0xFFFFFC70];
	v31 =	vmax.f32 v52, v48;
	v21 =	vmax.f32 v21, v23  }
0x2f8: {  	v22 =	vmax.f32 v22, v24;
	v23 =	vmax.f32 v27, v25;
	v24 =	vld [tilespmem:s29+$0xFFFFFC60];
	v31 =	vmax.f32 v31, v41  }
0x2f9: {  	v25 =	vld [tilespmem:s29+$0xFFFFFC40];
	v29 =	vmax.f32 v21, v14;
	v18 =	vmax.f32 v23, v18;
	v14 =	vmax.f32 v36, v30  }
0x2fa: {  	v21 =	vld [tilespmem:s29+$0xFFFFFC50];
	v23 =	vmax.f32 v50, v46;
	v30 =	vmax.f32 v14, v26;
	v14 =	vmax.f32 v49, v45  }
0x2fb: {  	v27 =	vld [tilespmem:s29+$0xFFFFFC30];
	v26 =	vmax.f32 v51, v47;
	v23 =	vmax.f32 v23, v39;
	v14 =	vmax.f32 v14, v38  }
0x2fc: {  	s31 =	simm.s32 $0x2;
	v57 =	vmax.f32 v26, v40;
	v26 =	vld [tilespmem:s29+$0xFFFFFC20];
	v23 =	vmax.f32 v23, v35;
	v14 =	vmax.f32 v14, v34  }
0x2fd: {  	v63 =	vmov s31;
	s20 =	simm.s32 $0x0;
	v31 =	vmax.f32 v31, v37;
	v35 =	vmax.f32 v23, v14;
	v23 =	vld [tilespmem:s29+$0xFFFFFCD0]  }
0x2fe: {  	v34 =	vand.u32 $0x7E, v63;
	v14 =	vmov s20;
	v20 =	vmax.f32 v25, v20;
	v25 =	vld [tilespmem:s29+$0xFFFFFDE0]  }
0x2ff: {  	v60 =	vld [tilespmem:s29+$0xFFFFFEF0];
	v19 =	vmax.f32 v19, v21;
	v14 =	vand.u32 $0x7C, v14;
	v20 =	vmax.f32 v20, v53  }
0x300: {  	v21 =	vbroadcast v14, $0x0;
	v14 =	vmax.f32 v27, v28;
	v28 =	vld [tilespmem:s29+$0xFFFFFED0];
	v20 =	vmax.f32 v20, v42  }
0x301: {  	v19 =	vmax.f32 v19, v59;
	v24 =	vmax.f32 v26, v24;
	v26 =	vmax.f32 v14, v54;
	v14 =	vld [tilespmem:s29+$0xFFFFFFD0]  }
0x302: {  	v27 =	vmax.f32 v24, v55;
	v21 =	vor.u32 v1, v21;
	v24 =	vld [tilespmem:s29+$0xFFFFFF90];
	v19 =	vmax.f32 v19, v23  }
0x303: {  	v23 =	vmax.f32 v27, v44;
	v27 =	vmax.f32 v26, v43;
	v26 =	vld [tilespmem:s29+$0xFFFFFFA0];
	v25 =	vmax.f32 v57, v25  }
0x304: {  	s30 =	simm.s32 $0x1;
	v19 =	vmax.f32 v19, v23;
	v20 =	vmax.f32 v27, v20;
	v27 =	vld [tilespmem:s29+$0xFFFFFFB0];
	v61 =	vmax.f32 v31, v25  }
0x305: {  	v25 =	vld [tilespmem:s29+$0xFFFFFFC0];
	v23 =	vmax.f32 v19, v20;
	v19 =	vmov s30;
	v31 =	vmax.f32 v30, v28  }
0x306: {  	v30 =	vmax.f32 v22, v60;
	v28 =	vld [tilespmem:s29+$0xFFFFFFE0];
	v22 =	vmax.f32 v61, v35;
	v20 =	vmin.f32 v58, v23  }
0x307: {  	v62 =	vmax.f32 v58, v23;
	v33 =	vmax.f32 v30, v29;
	v30 =	vld [tilespmem:s29+$0xFFFFFFF0];
	v32 =	vmax.f32 v58, v20  }
0x308: {  	s21 =	simm.s32 $0x4;
	s22 =	simm.s32 $0x87F0;
	v20 =	vand.u32 $0x7D, v19;
	v19 =	vld [tilespmem:s29+$0x0];
	v29 =	vmax.f32 v62, v22;
	v35 =	vmin.f32 v62, v22  }
.LBB2_40:
0x309: {  	v36 =	vld [tilespmem:s22+$0xFFFFFF00];
	p0 =	slt.u32 s21, $0x7C;
	v32 =	vmax.f32 v32, v35;
	v18 =	vmax.f32 v31, v18;
	v31 =	vbroadcast v34, $0x0;
	s23 =	smov.u32 s21;
	s21 =	sadd.s32 $0x4, s21  }
0x30a: {  	v17 =	vmax.f32 v17, v24;
	v16 =	vmax.f32 v16, v26;
	v34 =	vld [tilespmem:s22+$0xFFFFFEE0];
	v18 =	vmax.f32 v18, v33  }
0x30b: {  	v15 =	vmax.f32 v15, v27;
	v24 =	vld [tilespmem:s22+$0xFFFFFFD0];
	v26 =	vmax.f32 v29, v18;
	v29 =	vmin.f32 v29, v18  }
0x30c: {  	v20 =	vbroadcast v20, $0x0;
	s24 =	sadd.s32 $0x3, s20;
	s20 =	smov.u32 s23;
	v27 =	vld [tilespmem:s22+$0xFFFFFF80];
	v29 =	vmax.f32 v32, v29;
	v15 =	vmax.f32 v15, v30  }
0x30d: {  	v13 =	vmax.f32 v13, v25;
	v16 =	vmax.f32 v16, v28;
	v31 =	vor.u32 v1, v31;
	v30 =	vld [tilespmem:s22+$0xFFFFFF70]  }
0x30e: {  	v13 =	vmax.f32 v13, v19;
	v25 =	vld [tilespmem:s22+$0xFFFFFF60];
	[tilespmem:v21+s12+$0x0] =	vst.idx.msk $0xffff, v23;
	v21 =	vor.u32 v1, v20;
	v20 =	vor.u32 s24, v1  }
0x30f: {  	v17 =	vmax.f32 v17, v14;
	v13 =	vmax.f32 v15, v13;
	v23 =	vld [tilespmem:s22+$0xFFFFFF50]  }
0x310: {  	v16 =	vmax.f32 v17, v16;
	v15 =	vld [tilespmem:s22+$0xFFFFFF40];
	v14 =	vmov v24  }
0x311: {  	v13 =	vmax.f32 v16, v13;
	v17 =	vld [tilespmem:s22+$0xFFFFFF30]  }
0x312: {  	v19 =	vmax.f32 v26, v13;
	v16 =	vld [tilespmem:s22+$0xFFFFFF20];
	[tilespmem:v31+s12+$0x0] =	vst.idx.msk $0xffff, v18;
	v18 =	vmin.f32 v26, v13  }
0x313: {  	v24 =	vld [tilespmem:s22+$0xFFFFFF10];
	[tilespmem:v20+s12+$0x0] =	vst.idx.msk $0xffff, v13;
	v20 =	vmax.f32 v29, v18  }
0x314: {  	v18 =	vld [tilespmem:s22+$0xFFFFFEC0];
	[tilespmem:v21+s12+$0x0] =	vst.idx.msk $0xffff, v22  }
0x315: {  	v21 =	vld [tilespmem:s22+$0xFFFFFEB0];
	v13 =	vmax.f32 v15, v27  }
0x316: {  	v22 =	vld [tilespmem:s22+$0xFFFFFEA0];
	v15 =	vmax.f32 v17, v30  }
0x317: {  	v26 =	vld [tilespmem:s22+$0xFFFFFE90];
	v16 =	vmax.f32 v16, v25  }
0x318: {  	v25 =	vld [tilespmem:s22+$0xFFFFFE80];
	v17 =	vmax.f32 v24, v23  }
0x319: {  	v23 =	vld [tilespmem:s22+$0xFFFFFE70]  }
0x31a: {  	v24 =	vld [tilespmem:s22+$0xFFFFFE60]  }
0x31b: {  	v27 =	vld [tilespmem:s22+$0xFFFFFE50]  }
0x31c: {  	v28 =	vld [tilespmem:s22+$0xFFFFFE40]  }
0x31d: {  	v29 =	vld [tilespmem:s22+$0xFFFFFE30]  }
0x31e: {  	v30 =	vld [tilespmem:s22+$0xFFFFFE20]  }
0x31f: {  	v31 =	vld [tilespmem:s22+$0xFFFFFE00]  }
0x320: {  	v32 =	vld [tilespmem:s22+$0xFFFFFDF0]  }
0x321: {  	v33 =	vld [tilespmem:s22+$0xFFFFFE10];
	v25 =	vmax.f32 v28, v25  }
0x322: {  	v28 =	vld [tilespmem:s22+$0xFFFFFDD0];
	v23 =	vmax.f32 v29, v23;
	v18 =	vmax.f32 v25, v18  }
0x323: {  	v25 =	vld [tilespmem:s22+$0xFFFFFDC0];
	v24 =	vmax.f32 v30, v24;
	v29 =	vmax.f32 v23, v21;
	v30 =	vmax.f32 v18, v36  }
0x324: {  	v21 =	vld [tilespmem:s22+$0xFFFFFDB0];
	v18 =	vmax.f32 v24, v22  }
0x325: {  	v22 =	vld [tilespmem:s22+$0xFFFFFDA0];
	v18 =	vmax.f32 v18, v34  }
0x326: {  	v23 =	vld [tilespmem:s22+$0xFFFFFD90];
	v24 =	vmax.f32 v33, v27  }
0x327: {  	v27 =	vld [tilespmem:s22+$0xFFFFFD00];
	v33 =	vmax.f32 v24, v26  }
0x328: {  	v26 =	vld [tilespmem:s22+$0xFFFFFCF0]  }
0x329: {  	v34 =	vld [tilespmem:s22+$0xFFFFFCE0]  }
0x32a: {  	v24 =	vld [tilespmem:s22+$0xFFFFFD80]  }
0x32b: {  	v35 =	vld [tilespmem:s22+$0xFFFFFD70]  }
0x32c: {  	v36 =	vld [tilespmem:s22+$0xFFFFFD60]  }
0x32d: {  	v37 =	vld [tilespmem:s22+$0xFFFFFD50]  }
0x32e: {  	v38 =	vld [tilespmem:s22+$0xFFFFFD40]  }
0x32f: {  	v39 =	vld [tilespmem:s22+$0xFFFFFD30]  }
0x330: {  	v40 =	vld [tilespmem:s22+$0xFFFFFD20]  }
0x331: {  	v41 =	vld [tilespmem:s22+$0xFFFFFD10]  }
0x332: {  	v42 =	vld [tilespmem:s22+$0xFFFFFCC0]  }
0x333: {  	v43 =	vld [tilespmem:s22+$0xFFFFFCB0];
	v24 =	vmax.f32 v38, v24  }
0x334: {  	v38 =	vld [tilespmem:s22+$0xFFFFFCA0];
	v35 =	vmax.f32 v39, v35;
	v24 =	vmax.f32 v24, v25  }
0x335: {  	v25 =	vld [tilespmem:s22+$0xFFFFFC10];
	v36 =	vmax.f32 v40, v36;
	v21 =	vmax.f32 v35, v21;
	v24 =	vmax.f32 v24, v31  }
0x336: {  	v31 =	vld [tilespmem:s22+$0xFFFFFC80];
	v35 =	vmax.f32 v41, v37;
	v22 =	vmax.f32 v36, v22;
	v21 =	vmax.f32 v21, v32  }
0x337: {  	v32 =	vld [tilespmem:s22+$0xFFFFFC70];
	v23 =	vmax.f32 v35, v23;
	v35 =	vmax.f32 v21, v24  }
0x338: {  	v21 =	vld [tilespmem:s22+$0xFFFFFC60];
	v28 =	vmax.f32 v23, v28  }
0x339: {  	v23 =	vld [tilespmem:s22+$0xFFFFFC50]  }
0x33a: {  	v24 =	vld [tilespmem:s22+$0xFFFFFC40]  }
0x33b: {  	v36 =	vld [tilespmem:s22+$0xFFFFFC30]  }
0x33c: {  	v37 =	vld [tilespmem:s22+$0xFFFFFC20]  }
0x33d: {  	v40 =	vmov s20;
	v39 =	vld [tilespmem:s22+$0xFFFFFC90]  }
0x33e: {  	v40 =	vand.u32 $0x7C, v40;
	v23 =	vmax.f32 v25, v23;
	v25 =	vld [tilespmem:s22+$0xFFFFFCD0]  }
0x33f: {  	v24 =	vmax.f32 v24, v31;
	v31 =	vbroadcast v40, $0x0;
	v40 =	vld [tilespmem:s22+$0xFFFFFDE0]  }
0x340: {  	v32 =	vmax.f32 v36, v32;
	v24 =	vmax.f32 v24, v42;
	v36 =	vld [tilespmem:s22+$0xFFFFFED0]  }
0x341: {  	v21 =	vmax.f32 v37, v21;
	v32 =	vmax.f32 v32, v43;
	v27 =	vmax.f32 v24, v27;
	v37 =	vld [tilespmem:s22+$0xFFFFFEF0]  }
0x342: {  	v23 =	vmax.f32 v23, v39;
	v38 =	vmax.f32 v21, v38;
	v21 =	vor.u32 v1, v31;
	v24 =	vld [tilespmem:s22+$0xFFFFFF90]  }
0x343: {  	s23 =	sadd.s32 $0x2, s20;
	v31 =	vmax.f32 v32, v26;
	v23 =	vmax.f32 v23, v25;
	v25 =	vmax.f32 v38, v34;
	v26 =	vld [tilespmem:s22+$0xFFFFFFA0]  }
0x344: {  	s24 =	sadd.s32 $0x1, s20;
	v23 =	vmax.f32 v23, v25;
	v25 =	vmax.f32 v31, v27;
	v22 =	vmax.f32 v22, v40;
	v27 =	vld [tilespmem:s22+$0xFFFFFFB0]  }
.Ltmp27:
0x345: {  	v34 =	vmov s24;
	v23 =	vmax.f32 v23, v25;
	v22 =	vmax.f32 v28, v22;
	v25 =	vld [tilespmem:s22+$0xFFFFFFC0];
	(pc) =	sbr.rel @p0 .LBB2_40-.Ltmp27, $4  }
0x346: {  	v31 =	vmax.f32 v33, v36;
	v32 =	vmin.f32 v19, v23;
	v29 =	vmax.f32 v29, v37;
	v28 =	vld [tilespmem:s22+$0xFFFFFFE0]  }
0x347: {  	v36 =	vmax.f32 v19, v23;
	v32 =	vmax.f32 v20, v32;
	v20 =	vand.u32 $0x7D, v34;
	v19 =	vld [tilespmem:s22+$0x0]  }
0x348: {  	v22 =	vmax.f32 v22, v35;
	v33 =	vmax.f32 v29, v30;
	v34 =	vmov s23;
	v30 =	vld [tilespmem:s22+$0xFFFFFFF0]  }
0x349: {  	v29 =	vmax.f32 v36, v22;
	v35 =	vmin.f32 v36, v22;
	v34 =	vand.u32 $0x7E, v34;
	s22 =	sadd.s32 $0x400, s22  }
0x34a: {  	_ = 	snop  }
0x34b: {  	v18 =	vmax.f32 v31, v18;
	v36 =	vmax.f32 v32, v35;
	v37 =	vbroadcast v34, $0x0  }
0x34c: {  	v17 =	vmax.f32 v17, v24;
	v16 =	vmax.f32 v16, v26;
	v15 =	vmax.f32 v15, v27  }
0x34d: {  	v20 =	vbroadcast v20, $0x0;
	s20 =	sadd.s32 $0x3, s20;
	v13 =	vmax.f32 v13, v25;
	v18 =	vmax.f32 v18, v33  }
0x34e: {  	[tilespmem:v21+s12+$0x0] =	vst.idx.msk $0xffff, v23;
	v16 =	vmax.f32 v16, v28;
	v40 =	vor.u32 s20, v1;
	v14 =	vmax.f32 v17, v14  }
0x34f: {  	v39 =	vor.u32 v1, v37;
	v13 =	vmax.f32 v13, v19;
	v15 =	vmax.f32 v15, v30  }
0x350: {  	v41 =	vor.u32 v1, v20;
	v14 =	vmax.f32 v14, v16;
	v13 =	vmax.f32 v15, v13  }
0x351: {  	v38 =	vmin.f32 v29, v18;
	v15 =	vmax.f32 v29, v18;
	v13 =	vmax.f32 v14, v13  }
0x352: {  	v42 =	vmax.f32 v36, v38;
	v14 =	vmax.f32 v15, v13;
	v15 =	vmin.f32 v15, v13  }
0x353: {  	[tilespmem:v40+s12+$0x0] =	vst.idx.msk $0xffff, v13;
	v15 =	vmax.f32 v42, v15;
	(xrf1) =	vsort.dscd.msk.f32 $0xffff, v14, v0  }
0x354: {  	[tilespmem:v39+s12+$0x0] =	vst.idx.msk $0xffff, v18;
	(xrf1) =	vsort.ascd.msk.f32 $0xffff, v15, v15  }
0x355: {  	[tilespmem:v41+s12+$0x0] =	vst.idx.msk $0xffff, v22  }
0x356: {  	v13 =	vld [tilespmem:$0x10000]  }
0x357: {  	v14 =	vld [tilespmem:$0x10080]  }
0x358: {  	v15 =	vld [tilespmem:$0x10100]  }
0x359: {  	v43 =	vld [tilespmem:$0x10180]  }
0x35a: {  	v17 =	vld [tilespmem:$0x10200]  }
0x35b: {  	v18 =	vld [tilespmem:$0x10280]  }
0x35c: {  	v19 =	vld [tilespmem:$0x10300]  }
0x35d: {  	v44 =	vld [tilespmem:$0x10380]  }
0x35e: {  	v21 =	vld [tilespmem:$0x10400]  }
0x35f: {  	v22 =	vld [tilespmem:$0x10480]  }
0x360: {  	v23 =	vld [tilespmem:$0x10500]  }
0x361: {  	v46 =	vld [tilespmem:$0x10580];
	v45, _, _ =	vpop (xrf1)  }
0x362: {  	v48 =	vld [tilespmem:$0x10600];
	v47, _, _ =	vpop (xrf1)  }
0x363: {  	v49 =	vld [tilespmem:$0x10680];
	v24 =	vmax.f32 v45, v47  }
0x364: {  	v50 =	vld [tilespmem:$0x10700];
	(xrf0) =	vmin.scan.msk.f32 $0xffff, v24  }
0x365: {  	v51 =	vld [tilespmem:$0x10780]  }
0x366: {  	v13 =	vmax.f32 v13, v17  }
0x367: {  	v14 =	vmax.f32 v14, v18;
	v13 =	vmax.f32 v13, v21  }
0x368: {  	v15 =	vmax.f32 v15, v19;
	v16 =	vmax.f32 v43, v44;
	v14 =	vmax.f32 v14, v22  }
0x369: {  	v15 =	vmax.f32 v15, v23;
	v16 =	vmax.f32 v16, v46;
	v52 =	vmax.f32 v13, v48  }
0x36a: {  	v14 =	vmax.f32 v14, v49;
	v15 =	vmax.f32 v15, v50;
	v16 =	vmax.f32 v16, v51;
	v13, _, _ =	vpop (xrf0)  }
0x36b: {  	v14 =	vmax.f32 v52, v14;
	v15 =	vmax.f32 v15, v16;
	v13 =	vbroadcast v13, $0xF  }
0x36c: {  	v14 =	vmax.f32 v14, v15  }
0x36d: {  	s20 =	simm.s32 $0x11080;
	vm0 =	vge.f32 v14, v13  }
0x36e: {  	[tilespmem:s20+$0x0] =	vst.msk vm0, v0  }
0x36f: {  	v14 =	vld [tilespmem:$0x10010]  }
0x370: {  	v15 =	vld [tilespmem:$0x10090]  }
0x371: {  	v53 =	vld [tilespmem:$0x10110]  }
0x372: {  	v54 =	vld [tilespmem:$0x10190]  }
0x373: {  	v55 =	vld [tilespmem:$0x10210]  }
0x374: {  	v56 =	vld [tilespmem:$0x10290]  }
0x375: {  	v57 =	vmpcnt.ones.xlane vm0;
	v58 =	vld [tilespmem:$0x10310]  }
0x376: {  	v59 =	vld [tilespmem:$0x10390]  }
0x377: {  	v60 =	vld [tilespmem:$0x10410];
	(v2sf) =	vpush v57, $0x0  }
0x378: {  	v61 =	vld [tilespmem:$0x10490]  }
0x379: {  	v62 =	vld [tilespmem:$0x10510]  }
0x37a: {  	v63 =	vld [tilespmem:$0x10590]  }
0x37b: {  	v33 =	vld [tilespmem:$0x10610]  }
0x37c: {  	v34 =	vld [tilespmem:$0x10690]  }
0x37d: {  	v35 =	vld [tilespmem:$0x10710]  }
0x37e: {  	v36 =	vld [tilespmem:$0x10790];
	_ =	sdelay $0x1  }
0x37f: {  	v14 =	vmax.f32 v14, v55;
	v15 =	vmax.f32 v15, v56;
	v16 =	vmax.f32 v53, v58  }
0x380: {  	v17 =	vmax.f32 v54, v59;
	v14 =	vmax.f32 v14, v60;
	v15 =	vmax.f32 v15, v61  }
0x381: {  	v16 =	vmax.f32 v16, v62;
	v17 =	vmax.f32 v17, v63;
	v14 =	vmax.f32 v14, v33  }
0x382: {  	v15 =	vmax.f32 v15, v34;
	v16 =	vmax.f32 v16, v35;
	v17 =	vmax.f32 v17, v36  }
0x383: {  	v14 =	vmax.f32 v14, v15;
	v15 =	vmax.f32 v16, v17  }
0x384: {  	v14 =	vmax.f32 v14, v15  }
0x385: {  	[tilespmem:$0x11800] =	vst v57;
	vm9 =	vge.f32 v14, v13;
	s21 =	spop (v2sf)  }
0x386: {  	[tilespmem:s21+$0x11080] =	vst.msk vm9, v2  }
0x387: {  	v14 =	vld [tilespmem:$0x10020]  }
0x388: {  	v15 =	vld [tilespmem:$0x100A0]  }
0x389: {  	v37 =	vld [tilespmem:$0x10120]  }
0x38a: {  	v38 =	vld [tilespmem:$0x101A0]  }
0x38b: {  	v39 =	vld [tilespmem:$0x10220]  }
0x38c: {  	v40 =	vmpcnt.ones.xlane vm9;
	v41 =	vld [tilespmem:$0x102A0]  }
0x38d: {  	v42 =	vld [tilespmem:$0x10320]  }
0x38e: {  	(v2sf) =	vpush v40, $0x0;
	v43 =	vld [tilespmem:$0x103A0]  }
0x38f: {  	v44 =	vld [tilespmem:$0x10420]  }
0x390: {  	v45 =	vld [tilespmem:$0x104A0]  }
0x391: {  	v46 =	vld [tilespmem:$0x10520]  }
0x392: {  	v47 =	vld [tilespmem:$0x105A0]  }
0x393: {  	v48 =	vld [tilespmem:$0x10620]  }
0x394: {  	v49 =	vld [tilespmem:$0x106A0]  }
0x395: {  	v50 =	vld [tilespmem:$0x10720]  }
0x396: {  	v51 =	vld [tilespmem:$0x107A0];
	_ =	sdelay $0x1  }
0x397: {  	v14 =	vmax.f32 v14, v39;
	v15 =	vmax.f32 v15, v41;
	v16 =	vmax.f32 v37, v42  }
0x398: {  	v17 =	vmax.f32 v38, v43;
	v14 =	vmax.f32 v14, v44;
	v15 =	vmax.f32 v15, v45  }
0x399: {  	v16 =	vmax.f32 v16, v46;
	v17 =	vmax.f32 v17, v47;
	v14 =	vmax.f32 v14, v48  }
0x39a: {  	v15 =	vmax.f32 v15, v49;
	v16 =	vmax.f32 v16, v50;
	v17 =	vmax.f32 v17, v51  }
0x39b: {  	v14 =	vmax.f32 v14, v15;
	v15 =	vmax.f32 v16, v17  }
0x39c: {  	v14 =	vmax.f32 v14, v15;
	s22 =	spop (v2sf)  }
0x39d: {  	[tilespmem:$0x11800] =	vst v40;
	vm10 =	vge.f32 v14, v13;
	s21 =	sadd.s32 s21, s22  }
0x39e: {  	[tilespmem:s21+$0x11080] =	vst.msk vm10, v3  }
0x39f: {  	v14 =	vld [tilespmem:$0x10030]  }
0x3a0: {  	v15 =	vld [tilespmem:$0x100B0]  }
0x3a1: {  	v52 =	vld [tilespmem:$0x10130]  }
0x3a2: {  	v53 =	vld [tilespmem:$0x101B0]  }
0x3a3: {  	v54 =	vld [tilespmem:$0x10230]  }
0x3a4: {  	v55 =	vmpcnt.ones.xlane vm10;
	v56 =	vld [tilespmem:$0x102B0]  }
0x3a5: {  	v57 =	vld [tilespmem:$0x10330]  }
0x3a6: {  	(v2sf) =	vpush v55, $0x0;
	v58 =	vld [tilespmem:$0x103B0]  }
0x3a7: {  	v59 =	vld [tilespmem:$0x10430]  }
0x3a8: {  	v60 =	vld [tilespmem:$0x104B0]  }
0x3a9: {  	v61 =	vld [tilespmem:$0x10530]  }
0x3aa: {  	v62 =	vld [tilespmem:$0x105B0]  }
0x3ab: {  	v63 =	vld [tilespmem:$0x10630]  }
0x3ac: {  	v33 =	vld [tilespmem:$0x106B0]  }
0x3ad: {  	v34 =	vld [tilespmem:$0x10730]  }
0x3ae: {  	v35 =	vld [tilespmem:$0x107B0];
	_ =	sdelay $0x1  }
0x3af: {  	v14 =	vmax.f32 v14, v54;
	v15 =	vmax.f32 v15, v56;
	v16 =	vmax.f32 v52, v57  }
0x3b0: {  	v17 =	vmax.f32 v53, v58;
	v14 =	vmax.f32 v14, v59;
	v15 =	vmax.f32 v15, v60  }
0x3b1: {  	v16 =	vmax.f32 v16, v61;
	v17 =	vmax.f32 v17, v62;
	v14 =	vmax.f32 v14, v63  }
0x3b2: {  	v15 =	vmax.f32 v15, v33;
	v16 =	vmax.f32 v16, v34;
	v17 =	vmax.f32 v17, v35  }
0x3b3: {  	v14 =	vmax.f32 v14, v15;
	v15 =	vmax.f32 v16, v17  }
0x3b4: {  	v14 =	vmax.f32 v14, v15;
	s25 =	spop (v2sf)  }
0x3b5: {  	[tilespmem:$0x11800] =	vst v55;
	vm11 =	vge.f32 v14, v13;
	s21 =	sadd.s32 s21, s25  }
0x3b6: {  	[tilespmem:s21+$0x11080] =	vst.msk vm11, v4  }
0x3b7: {  	v14 =	vld [tilespmem:$0x10040]  }
0x3b8: {  	v15 =	vld [tilespmem:$0x100C0]  }
0x3b9: {  	v36 =	vld [tilespmem:$0x10140]  }
0x3ba: {  	v37 =	vld [tilespmem:$0x101C0]  }
0x3bb: {  	v38 =	vld [tilespmem:$0x10240]  }
0x3bc: {  	v39 =	vmpcnt.ones.xlane vm11;
	v40 =	vld [tilespmem:$0x102C0]  }
0x3bd: {  	v41 =	vld [tilespmem:$0x10340]  }
0x3be: {  	(v2sf) =	vpush v39, $0x0;
	v42 =	vld [tilespmem:$0x103C0]  }
0x3bf: {  	v43 =	vld [tilespmem:$0x10440]  }
0x3c0: {  	v44 =	vld [tilespmem:$0x104C0]  }
0x3c1: {  	v45 =	vld [tilespmem:$0x10540]  }
0x3c2: {  	v46 =	vld [tilespmem:$0x105C0]  }
0x3c3: {  	v47 =	vld [tilespmem:$0x10640]  }
0x3c4: {  	v48 =	vld [tilespmem:$0x106C0]  }
0x3c5: {  	v49 =	vld [tilespmem:$0x10740]  }
0x3c6: {  	v50 =	vld [tilespmem:$0x107C0];
	_ =	sdelay $0x1  }
0x3c7: {  	v14 =	vmax.f32 v14, v38;
	v15 =	vmax.f32 v15, v40;
	v16 =	vmax.f32 v36, v41  }
0x3c8: {  	v17 =	vmax.f32 v37, v42;
	v14 =	vmax.f32 v14, v43;
	v15 =	vmax.f32 v15, v44  }
0x3c9: {  	v16 =	vmax.f32 v16, v45;
	v17 =	vmax.f32 v17, v46;
	v14 =	vmax.f32 v14, v47  }
0x3ca: {  	v15 =	vmax.f32 v15, v48;
	v16 =	vmax.f32 v16, v49;
	v17 =	vmax.f32 v17, v50  }
0x3cb: {  	v14 =	vmax.f32 v14, v15;
	v15 =	vmax.f32 v16, v17  }
0x3cc: {  	v14 =	vmax.f32 v14, v15;
	s26 =	spop (v2sf)  }
0x3cd: {  	[tilespmem:$0x11800] =	vst v39;
	vm12 =	vge.f32 v14, v13;
	s21 =	sadd.s32 s21, s26  }
0x3ce: {  	[tilespmem:s21+$0x11080] =	vst.msk vm12, v5  }
0x3cf: {  	v14 =	vld [tilespmem:$0x10050]  }
0x3d0: {  	v15 =	vld [tilespmem:$0x100D0]  }
0x3d1: {  	v51 =	vld [tilespmem:$0x10150]  }
0x3d2: {  	v52 =	vld [tilespmem:$0x101D0]  }
0x3d3: {  	v53 =	vld [tilespmem:$0x10250]  }
0x3d4: {  	v54 =	vmpcnt.ones.xlane vm12;
	v55 =	vld [tilespmem:$0x102D0]  }
0x3d5: {  	v56 =	vld [tilespmem:$0x10350]  }
0x3d6: {  	(v2sf) =	vpush v54, $0x0;
	v57 =	vld [tilespmem:$0x103D0]  }
0x3d7: {  	v58 =	vld [tilespmem:$0x10450]  }
0x3d8: {  	v59 =	vld [tilespmem:$0x104D0]  }
0x3d9: {  	v60 =	vld [tilespmem:$0x10550]  }
0x3da: {  	v61 =	vld [tilespmem:$0x105D0]  }
0x3db: {  	v62 =	vld [tilespmem:$0x10650]  }
0x3dc: {  	v63 =	vld [tilespmem:$0x106D0]  }
0x3dd: {  	v33 =	vld [tilespmem:$0x10750]  }
0x3de: {  	v34 =	vld [tilespmem:$0x107D0];
	_ =	sdelay $0x1  }
0x3df: {  	v14 =	vmax.f32 v14, v53;
	v15 =	vmax.f32 v15, v55;
	v16 =	vmax.f32 v51, v56  }
0x3e0: {  	v17 =	vmax.f32 v52, v57;
	v14 =	vmax.f32 v14, v58;
	v15 =	vmax.f32 v15, v59  }
0x3e1: {  	v16 =	vmax.f32 v16, v60;
	v17 =	vmax.f32 v17, v61;
	v14 =	vmax.f32 v14, v62  }
0x3e2: {  	v15 =	vmax.f32 v15, v63;
	v16 =	vmax.f32 v16, v33;
	v17 =	vmax.f32 v17, v34  }
0x3e3: {  	v14 =	vmax.f32 v14, v15;
	v15 =	vmax.f32 v16, v17  }
0x3e4: {  	v14 =	vmax.f32 v14, v15;
	s28 =	spop (v2sf)  }
0x3e5: {  	[tilespmem:$0x11800] =	vst v54;
	vm13 =	vge.f32 v14, v13;
	s21 =	sadd.s32 s21, s28  }
0x3e6: {  	[tilespmem:s21+$0x11080] =	vst.msk vm13, v6  }
0x3e7: {  	v14 =	vld [tilespmem:$0x10060]  }
0x3e8: {  	v15 =	vld [tilespmem:$0x100E0]  }
0x3e9: {  	v35 =	vld [tilespmem:$0x10160]  }
0x3ea: {  	v36 =	vld [tilespmem:$0x101E0]  }
0x3eb: {  	v37 =	vld [tilespmem:$0x10260]  }
0x3ec: {  	v38 =	vmpcnt.ones.xlane vm13;
	v39 =	vld [tilespmem:$0x102E0]  }
0x3ed: {  	v40 =	vld [tilespmem:$0x10360]  }
0x3ee: {  	(v2sf) =	vpush v38, $0x0;
	v41 =	vld [tilespmem:$0x103E0]  }
0x3ef: {  	v42 =	vld [tilespmem:$0x10460]  }
0x3f0: {  	v43 =	vld [tilespmem:$0x104E0]  }
0x3f1: {  	v44 =	vld [tilespmem:$0x10560]  }
0x3f2: {  	v45 =	vld [tilespmem:$0x105E0]  }
0x3f3: {  	v46 =	vld [tilespmem:$0x10660]  }
0x3f4: {  	v47 =	vld [tilespmem:$0x106E0]  }
0x3f5: {  	v48 =	vld [tilespmem:$0x10760]  }
0x3f6: {  	v49 =	vld [tilespmem:$0x107E0];
	_ =	sdelay $0x1  }
0x3f7: {  	v14 =	vmax.f32 v14, v37;
	v15 =	vmax.f32 v15, v39;
	v16 =	vmax.f32 v35, v40  }
0x3f8: {  	v17 =	vmax.f32 v36, v41;
	v14 =	vmax.f32 v14, v42;
	v15 =	vmax.f32 v15, v43  }
0x3f9: {  	v16 =	vmax.f32 v16, v44;
	v17 =	vmax.f32 v17, v45;
	v14 =	vmax.f32 v14, v46  }
0x3fa: {  	v15 =	vmax.f32 v15, v47;
	v16 =	vmax.f32 v16, v48;
	v17 =	vmax.f32 v17, v49  }
0x3fb: {  	v14 =	vmax.f32 v14, v15;
	v15 =	vmax.f32 v16, v17  }
0x3fc: {  	v14 =	vmax.f32 v14, v15;
	s29 =	spop (v2sf)  }
0x3fd: {  	[tilespmem:$0x11800] =	vst v38;
	vm14 =	vge.f32 v14, v13;
	s21 =	sadd.s32 s21, s29  }
0x3fe: {  	[tilespmem:s21+$0x11080] =	vst.msk vm14, v7  }
0x3ff: {  	v14 =	vld [tilespmem:$0x10070]  }
0x400: {  	v15 =	vld [tilespmem:$0x100F0]  }
0x401: {  	v50 =	vld [tilespmem:$0x10170]  }
0x402: {  	v51 =	vld [tilespmem:$0x101F0]  }
0x403: {  	v52 =	vld [tilespmem:$0x10270]  }
0x404: {  	v53 =	vld [tilespmem:$0x102F0]  }
0x405: {  	v54 =	vld [tilespmem:$0x10370]  }
0x406: {  	v55 =	vld [tilespmem:$0x103F0]  }
0x407: {  	v56 =	vld [tilespmem:$0x10470]  }
0x408: {  	v57 =	vld [tilespmem:$0x104F0]  }
0x409: {  	v58 =	vld [tilespmem:$0x10570]  }
0x40a: {  	v59 =	vld [tilespmem:$0x105F0]  }
0x40b: {  	v60 =	vld [tilespmem:$0x10670]  }
0x40c: {  	v61 =	vld [tilespmem:$0x106F0]  }
0x40d: {  	v62 =	vld [tilespmem:$0x10770]  }
0x40e: {  	v63 =	vld [tilespmem:$0x107F0];
	_ =	sdelay $0x1  }
0x40f: {  	v14 =	vmax.f32 v14, v52;
	v15 =	vmax.f32 v15, v53;
	v16 =	vmax.f32 v50, v54  }
0x410: {  	v17 =	vmax.f32 v51, v55;
	v14 =	vmax.f32 v14, v56;
	v15 =	vmax.f32 v15, v57  }
0x411: {  	v16 =	vmax.f32 v16, v58;
	v17 =	vmax.f32 v17, v59;
	v14 =	vmax.f32 v14, v60  }
0x412: {  	v15 =	vmax.f32 v15, v61;
	v16 =	vmax.f32 v16, v62;
	v17 =	vmax.f32 v17, v63  }
0x413: {  	v14 =	vmax.f32 v14, v15;
	v15 =	vmax.f32 v16, v17  }
0x414: {  	v14 =	vmax.f32 v14, v15  }
0x415: {  	v15 =	vmpcnt.ones.xlane vm14;
	vm15 =	vge.f32 v14, v13  }
0x416: {  	v14 =	vmpcnt.ones.xlane vm15  }
0x417: {  	(v2sf) =	vpush v15, $0x0  }
0x418: {  	(v2sf) =	vpush v14, $0x0;
	_ =	sdelay $0xd  }
0x419: {  	s30 =	spop (v2sf)  }
0x41a: {  	s21 =	sadd.s32 s21, s30;
	s31 =	spop (v2sf)  }
0x41b: {  	s22 =	sadd.s32 s21, s31  }
0x41c: {  	p0 =	slt.s32 s22, $0x1  }
.Ltmp28:
0x41d: {  	_ = 	snop;
	(pc) =	sbr.rel @p0 .LBB2_54-.Ltmp28, $4  }
0x41e: {  	_ = 	snop  }
0x41f: {  	[tilespmem:$0x11800] =	vst v15  }
0x420: {  	[tilespmem:s21+$0x11080] =	vst.msk vm15, v8  }
0x421: {  	[tilespmem:$0x11800] =	vst v14;
	s21 =	simm.s32 $0x0;
	[smem:$0x0] =	sst s22  }
0x422: {  	v14 =	vld [tilespmem:s20+$0x0]  }
0x423: {  	s24 =	sadd.s32 $0x1, s21  }
0x424: {  	p1 =	slt.s32 s24, s22  }
.Ltmp29:
0x425: {  	_ = 	snop;
	(pc) =	sbr.rel @!p1 .LBB2_43-.Ltmp29, $3  }
0x426: {  	_ = 	snop  }
0x427: {  	v15 =	vbroadcast v14, $0x0;
	_ =	sdelay $0x1  }
0x428: {  	p0 =	por $0x0, $0x0;
	(v2sf) =	vpush v14, $0x0;
	v14 =	vadd.s32 v1, v15  }
0x429: {  	_ =	sdelay $0x6  }
0x42a: {  	v14 =	vld.idx.msk [tilespmem:v14+s12+$0x0], $0xffff;
	_ =	sdelay $0x4  }
0x42b: {  	vm0 =	vge.f32 v14, v13  }
0x42c: {  	v14 =	vmpcnt.ones.xlane vm0  }
0x42d: {  	s23 =	spop (v2sf)  }
0x42e: {  	p0 =	slt.s32 s21, $0x200;
	s25 =	simm.s32 $0x0;
	(v2sf) =	vpush v14, $0x0;
	s23 =	sshll.u32 s23, $0x4  }
0x42f: {  	s25 =	simm.s32 @!p0 $0x200;
	v15 =	vor.u32 s23, v0  }
0x430: {  	[tilespmem:s25+$0x11180] =	vst.msk vm0, v15  }
0x431: {  	s23 =	sadd.s32 $0x1, s20;
	[tilespmem:$0x11800] =	vst v14  }
0x432: {  	v14 =	vld [tilespmem:s23+$0x0];
	_ =	sdelay $0x4  }
0x433: {  	s24 =	sadd.s32 $0x1, s24;
	v15 =	vbroadcast v14, $0x0;
	(v2sf) =	vpush v14, $0x0  }
0x434: {  	p1 =	slt.s32 s24, s22  }
.Ltmp30:
0x435: {  	v14 =	vadd.s32 v1, v15;
	(pc) =	sbr.rel @!p1 .LBB2_45-.Ltmp30, $2  }
0x436: {  	_ =	sdelay $0x2  }
0x437: {  	p0 =	por $0x1, $0x1;
	s20 =	simm.s32 $0x0;
	s25 =	spop (v2sf)  }
.LBB2_46:
0x438: {  	s24 =	sadd.s32 $0x1, s24;
	v14 =	vld.idx.msk [tilespmem:v14+s12+$0x0], $0xffff;
	s20 =	sadd.s32 s20, s25  }
0x439: {  	p1 =	slt.s32 s24, s22;
	p2 =	slt.s32 s20, $0x200;
	_ =	sdelay $0x4  }
0x43a: {  	vm0 =	vge.f32 v14, v13  }
0x43b: {  	v14 =	vmpcnt.ones.xlane vm0  }
0x43c: {  	s25 =	spop (v2sf)  }
0x43d: {  	s26 =	smov.u32 s20;
	s25 =	sshll.u32 s25, $0x4;
	(v2sf) =	vpush v14, $0x0  }
0x43e: {  	s26 =	simm.s32 @!p2 $0x200;
	v15 =	vor.u32 s25, v0  }
0x43f: {  	[tilespmem:s26+$0x11180] =	vst.msk vm0, v15  }
0x440: {  	s23 =	sadd.s32 $0x1, s23;
	[tilespmem:$0x11800] =	vst v14  }
0x441: {  	v14 =	vld [tilespmem:s23+$0x0];
	_ =	sdelay $0x4  }
0x442: {  	v15 =	vbroadcast v14, $0x0;
	(v2sf) =	vpush v14, $0x0;
	_ =	sdelay $0x1  }
.Ltmp31:
0x443: {  	v14 =	vadd.s32 v1, v15;
	(pc) =	sbr.rel @p1 .LBB2_46-.Ltmp31, $2  }
0x444: {  	_ =	sdelay $0x2  }
0x445: {  	s25 =	spop (v2sf)  }
.LBB2_47:
0x446: {  	_ =	sdelay $0x3  }
0x447: {  	v14 =	vld.idx.msk [tilespmem:v14+s12+$0x0], $0xffff;
	_ =	sdelay $0x4  }
0x448: {  	vm0 =	vge.f32 v14, v13  }
0x449: {  	v14 =	vmpcnt.ones.xlane vm0;
	_ =	sdelay $0x1  }
0x44a: {  	(v2sf) =	vpush v14, $0x0;
	_ =	sdelay $0xc  }
0x44b: {  	s20 =	sadd.s32 @p0 s20, s25  }
0x44c: {  	s21 =	smov.u32 @p0 s20;
	s22 =	spop (v2sf)  }
0x44d: {  	p0 =	slt.s32 s21, $0x200;
	s23 =	spop (v2sf)  }
0x44e: {  	s31 =	sshll.u32 s22, $0x4;
	s22 =	smov.u32 s21;
	s20 =	sadd.s32 s21, s23  }
0x44f: {  	s22 =	simm.s32 @!p0 $0x200;
	p0 =	slt.s32 s20, $0x1  }
.Ltmp32:
0x450: {  	_ = 	snop;
	(pc) =	sbr.rel @p0 .LBB2_54-.Ltmp32, $4  }
0x451: {  	_ = 	snop  }
0x452: {  	v15 =	vor.u32 s31, v0  }
0x453: {  	[tilespmem:s22+$0x11180] =	vst.msk vm0, v15  }
0x454: {  	[tilespmem:$0x11800] =	vst v14;
	s21 =	simm.s32 $0x0  }
0x455: {  	p0 =	slt.s32 s20, $0x200  }
0x456: {  	s20 =	simm.s32 @!p0 $0x200  }
0x457: {  	p1 =	sne.s32 s20, $0x1  }
.Ltmp33:
0x458: {  	_ = 	snop;
	(pc) =	sbr.rel @!p1 .LBB2_49-.Ltmp33, $3  }
0x459: {  	_ =	sdelay $0x1  }
0x45a: {  	s22 =	simm.s32 $0x11180  }
0x45b: {  	v15 =	vld [tilespmem:s22+$0x0];
	p0 =	por $0x0, $0x0;
	s20 =	sadd.s32 $0xFFFFFFFF, s20  }
0x45c: {  	_ =	sdelay $0x3  }
0x45d: {  	(v2sf) =	vpush v15, $0x0;
	_ =	sdelay $0xe  }
0x45e: {  	s22 =	spop (v2sf)  }
0x45f: {  	s23 =	sshll.u32 s22, $0x4  }
0x460: {  	s22 =	sand.u32 $0xF, s22;
	s23 =	sand.u32 $0xFFFFFF00, s23  }
0x461: {  	v14 =	vor.u32 $0x8000, v9;
	s22 =	sor.u32 s22, s23  }
0x462: {  	v15 =	vadd.s32 s22, v14;
	_ =	sdelay $0x4  }
0x463: {  	v15 =	vld.idx.msk [tilespmem:v15+s3+$0x0], $0xffff;
	_ =	sdelay $0x3  }
0x464: {  	p0 =	por $0x1, $0x1;
	p1 =	sne.s32 s20, $0x1;
	s23 =	simm.s32 $0x0  }
.Ltmp34:
0x465: {  	s23 =	simm.s32 @!p0 $0x200;
	vm0 =	vge.f32 v15, v13;
	(pc) =	sbr.rel @!p1 .LBB2_51-.Ltmp34, $4  }
0x466: {  	v16 =	vor.u32 s22, v9;
	[tilespmem:s23+$0x10800] =	vst.msk vm0, v15;
	v15 =	vmpcnt.ones.xlane vm0  }
0x467: {  	[tilespmem:s23+$0x10A80] =	vst.msk vm0, v16  }
0x468: {  	s22 =	simm.s32 $0x11181;
	[tilespmem:$0x11800] =	vst v15;
	(v2sf) =	vpush v15, $0x0  }
0x469: {  	p0 =	por $0x1, $0x1;
	s23 =	sadd.s32 $0xFFFFFFFF, s20;
	s20 =	simm.s32 $0x0;
	v15 =	vld [tilespmem:s22+$0x0]  }
.LBB2_52:
0x46a: {  	p1 =	sne.s32 s23, $0x1;
	_ =	sdelay $0x3  }
0x46b: {  	(v2sf) =	vpush v15, $0x0;
	_ =	sdelay $0x8  }
0x46c: {  	s24 =	spop (v2sf)  }
0x46d: {  	s20 =	sadd.s32 s20, s24  }
0x46e: {  	p2 =	slt.s32 s20, $0x200;
	s24 =	smov.u32 s20  }
0x46f: {  	s24 =	simm.s32 @!p2 $0x200;
	_ =	sdelay $0x2  }
0x470: {  	s25 =	spop (v2sf)  }
0x471: {  	s26 =	sshll.u32 s25, $0x4  }
0x472: {  	s25 =	sand.u32 $0xF, s25;
	s26 =	sand.u32 $0xFFFFFF00, s26  }
0x473: {  	s25 =	sor.u32 s25, s26  }
0x474: {  	v15 =	vor.u32 s25, v9;
	v16 =	vadd.s32 s25, v14;
	_ =	sdelay $0x4  }
0x475: {  	v16 =	vld.idx.msk [tilespmem:v16+s3+$0x0], $0xffff;
	_ =	sdelay $0x5  }
.Ltmp35:
0x476: {  	vm0 =	vge.f32 v16, v13;
	(pc) =	sbr.rel @p1 .LBB2_52-.Ltmp35, $4  }
0x477: {  	[tilespmem:s24+$0x10800] =	vst.msk vm0, v16;
	v16 =	vmpcnt.ones.xlane vm0  }
0x478: {  	[tilespmem:s24+$0x10A80] =	vst.msk vm0, v15  }
0x479: {  	s22 =	sadd.s32 $0x1, s22;
	[tilespmem:$0x11800] =	vst v16;
	(v2sf) =	vpush v16, $0x0  }
0x47a: {  	s23 =	sadd.s32 $0xFFFFFFFF, s23;
	v15 =	vld [tilespmem:s22+$0x0]  }
.LBB2_53:
0x47b: {  	_ =	sdelay $0x3  }
0x47c: {  	(v2sf) =	vpush v15, $0x0;
	_ =	sdelay $0xd  }
0x47d: {  	s22 =	spop @p0 (v2sf)  }
0x47e: {  	s23 =	spop (v2sf)  }
0x47f: {  	s24 =	sshll.u32 s23, $0x4  }
0x480: {  	s23 =	sand.u32 $0xF, s23;
	s24 =	sand.u32 $0xFFFFFF00, s24  }
0x481: {  	v14 =	vor.u32 $0x8000, v9;
	s23 =	sor.u32 s23, s24  }
0x482: {  	v14 =	vadd.s32 s23, v14;
	_ =	sdelay $0x4  }
0x483: {  	v14 =	vld.idx.msk [tilespmem:v14+s3+$0x0], $0xffff;
	_ =	sdelay $0x4  }
0x484: {  	vm0 =	vge.f32 v14, v13  }
0x485: {  	v13 =	vmpcnt.ones.xlane vm0;
	_ =	sdelay $0x1  }
0x486: {  	(v2sf) =	vpush v13, $0x0;
	_ =	sdelay $0x9  }
0x487: {  	s20 =	sadd.s32 @p0 s20, s22  }
0x488: {  	s21 =	smov.u32 @p0 s20  }
0x489: {  	p0 =	slt.s32 s21, $0x200;
	s20 =	smov.u32 s21  }
0x48a: {  	s20 =	simm.s32 @!p0 $0x200  }
0x48b: {  	[tilespmem:s20+$0x10800] =	vst.msk vm0, v14;
	v14 =	vor.u32 s23, v9  }
0x48c: {  	[tilespmem:s20+$0x10A80] =	vst.msk vm0, v14;
	s31 =	spop (v2sf)  }
0x48d: {  	[tilespmem:$0x11800] =	vst v13;
	s21 =	sadd.s32 s21, s31  }
.LBB2_54:
0x48e: {  	p0 =	slt.s32 s21, $0x200  }
0x48f: {  	p1 =	slt.s32 s21, $0xFFFFFFF2;
	s21 =	simm.s32 @!p0 $0x200  }
0x490: {  	[tilespmem:s21+$0x10800] =	vst v10  }
0x491: {  	v13 =	vld [tilespmem:$0x10800];
	_ =	sdelay $0x4  }
0x492: {  	(xrf1) =	vsort.dscd.msk.f32 $0xffff, v13, v0;
	_ =	sdelay $0x1  }
0x493: {  	s20 =	sadd.s32 $0xF, s21  }
0x494: {  	s21 =	sand.u32 $0xF, s20  }
0x495: {  	s31 =	sshra.s32 s20, $0x1F;
	p6 =	sne.s32 s21, $0x0  }
0x496: {  	s21 =	sshrl.u32 s31, $0x1C;
	p0 =	por !p1, !p6  }
0x497: {  	s22 =	simm.s32 $0x1;
	s20 =	sadd.s32 s21, s20;
	p0 =	por !p0, !p0  }
0x498: {  	s21 =	sshra.s32 s20, $0x4;
	s22 =	simm.s32 @!p0 $0x0  }
0x499: {  	s20 =	ssub.s32 s21, s22  }
0x49a: {  	p1 =	slt.s32 s20, $0x2  }
.Ltmp36:
0x49b: {  	_ = 	snop;
	(pc) =	sbr.rel @p1 .LBB2_62-.Ltmp36, $2  }
0x49c: {  	_ =	sdelay $0x2  }
0x49d: {  	v14, _, _ =	vpop (xrf1)  }
0x49e: {  	s22 =	simm.s32 $0xFFFFFFFF  }
0x49f: {  	s22 =	simm.s32 @!p0 $0x0  }
0x4a0: {  	s21 =	sadd.s32 s22, s21  }
0x4a1: {  	s21 =	sadd.s32 $0xFFFFFFFF, s21  }
0x4a2: {  	p2 =	sne.s32 s21, $0x1  }
.Ltmp37:
0x4a3: {  	_ = 	snop;
	(pc) =	sbr.rel @!p2 .LBB2_56-.Ltmp37, $3  }
0x4a4: {  	_ =	sdelay $0x1  }
0x4a5: {  	s31 =	simm.s32 $0x10810  }
0x4a6: {  	p1 =	por $0x0, $0x0;
	v13 =	vld [tilespmem:s31+$0x0];
	p0 =	por $0x0, $0x0;
	s21 =	sadd.s32 $0xFFFFFFFF, s21  }
0x4a7: {  	p2 =	sne.s32 s21, $0x1  }
.Ltmp38:
0x4a8: {  	_ = 	snop;
	(pc) =	sbr.rel @!p2 .LBB2_58-.Ltmp38, $3  }
0x4a9: {  	_ =	sdelay $0x1  }
0x4aa: {  	s22 =	simm.s32 $0x10820  }
0x4ab: {  	p0 =	por $0x1, $0x1;
	(xrf1) =	vsort.ascd.msk.f32 $0xffff, v13, v13;
	v13 =	vld [tilespmem:s22+$0x0];
	s22 =	sadd.s32 $0xFFFFFFFF, s21  }
0x4ac: {  	_ =	sdelay $0xc  }
0x4ad: {  	v15, _, _ =	vpop (xrf1)  }
0x4ae: {  	(xrf1) =	vsort.ascd.msk.f32 $0xffff, v13, v13;
	v13 =	vmax.f32 v14, v15  }
0x4af: {  	(xrf1) =	vsort.dscd.msk.f32 $0xffff, v13, v0;
	_ =	sdelay $0x5  }
0x4b0: {  	p2 =	sne.s32 s22, $0x1  }
.Ltmp39:
0x4b1: {  	_ = 	snop;
	(pc) =	sbr.rel @!p2 .LBB2_61-.Ltmp39, $4  }
0x4b2: {  	_ = 	snop  }
0x4b3: {  	s21 =	simm.s32 $0x10830  }
0x4b4: {  	v13 =	vld [tilespmem:s21+$0x0]  }
0x4b5: {  	s22 =	sadd.s32 $0xFFFFFFFF, s22;
	p1 =	por $0x1, $0x1  }
.LBB2_60:
0x4b6: {  	p2 =	sne.s32 s22, $0x1  }
0x4b7: {  	v15, _, _ =	vpop (xrf1)  }
0x4b8: {  	v16, _, _ =	vpop (xrf1)  }
0x4b9: {  	(xrf1) =	vsort.ascd.msk.f32 $0xffff, v13, v13;
	v13 =	vmax.f32 v16, v15  }
0x4ba: {  	(xrf1) =	vsort.dscd.msk.f32 $0xffff, v13, v0;
	_ =	sdelay $0x6  }
.Ltmp40:
0x4bb: {  	(pc) =	sbr.rel @p2 .LBB2_60-.Ltmp40, $4  }
0x4bc: {  	_ = 	snop  }
0x4bd: {  	s21 =	sadd.s32 $0x10, s21  }
0x4be: {  	v13 =	vld [tilespmem:s21+$0x0]  }
0x4bf: {  	s22 =	sadd.s32 $0xFFFFFFFF, s22  }
.LBB2_61:
0x4c0: {  	_ = 	snop  }
0x4c1: {  	v15, _, _ =	vpop @p0 (xrf1)  }
0x4c2: {  	v16, _, _ =	vpop @p1 (xrf1)  }
0x4c3: {  	v16 =	vpsel p1, v16, v14  }
0x4c4: {  	(xrf1) =	vsort.ascd.msk.f32 $0xffff, v13, v13;
	v13 =	vmax.f32 @p0 v16, v15  }
0x4c5: {  	(xrf1) =	vsort.dscd.msk.f32 @p0 $0xffff, v13, v0;
	_ =	sdelay $0xc  }
0x4c6: {  	v13, _, _ =	vpop (xrf1)  }
0x4c7: {  	v15, _, _ =	vpop @p0 (xrf1)  }
0x4c8: {  	v14 =	vpsel p0, v15, v14  }
0x4c9: {  	v13 =	vmax.f32 v14, v13  }
0x4ca: {  	(xrf1) =	vsort.dscd.msk.f32 $0xffff, v13, v0;
	_ =	sdelay $0xd  }
0x4cb: {  	v14, _, _ =	vpop (xrf1)  }
.LBB2_62:
0x4cc: {  	(xrf0) =	vmin.scan.msk.f32 $0xffff, v14;
	_ =	sdelay $0x5  }
0x4cd: {  	v13, _, _ =	vpop (xrf0)  }
0x4ce: {  	v13 =	vbroadcast v13, $0xF;
	_ =	sdelay $0x1  }
0x4cf: {  	vm0 =	vgt.f32 v14, v13  }
0x4d0: {  	v14 =	vsel vm0, $0x1, v11  }
0x4d1: {  	(xrf0) =	vadd.scan.msk.s32 $0xffff, v14  }
0x4d2: {  	p0 =	slt.s32 s20, $0x1  }
.Ltmp41:
0x4d3: {  	_ = 	snop;
	(pc) =	sbr.rel @p0 .LBB2_68-.Ltmp41, $4  }
0x4d4: {  	_ = 	snop  }
0x4d5: {  	s21 =	simm.s32 $0x0  }
0x4d6: {  	[smem:$0x1] =	sst s21  }
0x4d7: {  	[smem:$0x2] =	sst s21;
	v14, _, _ =	vpop (xrf0)  }
0x4d8: {  	s22 =	simm.s32 $0x10800  }
0x4d9: {  	v17 =	vld [tilespmem:s22+$0x0];
	_ =	sdelay $0x3  }
0x4da: {  	p1 =	sne.s32 s20, $0x1  }
.Ltmp42:
0x4db: {  	vm1 =	vgt.f32 v17, v13;
	(pc) =	sbr.rel @!p1 .LBB2_64-.Ltmp42, $4  }
0x4dc: {  	vm0 =	veq.f32 v17, v13;
	v18 =	vmpcnt.ones.xlane vm1  }
0x4dd: {  	v15 =	vmpcnt.ones.xlane vm0  }
0x4de: {  	s31 =	simm.s32 $0x10A80;
	(v2sf) =	vpush v18, $0x0  }
0x4df: {  	s20 =	sadd.s32 $0xFFFFFFFF, s20;
	p0 =	por $0x0, $0x0;
	v16 =	vld [tilespmem:s31+$0x0];
	[tilespmem:s21+$0x10D00] =	vst.msk vm1, v17;
	(v2sf) =	vpush v15, $0x0  }
0x4e0: {  	_ =	sdelay $0x2  }
0x4e1: {  	p0 =	por $0x1, $0x1  }
0x4e2: {  	[tilespmem:s21+$0x10D80] =	vst.msk vm1, v16;
	s21 =	simm.s32 @!p0 $0x200  }
0x4e3: {  	[tilespmem:s21+$0x10E00] =	vst.msk vm0, v16  }
0x4e4: {  	s22 =	simm.s32 $0x10810;
	[tilespmem:$0x11800] =	vst v15  }
0x4e5: {  	v17 =	vld [tilespmem:s22+$0x0];
	_ =	sdelay $0x3  }
0x4e6: {  	p1 =	sne.s32 s20, $0x1  }
.Ltmp43:
0x4e7: {  	vm1 =	vgt.f32 v17, v13;
	(pc) =	sbr.rel @!p1 .LBB2_67-.Ltmp43, $4  }
0x4e8: {  	s23 =	simm.s32 $0x10A90;
	vm0 =	veq.f32 v17, v13;
	v18 =	vmpcnt.ones.xlane vm1  }
0x4e9: {  	v16 =	vld [tilespmem:s23+$0x0];
	v15 =	vmpcnt.ones.xlane vm0;
	s30 =	spop (v2sf)  }
0x4ea: {  	s24 =	sadd.s32 $0xFFFFFFFF, s20;
	s20 =	sadd.s32 $0x0, s30;
	s31 =	spop (v2sf);
	(v2sf) =	vpush v18, $0x0  }
0x4eb: {  	p0 =	por $0x1, $0x1;
	[tilespmem:s20+$0x10D00] =	vst.msk vm1, v17;
	[smem:$0x1] =	sst s20;
	s21 =	sadd.s32 $0x0, s31;
	(v2sf) =	vpush v15, $0x0  }
.LBB2_66:
0x4ec: {  	p1 =	sne.s32 s24, $0x1  }
0x4ed: {  	p2 =	slt.s32 s21, $0x200;
	[smem:$0x2] =	sst s21;
	s25 =	smov.u32 s21  }
0x4ee: {  	s24 =	sadd.s32 $0xFFFFFFFF, s24;
	[tilespmem:s20+$0x10D80] =	vst.msk vm1, v16;
	s25 =	simm.s32 @!p2 $0x200  }
0x4ef: {  	[tilespmem:s25+$0x10E00] =	vst.msk vm0, v16  }
0x4f0: {  	s22 =	sadd.s32 $0x10, s22;
	[tilespmem:$0x11800] =	vst v15  }
0x4f1: {  	v17 =	vld [tilespmem:s22+$0x0];
	_ =	sdelay $0x4  }
0x4f2: {  	vm1 =	vgt.f32 v17, v13;
	vm0 =	veq.f32 v17, v13  }
.Ltmp44:
0x4f3: {  	s23 =	sadd.s32 $0x10, s23;
	v18 =	vmpcnt.ones.xlane vm1;
	v15 =	vmpcnt.ones.xlane vm0;
	(pc) =	sbr.rel @p1 .LBB2_66-.Ltmp44, $4  }
0x4f4: {  	v16 =	vld [tilespmem:s23+$0x0]  }
0x4f5: {  	(v2sf) =	vpush v18, $0x0;
	s25 =	spop (v2sf)  }
0x4f6: {  	(v2sf) =	vpush v15, $0x0;
	s20 =	sadd.s32 s20, s25;
	s25 =	spop (v2sf)  }
0x4f7: {  	[tilespmem:s20+$0x10D00] =	vst.msk vm1, v17;
	[smem:$0x1] =	sst s20;
	s21 =	sadd.s32 s21, s25  }
.LBB2_67:
0x4f8: {  	_ =	sdelay $0xb  }
0x4f9: {  	p1 =	slt.s32 s21, $0x200  }
0x4fa: {  	[smem:$0x2] =	sst @p0 s21;
	s22 =	smov.u32 s21;
	s23 =	spop (v2sf)  }
0x4fb: {  	s22 =	simm.s32 @!p1 $0x200;
	[tilespmem:s20+$0x10D80] =	vst.msk vm1, v16;
	s30 =	sadd.s32 s20, s23;
	s31 =	spop (v2sf)  }
0x4fc: {  	[tilespmem:s22+$0x10E00] =	vst.msk vm0, v16;
	[smem:$0x1] =	sst s30;
	s21 =	sadd.s32 s21, s31  }
0x4fd: {  	[tilespmem:$0x11800] =	vst v15;
	[smem:$0x2] =	sst s21  }
.LBB2_68:
0x4fe: {  	p0 =	slt.s32 s21, $0x200  }
0x4ff: {  	p1 =	slt.s32 s21, $0xFFFFFFF2;
	s21 =	simm.s32 @!p0 $0x200  }
0x500: {  	[tilespmem:s21+$0x10E00] =	vst v12  }
0x501: {  	v15 =	vld [tilespmem:$0x10E00];
	_ =	sdelay $0x4  }
0x502: {  	(xrf1) =	vsort.ascd.msk.u32 $0xffff, v15, v15;
	_ =	sdelay $0x1  }
0x503: {  	s20 =	sadd.s32 $0xF, s21  }
0x504: {  	s21 =	sand.u32 $0xF, s20  }
0x505: {  	s31 =	sshra.s32 s20, $0x1F;
	p6 =	sne.s32 s21, $0x0  }
0x506: {  	s21 =	sshrl.u32 s31, $0x1C;
	p0 =	por !p1, !p6  }
0x507: {  	s20 =	sadd.s32 s21, s20;
	s21 =	simm.s32 $0x1;
	p0 =	por !p0, !p0  }
0x508: {  	s20 =	sshra.s32 s20, $0x4;
	s21 =	simm.s32 @!p0 $0x0  }
0x509: {  	s21 =	ssub.s32 s20, s21  }
0x50a: {  	p1 =	slt.s32 s21, $0x2  }
.Ltmp45:
0x50b: {  	_ = 	snop;
	(pc) =	sbr.rel @p1 .LBB2_76-.Ltmp45, $2  }
0x50c: {  	_ =	sdelay $0x2  }
0x50d: {  	v15, _, _ =	vpop (xrf1)  }
0x50e: {  	s21 =	simm.s32 $0xFFFFFFFF  }
0x50f: {  	s21 =	simm.s32 @!p0 $0x0  }
0x510: {  	s20 =	sadd.s32 s21, s20  }
0x511: {  	s20 =	sadd.s32 $0xFFFFFFFF, s20  }
0x512: {  	p2 =	sne.s32 s20, $0x1  }
.Ltmp46:
0x513: {  	_ = 	snop;
	(pc) =	sbr.rel @!p2 .LBB2_70-.Ltmp46, $4  }
0x514: {  	_ = 	snop  }
0x515: {  	s31 =	simm.s32 $0x10E10  }
0x516: {  	v16 =	vld [tilespmem:s31+$0x0]  }
0x517: {  	p1 =	por $0x0, $0x0;
	p0 =	por $0x0, $0x0;
	s20 =	sadd.s32 $0xFFFFFFFF, s20  }
0x518: {  	_ =	sdelay $0x2  }
0x519: {  	v16 =	vxor.u32 $0x80000000, v16  }
0x51a: {  	(xrf1) =	vsort.dscd.msk.u32 $0xffff, v16, v0;
	_ =	sdelay $0x7  }
0x51b: {  	p2 =	sne.s32 s20, $0x1  }
.Ltmp47:
0x51c: {  	_ = 	snop;
	(pc) =	sbr.rel @!p2 .LBB2_72-.Ltmp47, $4  }
0x51d: {  	_ = 	snop  }
0x51e: {  	s21 =	simm.s32 $0x10E20  }
0x51f: {  	v16 =	vld [tilespmem:s21+$0x0]  }
0x520: {  	p0 =	por $0x1, $0x1;
	s21 =	sadd.s32 $0xFFFFFFFF, s20  }
0x521: {  	_ = 	snop  }
0x522: {  	v17, _, _ =	vpop (xrf1)  }
0x523: {  	v17 =	vxor.u32 $0x80000000, v17  }
0x524: {  	vm0 =	vlt.s32 v15, v17;
	v16 =	vxor.u32 $0x80000000, v16  }
0x525: {  	(xrf1) =	vsort.dscd.msk.u32 $0xffff, v16, v0;
	v16 =	vsel vm0, v15, v17  }
0x526: {  	(xrf1) =	vsort.ascd.msk.u32 $0xffff, v16, v16;
	_ =	sdelay $0x6  }
0x527: {  	p2 =	sne.s32 s21, $0x1  }
.Ltmp48:
0x528: {  	_ = 	snop;
	(pc) =	sbr.rel @!p2 .LBB2_75-.Ltmp48, $4  }
0x529: {  	_ = 	snop  }
0x52a: {  	s20 =	simm.s32 $0x10E30  }
0x52b: {  	v16 =	vld [tilespmem:s20+$0x0]  }
0x52c: {  	s21 =	sadd.s32 $0xFFFFFFFF, s21;
	p1 =	por $0x1, $0x1  }
.LBB2_74:
0x52d: {  	p2 =	sne.s32 s21, $0x1;
	_ =	sdelay $0x1  }
0x52e: {  	v17, _, _ =	vpop (xrf1)  }
0x52f: {  	v17 =	vxor.u32 $0x80000000, v17;
	v18, _, _ =	vpop (xrf1)  }
0x530: {  	v16 =	vxor.u32 $0x80000000, v16;
	vm0 =	vlt.s32 v18, v17  }
0x531: {  	(xrf1) =	vsort.dscd.msk.u32 $0xffff, v16, v0;
	v16 =	vsel vm0, v18, v17  }
0x532: {  	(xrf1) =	vsort.ascd.msk.u32 $0xffff, v16, v16;
	_ =	sdelay $0x5  }
.Ltmp49:
0x533: {  	(pc) =	sbr.rel @p2 .LBB2_74-.Ltmp49, $3  }
0x534: {  	_ =	sdelay $0x1  }
0x535: {  	s20 =	sadd.s32 $0x10, s20  }
0x536: {  	s21 =	sadd.s32 $0xFFFFFFFF, s21;
	v16 =	vld [tilespmem:s20+$0x0]  }
.Ltmp50:
0x537: {  	_ = 	snop;
	(pc) =	sbr.rel .LBB2_75-.Ltmp50, $1  }
0x538: {  	_ =	sdelay $0x3  }
.LBB2_6:
.Ltmp51:
0x539: {  	(pc) =	sbr.rel .LBB2_10-.Ltmp51, $2  }
0x53a: {  	_ =	sdelay $0x2  }
0x53b: {  	s21 =	simm.s32 $0x0  }
.LBB2_27:
.Ltmp52:
0x53c: {  	(pc) =	sbr.rel .LBB2_30-.Ltmp52, $2  }
0x53d: {  	_ =	sdelay $0x2  }
0x53e: {  	s21 =	simm.s32 $0x0  }
.LBB2_43:
.Ltmp53:
0x53f: {  	(pc) =	sbr.rel .LBB2_47-.Ltmp53, $2  }
0x540: {  	_ =	sdelay $0x2  }
0x541: {  	s20 =	simm.s32 $0x0  }
.LBB2_64:
.Ltmp54:
0x542: {  	(pc) =	sbr.rel .LBB2_67-.Ltmp54, $2  }
0x543: {  	_ =	sdelay $0x2  }
0x544: {  	s20 =	simm.s32 $0x0  }
.LBB2_8:
.Ltmp55:
0x545: {  	(pc) =	sbr.rel .LBB2_10-.Ltmp55, $2  }
0x546: {  	_ =	sdelay $0x2  }
0x547: {  	s21 =	simm.s32 $0x0  }
.LBB2_45:
.Ltmp56:
0x548: {  	(pc) =	sbr.rel .LBB2_47-.Ltmp56, $2  }
0x549: {  	_ =	sdelay $0x2  }
0x54a: {  	s20 =	simm.s32 $0x0  }
.LBB2_19:
.Ltmp57:
0x54b: {  	(pc) =	sbr.rel .LBB2_24-.Ltmp57, $2  }
0x54c: {  	_ =	sdelay $0x2  }
0x54d: {  	_ = 	snop  }
.LBB2_33:
.Ltmp58:
0x54e: {  	(pc) =	sbr.rel .LBB2_38-.Ltmp58, $2  }
0x54f: {  	_ =	sdelay $0x2  }
0x550: {  	_ = 	snop  }
.LBB2_56:
.Ltmp59:
0x551: {  	(pc) =	sbr.rel .LBB2_61-.Ltmp59, $2  }
0x552: {  	_ =	sdelay $0x2  }
0x553: {  	_ = 	snop  }
.LBB2_21:
.Ltmp60:
0x554: {  	(pc) =	sbr.rel .LBB2_24-.Ltmp60, $2  }
0x555: {  	_ =	sdelay $0x2  }
0x556: {  	_ = 	snop  }
.LBB2_35:
.Ltmp61:
0x557: {  	(pc) =	sbr.rel .LBB2_38-.Ltmp61, $2  }
0x558: {  	_ =	sdelay $0x2  }
0x559: {  	_ = 	snop  }
.LBB2_58:
.Ltmp62:
0x55a: {  	(pc) =	sbr.rel .LBB2_61-.Ltmp62, $2  }
0x55b: {  	_ =	sdelay $0x2  }
0x55c: {  	_ = 	snop  }
.LBB2_72:
.Ltmp63:
0x55d: {  	(pc) =	sbr.rel .LBB2_75-.Ltmp63, $2  }
0x55e: {  	_ =	sdelay $0x2  }
0x55f: {  	_ = 	snop  }
.LBB2_12:
.Ltmp64:
0x560: {  	(pc) =	sbr.rel .LBB2_16-.Ltmp64, $2  }
0x561: {  	_ =	sdelay $0x2  }
0x562: {  	s21 =	simm.s32 $0x0  }
.LBB2_49:
.Ltmp65:
0x563: {  	(pc) =	sbr.rel .LBB2_53-.Ltmp65, $2  }
0x564: {  	_ =	sdelay $0x2  }
0x565: {  	s20 =	simm.s32 $0x0  }
.LBB2_14:
.Ltmp66:
0x566: {  	(pc) =	sbr.rel .LBB2_16-.Ltmp66, $2  }
0x567: {  	_ =	sdelay $0x2  }
0x568: {  	s21 =	simm.s32 $0x0  }
.LBB2_51:
.Ltmp67:
0x569: {  	(pc) =	sbr.rel .LBB2_53-.Ltmp67, $2  }
0x56a: {  	_ =	sdelay $0x2  }
0x56b: {  	s20 =	simm.s32 $0x0  }
.LBB2_78:
0x56c: {  	_ =	sfence.sel $0x180000  }
0x56d: {  	[bflag:$0x0] =	sbarrier.arrive $0xFFFF  }
0x56e: {  	p0 =	sne.s32 s1, $0x0;
	_ =	strace $0x90000047  }
0x56f: {  	s0 =	sadd.s32 @!p0 $0x100000, s0;
	[bflag:$0x2] =	sbarrier.arrive $0xFFFF  }
0x570: {  	[sflag:s0] =	ssyncadd.tile.s32 @!p0 $0x1;
	_ =	shalt  }
.Lfunc_end2:
_tile_overlayer_lowered:
.L_overlay_start_2:
0x571: {  	(tag) =	ssettag $0x2  }
0x572: {  	s0 =	rddreg [dreg:$0x0];
	s2 =	stileid.u32  }
0x573: {  	s1 =	rddreg [dreg:$0x1];
	p0 =	sne.s32 s2, $0x0  }
0x574: {  	s3 =	rddreg [dreg:$0x2];
	[bflag:$0x3] =	sbarrier.arrive $0xFFFF;
	s2 =	simm.s32 @!p0 $0x1C03  }
0x575: {  	[timem:s3], [sflag:s2] =	dma.local @!p0 [hbm:s0], s1  }
0x576: {  	s0 =	simm.s32 @!p0 $0x3  }
0x577: {  	_ =	swait.ge @!p0 [sflag:s0], s1  }
0x578: {  	s1 =	ssub.s32 @!p0 $0x0, s1;
	[sflag:s0] =	ssyncset.done @!p0 $0x0  }
0x579: {  	[sflag:s0] =	ssyncadd.s32 @!p0 s1  }
0x57a: {  	[bflag:$0x3] =	sbarrier.arrive $0xFFFF  }
0x57b: {  	_ =	shalt  }

</sc_bundles>
